<compile_context>
chip_gen: v7x
topology: tpu7x:2x2x1
jax: 0.10.2.dev20260603
libtpu: 0.0.44.dev20260713+nightly
codegen_flags: <defaults>
</compile_context>

<pallas_src>
import functools

import jax
import jax.numpy as jnp
from jax import lax
from jax.experimental import pallas as pl
from jax.experimental.pallas import tpu as pltpu
from jax.experimental.pallas import tpu_sc as plsc

N = 10000
E = 320000
H = 128
G = 64
C = 10
EPS_BN = 1e-5

NC = 2
NS = 16
NW = NC * NS
K = 96
EPW = E // NW
CH = EPW // K
TK = EPW - CH * K
NROW = N
RPT = 624
TAIL = N - NS * RPT

_mesh = plsc.VectorSubcoreMesh(core_axis_name="c", subcore_axis_name="s")


@functools.partial(
    pl.kernel,
    out_type=jax.ShapeDtypeStruct((NC, N, H), jnp.float32),
    mesh=_mesh,
    scratch_types=[
        [pltpu.VMEM((K,), jnp.int32)] * 4,
        [pltpu.VMEM((K,), jnp.int32)] * 4,
        pltpu.VMEM((TK,), jnp.int32),
        pltpu.VMEM((TK,), jnp.int32),
        [pltpu.VMEM((K, H), jnp.float32)] * 4,
        pltpu.VMEM_SHARED((NROW, H), jnp.float32),
        [pltpu.SemaphoreType.DMA] * 4,
        [pltpu.SemaphoreType.DMA] * 4,
        [pltpu.SemaphoreType.DMA] * 4,
        [pltpu.SemaphoreType.DMA] * 4,
    ],
)
def _sc_agg(h_hbm, src_hbm, dst_hbm, zeros_hbm, out_hbm,
            S, D, st, dt, B, agg_sh, GS, SI, DI, SS):
    c = lax.axis_index("c")
    s = lax.axis_index("s")
    eb = (c * NS + s) * EPW
    r0 = s * RPT
    @pl.when(c == 0)
    def _init_h():
        pltpu.async_copy(h_hbm.at[pl.ds(r0, RPT)], agg_sh.at[pl.ds(r0, RPT)], SS[0])

    @pl.when(c == 1)
    def _init_z():
        pltpu.async_copy(zeros_hbm.at[pl.ds(r0, RPT)], agg_sh.at[pl.ds(r0, RPT)], SS[0])

    @pl.when((c == 0) & (s == 0))
    def _tail_h():
        pltpu.async_copy(h_hbm.at[pl.ds(NS * RPT, TAIL)],
                         agg_sh.at[pl.ds(NS * RPT, TAIL)], SS[1])

    @pl.when((c == 1) & (s == 0))
    def _tail_z():
        pltpu.async_copy(zeros_hbm.at[pl.ds(NS * RPT, TAIL)],
                         agg_sh.at[pl.ds(NS * RPT, TAIL)], SS[1])

    def issue_sidx(i, p):
        pltpu.async_copy(src_hbm.at[pl.ds(eb + i * K, K)], S[p], SI[p])

    def wait_sidx(i, p):
        pltpu.make_async_copy(src_hbm.at[pl.ds(eb + i * K, K)], S[p], SI[p]).wait()

    def issue_didx(i, p):
        pltpu.async_copy(dst_hbm.at[pl.ds(eb + i * K, K)], D[p], DI[p])

    def wait_didx(i, p):
        pltpu.make_async_copy(dst_hbm.at[pl.ds(eb + i * K, K)], D[p], DI[p]).wait()

    def issue_gather(p):
        pltpu.async_copy(h_hbm.at[S[p]], B[p], GS[p])

    def wait_gather(p):
        pltpu.make_async_copy(h_hbm.at[S[p]], B[p], GS[p]).wait()

    def wait_scat(p):
        pltpu.make_async_copy(B[p], agg_sh.at[D[p]], SS[p]).wait()

    issue_sidx(0, 0)
    issue_sidx(1, 1)
    issue_sidx(2, 2)
    issue_didx(0, 0)
    issue_didx(1, 1)
    wait_sidx(0, 0)
    issue_gather(0)
    wait_sidx(1, 1)
    issue_gather(1)

    @pl.when(c == 0)
    def _winit_h():
        pltpu.make_async_copy(h_hbm.at[pl.ds(r0, RPT)],
                              agg_sh.at[pl.ds(r0, RPT)], SS[0]).wait()

    @pl.when(c == 1)
    def _winit_z():
        pltpu.make_async_copy(zeros_hbm.at[pl.ds(r0, RPT)],
                              agg_sh.at[pl.ds(r0, RPT)], SS[0]).wait()

    @pl.when((c == 0) & (s == 0))
    def _wtail_h():
        pltpu.make_async_copy(h_hbm.at[pl.ds(NS * RPT, TAIL)],
                              agg_sh.at[pl.ds(NS * RPT, TAIL)], SS[1]).wait()

    @pl.when((c == 1) & (s == 0))
    def _wtail_z():
        pltpu.make_async_copy(zeros_hbm.at[pl.ds(NS * RPT, TAIL)],
                              agg_sh.at[pl.ds(NS * RPT, TAIL)], SS[1]).wait()

    plsc.subcore_barrier()

    def step(i, p, q, w):
        @pl.when(i >= 2)
        def _drain():
            wait_scat(q)

        @pl.when(i + 2 < CH)
        def _refill():
            issue_didx(i + 2, q)
            wait_sidx(i + 2, q)
            issue_gather(q)

        @pl.when(i + 3 < CH)
        def _sidx_ahead():
            issue_sidx(i + 3, w)

        wait_didx(i, p)
        wait_gather(p)
        pltpu.async_copy(B[p], agg_sh.at[D[p]], SS[p], add=True)

    def body(j, carry):
        i = 4 * j
        step(i, 0, 2, 3)
        step(i + 1, 1, 3, 0)
        step(i + 2, 2, 0, 1)
        step(i + 3, 3, 1, 2)
        return carry

    lax.fori_loop(0, CH // 4, body, 0)
    wait_scat(2)
    wait_scat(3)
    pltpu.sync_copy(src_hbm.at[pl.ds(eb + CH * K, TK)], st)
    pltpu.sync_copy(dst_hbm.at[pl.ds(eb + CH * K, TK)], dt)
    pltpu.async_copy(h_hbm.at[st], B[0].at[pl.ds(0, TK)], GS[0])
    pltpu.make_async_copy(h_hbm.at[st], B[0].at[pl.ds(0, TK)], GS[0]).wait()
    pltpu.sync_copy(B[0].at[pl.ds(0, TK)], agg_sh.at[dt], add=True)
    plsc.subcore_barrier()
    pltpu.sync_copy(agg_sh.at[pl.ds(r0, RPT)], out_hbm.at[c, pl.ds(r0, RPT)])

    @pl.when(s == 0)
    def _write_tail():
        pltpu.sync_copy(agg_sh.at[pl.ds(NS * RPT, TAIL)],
                        out_hbm.at[c, pl.ds(NS * RPT, TAIL)])


BN = 2000
NB = N // BN


def _mlp_body(p_ref, w0_ref, b0_ref, w1_ref, b1_ref, out_ref):
    u = p_ref[0] + p_ref[1]
    y = jnp.dot(u, w0_ref[...], preferred_element_type=jnp.float32) + b0_ref[...]
    y = jnp.where(y >= 0.0, y, 0.1 * y)
    out_ref[...] = jnp.dot(y, w1_ref[...], preferred_element_type=jnp.float32) + b1_ref[...]


def _mlp(parts, w0t, b0, w1t, b1):
    return pl.pallas_call(
        _mlp_body,
        out_shape=jax.ShapeDtypeStruct((N, H), jnp.float32),
        grid=(NB,),
        in_specs=[
            pl.BlockSpec((NC, BN, H), lambda i: (0, i, 0)),
            pl.BlockSpec((H, H), lambda i: (0, 0)),
            pl.BlockSpec((1, H), lambda i: (0, 0)),
            pl.BlockSpec((H, H), lambda i: (0, 0)),
            pl.BlockSpec((1, H), lambda i: (0, 0)),
        ],
        out_specs=pl.BlockSpec((BN, H), lambda i: (i, 0)),
    )(parts, w0t, b0, w1t, b1)


def _mlp_pool_body(b_ref, p_ref, w0_ref, b0_ref, w1_ref, b1_ref,
                   wp0_ref, bp0_ref, wp1_ref, bp1_ref, out_ref, acc_ref):
    i = pl.program_id(0)

    @pl.when(i == 0)
    def _init():
        acc_ref[...] = jnp.zeros_like(acc_ref)

    u = p_ref[0] + p_ref[1]
    y = jnp.dot(u, w0_ref[...], preferred_element_type=jnp.float32) + b0_ref[...]
    y = jnp.where(y >= 0.0, y, 0.1 * y)
    h3 = jnp.dot(y, w1_ref[...], preferred_element_type=jnp.float32) + b1_ref[...]

    seg = b_ref[0]
    onehot = (lax.broadcasted_iota(jnp.int32, (G, BN), 0) == seg).astype(jnp.float32)
    acc_ref[...] += jnp.dot(onehot, h3, preferred_element_type=jnp.float32)

    @pl.when(i == NB - 1)
    def _fin():
        z = jnp.dot(acc_ref[...], wp0_ref[...], preferred_element_type=jnp.float32) + bp0_ref[...]
        z = jnp.where(z >= 0.0, z, 0.1 * z)
        out_ref[...] = jnp.dot(z, wp1_ref[...], preferred_element_type=jnp.float32) + bp1_ref[...]


def _mlp_pool(batch3, parts, w0t, b0, w1t, b1, wp0t, bp0, wp1t, bp1):
    return pl.pallas_call(
        _mlp_pool_body,
        out_shape=jax.ShapeDtypeStruct((G, H), jnp.float32),
        grid=(NB,),
        in_specs=[
            pl.BlockSpec((1, 1, BN), lambda i: (i, 0, 0)),
            pl.BlockSpec((NC, BN, H), lambda i: (0, i, 0)),
            pl.BlockSpec((H, H), lambda i: (0, 0)),
            pl.BlockSpec((1, H), lambda i: (0, 0)),
            pl.BlockSpec((H, H), lambda i: (0, 0)),
            pl.BlockSpec((1, H), lambda i: (0, 0)),
            pl.BlockSpec((H, H), lambda i: (0, 0)),
            pl.BlockSpec((1, H), lambda i: (0, 0)),
            pl.BlockSpec((H, H), lambda i: (0, 0)),
            pl.BlockSpec((1, H), lambda i: (0, 0)),
        ],
        out_specs=pl.BlockSpec((G, H), lambda i: (0, 0)),
        scratch_shapes=[pltpu.VMEM((G, H), jnp.float32)],
    )(batch3, parts, w0t, b0, w1t, b1, wp0t, bp0, wp1t, bp1)


def _fold_bn(W0, b0, gam, bet, W1, b1):
    scale = gam / jnp.sqrt(1.0 + EPS_BN)
    w0t = (W0 * scale[:, None]).T
    b0e = (b0 * scale + bet)[None, :]
    return w0t, b0e, W1.T, b1[None, :]


def kernel(x, edge_index, batch,
           Wg00, bg00, gam0, bet0, Wg01, bg01,
           Wg10, bg10, gam1, bet1, Wg11, bg11,
           Wg20, bg20, gam2, bet2, Wg21, bg21,
           Wp0, bp0, gamp, betp, Wp1, bp1):
    src = edge_index[0]
    dst = edge_index[1]
    zeros = jnp.zeros((N, H), jnp.float32)

    layers = [
        _fold_bn(Wg00, bg00, gam0, bet0, Wg01, bg01),
        _fold_bn(Wg10, bg10, gam1, bet1, Wg11, bg11),
        _fold_bn(Wg20, bg20, gam2, bet2, Wg21, bg21),
    ]

    h = x
    for w0t, b0e, w1t, b1e in layers[:2]:
        parts = _sc_agg(h, src, dst, zeros)
        h = _mlp(parts, w0t, b0e, w1t, b1e)

    batch3 = batch.reshape(NB, 1, BN)
    scalep = gamp / jnp.sqrt(1.0 + EPS_BN)
    wp0t = (Wp0 * scalep[:, None]).T
    bp0e = (bp0 * scalep + betp)[None, :]
    wp1t = jnp.zeros((H, H), jnp.float32).at[:, :C].set(Wp1.T)
    bp1e = jnp.zeros((1, H), jnp.float32).at[0, :C].set(bp1)

    w0t, b0e, w1t, b1e = layers[2]
    parts = _sc_agg(h, src, dst, zeros)
    y = _mlp_pool(batch3, parts, w0t, b0e, w1t, b1e, wp0t, bp0e, wp1t, bp1e)
    return y[:, :C]

# --- scband reference (transcript-rebuilt; emitter-appended) ---
"""Pipeline reference for scband-gin-67800353734843 (READ-ONLY COPY).

The authoritative reference and input builder live on the scoring server;
editing this copy changes nothing except your own understanding.
"""

import jax, jax.numpy as jnp
import numpy as np

N = 10000
E = 320000
DIN = 128
H = 128
C = 10
G = 64
EPS_BN = 1e-5

PARAM_ORDER = [
    "Wg00", "bg00", "gam0", "bet0", "Wg01", "bg01",
    "Wg10", "bg10", "gam1", "bet1", "Wg11", "bg11",
    "Wg20", "bg20", "gam2", "bet2", "Wg21", "bg21",
    "Wp0", "bp0", "gamp", "betp", "Wp1", "bp1",
]


def _linear_init(kw, kb, fan_in, fan_out):
    bound = 1.0 / np.sqrt(fan_in)
    W = jax.random.uniform(kw, (fan_out, fan_in), minval=-bound, maxval=bound, dtype=jnp.float32)
    b = jax.random.uniform(kb, (fan_out,), minval=-bound, maxval=bound, dtype=jnp.float32)
    return W, b


def setup_inputs(seed: int = 0) -> dict:
    key = jax.random.key(seed)
    ks = jax.random.split(key, 32)
    inp = {}
    inp["x"] = jax.random.normal(ks[0], (N, DIN), dtype=jnp.float32)
    inp["edge_index"] = jax.random.randint(ks[1], (2, E), 0, N, dtype=jnp.int32)
    inp["batch"] = jnp.sort(jax.random.randint(ks[2], (N,), 0, G, dtype=jnp.int32))
    ki = 3
    # 3 GIN layers, each with MLP: Linear(in,H) -> BN(H) -> leaky_relu -> Linear(H,H)
    in_dims = [DIN, H, H]
    for i in range(3):
        W0, b0 = _linear_init(ks[ki], ks[ki + 1], in_dims[i], H); ki += 2
        W1, b1 = _linear_init(ks[ki], ks[ki + 1], H, H); ki += 2
        inp[f"Wg{i}0"] = W0
        inp[f"bg{i}0"] = b0
        inp[f"gam{i}"] = jnp.ones((H,), dtype=jnp.float32)
        inp[f"bet{i}"] = jnp.zeros((H,), dtype=jnp.float32)
        inp[f"Wg{i}1"] = W1
        inp[f"bg{i}1"] = b1
    # prediction MLP: Linear(H,H) -> BN(H) -> leaky_relu -> Linear(H,C)
    Wp0, bp0 = _linear_init(ks[ki], ks[ki + 1], H, H); ki += 2
    Wp1, bp1 = _linear_init(ks[ki], ks[ki + 1], H, C); ki += 2
    inp["Wp0"] = Wp0
    inp["bp0"] = bp0
    inp["gamp"] = jnp.ones((H,), dtype=jnp.float32)
    inp["betp"] = jnp.zeros((H,), dtype=jnp.float32)
    inp["Wp1"] = Wp1
    inp["bp1"] = bp1
    return inp


def _mlp_block(h, W0, b0, g, be, W1, b1):
    y = h @ W0.T + b0
    # BatchNorm1d in eval mode: running_mean=0, running_var=1
    y = y / jnp.sqrt(1.0 + EPS_BN) * g + be
    y = jnp.where(y >= 0, y, 0.1 * y)  # leaky_relu(0.1)
    return y @ W1.T + b1


def _forward(x, params, edge_index, batch):
    src = edge_index[0]
    dst = edge_index[1]
    h = x
    for i in range(3):
        agg = jax.ops.segment_sum(h[src], dst, num_segments=N)
        h = _mlp_block(h + agg, *params[6 * i: 6 * i + 6])  # GINConv, eps=0
    pooled = jax.ops.segment_sum(h, batch, num_segments=G)  # global_add_pool
    # dropout p=0.5 is identity in eval mode
    Wp0, bp0, gp, bep, Wp1, bp1 = params[18:24]
    y = pooled @ Wp0.T + bp0
    y = y / jnp.sqrt(1.0 + EPS_BN) * gp + bep
    y = jnp.where(y >= 0, y, 0.1 * y)
    return y @ Wp1.T + bp1


def reference(x, edge_index, batch,
              Wg00, bg00, gam0, bet0, Wg01, bg01,
              Wg10, bg10, gam1, bet1, Wg11, bg11,
              Wg20, bg20, gam2, bet2, Wg21, bg21,
              Wp0, bp0, gamp, betp, Wp1, bp1):
    inp = {
        "Wg00": Wg00, "bg00": bg00, "gam0": gam0, "bet0": bet0, "Wg01": Wg01, "bg01": bg01,
        "Wg10": Wg10, "bg10": bg10, "gam1": gam1, "bet1": bet1, "Wg11": Wg11, "bg11": bg11,
        "Wg20": Wg20, "bg20": bg20, "gam2": gam2, "bet2": bet2, "Wg21": Wg21, "bg21": bg21,
        "Wp0": Wp0, "bp0": bp0, "gamp": gamp, "betp": betp, "Wp1": Wp1, "bp1": bp1,
    }
    params = [inp[n] for n in PARAM_ORDER]
    return _forward(x, params, edge_index, batch)

if __name__ == "__main__":
    import jax
    _d = setup_inputs()
    print(jax.jit(kernel)(*tuple(_d.values())))

</pallas_src>

<mosaic_0001>
#map = affine_map<(d0, d1) -> (0, 0)>
#map1 = affine_map<(d0, d1) -> (0)>
#map2 = affine_map<(d0, d1) -> (0, 0, 0)>
module attributes {stable_mosaic.version = 14 : i64} {
  func.func @_sc_agg(%arg0: i32, %arg1: i32, %arg2: memref<10000x128xf32, #tpu.memory_space<hbm>>, %arg3: memref<320000xi32, #tpu.memory_space<hbm>>, %arg4: memref<320000xi32, #tpu.memory_space<hbm>>, %arg5: memref<10000x128xf32, #tpu.memory_space<hbm>>, %arg6: memref<2x10000x128xf32, #tpu.memory_space<hbm>>, %arg7: memref<96xi32, #tpu.memory_space<vmem>>, %arg8: memref<96xi32, #tpu.memory_space<vmem>>, %arg9: memref<96xi32, #tpu.memory_space<vmem>>, %arg10: memref<96xi32, #tpu.memory_space<vmem>>, %arg11: memref<96xi32, #tpu.memory_space<vmem>>, %arg12: memref<96xi32, #tpu.memory_space<vmem>>, %arg13: memref<96xi32, #tpu.memory_space<vmem>>, %arg14: memref<96xi32, #tpu.memory_space<vmem>>, %arg15: memref<16xi32, #tpu.memory_space<vmem>>, %arg16: memref<16xi32, #tpu.memory_space<vmem>>, %arg17: memref<96x128xf32, #tpu.memory_space<vmem>>, %arg18: memref<96x128xf32, #tpu.memory_space<vmem>>, %arg19: memref<96x128xf32, #tpu.memory_space<vmem>>, %arg20: memref<96x128xf32, #tpu.memory_space<vmem>>, %arg21: memref<10000x128xf32, #tpu.memory_space<vmem_shared>>, %arg22: memref<!tpu.dma_semaphore, #tpu.memory_space<semaphore_mem>>, %arg23: memref<!tpu.dma_semaphore, #tpu.memory_space<semaphore_mem>>, %arg24: memref<!tpu.dma_semaphore, #tpu.memory_space<semaphore_mem>>, %arg25: memref<!tpu.dma_semaphore, #tpu.memory_space<semaphore_mem>>, %arg26: memref<!tpu.dma_semaphore, #tpu.memory_space<semaphore_mem>>, %arg27: memref<!tpu.dma_semaphore, #tpu.memory_space<semaphore_mem>>, %arg28: memref<!tpu.dma_semaphore, #tpu.memory_space<semaphore_mem>>, %arg29: memref<!tpu.dma_semaphore, #tpu.memory_space<semaphore_mem>>, %arg30: memref<!tpu.dma_semaphore, #tpu.memory_space<semaphore_mem>>, %arg31: memref<!tpu.dma_semaphore, #tpu.memory_space<semaphore_mem>>, %arg32: memref<!tpu.dma_semaphore, #tpu.memory_space<semaphore_mem>>, %arg33: memref<!tpu.dma_semaphore, #tpu.memory_space<semaphore_mem>>, %arg34: memref<!tpu.dma_semaphore, #tpu.memory_space<semaphore_mem>>, %arg35: memref<!tpu.dma_semaphore, #tpu.memory_space<semaphore_mem>>, %arg36: memref<!tpu.dma_semaphore, #tpu.memory_space<semaphore_mem>>, %arg37: memref<!tpu.dma_semaphore, #tpu.memory_space<semaphore_mem>>) attributes {dimension_semantics = [#tpu.dimension_semantics<core_parallel>, #tpu.dimension_semantics<subcore_parallel>], iteration_bounds = array<i64: 2, 16>, scalar_prefetch = 0 : i64, scratch_operands = 31 : i64, tpu.core_type = #tpu.core_type<sc_vector_subcore>, window_params = [{transform_indices = #map}, {transform_indices = #map1}, {transform_indices = #map1}, {transform_indices = #map}, {transform_indices = #map2}]} {
    %mul3A = arith.constant 16 : i32
    %mul3A_0 = arith.muli %arg0, %mul3A : i32
    %add3A = arith.addi %mul3A_0, %arg1 : i32
    %mul3A_1 = arith.constant 10000 : i32
    %mul3A_2 = arith.muli %add3A, %mul3A_1 : i32
    %mul3A_3 = arith.constant 624 : i32
    %mul3A_4 = arith.muli %arg1, %mul3A_3 : i32
    %eq3A = arith.constant 0 : i32
    %eq3A_5 = arith.cmpi eq, %arg0, %eq3A : i32
    %convert_element_type3A = arith.extui %eq3A_5 : i1 to i32
    %cond3A = arith.constant 0 : i32
    %cond3A_6 = arith.cmpi ne, %convert_element_type3A, %cond3A : i32
    scf.if %cond3A_6 {
      %dma_start3A_118 = arith.constant 0 : i32
      %dma_start3A_119 = tpu.memref_slice %arg21[%mul3A_4, %dma_start3A_118] : memref<10000x128xf32, #tpu.memory_space<vmem_shared>> -> memref<624x128xf32, #tpu.memory_space<vmem_shared>>
      %dma_start3A_120 = arith.constant 0 : i32
      %dma_start3A_121 = tpu.memref_slice %arg2[%mul3A_4, %dma_start3A_120] : memref<10000x128xf32, #tpu.memory_space<hbm>> -> memref<624x128xf32, #tpu.memory_space<hbm>>
      tpu.enqueue_dma source(%dma_start3A_121 : memref<624x128xf32, #tpu.memory_space<hbm>>) target(%dma_start3A_119 : memref<624x128xf32, #tpu.memory_space<vmem_shared>>) target_semaphore(%arg34 : memref<!tpu.dma_semaphore, #tpu.memory_space<semaphore_mem>>)
    } else {
    }
    %eq3A_7 = arith.constant 1 : i32
    %eq3A_8 = arith.cmpi eq, %arg0, %eq3A_7 : i32
    %convert_element_type3A_9 = arith.extui %eq3A_8 : i1 to i32
    %cond3A_10 = arith.constant 0 : i32
    %cond3A_11 = arith.cmpi ne, %convert_element_type3A_9, %cond3A_10 : i32
    scf.if %cond3A_11 {
      %dma_start3A_118 = arith.constant 0 : i32
      %dma_start3A_119 = tpu.memref_slice %arg21[%mul3A_4, %dma_start3A_118] : memref<10000x128xf32, #tpu.memory_space<vmem_shared>> -> memref<624x128xf32, #tpu.memory_space<vmem_shared>>
      %dma_start3A_120 = arith.constant 0 : i32
      %dma_start3A_121 = tpu.memref_slice %arg5[%mul3A_4, %dma_start3A_120] : memref<10000x128xf32, #tpu.memory_space<hbm>> -> memref<624x128xf32, #tpu.memory_space<hbm>>
      tpu.enqueue_dma source(%dma_start3A_121 : memref<624x128xf32, #tpu.memory_space<hbm>>) target(%dma_start3A_119 : memref<624x128xf32, #tpu.memory_space<vmem_shared>>) target_semaphore(%arg34 : memref<!tpu.dma_semaphore, #tpu.memory_space<semaphore_mem>>)
    } else {
    }
    %eq3A_12 = arith.constant 0 : i32
    %eq3A_13 = arith.cmpi eq, %arg0, %eq3A_12 : i32
    %eq3A_14 = arith.constant 0 : i32
    %eq3A_15 = arith.cmpi eq, %arg1, %eq3A_14 : i32
    %and3A = arith.andi %eq3A_13, %eq3A_15 : i1
    %convert_element_type3A_16 = arith.extui %and3A : i1 to i32
    %cond3A_17 = arith.constant 0 : i32
    %cond3A_18 = arith.cmpi ne, %convert_element_type3A_16, %cond3A_17 : i32
    scf.if %cond3A_18 {
      %dma_start3A_118 = arith.constant 9984 : i32
      %dma_start3A_119 = arith.constant 0 : i32
      %dma_start3A_120 = tpu.memref_slice %arg21[%dma_start3A_118, %dma_start3A_119] : memref<10000x128xf32, #tpu.memory_space<vmem_shared>> -> memref<16x128xf32, #tpu.memory_space<vmem_shared>>
      %dma_start3A_121 = arith.constant 9984 : i32
      %dma_start3A_122 = arith.constant 0 : i32
      %dma_start3A_123 = tpu.memref_slice %arg2[%dma_start3A_121, %dma_start3A_122] : memref<10000x128xf32, #tpu.memory_space<hbm>> -> memref<16x128xf32, #tpu.memory_space<hbm>>
      tpu.enqueue_dma source(%dma_start3A_123 : memref<16x128xf32, #tpu.memory_space<hbm>>) target(%dma_start3A_120 : memref<16x128xf32, #tpu.memory_space<vmem_shared>>) target_semaphore(%arg35 : memref<!tpu.dma_semaphore, #tpu.memory_space<semaphore_mem>>)
    } else {
    }
    %eq3A_19 = arith.constant 1 : i32
    %eq3A_20 = arith.cmpi eq, %arg0, %eq3A_19 : i32
    %eq3A_21 = arith.constant 0 : i32
    %eq3A_22 = arith.cmpi eq, %arg1, %eq3A_21 : i32
    %and3A_23 = arith.andi %eq3A_20, %eq3A_22 : i1
    %convert_element_type3A_24 = arith.extui %and3A_23 : i1 to i32
    %cond3A_25 = arith.constant 0 : i32
    %cond3A_26 = arith.cmpi ne, %convert_element_type3A_24, %cond3A_25 : i32
    scf.if %cond3A_26 {
      %dma_start3A_118 = arith.constant 9984 : i32
      %dma_start3A_119 = arith.constant 0 : i32
      %dma_start3A_120 = tpu.memref_slice %arg21[%dma_start3A_118, %dma_start3A_119] : memref<10000x128xf32, #tpu.memory_space<vmem_shared>> -> memref<16x128xf32, #tpu.memory_space<vmem_shared>>
      %dma_start3A_121 = arith.constant 9984 : i32
      %dma_start3A_122 = arith.constant 0 : i32
      %dma_start3A_123 = tpu.memref_slice %arg5[%dma_start3A_121, %dma_start3A_122] : memref<10000x128xf32, #tpu.memory_space<hbm>> -> memref<16x128xf32, #tpu.memory_space<hbm>>
      tpu.enqueue_dma source(%dma_start3A_123 : memref<16x128xf32, #tpu.memory_space<hbm>>) target(%dma_start3A_120 : memref<16x128xf32, #tpu.memory_space<vmem_shared>>) target_semaphore(%arg35 : memref<!tpu.dma_semaphore, #tpu.memory_space<semaphore_mem>>)
    } else {
    }
    %add3A_27 = arith.constant 0 : i32
    %add3A_28 = arith.addi %mul3A_2, %add3A_27 : i32
    %dma_start3A = tpu.memref_slice %arg3[%add3A_28] : memref<320000xi32, #tpu.memory_space<hbm>> -> memref<96xi32, #tpu.memory_space<hbm>>
    %dma_start3A_29 = tpu.memref_slice %arg3[%add3A_28] : memref<320000xi32, #tpu.memory_space<hbm>> -> memref<96xi32, #tpu.memory_space<hbm>>
    tpu.enqueue_dma source(%dma_start3A_29 : memref<96xi32, #tpu.memory_space<hbm>>) target(%arg7 : memref<96xi32, #tpu.memory_space<vmem>>) target_semaphore(%arg26 : memref<!tpu.dma_semaphore, #tpu.memory_space<semaphore_mem>>)
    %add3A_30 = arith.constant 96 : i32
    %add3A_31 = arith.addi %mul3A_2, %add3A_30 : i32
    %dma_start3A_32 = tpu.memref_slice %arg3[%add3A_31] : memref<320000xi32, #tpu.memory_space<hbm>> -> memref<96xi32, #tpu.memory_space<hbm>>
    %dma_start3A_33 = tpu.memref_slice %arg3[%add3A_31] : memref<320000xi32, #tpu.memory_space<hbm>> -> memref<96xi32, #tpu.memory_space<hbm>>
    tpu.enqueue_dma source(%dma_start3A_33 : memref<96xi32, #tpu.memory_space<hbm>>) target(%arg8 : memref<96xi32, #tpu.memory_space<vmem>>) target_semaphore(%arg27 : memref<!tpu.dma_semaphore, #tpu.memory_space<semaphore_mem>>)
    %add3A_34 = arith.constant 192 : i32
    %add3A_35 = arith.addi %mul3A_2, %add3A_34 : i32
    %dma_start3A_36 = tpu.memref_slice %arg3[%add3A_35] : memref<320000xi32, #tpu.memory_space<hbm>> -> memref<96xi32, #tpu.memory_space<hbm>>
    %dma_start3A_37 = tpu.memref_slice %arg3[%add3A_35] : memref<320000xi32, #tpu.memory_space<hbm>> -> memref<96xi32, #tpu.memory_space<hbm>>
    tpu.enqueue_dma source(%dma_start3A_37 : memref<96xi32, #tpu.memory_space<hbm>>) target(%arg9 : memref<96xi32, #tpu.memory_space<vmem>>) target_semaphore(%arg28 : memref<!tpu.dma_semaphore, #tpu.memory_space<semaphore_mem>>)
    %add3A_38 = arith.constant 0 : i32
    %add3A_39 = arith.addi %mul3A_2, %add3A_38 : i32
    %dma_start3A_40 = tpu.memref_slice %arg4[%add3A_39] : memref<320000xi32, #tpu.memory_space<hbm>> -> memref<96xi32, #tpu.memory_space<hbm>>
    %dma_start3A_41 = tpu.memref_slice %arg4[%add3A_39] : memref<320000xi32, #tpu.memory_space<hbm>> -> memref<96xi32, #tpu.memory_space<hbm>>
    tpu.enqueue_dma source(%dma_start3A_41 : memref<96xi32, #tpu.memory_space<hbm>>) target(%arg11 : memref<96xi32, #tpu.memory_space<vmem>>) target_semaphore(%arg30 : memref<!tpu.dma_semaphore, #tpu.memory_space<semaphore_mem>>)
    %add3A_42 = arith.constant 96 : i32
    %add3A_43 = arith.addi %mul3A_2, %add3A_42 : i32
    %dma_start3A_44 = tpu.memref_slice %arg4[%add3A_43] : memref<320000xi32, #tpu.memory_space<hbm>> -> memref<96xi32, #tpu.memory_space<hbm>>
    %dma_start3A_45 = tpu.memref_slice %arg4[%add3A_43] : memref<320000xi32, #tpu.memory_space<hbm>> -> memref<96xi32, #tpu.memory_space<hbm>>
    tpu.enqueue_dma source(%dma_start3A_45 : memref<96xi32, #tpu.memory_space<hbm>>) target(%arg12 : memref<96xi32, #tpu.memory_space<vmem>>) target_semaphore(%arg31 : memref<!tpu.dma_semaphore, #tpu.memory_space<semaphore_mem>>)
    %add3A_46 = arith.constant 0 : i32
    %add3A_47 = arith.addi %mul3A_2, %add3A_46 : i32
    %dma_wait3A = tpu.memref_slice %arg3[%add3A_47] : memref<320000xi32, #tpu.memory_space<hbm>> -> memref<96xi32, #tpu.memory_space<hbm>>
    %dma_wait3A_48 = tpu.memref_slice %arg3[%add3A_47] : memref<320000xi32, #tpu.memory_space<hbm>> -> memref<96xi32, #tpu.memory_space<hbm>>
    tpu.wait_dma2 semaphore(%arg26 : memref<!tpu.dma_semaphore, #tpu.memory_space<semaphore_mem>>) src(%dma_wait3A_48 : memref<96xi32, #tpu.memory_space<hbm>>) dst(%arg7 : memref<96xi32, #tpu.memory_space<vmem>>)
    %dma_start3A_49 = arith.constant 0 : i32
    %dma_start3A_50 = arith.constant 0 : i32
    %dma_start3A_51 = tpu.memref_slice %arg2[%dma_start3A_49, %dma_start3A_50] : memref<10000x128xf32, #tpu.memory_space<hbm>> -> memref<10000x128xf32, #tpu.memory_space<hbm>>
    tpu.enqueue_indirect_dma source(%dma_start3A_51 : memref<10000x128xf32, #tpu.memory_space<hbm>>) target(%arg17 : memref<96x128xf32, #tpu.memory_space<vmem>>) offsets(%arg7 : memref<96xi32, #tpu.memory_space<vmem>>) semaphore(%arg22 : memref<!tpu.dma_semaphore, #tpu.memory_space<semaphore_mem>>)
    %add3A_52 = arith.constant 96 : i32
    %add3A_53 = arith.addi %mul3A_2, %add3A_52 : i32
    %dma_wait3A_54 = tpu.memref_slice %arg3[%add3A_53] : memref<320000xi32, #tpu.memory_space<hbm>> -> memref<96xi32, #tpu.memory_space<hbm>>
    %dma_wait3A_55 = tpu.memref_slice %arg3[%add3A_53] : memref<320000xi32, #tpu.memory_space<hbm>> -> memref<96xi32, #tpu.memory_space<hbm>>
    tpu.wait_dma2 semaphore(%arg27 : memref<!tpu.dma_semaphore, #tpu.memory_space<semaphore_mem>>) src(%dma_wait3A_55 : memref<96xi32, #tpu.memory_space<hbm>>) dst(%arg8 : memref<96xi32, #tpu.memory_space<vmem>>)
    %dma_start3A_56 = arith.constant 0 : i32
    %dma_start3A_57 = arith.constant 0 : i32
    %dma_start3A_58 = tpu.memref_slice %arg2[%dma_start3A_56, %dma_start3A_57] : memref<10000x128xf32, #tpu.memory_space<hbm>> -> memref<10000x128xf32, #tpu.memory_space<hbm>>
    tpu.enqueue_indirect_dma source(%dma_start3A_58 : memref<10000x128xf32, #tpu.memory_space<hbm>>) target(%arg18 : memref<96x128xf32, #tpu.memory_space<vmem>>) offsets(%arg8 : memref<96xi32, #tpu.memory_space<vmem>>) semaphore(%arg23 : memref<!tpu.dma_semaphore, #tpu.memory_space<semaphore_mem>>)
    %eq3A_59 = arith.constant 0 : i32
    %eq3A_60 = arith.cmpi eq, %arg0, %eq3A_59 : i32
    %convert_element_type3A_61 = arith.extui %eq3A_60 : i1 to i32
    %cond3A_62 = arith.constant 0 : i32
    %cond3A_63 = arith.cmpi ne, %convert_element_type3A_61, %cond3A_62 : i32
    scf.if %cond3A_63 {
      %dma_wait3A_118 = arith.constant 0 : i32
      %dma_wait3A_119 = tpu.memref_slice %arg21[%mul3A_4, %dma_wait3A_118] : memref<10000x128xf32, #tpu.memory_space<vmem_shared>> -> memref<624x128xf32, #tpu.memory_space<vmem_shared>>
      %dma_wait3A_120 = arith.constant 0 : i32
      %dma_wait3A_121 = tpu.memref_slice %arg2[%mul3A_4, %dma_wait3A_120] : memref<10000x128xf32, #tpu.memory_space<hbm>> -> memref<624x128xf32, #tpu.memory_space<hbm>>
      tpu.wait_dma2 semaphore(%arg34 : memref<!tpu.dma_semaphore, #tpu.memory_space<semaphore_mem>>) src(%dma_wait3A_121 : memref<624x128xf32, #tpu.memory_space<hbm>>) dst(%dma_wait3A_119 : memref<624x128xf32, #tpu.memory_space<vmem_shared>>)
    } else {
    }
    %eq3A_64 = arith.constant 1 : i32
    %eq3A_65 = arith.cmpi eq, %arg0, %eq3A_64 : i32
    %convert_element_type3A_66 = arith.extui %eq3A_65 : i1 to i32
    %cond3A_67 = arith.constant 0 : i32
    %cond3A_68 = arith.cmpi ne, %convert_element_type3A_66, %cond3A_67 : i32
    scf.if %cond3A_68 {
      %dma_wait3A_118 = arith.constant 0 : i32
      %dma_wait3A_119 = tpu.memref_slice %arg21[%mul3A_4, %dma_wait3A_118] : memref<10000x128xf32, #tpu.memory_space<vmem_shared>> -> memref<624x128xf32, #tpu.memory_space<vmem_shared>>
      %dma_wait3A_120 = arith.constant 0 : i32
      %dma_wait3A_121 = tpu.memref_slice %arg5[%mul3A_4, %dma_wait3A_120] : memref<10000x128xf32, #tpu.memory_space<hbm>> -> memref<624x128xf32, #tpu.memory_space<hbm>>
      tpu.wait_dma2 semaphore(%arg34 : memref<!tpu.dma_semaphore, #tpu.memory_space<semaphore_mem>>) src(%dma_wait3A_121 : memref<624x128xf32, #tpu.memory_space<hbm>>) dst(%dma_wait3A_119 : memref<624x128xf32, #tpu.memory_space<vmem_shared>>)
    } else {
    }
    %eq3A_69 = arith.constant 0 : i32
    %eq3A_70 = arith.cmpi eq, %arg0, %eq3A_69 : i32
    %eq3A_71 = arith.constant 0 : i32
    %eq3A_72 = arith.cmpi eq, %arg1, %eq3A_71 : i32
    %and3A_73 = arith.andi %eq3A_70, %eq3A_72 : i1
    %convert_element_type3A_74 = arith.extui %and3A_73 : i1 to i32
    %cond3A_75 = arith.constant 0 : i32
    %cond3A_76 = arith.cmpi ne, %convert_element_type3A_74, %cond3A_75 : i32
    scf.if %cond3A_76 {
      %dma_wait3A_118 = arith.constant 9984 : i32
      %dma_wait3A_119 = arith.constant 0 : i32
      %dma_wait3A_120 = tpu.memref_slice %arg21[%dma_wait3A_118, %dma_wait3A_119] : memref<10000x128xf32, #tpu.memory_space<vmem_shared>> -> memref<16x128xf32, #tpu.memory_space<vmem_shared>>
      %dma_wait3A_121 = arith.constant 9984 : i32
      %dma_wait3A_122 = arith.constant 0 : i32
      %dma_wait3A_123 = tpu.memref_slice %arg2[%dma_wait3A_121, %dma_wait3A_122] : memref<10000x128xf32, #tpu.memory_space<hbm>> -> memref<16x128xf32, #tpu.memory_space<hbm>>
      tpu.wait_dma2 semaphore(%arg35 : memref<!tpu.dma_semaphore, #tpu.memory_space<semaphore_mem>>) src(%dma_wait3A_123 : memref<16x128xf32, #tpu.memory_space<hbm>>) dst(%dma_wait3A_120 : memref<16x128xf32, #tpu.memory_space<vmem_shared>>)
    } else {
    }
    %eq3A_77 = arith.constant 1 : i32
    %eq3A_78 = arith.cmpi eq, %arg0, %eq3A_77 : i32
    %eq3A_79 = arith.constant 0 : i32
    %eq3A_80 = arith.cmpi eq, %arg1, %eq3A_79 : i32
    %and3A_81 = arith.andi %eq3A_78, %eq3A_80 : i1
    %convert_element_type3A_82 = arith.extui %and3A_81 : i1 to i32
    %cond3A_83 = arith.constant 0 : i32
    %cond3A_84 = arith.cmpi ne, %convert_element_type3A_82, %cond3A_83 : i32
    scf.if %cond3A_84 {
      %dma_wait3A_118 = arith.constant 9984 : i32
      %dma_wait3A_119 = arith.constant 0 : i32
      %dma_wait3A_120 = tpu.memref_slice %arg21[%dma_wait3A_118, %dma_wait3A_119] : memref<10000x128xf32, #tpu.memory_space<vmem_shared>> -> memref<16x128xf32, #tpu.memory_space<vmem_shared>>
      %dma_wait3A_121 = arith.constant 9984 : i32
      %dma_wait3A_122 = arith.constant 0 : i32
      %dma_wait3A_123 = tpu.memref_slice %arg5[%dma_wait3A_121, %dma_wait3A_122] : memref<10000x128xf32, #tpu.memory_space<hbm>> -> memref<16x128xf32, #tpu.memory_space<hbm>>
      tpu.wait_dma2 semaphore(%arg35 : memref<!tpu.dma_semaphore, #tpu.memory_space<semaphore_mem>>) src(%dma_wait3A_123 : memref<16x128xf32, #tpu.memory_space<hbm>>) dst(%dma_wait3A_120 : memref<16x128xf32, #tpu.memory_space<vmem_shared>>)
    } else {
    }
    %barrier3A = arith.constant 0 : index
    tpu.barrier barrier_id(%barrier3A)
    %scan3A = arith.constant 0 : i32
    %scan3A_85 = arith.constant 0 : i32
    %scan3A_86 = arith.constant 26 : i32
    %scan3A_87 = arith.addi %scan3A_85, %scan3A_86 : i32
    %scan3A_88 = arith.constant 1 : i32
    scf.for %scan3A_118 = %scan3A_85 to %scan3A_87 step %scan3A_88  : i32 {
      %mul3A_119 = arith.constant 4 : i32
      %mul3A_120 = arith.muli %mul3A_119, %scan3A_118 : i32
      %ge3A = arith.constant 2 : i32
      %ge3A_121 = arith.cmpi sge, %mul3A_120, %ge3A : i32
      %convert_element_type3A_122 = arith.extui %ge3A_121 : i1 to i32
      %cond3A_123 = arith.constant 0 : i32
      %cond3A_124 = arith.cmpi ne, %convert_element_type3A_122, %cond3A_123 : i32
      scf.if %cond3A_124 {
        %dma_wait3A_245 = arith.constant 0 : i32
        %dma_wait3A_246 = arith.constant 0 : i32
        %dma_wait3A_247 = tpu.memref_slice %arg21[%dma_wait3A_245, %dma_wait3A_246] : memref<10000x128xf32, #tpu.memory_space<vmem_shared>> -> memref<10000x128xf32, #tpu.memory_space<vmem_shared>>
        tpu.wait_indirect_dma semaphore(%arg36 : memref<!tpu.dma_semaphore, #tpu.memory_space<semaphore_mem>>) src(%arg19 : memref<96x128xf32, #tpu.memory_space<vmem>>) dst(%dma_wait3A_247 : memref<10000x128xf32, #tpu.memory_space<vmem_shared>>)
      } else {
      }
      %add3A_125 = arith.constant 2 : i32
      %add3A_126 = arith.addi %mul3A_120, %add3A_125 : i32
      %lt3A = arith.constant 104 : i32
      %lt3A_127 = arith.cmpi slt, %add3A_126, %lt3A : i32
      %convert_element_type3A_128 = arith.extui %lt3A_127 : i1 to i32
      %cond3A_129 = arith.constant 0 : i32
      %cond3A_130 = arith.cmpi ne, %convert_element_type3A_128, %cond3A_129 : i32
      scf.if %cond3A_130 {
        %add3A_245 = arith.constant 2 : i32
        %add3A_246 = arith.addi %mul3A_120, %add3A_245 : i32
        %mul3A_247 = arith.constant 96 : i32
        %mul3A_248 = arith.muli %add3A_246, %mul3A_247 : i32
        %add3A_249 = arith.addi %mul3A_2, %mul3A_248 : i32
        %dma_start3A_250 = tpu.memref_slice %arg4[%add3A_249] : memref<320000xi32, #tpu.memory_space<hbm>> -> memref<96xi32, #tpu.memory_space<hbm>>
        %dma_start3A_251 = tpu.memref_slice %arg4[%add3A_249] : memref<320000xi32, #tpu.memory_space<hbm>> -> memref<96xi32, #tpu.memory_space<hbm>>
        tpu.enqueue_dma source(%dma_start3A_251 : memref<96xi32, #tpu.memory_space<hbm>>) target(%arg13 : memref<96xi32, #tpu.memory_space<vmem>>) target_semaphore(%arg32 : memref<!tpu.dma_semaphore, #tpu.memory_space<semaphore_mem>>)
        %add3A_252 = arith.constant 2 : i32
        %add3A_253 = arith.addi %mul3A_120, %add3A_252 : i32
        %mul3A_254 = arith.constant 96 : i32
        %mul3A_255 = arith.muli %add3A_253, %mul3A_254 : i32
        %add3A_256 = arith.addi %mul3A_2, %mul3A_255 : i32
        %dma_wait3A_257 = tpu.memref_slice %arg3[%add3A_256] : memref<320000xi32, #tpu.memory_space<hbm>> -> memref<96xi32, #tpu.memory_space<hbm>>
        %dma_wait3A_258 = tpu.memref_slice %arg3[%add3A_256] : memref<320000xi32, #tpu.memory_space<hbm>> -> memref<96xi32, #tpu.memory_space<hbm>>
        tpu.wait_dma2 semaphore(%arg28 : memref<!tpu.dma_semaphore, #tpu.memory_space<semaphore_mem>>) src(%dma_wait3A_258 : memref<96xi32, #tpu.memory_space<hbm>>) dst(%arg9 : memref<96xi32, #tpu.memory_space<vmem>>)
        %dma_start3A_259 = arith.constant 0 : i32
        %dma_start3A_260 = arith.constant 0 : i32
        %dma_start3A_261 = tpu.memref_slice %arg2[%dma_start3A_259, %dma_start3A_260] : memref<10000x128xf32, #tpu.memory_space<hbm>> -> memref<10000x128xf32, #tpu.memory_space<hbm>>
        tpu.enqueue_indirect_dma source(%dma_start3A_261 : memref<10000x128xf32, #tpu.memory_space<hbm>>) target(%arg19 : memref<96x128xf32, #tpu.memory_space<vmem>>) offsets(%arg9 : memref<96xi32, #tpu.memory_space<vmem>>) semaphore(%arg24 : memref<!tpu.dma_semaphore, #tpu.memory_space<semaphore_mem>>)
      } else {
      }
      %add3A_131 = arith.constant 3 : i32
      %add3A_132 = arith.addi %mul3A_120, %add3A_131 : i32
      %lt3A_133 = arith.constant 104 : i32
      %lt3A_134 = arith.cmpi slt, %add3A_132, %lt3A_133 : i32
      %convert_element_type3A_135 = arith.extui %lt3A_134 : i1 to i32
      %cond3A_136 = arith.constant 0 : i32
      %cond3A_137 = arith.cmpi ne, %convert_element_type3A_135, %cond3A_136 : i32
      scf.if %cond3A_137 {
        %add3A_245 = arith.constant 3 : i32
        %add3A_246 = arith.addi %mul3A_120, %add3A_245 : i32
        %mul3A_247 = arith.constant 96 : i32
        %mul3A_248 = arith.muli %add3A_246, %mul3A_247 : i32
        %add3A_249 = arith.addi %mul3A_2, %mul3A_248 : i32
        %dma_start3A_250 = tpu.memref_slice %arg3[%add3A_249] : memref<320000xi32, #tpu.memory_space<hbm>> -> memref<96xi32, #tpu.memory_space<hbm>>
        %dma_start3A_251 = tpu.memref_slice %arg3[%add3A_249] : memref<320000xi32, #tpu.memory_space<hbm>> -> memref<96xi32, #tpu.memory_space<hbm>>
        tpu.enqueue_dma source(%dma_start3A_251 : memref<96xi32, #tpu.memory_space<hbm>>) target(%arg10 : memref<96xi32, #tpu.memory_space<vmem>>) target_semaphore(%arg29 : memref<!tpu.dma_semaphore, #tpu.memory_space<semaphore_mem>>)
      } else {
      }
      %mul3A_138 = arith.constant 96 : i32
      %mul3A_139 = arith.muli %mul3A_120, %mul3A_138 : i32
      %add3A_140 = arith.addi %mul3A_2, %mul3A_139 : i32
      %dma_wait3A_141 = tpu.memref_slice %arg4[%add3A_140] : memref<320000xi32, #tpu.memory_space<hbm>> -> memref<96xi32, #tpu.memory_space<hbm>>
      %dma_wait3A_142 = tpu.memref_slice %arg4[%add3A_140] : memref<320000xi32, #tpu.memory_space<hbm>> -> memref<96xi32, #tpu.memory_space<hbm>>
      tpu.wait_dma2 semaphore(%arg30 : memref<!tpu.dma_semaphore, #tpu.memory_space<semaphore_mem>>) src(%dma_wait3A_142 : memref<96xi32, #tpu.memory_space<hbm>>) dst(%arg11 : memref<96xi32, #tpu.memory_space<vmem>>)
      %dma_wait3A_143 = arith.constant 0 : i32
      %dma_wait3A_144 = arith.constant 0 : i32
      %dma_wait3A_145 = tpu.memref_slice %arg2[%dma_wait3A_143, %dma_wait3A_144] : memref<10000x128xf32, #tpu.memory_space<hbm>> -> memref<10000x128xf32, #tpu.memory_space<hbm>>
      tpu.wait_indirect_dma semaphore(%arg22 : memref<!tpu.dma_semaphore, #tpu.memory_space<semaphore_mem>>) src(%dma_wait3A_145 : memref<10000x128xf32, #tpu.memory_space<hbm>>) dst(%arg17 : memref<96x128xf32, #tpu.memory_space<vmem>>)
      %dma_start3A_146 = arith.constant 0 : i32
      %dma_start3A_147 = arith.constant 0 : i32
      %dma_start3A_148 = tpu.memref_slice %arg21[%dma_start3A_146, %dma_start3A_147] : memref<10000x128xf32, #tpu.memory_space<vmem_shared>> -> memref<10000x128xf32, #tpu.memory_space<vmem_shared>>
      tpu.enqueue_indirect_dma source(%arg17 : memref<96x128xf32, #tpu.memory_space<vmem>>) target(%dma_start3A_148 : memref<10000x128xf32, #tpu.memory_space<vmem_shared>>) offsets(%arg11 : memref<96xi32, #tpu.memory_space<vmem>>) semaphore(%arg34 : memref<!tpu.dma_semaphore, #tpu.memory_space<semaphore_mem>>) {add = true}
      %add3A_149 = arith.constant 1 : i32
      %add3A_150 = arith.addi %mul3A_120, %add3A_149 : i32
      %ge3A_151 = arith.constant 2 : i32
      %ge3A_152 = arith.cmpi sge, %add3A_150, %ge3A_151 : i32
      %convert_element_type3A_153 = arith.extui %ge3A_152 : i1 to i32
      %cond3A_154 = arith.constant 0 : i32
      %cond3A_155 = arith.cmpi ne, %convert_element_type3A_153, %cond3A_154 : i32
      scf.if %cond3A_155 {
        %dma_wait3A_245 = arith.constant 0 : i32
        %dma_wait3A_246 = arith.constant 0 : i32
        %dma_wait3A_247 = tpu.memref_slice %arg21[%dma_wait3A_245, %dma_wait3A_246] : memref<10000x128xf32, #tpu.memory_space<vmem_shared>> -> memref<10000x128xf32, #tpu.memory_space<vmem_shared>>
        tpu.wait_indirect_dma semaphore(%arg37 : memref<!tpu.dma_semaphore, #tpu.memory_space<semaphore_mem>>) src(%arg20 : memref<96x128xf32, #tpu.memory_space<vmem>>) dst(%dma_wait3A_247 : memref<10000x128xf32, #tpu.memory_space<vmem_shared>>)
      } else {
      }
      %add3A_156 = arith.constant 2 : i32
      %add3A_157 = arith.addi %add3A_150, %add3A_156 : i32
      %lt3A_158 = arith.constant 104 : i32
      %lt3A_159 = arith.cmpi slt, %add3A_157, %lt3A_158 : i32
      %convert_element_type3A_160 = arith.extui %lt3A_159 : i1 to i32
      %cond3A_161 = arith.constant 0 : i32
      %cond3A_162 = arith.cmpi ne, %convert_element_type3A_160, %cond3A_161 : i32
      scf.if %cond3A_162 {
        %add3A_245 = arith.constant 2 : i32
        %add3A_246 = arith.addi %add3A_150, %add3A_245 : i32
        %mul3A_247 = arith.constant 96 : i32
        %mul3A_248 = arith.muli %add3A_246, %mul3A_247 : i32
        %add3A_249 = arith.addi %mul3A_2, %mul3A_248 : i32
        %dma_start3A_250 = tpu.memref_slice %arg4[%add3A_249] : memref<320000xi32, #tpu.memory_space<hbm>> -> memref<96xi32, #tpu.memory_space<hbm>>
        %dma_start3A_251 = tpu.memref_slice %arg4[%add3A_249] : memref<320000xi32, #tpu.memory_space<hbm>> -> memref<96xi32, #tpu.memory_space<hbm>>
        tpu.enqueue_dma source(%dma_start3A_251 : memref<96xi32, #tpu.memory_space<hbm>>) target(%arg14 : memref<96xi32, #tpu.memory_space<vmem>>) target_semaphore(%arg33 : memref<!tpu.dma_semaphore, #tpu.memory_space<semaphore_mem>>)
        %add3A_252 = arith.constant 2 : i32
        %add3A_253 = arith.addi %add3A_150, %add3A_252 : i32
        %mul3A_254 = arith.constant 96 : i32
        %mul3A_255 = arith.muli %add3A_253, %mul3A_254 : i32
        %add3A_256 = arith.addi %mul3A_2, %mul3A_255 : i32
        %dma_wait3A_257 = tpu.memref_slice %arg3[%add3A_256] : memref<320000xi32, #tpu.memory_space<hbm>> -> memref<96xi32, #tpu.memory_space<hbm>>
        %dma_wait3A_258 = tpu.memref_slice %arg3[%add3A_256] : memref<320000xi32, #tpu.memory_space<hbm>> -> memref<96xi32, #tpu.memory_space<hbm>>
        tpu.wait_dma2 semaphore(%arg29 : memref<!tpu.dma_semaphore, #tpu.memory_space<semaphore_mem>>) src(%dma_wait3A_258 : memref<96xi32, #tpu.memory_space<hbm>>) dst(%arg10 : memref<96xi32, #tpu.memory_space<vmem>>)
        %dma_start3A_259 = arith.constant 0 : i32
        %dma_start3A_260 = arith.constant 0 : i32
        %dma_start3A_261 = tpu.memref_slice %arg2[%dma_start3A_259, %dma_start3A_260] : memref<10000x128xf32, #tpu.memory_space<hbm>> -> memref<10000x128xf32, #tpu.memory_space<hbm>>
        tpu.enqueue_indirect_dma source(%dma_start3A_261 : memref<10000x128xf32, #tpu.memory_space<hbm>>) target(%arg20 : memref<96x128xf32, #tpu.memory_space<vmem>>) offsets(%arg10 : memref<96xi32, #tpu.memory_space<vmem>>) semaphore(%arg25 : memref<!tpu.dma_semaphore, #tpu.memory_space<semaphore_mem>>)
      } else {
      }
      %add3A_163 = arith.constant 3 : i32
      %add3A_164 = arith.addi %add3A_150, %add3A_163 : i32
      %lt3A_165 = arith.constant 104 : i32
      %lt3A_166 = arith.cmpi slt, %add3A_164, %lt3A_165 : i32
      %convert_element_type3A_167 = arith.extui %lt3A_166 : i1 to i32
      %cond3A_168 = arith.constant 0 : i32
      %cond3A_169 = arith.cmpi ne, %convert_element_type3A_167, %cond3A_168 : i32
      scf.if %cond3A_169 {
        %add3A_245 = arith.constant 3 : i32
        %add3A_246 = arith.addi %add3A_150, %add3A_245 : i32
        %mul3A_247 = arith.constant 96 : i32
        %mul3A_248 = arith.muli %add3A_246, %mul3A_247 : i32
        %add3A_249 = arith.addi %mul3A_2, %mul3A_248 : i32
        %dma_start3A_250 = tpu.memref_slice %arg3[%add3A_249] : memref<320000xi32, #tpu.memory_space<hbm>> -> memref<96xi32, #tpu.memory_space<hbm>>
        %dma_start3A_251 = tpu.memref_slice %arg3[%add3A_249] : memref<320000xi32, #tpu.memory_space<hbm>> -> memref<96xi32, #tpu.memory_space<hbm>>
        tpu.enqueue_dma source(%dma_start3A_251 : memref<96xi32, #tpu.memory_space<hbm>>) target(%arg7 : memref<96xi32, #tpu.memory_space<vmem>>) target_semaphore(%arg26 : memref<!tpu.dma_semaphore, #tpu.memory_space<semaphore_mem>>)
      } else {
      }
      %mul3A_170 = arith.constant 96 : i32
      %mul3A_171 = arith.muli %add3A_150, %mul3A_170 : i32
      %add3A_172 = arith.addi %mul3A_2, %mul3A_171 : i32
      %dma_wait3A_173 = tpu.memref_slice %arg4[%add3A_172] : memref<320000xi32, #tpu.memory_space<hbm>> -> memref<96xi32, #tpu.memory_space<hbm>>
      %dma_wait3A_174 = tpu.memref_slice %arg4[%add3A_172] : memref<320000xi32, #tpu.memory_space<hbm>> -> memref<96xi32, #tpu.memory_space<hbm>>
      tpu.wait_dma2 semaphore(%arg31 : memref<!tpu.dma_semaphore, #tpu.memory_space<semaphore_mem>>) src(%dma_wait3A_174 : memref<96xi32, #tpu.memory_space<hbm>>) dst(%arg12 : memref<96xi32, #tpu.memory_space<vmem>>)
      %dma_wait3A_175 = arith.constant 0 : i32
      %dma_wait3A_176 = arith.constant 0 : i32
      %dma_wait3A_177 = tpu.memref_slice %arg2[%dma_wait3A_175, %dma_wait3A_176] : memref<10000x128xf32, #tpu.memory_space<hbm>> -> memref<10000x128xf32, #tpu.memory_space<hbm>>
      tpu.wait_indirect_dma semaphore(%arg23 : memref<!tpu.dma_semaphore, #tpu.memory_space<semaphore_mem>>) src(%dma_wait3A_177 : memref<10000x128xf32, #tpu.memory_space<hbm>>) dst(%arg18 : memref<96x128xf32, #tpu.memory_space<vmem>>)
      %dma_start3A_178 = arith.constant 0 : i32
      %dma_start3A_179 = arith.constant 0 : i32
      %dma_start3A_180 = tpu.memref_slice %arg21[%dma_start3A_178, %dma_start3A_179] : memref<10000x128xf32, #tpu.memory_space<vmem_shared>> -> memref<10000x128xf32, #tpu.memory_space<vmem_shared>>
      tpu.enqueue_indirect_dma source(%arg18 : memref<96x128xf32, #tpu.memory_space<vmem>>) target(%dma_start3A_180 : memref<10000x128xf32, #tpu.memory_space<vmem_shared>>) offsets(%arg12 : memref<96xi32, #tpu.memory_space<vmem>>) semaphore(%arg35 : memref<!tpu.dma_semaphore, #tpu.memory_space<semaphore_mem>>) {add = true}
      %add3A_181 = arith.constant 2 : i32
      %add3A_182 = arith.addi %mul3A_120, %add3A_181 : i32
      %ge3A_183 = arith.constant 2 : i32
      %ge3A_184 = arith.cmpi sge, %add3A_182, %ge3A_183 : i32
      %convert_element_type3A_185 = arith.extui %ge3A_184 : i1 to i32
      %cond3A_186 = arith.constant 0 : i32
      %cond3A_187 = arith.cmpi ne, %convert_element_type3A_185, %cond3A_186 : i32
      scf.if %cond3A_187 {
        %dma_wait3A_245 = arith.constant 0 : i32
        %dma_wait3A_246 = arith.constant 0 : i32
        %dma_wait3A_247 = tpu.memref_slice %arg21[%dma_wait3A_245, %dma_wait3A_246] : memref<10000x128xf32, #tpu.memory_space<vmem_shared>> -> memref<10000x128xf32, #tpu.memory_space<vmem_shared>>
        tpu.wait_indirect_dma semaphore(%arg34 : memref<!tpu.dma_semaphore, #tpu.memory_space<semaphore_mem>>) src(%arg17 : memref<96x128xf32, #tpu.memory_space<vmem>>) dst(%dma_wait3A_247 : memref<10000x128xf32, #tpu.memory_space<vmem_shared>>)
      } else {
      }
      %add3A_188 = arith.constant 2 : i32
      %add3A_189 = arith.addi %add3A_182, %add3A_188 : i32
      %lt3A_190 = arith.constant 104 : i32
      %lt3A_191 = arith.cmpi slt, %add3A_189, %lt3A_190 : i32
      %convert_element_type3A_192 = arith.extui %lt3A_191 : i1 to i32
      %cond3A_193 = arith.constant 0 : i32
      %cond3A_194 = arith.cmpi ne, %convert_element_type3A_192, %cond3A_193 : i32
      scf.if %cond3A_194 {
        %add3A_245 = arith.constant 2 : i32
        %add3A_246 = arith.addi %add3A_182, %add3A_245 : i32
        %mul3A_247 = arith.constant 96 : i32
        %mul3A_248 = arith.muli %add3A_246, %mul3A_247 : i32
        %add3A_249 = arith.addi %mul3A_2, %mul3A_248 : i32
        %dma_start3A_250 = tpu.memref_slice %arg4[%add3A_249] : memref<320000xi32, #tpu.memory_space<hbm>> -> memref<96xi32, #tpu.memory_space<hbm>>
        %dma_start3A_251 = tpu.memref_slice %arg4[%add3A_249] : memref<320000xi32, #tpu.memory_space<hbm>> -> memref<96xi32, #tpu.memory_space<hbm>>
        tpu.enqueue_dma source(%dma_start3A_251 : memref<96xi32, #tpu.memory_space<hbm>>) target(%arg11 : memref<96xi32, #tpu.memory_space<vmem>>) target_semaphore(%arg30 : memref<!tpu.dma_semaphore, #tpu.memory_space<semaphore_mem>>)
        %add3A_252 = arith.constant 2 : i32
        %add3A_253 = arith.addi %add3A_182, %add3A_252 : i32
        %mul3A_254 = arith.constant 96 : i32
        %mul3A_255 = arith.muli %add3A_253, %mul3A_254 : i32
        %add3A_256 = arith.addi %mul3A_2, %mul3A_255 : i32
        %dma_wait3A_257 = tpu.memref_slice %arg3[%add3A_256] : memref<320000xi32, #tpu.memory_space<hbm>> -> memref<96xi32, #tpu.memory_space<hbm>>
        %dma_wait3A_258 = tpu.memref_slice %arg3[%add3A_256] : memref<320000xi32, #tpu.memory_space<hbm>> -> memref<96xi32, #tpu.memory_space<hbm>>
        tpu.wait_dma2 semaphore(%arg26 : memref<!tpu.dma_semaphore, #tpu.memory_space<semaphore_mem>>) src(%dma_wait3A_258 : memref<96xi32, #tpu.memory_space<hbm>>) dst(%arg7 : memref<96xi32, #tpu.memory_space<vmem>>)
        %dma_start3A_259 = arith.constant 0 : i32
        %dma_start3A_260 = arith.constant 0 : i32
        %dma_start3A_261 = tpu.memref_slice %arg2[%dma_start3A_259, %dma_start3A_260] : memref<10000x128xf32, #tpu.memory_space<hbm>> -> memref<10000x128xf32, #tpu.memory_space<hbm>>
        tpu.enqueue_indirect_dma source(%dma_start3A_261 : memref<10000x128xf32, #tpu.memory_space<hbm>>) target(%arg17 : memref<96x128xf32, #tpu.memory_space<vmem>>) offsets(%arg7 : memref<96xi32, #tpu.memory_space<vmem>>) semaphore(%arg22 : memref<!tpu.dma_semaphore, #tpu.memory_space<semaphore_mem>>)
      } else {
      }
      %add3A_195 = arith.constant 3 : i32
      %add3A_196 = arith.addi %add3A_182, %add3A_195 : i32
      %lt3A_197 = arith.constant 104 : i32
      %lt3A_198 = arith.cmpi slt, %add3A_196, %lt3A_197 : i32
      %convert_element_type3A_199 = arith.extui %lt3A_198 : i1 to i32
      %cond3A_200 = arith.constant 0 : i32
      %cond3A_201 = arith.cmpi ne, %convert_element_type3A_199, %cond3A_200 : i32
      scf.if %cond3A_201 {
        %add3A_245 = arith.constant 3 : i32
        %add3A_246 = arith.addi %add3A_182, %add3A_245 : i32
        %mul3A_247 = arith.constant 96 : i32
        %mul3A_248 = arith.muli %add3A_246, %mul3A_247 : i32
        %add3A_249 = arith.addi %mul3A_2, %mul3A_248 : i32
        %dma_start3A_250 = tpu.memref_slice %arg3[%add3A_249] : memref<320000xi32, #tpu.memory_space<hbm>> -> memref<96xi32, #tpu.memory_space<hbm>>
        %dma_start3A_251 = tpu.memref_slice %arg3[%add3A_249] : memref<320000xi32, #tpu.memory_space<hbm>> -> memref<96xi32, #tpu.memory_space<hbm>>
        tpu.enqueue_dma source(%dma_start3A_251 : memref<96xi32, #tpu.memory_space<hbm>>) target(%arg8 : memref<96xi32, #tpu.memory_space<vmem>>) target_semaphore(%arg27 : memref<!tpu.dma_semaphore, #tpu.memory_space<semaphore_mem>>)
      } else {
      }
      %mul3A_202 = arith.constant 96 : i32
      %mul3A_203 = arith.muli %add3A_182, %mul3A_202 : i32
      %add3A_204 = arith.addi %mul3A_2, %mul3A_203 : i32
      %dma_wait3A_205 = tpu.memref_slice %arg4[%add3A_204] : memref<320000xi32, #tpu.memory_space<hbm>> -> memref<96xi32, #tpu.memory_space<hbm>>
      %dma_wait3A_206 = tpu.memref_slice %arg4[%add3A_204] : memref<320000xi32, #tpu.memory_space<hbm>> -> memref<96xi32, #tpu.memory_space<hbm>>
      tpu.wait_dma2 semaphore(%arg32 : memref<!tpu.dma_semaphore, #tpu.memory_space<semaphore_mem>>) src(%dma_wait3A_206 : memref<96xi32, #tpu.memory_space<hbm>>) dst(%arg13 : memref<96xi32, #tpu.memory_space<vmem>>)
      %dma_wait3A_207 = arith.constant 0 : i32
      %dma_wait3A_208 = arith.constant 0 : i32
      %dma_wait3A_209 = tpu.memref_slice %arg2[%dma_wait3A_207, %dma_wait3A_208] : memref<10000x128xf32, #tpu.memory_space<hbm>> -> memref<10000x128xf32, #tpu.memory_space<hbm>>
      tpu.wait_indirect_dma semaphore(%arg24 : memref<!tpu.dma_semaphore, #tpu.memory_space<semaphore_mem>>) src(%dma_wait3A_209 : memref<10000x128xf32, #tpu.memory_space<hbm>>) dst(%arg19 : memref<96x128xf32, #tpu.memory_space<vmem>>)
      %dma_start3A_210 = arith.constant 0 : i32
      %dma_start3A_211 = arith.constant 0 : i32
      %dma_start3A_212 = tpu.memref_slice %arg21[%dma_start3A_210, %dma_start3A_211] : memref<10000x128xf32, #tpu.memory_space<vmem_shared>> -> memref<10000x128xf32, #tpu.memory_space<vmem_shared>>
      tpu.enqueue_indirect_dma source(%arg19 : memref<96x128xf32, #tpu.memory_space<vmem>>) target(%dma_start3A_212 : memref<10000x128xf32, #tpu.memory_space<vmem_shared>>) offsets(%arg13 : memref<96xi32, #tpu.memory_space<vmem>>) semaphore(%arg36 : memref<!tpu.dma_semaphore, #tpu.memory_space<semaphore_mem>>) {add = true}
      %add3A_213 = arith.constant 3 : i32
      %add3A_214 = arith.addi %mul3A_120, %add3A_213 : i32
      %ge3A_215 = arith.constant 2 : i32
      %ge3A_216 = arith.cmpi sge, %add3A_214, %ge3A_215 : i32
      %convert_element_type3A_217 = arith.extui %ge3A_216 : i1 to i32
      %cond3A_218 = arith.constant 0 : i32
      %cond3A_219 = arith.cmpi ne, %convert_element_type3A_217, %cond3A_218 : i32
      scf.if %cond3A_219 {
        %dma_wait3A_245 = arith.constant 0 : i32
        %dma_wait3A_246 = arith.constant 0 : i32
        %dma_wait3A_247 = tpu.memref_slice %arg21[%dma_wait3A_245, %dma_wait3A_246] : memref<10000x128xf32, #tpu.memory_space<vmem_shared>> -> memref<10000x128xf32, #tpu.memory_space<vmem_shared>>
        tpu.wait_indirect_dma semaphore(%arg35 : memref<!tpu.dma_semaphore, #tpu.memory_space<semaphore_mem>>) src(%arg18 : memref<96x128xf32, #tpu.memory_space<vmem>>) dst(%dma_wait3A_247 : memref<10000x128xf32, #tpu.memory_space<vmem_shared>>)
      } else {
      }
      %add3A_220 = arith.constant 2 : i32
      %add3A_221 = arith.addi %add3A_214, %add3A_220 : i32
      %lt3A_222 = arith.constant 104 : i32
      %lt3A_223 = arith.cmpi slt, %add3A_221, %lt3A_222 : i32
      %convert_element_type3A_224 = arith.extui %lt3A_223 : i1 to i32
      %cond3A_225 = arith.constant 0 : i32
      %cond3A_226 = arith.cmpi ne, %convert_element_type3A_224, %cond3A_225 : i32
      scf.if %cond3A_226 {
        %add3A_245 = arith.constant 2 : i32
        %add3A_246 = arith.addi %add3A_214, %add3A_245 : i32
        %mul3A_247 = arith.constant 96 : i32
        %mul3A_248 = arith.muli %add3A_246, %mul3A_247 : i32
        %add3A_249 = arith.addi %mul3A_2, %mul3A_248 : i32
        %dma_start3A_250 = tpu.memref_slice %arg4[%add3A_249] : memref<320000xi32, #tpu.memory_space<hbm>> -> memref<96xi32, #tpu.memory_space<hbm>>
        %dma_start3A_251 = tpu.memref_slice %arg4[%add3A_249] : memref<320000xi32, #tpu.memory_space<hbm>> -> memref<96xi32, #tpu.memory_space<hbm>>
        tpu.enqueue_dma source(%dma_start3A_251 : memref<96xi32, #tpu.memory_space<hbm>>) target(%arg12 : memref<96xi32, #tpu.memory_space<vmem>>) target_semaphore(%arg31 : memref<!tpu.dma_semaphore, #tpu.memory_space<semaphore_mem>>)
        %add3A_252 = arith.constant 2 : i32
        %add3A_253 = arith.addi %add3A_214, %add3A_252 : i32
        %mul3A_254 = arith.constant 96 : i32
        %mul3A_255 = arith.muli %add3A_253, %mul3A_254 : i32
        %add3A_256 = arith.addi %mul3A_2, %mul3A_255 : i32
        %dma_wait3A_257 = tpu.memref_slice %arg3[%add3A_256] : memref<320000xi32, #tpu.memory_space<hbm>> -> memref<96xi32, #tpu.memory_space<hbm>>
        %dma_wait3A_258 = tpu.memref_slice %arg3[%add3A_256] : memref<320000xi32, #tpu.memory_space<hbm>> -> memref<96xi32, #tpu.memory_space<hbm>>
        tpu.wait_dma2 semaphore(%arg27 : memref<!tpu.dma_semaphore, #tpu.memory_space<semaphore_mem>>) src(%dma_wait3A_258 : memref<96xi32, #tpu.memory_space<hbm>>) dst(%arg8 : memref<96xi32, #tpu.memory_space<vmem>>)
        %dma_start3A_259 = arith.constant 0 : i32
        %dma_start3A_260 = arith.constant 0 : i32
        %dma_start3A_261 = tpu.memref_slice %arg2[%dma_start3A_259, %dma_start3A_260] : memref<10000x128xf32, #tpu.memory_space<hbm>> -> memref<10000x128xf32, #tpu.memory_space<hbm>>
        tpu.enqueue_indirect_dma source(%dma_start3A_261 : memref<10000x128xf32, #tpu.memory_space<hbm>>) target(%arg18 : memref<96x128xf32, #tpu.memory_space<vmem>>) offsets(%arg8 : memref<96xi32, #tpu.memory_space<vmem>>) semaphore(%arg23 : memref<!tpu.dma_semaphore, #tpu.memory_space<semaphore_mem>>)
      } else {
      }
      %add3A_227 = arith.constant 3 : i32
      %add3A_228 = arith.addi %add3A_214, %add3A_227 : i32
      %lt3A_229 = arith.constant 104 : i32
      %lt3A_230 = arith.cmpi slt, %add3A_228, %lt3A_229 : i32
      %convert_element_type3A_231 = arith.extui %lt3A_230 : i1 to i32
      %cond3A_232 = arith.constant 0 : i32
      %cond3A_233 = arith.cmpi ne, %convert_element_type3A_231, %cond3A_232 : i32
      scf.if %cond3A_233 {
        %add3A_245 = arith.constant 3 : i32
        %add3A_246 = arith.addi %add3A_214, %add3A_245 : i32
        %mul3A_247 = arith.constant 96 : i32
        %mul3A_248 = arith.muli %add3A_246, %mul3A_247 : i32
        %add3A_249 = arith.addi %mul3A_2, %mul3A_248 : i32
        %dma_start3A_250 = tpu.memref_slice %arg3[%add3A_249] : memref<320000xi32, #tpu.memory_space<hbm>> -> memref<96xi32, #tpu.memory_space<hbm>>
        %dma_start3A_251 = tpu.memref_slice %arg3[%add3A_249] : memref<320000xi32, #tpu.memory_space<hbm>> -> memref<96xi32, #tpu.memory_space<hbm>>
        tpu.enqueue_dma source(%dma_start3A_251 : memref<96xi32, #tpu.memory_space<hbm>>) target(%arg9 : memref<96xi32, #tpu.memory_space<vmem>>) target_semaphore(%arg28 : memref<!tpu.dma_semaphore, #tpu.memory_space<semaphore_mem>>)
      } else {
      }
      %mul3A_234 = arith.constant 96 : i32
      %mul3A_235 = arith.muli %add3A_214, %mul3A_234 : i32
      %add3A_236 = arith.addi %mul3A_2, %mul3A_235 : i32
      %dma_wait3A_237 = tpu.memref_slice %arg4[%add3A_236] : memref<320000xi32, #tpu.memory_space<hbm>> -> memref<96xi32, #tpu.memory_space<hbm>>
      %dma_wait3A_238 = tpu.memref_slice %arg4[%add3A_236] : memref<320000xi32, #tpu.memory_space<hbm>> -> memref<96xi32, #tpu.memory_space<hbm>>
      tpu.wait_dma2 semaphore(%arg33 : memref<!tpu.dma_semaphore, #tpu.memory_space<semaphore_mem>>) src(%dma_wait3A_238 : memref<96xi32, #tpu.memory_space<hbm>>) dst(%arg14 : memref<96xi32, #tpu.memory_space<vmem>>)
      %dma_wait3A_239 = arith.constant 0 : i32
      %dma_wait3A_240 = arith.constant 0 : i32
      %dma_wait3A_241 = tpu.memref_slice %arg2[%dma_wait3A_239, %dma_wait3A_240] : memref<10000x128xf32, #tpu.memory_space<hbm>> -> memref<10000x128xf32, #tpu.memory_space<hbm>>
      tpu.wait_indirect_dma semaphore(%arg25 : memref<!tpu.dma_semaphore, #tpu.memory_space<semaphore_mem>>) src(%dma_wait3A_241 : memref<10000x128xf32, #tpu.memory_space<hbm>>) dst(%arg20 : memref<96x128xf32, #tpu.memory_space<vmem>>)
      %dma_start3A_242 = arith.constant 0 : i32
      %dma_start3A_243 = arith.constant 0 : i32
      %dma_start3A_244 = tpu.memref_slice %arg21[%dma_start3A_242, %dma_start3A_243] : memref<10000x128xf32, #tpu.memory_space<vmem_shared>> -> memref<10000x128xf32, #tpu.memory_space<vmem_shared>>
      tpu.enqueue_indirect_dma source(%arg20 : memref<96x128xf32, #tpu.memory_space<vmem>>) target(%dma_start3A_244 : memref<10000x128xf32, #tpu.memory_space<vmem_shared>>) offsets(%arg14 : memref<96xi32, #tpu.memory_space<vmem>>) semaphore(%arg37 : memref<!tpu.dma_semaphore, #tpu.memory_space<semaphore_mem>>) {add = true}
    }
    %scan3A_89 = arith.constant 26 : i32
    %dma_wait3A_90 = arith.constant 0 : i32
    %dma_wait3A_91 = arith.constant 0 : i32
    %dma_wait3A_92 = tpu.memref_slice %arg21[%dma_wait3A_90, %dma_wait3A_91] : memref<10000x128xf32, #tpu.memory_space<vmem_shared>> -> memref<10000x128xf32, #tpu.memory_space<vmem_shared>>
    tpu.wait_indirect_dma semaphore(%arg36 : memref<!tpu.dma_semaphore, #tpu.memory_space<semaphore_mem>>) src(%arg19 : memref<96x128xf32, #tpu.memory_space<vmem>>) dst(%dma_wait3A_92 : memref<10000x128xf32, #tpu.memory_space<vmem_shared>>)
    %dma_wait3A_93 = arith.constant 0 : i32
    %dma_wait3A_94 = arith.constant 0 : i32
    %dma_wait3A_95 = tpu.memref_slice %arg21[%dma_wait3A_93, %dma_wait3A_94] : memref<10000x128xf32, #tpu.memory_space<vmem_shared>> -> memref<10000x128xf32, #tpu.memory_space<vmem_shared>>
    tpu.wait_indirect_dma semaphore(%arg37 : memref<!tpu.dma_semaphore, #tpu.memory_space<semaphore_mem>>) src(%arg20 : memref<96x128xf32, #tpu.memory_space<vmem>>) dst(%dma_wait3A_95 : memref<10000x128xf32, #tpu.memory_space<vmem_shared>>)
    %add3A_96 = arith.constant 9984 : i32
    %add3A_97 = arith.addi %mul3A_2, %add3A_96 : i32
    "tpu.region"() ({
      %run_scoped3A = tpu.sem_alloc : memref<!tpu.dma_semaphore, #tpu.memory_space<semaphore_mem>>
      %dma_start3A_118 = tpu.memref_slice %arg3[%add3A_97] : memref<320000xi32, #tpu.memory_space<hbm>> -> memref<16xi32, #tpu.memory_space<hbm>>
      %dma_start3A_119 = tpu.memref_slice %arg3[%add3A_97] : memref<320000xi32, #tpu.memory_space<hbm>> -> memref<16xi32, #tpu.memory_space<hbm>>
      tpu.enqueue_dma source(%dma_start3A_119 : memref<16xi32, #tpu.memory_space<hbm>>) target(%arg15 : memref<16xi32, #tpu.memory_space<vmem>>) target_semaphore(%run_scoped3A : memref<!tpu.dma_semaphore, #tpu.memory_space<semaphore_mem>>)
      %dma_wait3A_120 = tpu.memref_slice %arg3[%add3A_97] : memref<320000xi32, #tpu.memory_space<hbm>> -> memref<16xi32, #tpu.memory_space<hbm>>
      %dma_wait3A_121 = tpu.memref_slice %arg3[%add3A_97] : memref<320000xi32, #tpu.memory_space<hbm>> -> memref<16xi32, #tpu.memory_space<hbm>>
      tpu.wait_dma2 semaphore(%run_scoped3A : memref<!tpu.dma_semaphore, #tpu.memory_space<semaphore_mem>>) src(%dma_wait3A_121 : memref<16xi32, #tpu.memory_space<hbm>>) dst(%arg15 : memref<16xi32, #tpu.memory_space<vmem>>)
      tpu.yield
    }) : () -> ()
    %add3A_98 = arith.constant 9984 : i32
    %add3A_99 = arith.addi %mul3A_2, %add3A_98 : i32
    "tpu.region"() ({
      %run_scoped3A = tpu.sem_alloc : memref<!tpu.dma_semaphore, #tpu.memory_space<semaphore_mem>>
      %dma_start3A_118 = tpu.memref_slice %arg4[%add3A_99] : memref<320000xi32, #tpu.memory_space<hbm>> -> memref<16xi32, #tpu.memory_space<hbm>>
      %dma_start3A_119 = tpu.memref_slice %arg4[%add3A_99] : memref<320000xi32, #tpu.memory_space<hbm>> -> memref<16xi32, #tpu.memory_space<hbm>>
      tpu.enqueue_dma source(%dma_start3A_119 : memref<16xi32, #tpu.memory_space<hbm>>) target(%arg16 : memref<16xi32, #tpu.memory_space<vmem>>) target_semaphore(%run_scoped3A : memref<!tpu.dma_semaphore, #tpu.memory_space<semaphore_mem>>)
      %dma_wait3A_120 = tpu.memref_slice %arg4[%add3A_99] : memref<320000xi32, #tpu.memory_space<hbm>> -> memref<16xi32, #tpu.memory_space<hbm>>
      %dma_wait3A_121 = tpu.memref_slice %arg4[%add3A_99] : memref<320000xi32, #tpu.memory_space<hbm>> -> memref<16xi32, #tpu.memory_space<hbm>>
      tpu.wait_dma2 semaphore(%run_scoped3A : memref<!tpu.dma_semaphore, #tpu.memory_space<semaphore_mem>>) src(%dma_wait3A_121 : memref<16xi32, #tpu.memory_space<hbm>>) dst(%arg16 : memref<16xi32, #tpu.memory_space<vmem>>)
      tpu.yield
    }) : () -> ()
    %dma_start3A_100 = arith.constant 0 : i32
    %dma_start3A_101 = arith.constant 0 : i32
    %dma_start3A_102 = tpu.memref_slice %arg17[%dma_start3A_100, %dma_start3A_101] : memref<96x128xf32, #tpu.memory_space<vmem>> -> memref<16x128xf32, #tpu.memory_space<vmem>>
    %dma_start3A_103 = arith.constant 0 : i32
    %dma_start3A_104 = arith.constant 0 : i32
    %dma_start3A_105 = tpu.memref_slice %arg2[%dma_start3A_103, %dma_start3A_104] : memref<10000x128xf32, #tpu.memory_space<hbm>> -> memref<10000x128xf32, #tpu.memory_space<hbm>>
    tpu.enqueue_indirect_dma source(%dma_start3A_105 : memref<10000x128xf32, #tpu.memory_space<hbm>>) target(%dma_start3A_102 : memref<16x128xf32, #tpu.memory_space<vmem>>) offsets(%arg15 : memref<16xi32, #tpu.memory_space<vmem>>) semaphore(%arg22 : memref<!tpu.dma_semaphore, #tpu.memory_space<semaphore_mem>>)
    %dma_wait3A_106 = arith.constant 0 : i32
    %dma_wait3A_107 = arith.constant 0 : i32
    %dma_wait3A_108 = tpu.memref_slice %arg17[%dma_wait3A_106, %dma_wait3A_107] : memref<96x128xf32, #tpu.memory_space<vmem>> -> memref<16x128xf32, #tpu.memory_space<vmem>>
    %dma_wait3A_109 = arith.constant 0 : i32
    %dma_wait3A_110 = arith.constant 0 : i32
    %dma_wait3A_111 = tpu.memref_slice %arg2[%dma_wait3A_109, %dma_wait3A_110] : memref<10000x128xf32, #tpu.memory_space<hbm>> -> memref<10000x128xf32, #tpu.memory_space<hbm>>
    tpu.wait_indirect_dma semaphore(%arg22 : memref<!tpu.dma_semaphore, #tpu.memory_space<semaphore_mem>>) src(%dma_wait3A_111 : memref<10000x128xf32, #tpu.memory_space<hbm>>) dst(%dma_wait3A_108 : memref<16x128xf32, #tpu.memory_space<vmem>>)
    "tpu.region"() ({
      %run_scoped3A = tpu.sem_alloc : memref<!tpu.dma_semaphore, #tpu.memory_space<semaphore_mem>>
      %dma_start3A_118 = arith.constant 0 : i32
      %dma_start3A_119 = arith.constant 0 : i32
      %dma_start3A_120 = tpu.memref_slice %arg17[%dma_start3A_118, %dma_start3A_119] : memref<96x128xf32, #tpu.memory_space<vmem>> -> memref<16x128xf32, #tpu.memory_space<vmem>>
      %dma_start3A_121 = arith.constant 0 : i32
      %dma_start3A_122 = arith.constant 0 : i32
      %dma_start3A_123 = tpu.memref_slice %arg21[%dma_start3A_121, %dma_start3A_122] : memref<10000x128xf32, #tpu.memory_space<vmem_shared>> -> memref<10000x128xf32, #tpu.memory_space<vmem_shared>>
      tpu.enqueue_indirect_dma source(%dma_start3A_120 : memref<16x128xf32, #tpu.memory_space<vmem>>) target(%dma_start3A_123 : memref<10000x128xf32, #tpu.memory_space<vmem_shared>>) offsets(%arg16 : memref<16xi32, #tpu.memory_space<vmem>>) semaphore(%run_scoped3A : memref<!tpu.dma_semaphore, #tpu.memory_space<semaphore_mem>>) {add = true}
      %dma_wait3A_124 = arith.constant 0 : i32
      %dma_wait3A_125 = arith.constant 0 : i32
      %dma_wait3A_126 = tpu.memref_slice %arg17[%dma_wait3A_124, %dma_wait3A_125] : memref<96x128xf32, #tpu.memory_space<vmem>> -> memref<16x128xf32, #tpu.memory_space<vmem>>
      %dma_wait3A_127 = arith.constant 0 : i32
      %dma_wait3A_128 = arith.constant 0 : i32
      %dma_wait3A_129 = tpu.memref_slice %arg21[%dma_wait3A_127, %dma_wait3A_128] : memref<10000x128xf32, #tpu.memory_space<vmem_shared>> -> memref<10000x128xf32, #tpu.memory_space<vmem_shared>>
      tpu.wait_indirect_dma semaphore(%run_scoped3A : memref<!tpu.dma_semaphore, #tpu.memory_space<semaphore_mem>>) src(%dma_wait3A_126 : memref<16x128xf32, #tpu.memory_space<vmem>>) dst(%dma_wait3A_129 : memref<10000x128xf32, #tpu.memory_space<vmem_shared>>)
      tpu.yield
    }) : () -> ()
    %barrier3A_112 = arith.constant 0 : index
    tpu.barrier barrier_id(%barrier3A_112)
    "tpu.region"() ({
      %run_scoped3A = tpu.sem_alloc : memref<!tpu.dma_semaphore, #tpu.memory_space<semaphore_mem>>
      %dma_start3A_118 = arith.constant 0 : i32
      %dma_start3A_119 = tpu.memref_slice %arg6[%arg0, %mul3A_4, %dma_start3A_118] : memref<2x10000x128xf32, #tpu.memory_space<hbm>> -> memref<1x624x128xf32, #tpu.memory_space<hbm>>
      %dma_start3A_120 = tpu.memref_squeeze %dma_start3A_119 : memref<1x624x128xf32, #tpu.memory_space<hbm>> -> memref<624x128xf32, #tpu.memory_space<hbm>>
      %dma_start3A_121 = arith.constant 0 : i32
      %dma_start3A_122 = tpu.memref_slice %arg21[%mul3A_4, %dma_start3A_121] : memref<10000x128xf32, #tpu.memory_space<vmem_shared>> -> memref<624x128xf32, #tpu.memory_space<vmem_shared>>
      tpu.enqueue_dma source(%dma_start3A_122 : memref<624x128xf32, #tpu.memory_space<vmem_shared>>) target(%dma_start3A_120 : memref<624x128xf32, #tpu.memory_space<hbm>>) target_semaphore(%run_scoped3A : memref<!tpu.dma_semaphore, #tpu.memory_space<semaphore_mem>>)
      %dma_wait3A_123 = arith.constant 0 : i32
      %dma_wait3A_124 = tpu.memref_slice %arg6[%arg0, %mul3A_4, %dma_wait3A_123] : memref<2x10000x128xf32, #tpu.memory_space<hbm>> -> memref<1x624x128xf32, #tpu.memory_space<hbm>>
      %dma_wait3A_125 = tpu.memref_squeeze %dma_wait3A_124 : memref<1x624x128xf32, #tpu.memory_space<hbm>> -> memref<624x128xf32, #tpu.memory_space<hbm>>
      %dma_wait3A_126 = arith.constant 0 : i32
      %dma_wait3A_127 = tpu.memref_slice %arg21[%mul3A_4, %dma_wait3A_126] : memref<10000x128xf32, #tpu.memory_space<vmem_shared>> -> memref<624x128xf32, #tpu.memory_space<vmem_shared>>
      tpu.wait_dma2 semaphore(%run_scoped3A : memref<!tpu.dma_semaphore, #tpu.memory_space<semaphore_mem>>) src(%dma_wait3A_127 : memref<624x128xf32, #tpu.memory_space<vmem_shared>>) dst(%dma_wait3A_125 : memref<624x128xf32, #tpu.memory_space<hbm>>)
      tpu.yield
    }) : () -> ()
    %eq3A_113 = arith.constant 0 : i32
    %eq3A_114 = arith.cmpi eq, %arg1, %eq3A_113 : i32
    %convert_element_type3A_115 = arith.extui %eq3A_114 : i1 to i32
    %cond3A_116 = arith.constant 0 : i32
    %cond3A_117 = arith.cmpi ne, %convert_element_type3A_115, %cond3A_116 : i32
    scf.if %cond3A_117 {
      "tpu.region"() ({
        %run_scoped3A = tpu.sem_alloc : memref<!tpu.dma_semaphore, #tpu.memory_space<semaphore_mem>>
        %dma_start3A_118 = arith.constant 9984 : i32
        %dma_start3A_119 = arith.constant 0 : i32
        %dma_start3A_120 = tpu.memref_slice %arg6[%arg0, %dma_start3A_118, %dma_start3A_119] : memref<2x10000x128xf32, #tpu.memory_space<hbm>> -> memref<1x16x128xf32, #tpu.memory_space<hbm>>
        %dma_start3A_121 = tpu.memref_squeeze %dma_start3A_120 : memref<1x16x128xf32, #tpu.memory_space<hbm>> -> memref<16x128xf32, #tpu.memory_space<hbm>>
        %dma_start3A_122 = arith.constant 9984 : i32
        %dma_start3A_123 = arith.constant 0 : i32
        %dma_start3A_124 = tpu.memref_slice %arg21[%dma_start3A_122, %dma_start3A_123] : memref<10000x128xf32, #tpu.memory_space<vmem_shared>> -> memref<16x128xf32, #tpu.memory_space<vmem_shared>>
        tpu.enqueue_dma source(%dma_start3A_124 : memref<16x128xf32, #tpu.memory_space<vmem_shared>>) target(%dma_start3A_121 : memref<16x128xf32, #tpu.memory_space<hbm>>) target_semaphore(%run_scoped3A : memref<!tpu.dma_semaphore, #tpu.memory_space<semaphore_mem>>)
        %dma_wait3A_125 = arith.constant 9984 : i32
        %dma_wait3A_126 = arith.constant 0 : i32
        %dma_wait3A_127 = tpu.memref_slice %arg6[%arg0, %dma_wait3A_125, %dma_wait3A_126] : memref<2x10000x128xf32, #tpu.memory_space<hbm>> -> memref<1x16x128xf32, #tpu.memory_space<hbm>>
        %dma_wait3A_128 = tpu.memref_squeeze %dma_wait3A_127 : memref<1x16x128xf32, #tpu.memory_space<hbm>> -> memref<16x128xf32, #tpu.memory_space<hbm>>
        %dma_wait3A_129 = arith.constant 9984 : i32
        %dma_wait3A_130 = arith.constant 0 : i32
        %dma_wait3A_131 = tpu.memref_slice %arg21[%dma_wait3A_129, %dma_wait3A_130] : memref<10000x128xf32, #tpu.memory_space<vmem_shared>> -> memref<16x128xf32, #tpu.memory_space<vmem_shared>>
        tpu.wait_dma2 semaphore(%run_scoped3A : memref<!tpu.dma_semaphore, #tpu.memory_space<semaphore_mem>>) src(%dma_wait3A_131 : memref<16x128xf32, #tpu.memory_space<vmem_shared>>) dst(%dma_wait3A_128 : memref<16x128xf32, #tpu.memory_space<hbm>>)
        tpu.yield
      }) : () -> ()
    } else {
    }
    return
  }
}

#map = affine_map<(d0, d1) -> (0, 0)>
#map1 = affine_map<(d0, d1) -> (0)>
#map2 = affine_map<(d0, d1) -> (0, 0, 0)>
module attributes {stable_mosaic.version = 14 : i64} {
  func.func @_sc_agg(%arg0: i32, %arg1: i32, %arg2: memref<10000x128xf32, #tpu.memory_space<hbm>>, %arg3: memref<320000xi32, #tpu.memory_space<hbm>>, %arg4: memref<320000xi32, #tpu.memory_space<hbm>>, %arg5: memref<10000x128xf32, #tpu.memory_space<hbm>>, %arg6: memref<2x10000x128xf32, #tpu.memory_space<hbm>>, %arg7: memref<96xi32, #tpu.memory_space<vmem>>, %arg8: memref<96xi32, #tpu.memory_space<vmem>>, %arg9: memref<96xi32, #tpu.memory_space<vmem>>, %arg10: memref<96xi32, #tpu.memory_space<vmem>>, %arg11: memref<96xi32, #tpu.memory_space<vmem>>, %arg12: memref<96xi32, #tpu.memory_space<vmem>>, %arg13: memref<96xi32, #tpu.memory_space<vmem>>, %arg14: memref<96xi32, #tpu.memory_space<vmem>>, %arg15: memref<16xi32, #tpu.memory_space<vmem>>, %arg16: memref<16xi32, #tpu.memory_space<vmem>>, %arg17: memref<96x128xf32, #tpu.memory_space<vmem>>, %arg18: memref<96x128xf32, #tpu.memory_space<vmem>>, %arg19: memref<96x128xf32, #tpu.memory_space<vmem>>, %arg20: memref<96x128xf32, #tpu.memory_space<vmem>>, %arg21: memref<10000x128xf32, #tpu.memory_space<vmem_shared>>, %arg22: memref<!tpu.dma_semaphore, #tpu.memory_space<semaphore_mem>>, %arg23: memref<!tpu.dma_semaphore, #tpu.memory_space<semaphore_mem>>, %arg24: memref<!tpu.dma_semaphore, #tpu.memory_space<semaphore_mem>>, %arg25: memref<!tpu.dma_semaphore, #tpu.memory_space<semaphore_mem>>, %arg26: memref<!tpu.dma_semaphore, #tpu.memory_space<semaphore_mem>>, %arg27: memref<!tpu.dma_semaphore, #tpu.memory_space<semaphore_mem>>, %arg28: memref<!tpu.dma_semaphore, #tpu.memory_space<semaphore_mem>>, %arg29: memref<!tpu.dma_semaphore, #tpu.memory_space<semaphore_mem>>, %arg30: memref<!tpu.dma_semaphore, #tpu.memory_space<semaphore_mem>>, %arg31: memref<!tpu.dma_semaphore, #tpu.memory_space<semaphore_mem>>, %arg32: memref<!tpu.dma_semaphore, #tpu.memory_space<semaphore_mem>>, %arg33: memref<!tpu.dma_semaphore, #tpu.memory_space<semaphore_mem>>, %arg34: memref<!tpu.dma_semaphore, #tpu.memory_space<semaphore_mem>>, %arg35: memref<!tpu.dma_semaphore, #tpu.memory_space<semaphore_mem>>, %arg36: memref<!tpu.dma_semaphore, #tpu.memory_space<semaphore_mem>>, %arg37: memref<!tpu.dma_semaphore, #tpu.memory_space<semaphore_mem>>) attributes {dimension_semantics = [#tpu.dimension_semantics<core_parallel>, #tpu.dimension_semantics<subcore_parallel>], iteration_bounds = array<i64: 2, 16>, scalar_prefetch = 0 : i64, scratch_operands = 31 : i64, tpu.core_type = #tpu.core_type<sc_vector_subcore>, window_params = [{transform_indices = #map}, {transform_indices = #map1}, {transform_indices = #map1}, {transform_indices = #map}, {transform_indices = #map2}]} {
    %mul3A = arith.constant 16 : i32
    %mul3A_0 = arith.muli %arg0, %mul3A : i32
    %add3A = arith.addi %mul3A_0, %arg1 : i32
    %mul3A_1 = arith.constant 10000 : i32
    %mul3A_2 = arith.muli %add3A, %mul3A_1 : i32
    %mul3A_3 = arith.constant 624 : i32
    %mul3A_4 = arith.muli %arg1, %mul3A_3 : i32
    %eq3A = arith.constant 0 : i32
    %eq3A_5 = arith.cmpi eq, %arg0, %eq3A : i32
    %convert_element_type3A = arith.extui %eq3A_5 : i1 to i32
    %cond3A = arith.constant 0 : i32
    %cond3A_6 = arith.cmpi ne, %convert_element_type3A, %cond3A : i32
    scf.if %cond3A_6 {
      %dma_start3A_118 = arith.constant 0 : i32
      %dma_start3A_119 = tpu.memref_slice %arg21[%mul3A_4, %dma_start3A_118] : memref<10000x128xf32, #tpu.memory_space<vmem_shared>> -> memref<624x128xf32, #tpu.memory_space<vmem_shared>>
      %dma_start3A_120 = arith.constant 0 : i32
      %dma_start3A_121 = tpu.memref_slice %arg2[%mul3A_4, %dma_start3A_120] : memref<10000x128xf32, #tpu.memory_space<hbm>> -> memref<624x128xf32, #tpu.memory_space<hbm>>
      tpu.enqueue_dma source(%dma_start3A_121 : memref<624x128xf32, #tpu.memory_space<hbm>>) target(%dma_start3A_119 : memref<624x128xf32, #tpu.memory_space<vmem_shared>>) target_semaphore(%arg34 : memref<!tpu.dma_semaphore, #tpu.memory_space<semaphore_mem>>)
    } else {
    }
    %eq3A_7 = arith.constant 1 : i32
    %eq3A_8 = arith.cmpi eq, %arg0, %eq3A_7 : i32
    %convert_element_type3A_9 = arith.extui %eq3A_8 : i1 to i32
    %cond3A_10 = arith.constant 0 : i32
    %cond3A_11 = arith.cmpi ne, %convert_element_type3A_9, %cond3A_10 : i32
    scf.if %cond3A_11 {
      %dma_start3A_118 = arith.constant 0 : i32
      %dma_start3A_119 = tpu.memref_slice %arg21[%mul3A_4, %dma_start3A_118] : memref<10000x128xf32, #tpu.memory_space<vmem_shared>> -> memref<624x128xf32, #tpu.memory_space<vmem_shared>>
      %dma_start3A_120 = arith.constant 0 : i32
      %dma_start3A_121 = tpu.memref_slice %arg5[%mul3A_4, %dma_start3A_120] : memref<10000x128xf32, #tpu.memory_space<hbm>> -> memref<624x128xf32, #tpu.memory_space<hbm>>
      tpu.enqueue_dma source(%dma_start3A_121 : memref<624x128xf32, #tpu.memory_space<hbm>>) target(%dma_start3A_119 : memref<624x128xf32, #tpu.memory_space<vmem_shared>>) target_semaphore(%arg34 : memref<!tpu.dma_semaphore, #tpu.memory_space<semaphore_mem>>)
    } else {
    }
    %eq3A_12 = arith.constant 0 : i32
    %eq3A_13 = arith.cmpi eq, %arg0, %eq3A_12 : i32
    %eq3A_14 = arith.constant 0 : i32
    %eq3A_15 = arith.cmpi eq, %arg1, %eq3A_14 : i32
    %and3A = arith.andi %eq3A_13, %eq3A_15 : i1
    %convert_element_type3A_16 = arith.extui %and3A : i1 to i32
    %cond3A_17 = arith.constant 0 : i32
    %cond3A_18 = arith.cmpi ne, %convert_element_type3A_16, %cond3A_17 : i32
    scf.if %cond3A_18 {
      %dma_start3A_118 = arith.constant 9984 : i32
      %dma_start3A_119 = arith.constant 0 : i32
      %dma_start3A_120 = tpu.memref_slice %arg21[%dma_start3A_118, %dma_start3A_119] : memref<10000x128xf32, #tpu.memory_space<vmem_shared>> -> memref<16x128xf32, #tpu.memory_space<vmem_shared>>
      %dma_start3A_121 = arith.constant 9984 : i32
      %dma_start3A_122 = arith.constant 0 : i32
      %dma_start3A_123 = tpu.memref_slice %arg2[%dma_start3A_121, %dma_start3A_122] : memref<10000x128xf32, #tpu.memory_space<hbm>> -> memref<16x128xf32, #tpu.memory_space<hbm>>
      tpu.enqueue_dma source(%dma_start3A_123 : memref<16x128xf32, #tpu.memory_space<hbm>>) target(%dma_start3A_120 : memref<16x128xf32, #tpu.memory_space<vmem_shared>>) target_semaphore(%arg35 : memref<!tpu.dma_semaphore, #tpu.memory_space<semaphore_mem>>)
    } else {
    }
    %eq3A_19 = arith.constant 1 : i32
    %eq3A_20 = arith.cmpi eq, %arg0, %eq3A_19 : i32
    %eq3A_21 = arith.constant 0 : i32
    %eq3A_22 = arith.cmpi eq, %arg1, %eq3A_21 : i32
    %and3A_23 = arith.andi %eq3A_20, %eq3A_22 : i1
    %convert_element_type3A_24 = arith.extui %and3A_23 : i1 to i32
    %cond3A_25 = arith.constant 0 : i32
    %cond3A_26 = arith.cmpi ne, %convert_element_type3A_24, %cond3A_25 : i32
    scf.if %cond3A_26 {
      %dma_start3A_118 = arith.constant 9984 : i32
      %dma_start3A_119 = arith.constant 0 : i32
      %dma_start3A_120 = tpu.memref_slice %arg21[%dma_start3A_118, %dma_start3A_119] : memref<10000x128xf32, #tpu.memory_space<vmem_shared>> -> memref<16x128xf32, #tpu.memory_space<vmem_shared>>
      %dma_start3A_121 = arith.constant 9984 : i32
      %dma_start3A_122 = arith.constant 0 : i32
      %dma_start3A_123 = tpu.memref_slice %arg5[%dma_start3A_121, %dma_start3A_122] : memref<10000x128xf32, #tpu.memory_space<hbm>> -> memref<16x128xf32, #tpu.memory_space<hbm>>
      tpu.enqueue_dma source(%dma_start3A_123 : memref<16x128xf32, #tpu.memory_space<hbm>>) target(%dma_start3A_120 : memref<16x128xf32, #tpu.memory_space<vmem_shared>>) target_semaphore(%arg35 : memref<!tpu.dma_semaphore, #tpu.memory_space<semaphore_mem>>)
    } else {
    }
    %add3A_27 = arith.constant 0 : i32
    %add3A_28 = arith.addi %mul3A_2, %add3A_27 : i32
    %dma_start3A = tpu.memref_slice %arg3[%add3A_28] : memref<320000xi32, #tpu.memory_space<hbm>> -> memref<96xi32, #tpu.memory_space<hbm>>
    %dma_start3A_29 = tpu.memref_slice %arg3[%add3A_28] : memref<320000xi32, #tpu.memory_space<hbm>> -> memref<96xi32, #tpu.memory_space<hbm>>
    tpu.enqueue_dma source(%dma_start3A_29 : memref<96xi32, #tpu.memory_space<hbm>>) target(%arg7 : memref<96xi32, #tpu.memory_space<vmem>>) target_semaphore(%arg26 : memref<!tpu.dma_semaphore, #tpu.memory_space<semaphore_mem>>)
    %add3A_30 = arith.constant 96 : i32
    %add3A_31 = arith.addi %mul3A_2, %add3A_30 : i32
    %dma_start3A_32 = tpu.memref_slice %arg3[%add3A_31] : memref<320000xi32, #tpu.memory_space<hbm>> -> memref<96xi32, #tpu.memory_space<hbm>>
    %dma_start3A_33 = tpu.memref_slice %arg3[%add3A_31] : memref<320000xi32, #tpu.memory_space<hbm>> -> memref<96xi32, #tpu.memory_space<hbm>>
    tpu.enqueue_dma source(%dma_start3A_33 : memref<96xi32, #tpu.memory_space<hbm>>) target(%arg8 : memref<96xi32, #tpu.memory_space<vmem>>) target_semaphore(%arg27 : memref<!tpu.dma_semaphore, #tpu.memory_space<semaphore_mem>>)
    %add3A_34 = arith.constant 192 : i32
    %add3A_35 = arith.addi %mul3A_2, %add3A_34 : i32
    %dma_start3A_36 = tpu.memref_slice %arg3[%add3A_35] : memref<320000xi32, #tpu.memory_space<hbm>> -> memref<96xi32, #tpu.memory_space<hbm>>
    %dma_start3A_37 = tpu.memref_slice %arg3[%add3A_35] : memref<320000xi32, #tpu.memory_space<hbm>> -> memref<96xi32, #tpu.memory_space<hbm>>
    tpu.enqueue_dma source(%dma_start3A_37 : memref<96xi32, #tpu.memory_space<hbm>>) target(%arg9 : memref<96xi32, #tpu.memory_space<vmem>>) target_semaphore(%arg28 : memref<!tpu.dma_semaphore, #tpu.memory_space<semaphore_mem>>)
    %add3A_38 = arith.constant 0 : i32
    %add3A_39 = arith.addi %mul3A_2, %add3A_38 : i32
    %dma_start3A_40 = tpu.memref_slice %arg4[%add3A_39] : memref<320000xi32, #tpu.memory_space<hbm>> -> memref<96xi32, #tpu.memory_space<hbm>>
    %dma_start3A_41 = tpu.memref_slice %arg4[%add3A_39] : memref<320000xi32, #tpu.memory_space<hbm>> -> memref<96xi32, #tpu.memory_space<hbm>>
    tpu.enqueue_dma source(%dma_start3A_41 : memref<96xi32, #tpu.memory_space<hbm>>) target(%arg11 : memref<96xi32, #tpu.memory_space<vmem>>) target_semaphore(%arg30 : memref<!tpu.dma_semaphore, #tpu.memory_space<semaphore_mem>>)
    %add3A_42 = arith.constant 96 : i32
    %add3A_43 = arith.addi %mul3A_2, %add3A_42 : i32
    %dma_start3A_44 = tpu.memref_slice %arg4[%add3A_43] : memref<320000xi32, #tpu.memory_space<hbm>> -> memref<96xi32, #tpu.memory_space<hbm>>
    %dma_start3A_45 = tpu.memref_slice %arg4[%add3A_43] : memref<320000xi32, #tpu.memory_space<hbm>> -> memref<96xi32, #tpu.memory_space<hbm>>
    tpu.enqueue_dma source(%dma_start3A_45 : memref<96xi32, #tpu.memory_space<hbm>>) target(%arg12 : memref<96xi32, #tpu.memory_space<vmem>>) target_semaphore(%arg31 : memref<!tpu.dma_semaphore, #tpu.memory_space<semaphore_mem>>)
    %add3A_46 = arith.constant 0 : i32
    %add3A_47 = arith.addi %mul3A_2, %add3A_46 : i32
    %dma_wait3A = tpu.memref_slice %arg3[%add3A_47] : memref<320000xi32, #tpu.memory_space<hbm>> -> memref<96xi32, #tpu.memory_space<hbm>>
    %dma_wait3A_48 = tpu.memref_slice %arg3[%add3A_47] : memref<320000xi32, #tpu.memory_space<hbm>> -> memref<96xi32, #tpu.memory_space<hbm>>
    tpu.wait_dma2 semaphore(%arg26 : memref<!tpu.dma_semaphore, #tpu.memory_space<semaphore_mem>>) src(%dma_wait3A_48 : memref<96xi32, #tpu.memory_space<hbm>>) dst(%arg7 : memref<96xi32, #tpu.memory_space<vmem>>)
    %dma_start3A_49 = arith.constant 0 : i32
    %dma_start3A_50 = arith.constant 0 : i32
    %dma_start3A_51 = tpu.memref_slice %arg2[%dma_start3A_49, %dma_start3A_50] : memref<10000x128xf32, #tpu.memory_space<hbm>> -> memref<10000x128xf32, #tpu.memory_space<hbm>>
    tpu.enqueue_indirect_dma source(%dma_start3A_51 : memref<10000x128xf32, #tpu.memory_space<hbm>>) target(%arg17 : memref<96x128xf32, #tpu.memory_space<vmem>>) offsets(%arg7 : memref<96xi32, #tpu.memory_space<vmem>>) semaphore(%arg22 : memref<!tpu.dma_semaphore, #tpu.memory_space<semaphore_mem>>)
    %add3A_52 = arith.constant 96 : i32
    %add3A_53 = arith.addi %mul3A_2, %add3A_52 : i32
    %dma_wait3A_54 = tpu.memref_slice %arg3[%add3A_53] : memref<320000xi32, #tpu.memory_space<hbm>> -> memref<96xi32, #tpu.memory_space<hbm>>
    %dma_wait3A_55 = tpu.memref_slice %arg3[%add3A_53] : memref<320000xi32, #tpu.memory_space<hbm>> -> memref<96xi32, #tpu.memory_space<hbm>>
    tpu.wait_dma2 semaphore(%arg27 : memref<!tpu.dma_semaphore, #tpu.memory_space<semaphore_mem>>) src(%dma_wait3A_55 : memref<96xi32, #tpu.memory_space<hbm>>) dst(%arg8 : memref<96xi32, #tpu.memory_space<vmem>>)
    %dma_start3A_56 = arith.constant 0 : i32
    %dma_start3A_57 = arith.constant 0 : i32
    %dma_start3A_58 = tpu.memref_slice %arg2[%dma_start3A_56, %dma_start3A_57] : memref<10000x128xf32, #tpu.memory_space<hbm>> -> memref<10000x128xf32, #tpu.memory_space<hbm>>
    tpu.enqueue_indirect_dma source(%dma_start3A_58 : memref<10000x128xf32, #tpu.memory_space<hbm>>) target(%arg18 : memref<96x128xf32, #tpu.memory_space<vmem>>) offsets(%arg8 : memref<96xi32, #tpu.memory_space<vmem>>) semaphore(%arg23 : memref<!tpu.dma_semaphore, #tpu.memory_space<semaphore_mem>>)
    %eq3A_59 = arith.constant 0 : i32
    %eq3A_60 = arith.cmpi eq, %arg0, %eq3A_59 : i32
    %convert_element_type3A_61 = arith.extui %eq3A_60 : i1 to i32
    %cond3A_62 = arith.constant 0 : i32
    %cond3A_63 = arith.cmpi ne, %convert_element_type3A_61, %cond3A_62 : i32
    scf.if %cond3A_63 {
      %dma_wait3A_118 = arith.constant 0 : i32
      %dma_wait3A_119 = tpu.memref_slice %arg21[%mul3A_4, %dma_wait3A_118] : memref<10000x128xf32, #tpu.memory_space<vmem_shared>> -> memref<624x128xf32, #tpu.memory_space<vmem_shared>>
      %dma_wait3A_120 = arith.constant 0 : i32
      %dma_wait3A_121 = tpu.memref_slice %arg2[%mul3A_4, %dma_wait3A_120] : memref<10000x128xf32, #tpu.memory_space<hbm>> -> memref<624x128xf32, #tpu.memory_space<hbm>>
      tpu.wait_dma2 semaphore(%arg34 : memref<!tpu.dma_semaphore, #tpu.memory_space<semaphore_mem>>) src(%dma_wait3A_121 : memref<624x128xf32, #tpu.memory_space<hbm>>) dst(%dma_wait3A_119 : memref<624x128xf32, #tpu.memory_space<vmem_shared>>)
    } else {
    }
    %eq3A_64 = arith.constant 1 : i32
    %eq3A_65 = arith.cmpi eq, %arg0, %eq3A_64 : i32
    %convert_element_type3A_66 = arith.extui %eq3A_65 : i1 to i32
    %cond3A_67 = arith.constant 0 : i32
    %cond3A_68 = arith.cmpi ne, %convert_element_type3A_66, %cond3A_67 : i32
    scf.if %cond3A_68 {
      %dma_wait3A_118 = arith.constant 0 : i32
      %dma_wait3A_119 = tpu.memref_slice %arg21[%mul3A_4, %dma_wait3A_118] : memref<10000x128xf32, #tpu.memory_space<vmem_shared>> -> memref<624x128xf32, #tpu.memory_space<vmem_shared>>
      %dma_wait3A_120 = arith.constant 0 : i32
      %dma_wait3A_121 = tpu.memref_slice %arg5[%mul3A_4, %dma_wait3A_120] : memref<10000x128xf32, #tpu.memory_space<hbm>> -> memref<624x128xf32, #tpu.memory_space<hbm>>
      tpu.wait_dma2 semaphore(%arg34 : memref<!tpu.dma_semaphore, #tpu.memory_space<semaphore_mem>>) src(%dma_wait3A_121 : memref<624x128xf32, #tpu.memory_space<hbm>>) dst(%dma_wait3A_119 : memref<624x128xf32, #tpu.memory_space<vmem_shared>>)
    } else {
    }
    %eq3A_69 = arith.constant 0 : i32
    %eq3A_70 = arith.cmpi eq, %arg0, %eq3A_69 : i32
    %eq3A_71 = arith.constant 0 : i32
    %eq3A_72 = arith.cmpi eq, %arg1, %eq3A_71 : i32
    %and3A_73 = arith.andi %eq3A_70, %eq3A_72 : i1
    %convert_element_type3A_74 = arith.extui %and3A_73 : i1 to i32
    %cond3A_75 = arith.constant 0 : i32
    %cond3A_76 = arith.cmpi ne, %convert_element_type3A_74, %cond3A_75 : i32
    scf.if %cond3A_76 {
      %dma_wait3A_118 = arith.constant 9984 : i32
      %dma_wait3A_119 = arith.constant 0 : i32
      %dma_wait3A_120 = tpu.memref_slice %arg21[%dma_wait3A_118, %dma_wait3A_119] : memref<10000x128xf32, #tpu.memory_space<vmem_shared>> -> memref<16x128xf32, #tpu.memory_space<vmem_shared>>
      %dma_wait3A_121 = arith.constant 9984 : i32
      %dma_wait3A_122 = arith.constant 0 : i32
      %dma_wait3A_123 = tpu.memref_slice %arg2[%dma_wait3A_121, %dma_wait3A_122] : memref<10000x128xf32, #tpu.memory_space<hbm>> -> memref<16x128xf32, #tpu.memory_space<hbm>>
      tpu.wait_dma2 semaphore(%arg35 : memref<!tpu.dma_semaphore, #tpu.memory_space<semaphore_mem>>) src(%dma_wait3A_123 : memref<16x128xf32, #tpu.memory_space<hbm>>) dst(%dma_wait3A_120 : memref<16x128xf32, #tpu.memory_space<vmem_shared>>)
    } else {
    }
    %eq3A_77 = arith.constant 1 : i32
    %eq3A_78 = arith.cmpi eq, %arg0, %eq3A_77 : i32
    %eq3A_79 = arith.constant 0 : i32
    %eq3A_80 = arith.cmpi eq, %arg1, %eq3A_79 : i32
    %and3A_81 = arith.andi %eq3A_78, %eq3A_80 : i1
    %convert_element_type3A_82 = arith.extui %and3A_81 : i1 to i32
    %cond3A_83 = arith.constant 0 : i32
    %cond3A_84 = arith.cmpi ne, %convert_element_type3A_82, %cond3A_83 : i32
    scf.if %cond3A_84 {
      %dma_wait3A_118 = arith.constant 9984 : i32
      %dma_wait3A_119 = arith.constant 0 : i32
      %dma_wait3A_120 = tpu.memref_slice %arg21[%dma_wait3A_118, %dma_wait3A_119] : memref<10000x128xf32, #tpu.memory_space<vmem_shared>> -> memref<16x128xf32, #tpu.memory_space<vmem_shared>>
      %dma_wait3A_121 = arith.constant 9984 : i32
      %dma_wait3A_122 = arith.constant 0 : i32
      %dma_wait3A_123 = tpu.memref_slice %arg5[%dma_wait3A_121, %dma_wait3A_122] : memref<10000x128xf32, #tpu.memory_space<hbm>> -> memref<16x128xf32, #tpu.memory_space<hbm>>
      tpu.wait_dma2 semaphore(%arg35 : memref<!tpu.dma_semaphore, #tpu.memory_space<semaphore_mem>>) src(%dma_wait3A_123 : memref<16x128xf32, #tpu.memory_space<hbm>>) dst(%dma_wait3A_120 : memref<16x128xf32, #tpu.memory_space<vmem_shared>>)
    } else {
    }
    %barrier3A = arith.constant 0 : index
    tpu.barrier barrier_id(%barrier3A)
    %scan3A = arith.constant 0 : i32
    %scan3A_85 = arith.constant 0 : i32
    %scan3A_86 = arith.constant 26 : i32
    %scan3A_87 = arith.addi %scan3A_85, %scan3A_86 : i32
    %scan3A_88 = arith.constant 1 : i32
    scf.for %scan3A_118 = %scan3A_85 to %scan3A_87 step %scan3A_88  : i32 {
      %mul3A_119 = arith.constant 4 : i32
      %mul3A_120 = arith.muli %mul3A_119, %scan3A_118 : i32
      %ge3A = arith.constant 2 : i32
      %ge3A_121 = arith.cmpi sge, %mul3A_120, %ge3A : i32
      %convert_element_type3A_122 = arith.extui %ge3A_121 : i1 to i32
      %cond3A_123 = arith.constant 0 : i32
      %cond3A_124 = arith.cmpi ne, %convert_element_type3A_122, %cond3A_123 : i32
      scf.if %cond3A_124 {
        %dma_wait3A_245 = arith.constant 0 : i32
        %dma_wait3A_246 = arith.constant 0 : i32
        %dma_wait3A_247 = tpu.memref_slice %arg21[%dma_wait3A_245, %dma_wait3A_246] : memref<10000x128xf32, #tpu.memory_space<vmem_shared>> -> memref<10000x128xf32, #tpu.memory_space<vmem_shared>>
        tpu.wait_indirect_dma semaphore(%arg36 : memref<!tpu.dma_semaphore, #tpu.memory_space<semaphore_mem>>) src(%arg19 : memref<96x128xf32, #tpu.memory_space<vmem>>) dst(%dma_wait3A_247 : memref<10000x128xf32, #tpu.memory_space<vmem_shared>>)
      } else {
      }
      %add3A_125 = arith.constant 2 : i32
      %add3A_126 = arith.addi %mul3A_120, %add3A_125 : i32
      %lt3A = arith.constant 104 : i32
      %lt3A_127 = arith.cmpi slt, %add3A_126, %lt3A : i32
      %convert_element_type3A_128 = arith.extui %lt3A_127 : i1 to i32
      %cond3A_129 = arith.constant 0 : i32
      %cond3A_130 = arith.cmpi ne, %convert_element_type3A_128, %cond3A_129 : i32
      scf.if %cond3A_130 {
        %add3A_245 = arith.constant 2 : i32
        %add3A_246 = arith.addi %mul3A_120, %add3A_245 : i32
        %mul3A_247 = arith.constant 96 : i32
        %mul3A_248 = arith.muli %add3A_246, %mul3A_247 : i32
        %add3A_249 = arith.addi %mul3A_2, %mul3A_248 : i32
        %dma_start3A_250 = tpu.memref_slice %arg4[%add3A_249] : memref<320000xi32, #tpu.memory_space<hbm>> -> memref<96xi32, #tpu.memory_space<hbm>>
        %dma_start3A_251 = tpu.memref_slice %arg4[%add3A_249] : memref<320000xi32, #tpu.memory_space<hbm>> -> memref<96xi32, #tpu.memory_space<hbm>>
        tpu.enqueue_dma source(%dma_start3A_251 : memref<96xi32, #tpu.memory_space<hbm>>) target(%arg13 : memref<96xi32, #tpu.memory_space<vmem>>) target_semaphore(%arg32 : memref<!tpu.dma_semaphore, #tpu.memory_space<semaphore_mem>>)
        %add3A_252 = arith.constant 2 : i32
        %add3A_253 = arith.addi %mul3A_120, %add3A_252 : i32
        %mul3A_254 = arith.constant 96 : i32
        %mul3A_255 = arith.muli %add3A_253, %mul3A_254 : i32
        %add3A_256 = arith.addi %mul3A_2, %mul3A_255 : i32
        %dma_wait3A_257 = tpu.memref_slice %arg3[%add3A_256] : memref<320000xi32, #tpu.memory_space<hbm>> -> memref<96xi32, #tpu.memory_space<hbm>>
        %dma_wait3A_258 = tpu.memref_slice %arg3[%add3A_256] : memref<320000xi32, #tpu.memory_space<hbm>> -> memref<96xi32, #tpu.memory_space<hbm>>
        tpu.wait_dma2 semaphore(%arg28 : memref<!tpu.dma_semaphore, #tpu.memory_space<semaphore_mem>>) src(%dma_wait3A_258 : memref<96xi32, #tpu.memory_space<hbm>>) dst(%arg9 : memref<96xi32, #tpu.memory_space<vmem>>)
        %dma_start3A_259 = arith.constant 0 : i32
        %dma_start3A_260 = arith.constant 0 : i32
        %dma_start3A_261 = tpu.memref_slice %arg2[%dma_start3A_259, %dma_start3A_260] : memref<10000x128xf32, #tpu.memory_space<hbm>> -> memref<10000x128xf32, #tpu.memory_space<hbm>>
        tpu.enqueue_indirect_dma source(%dma_start3A_261 : memref<10000x128xf32, #tpu.memory_space<hbm>>) target(%arg19 : memref<96x128xf32, #tpu.memory_space<vmem>>) offsets(%arg9 : memref<96xi32, #tpu.memory_space<vmem>>) semaphore(%arg24 : memref<!tpu.dma_semaphore, #tpu.memory_space<semaphore_mem>>)
      } else {
      }
      %add3A_131 = arith.constant 3 : i32
      %add3A_132 = arith.addi %mul3A_120, %add3A_131 : i32
      %lt3A_133 = arith.constant 104 : i32
      %lt3A_134 = arith.cmpi slt, %add3A_132, %lt3A_133 : i32
      %convert_element_type3A_135 = arith.extui %lt3A_134 : i1 to i32
      %cond3A_136 = arith.constant 0 : i32
      %cond3A_137 = arith.cmpi ne, %convert_element_type3A_135, %cond3A_136 : i32
      scf.if %cond3A_137 {
        %add3A_245 = arith.constant 3 : i32
        %add3A_246 = arith.addi %mul3A_120, %add3A_245 : i32
        %mul3A_247 = arith.constant 96 : i32
        %mul3A_248 = arith.muli %add3A_246, %mul3A_247 : i32
        %add3A_249 = arith.addi %mul3A_2, %mul3A_248 : i32
        %dma_start3A_250 = tpu.memref_slice %arg3[%add3A_249] : memref<320000xi32, #tpu.memory_space<hbm>> -> memref<96xi32, #tpu.memory_space<hbm>>
        %dma_start3A_251 = tpu.memref_slice %arg3[%add3A_249] : memref<320000xi32, #tpu.memory_space<hbm>> -> memref<96xi32, #tpu.memory_space<hbm>>
        tpu.enqueue_dma source(%dma_start3A_251 : memref<96xi32, #tpu.memory_space<hbm>>) target(%arg10 : memref<96xi32, #tpu.memory_space<vmem>>) target_semaphore(%arg29 : memref<!tpu.dma_semaphore, #tpu.memory_space<semaphore_mem>>)
      } else {
      }
      %mul3A_138 = arith.constant 96 : i32
      %mul3A_139 = arith.muli %mul3A_120, %mul3A_138 : i32
      %add3A_140 = arith.addi %mul3A_2, %mul3A_139 : i32
      %dma_wait3A_141 = tpu.memref_slice %arg4[%add3A_140] : memref<320000xi32, #tpu.memory_space<hbm>> -> memref<96xi32, #tpu.memory_space<hbm>>
      %dma_wait3A_142 = tpu.memref_slice %arg4[%add3A_140] : memref<320000xi32, #tpu.memory_space<hbm>> -> memref<96xi32, #tpu.memory_space<hbm>>
      tpu.wait_dma2 semaphore(%arg30 : memref<!tpu.dma_semaphore, #tpu.memory_space<semaphore_mem>>) src(%dma_wait3A_142 : memref<96xi32, #tpu.memory_space<hbm>>) dst(%arg11 : memref<96xi32, #tpu.memory_space<vmem>>)
      %dma_wait3A_143 = arith.constant 0 : i32
      %dma_wait3A_144 = arith.constant 0 : i32
      %dma_wait3A_145 = tpu.memref_slice %arg2[%dma_wait3A_143, %dma_wait3A_144] : memref<10000x128xf32, #tpu.memory_space<hbm>> -> memref<10000x128xf32, #tpu.memory_space<hbm>>
      tpu.wait_indirect_dma semaphore(%arg22 : memref<!tpu.dma_semaphore, #tpu.memory_space<semaphore_mem>>) src(%dma_wait3A_145 : memref<10000x128xf32, #tpu.memory_space<hbm>>) dst(%arg17 : memref<96x128xf32, #tpu.memory_space<vmem>>)
      %dma_start3A_146 = arith.constant 0 : i32
      %dma_start3A_147 = arith.constant 0 : i32
      %dma_start3A_148 = tpu.memref_slice %arg21[%dma_start3A_146, %dma_start3A_147] : memref<10000x128xf32, #tpu.memory_space<vmem_shared>> -> memref<10000x128xf32, #tpu.memory_space<vmem_shared>>
      tpu.enqueue_indirect_dma source(%arg17 : memref<96x128xf32, #tpu.memory_space<vmem>>) target(%dma_start3A_148 : memref<10000x128xf32, #tpu.memory_space<vmem_shared>>) offsets(%arg11 : memref<96xi32, #tpu.memory_space<vmem>>) semaphore(%arg34 : memref<!tpu.dma_semaphore, #tpu.memory_space<semaphore_mem>>) {add = true}
      %add3A_149 = arith.constant 1 : i32
      %add3A_150 = arith.addi %mul3A_120, %add3A_149 : i32
      %ge3A_151 = arith.constant 2 : i32
      %ge3A_152 = arith.cmpi sge, %add3A_150, %ge3A_151 : i32
      %convert_element_type3A_153 = arith.extui %ge3A_152 : i1 to i32
      %cond3A_154 = arith.constant 0 : i32
      %cond3A_155 = arith.cmpi ne, %convert_element_type3A_153, %cond3A_154 : i32
      scf.if %cond3A_155 {
        %dma_wait3A_245 = arith.constant 0 : i32
        %dma_wait3A_246 = arith.constant 0 : i32
        %dma_wait3A_247 = tpu.memref_slice %arg21[%dma_wait3A_245, %dma_wait3A_246] : memref<10000x128xf32, #tpu.memory_space<vmem_shared>> -> memref<10000x128xf32, #tpu.memory_space<vmem_shared>>
        tpu.wait_indirect_dma semaphore(%arg37 : memref<!tpu.dma_semaphore, #tpu.memory_space<semaphore_mem>>) src(%arg20 : memref<96x128xf32, #tpu.memory_space<vmem>>) dst(%dma_wait3A_247 : memref<10000x128xf32, #tpu.memory_space<vmem_shared>>)
      } else {
      }
      %add3A_156 = arith.constant 2 : i32
      %add3A_157 = arith.addi %add3A_150, %add3A_156 : i32
      %lt3A_158 = arith.constant 104 : i32
      %lt3A_159 = arith.cmpi slt, %add3A_157, %lt3A_158 : i32
      %convert_element_type3A_160 = arith.extui %lt3A_159 : i1 to i32
      %cond3A_161 = arith.constant 0 : i32
      %cond3A_162 = arith.cmpi ne, %convert_element_type3A_160, %cond3A_161 : i32
      scf.if %cond3A_162 {
        %add3A_245 = arith.constant 2 : i32
        %add3A_246 = arith.addi %add3A_150, %add3A_245 : i32
        %mul3A_247 = arith.constant 96 : i32
        %mul3A_248 = arith.muli %add3A_246, %mul3A_247 : i32
        %add3A_249 = arith.addi %mul3A_2, %mul3A_248 : i32
        %dma_start3A_250 = tpu.memref_slice %arg4[%add3A_249] : memref<320000xi32, #tpu.memory_space<hbm>> -> memref<96xi32, #tpu.memory_space<hbm>>
        %dma_start3A_251 = tpu.memref_slice %arg4[%add3A_249] : memref<320000xi32, #tpu.memory_space<hbm>> -> memref<96xi32, #tpu.memory_space<hbm>>
        tpu.enqueue_dma source(%dma_start3A_251 : memref<96xi32, #tpu.memory_space<hbm>>) target(%arg14 : memref<96xi32, #tpu.memory_space<vmem>>) target_semaphore(%arg33 : memref<!tpu.dma_semaphore, #tpu.memory_space<semaphore_mem>>)
        %add3A_252 = arith.constant 2 : i32
        %add3A_253 = arith.addi %add3A_150, %add3A_252 : i32
        %mul3A_254 = arith.constant 96 : i32
        %mul3A_255 = arith.muli %add3A_253, %mul3A_254 : i32
        %add3A_256 = arith.addi %mul3A_2, %mul3A_255 : i32
        %dma_wait3A_257 = tpu.memref_slice %arg3[%add3A_256] : memref<320000xi32, #tpu.memory_space<hbm>> -> memref<96xi32, #tpu.memory_space<hbm>>
        %dma_wait3A_258 = tpu.memref_slice %arg3[%add3A_256] : memref<320000xi32, #tpu.memory_space<hbm>> -> memref<96xi32, #tpu.memory_space<hbm>>
        tpu.wait_dma2 semaphore(%arg29 : memref<!tpu.dma_semaphore, #tpu.memory_space<semaphore_mem>>) src(%dma_wait3A_258 : memref<96xi32, #tpu.memory_space<hbm>>) dst(%arg10 : memref<96xi32, #tpu.memory_space<vmem>>)
        %dma_start3A_259 = arith.constant 0 : i32
        %dma_start3A_260 = arith.constant 0 : i32
        %dma_start3A_261 = tpu.memref_slice %arg2[%dma_start3A_259, %dma_start3A_260] : memref<10000x128xf32, #tpu.memory_space<hbm>> -> memref<10000x128xf32, #tpu.memory_space<hbm>>
        tpu.enqueue_indirect_dma source(%dma_start3A_261 : memref<10000x128xf32, #tpu.memory_space<hbm>>) target(%arg20 : memref<96x128xf32, #tpu.memory_space<vmem>>) offsets(%arg10 : memref<96xi32, #tpu.memory_space<vmem>>) semaphore(%arg25 : memref<!tpu.dma_semaphore, #tpu.memory_space<semaphore_mem>>)
      } else {
      }
      %add3A_163 = arith.constant 3 : i32
      %add3A_164 = arith.addi %add3A_150, %add3A_163 : i32
      %lt3A_165 = arith.constant 104 : i32
      %lt3A_166 = arith.cmpi slt, %add3A_164, %lt3A_165 : i32
      %convert_element_type3A_167 = arith.extui %lt3A_166 : i1 to i32
      %cond3A_168 = arith.constant 0 : i32
      %cond3A_169 = arith.cmpi ne, %convert_element_type3A_167, %cond3A_168 : i32
      scf.if %cond3A_169 {
        %add3A_245 = arith.constant 3 : i32
        %add3A_246 = arith.addi %add3A_150, %add3A_245 : i32
        %mul3A_247 = arith.constant 96 : i32
        %mul3A_248 = arith.muli %add3A_246, %mul3A_247 : i32
        %add3A_249 = arith.addi %mul3A_2, %mul3A_248 : i32
        %dma_start3A_250 = tpu.memref_slice %arg3[%add3A_249] : memref<320000xi32, #tpu.memory_space<hbm>> -> memref<96xi32, #tpu.memory_space<hbm>>
        %dma_start3A_251 = tpu.memref_slice %arg3[%add3A_249] : memref<320000xi32, #tpu.memory_space<hbm>> -> memref<96xi32, #tpu.memory_space<hbm>>
        tpu.enqueue_dma source(%dma_start3A_251 : memref<96xi32, #tpu.memory_space<hbm>>) target(%arg7 : memref<96xi32, #tpu.memory_space<vmem>>) target_semaphore(%arg26 : memref<!tpu.dma_semaphore, #tpu.memory_space<semaphore_mem>>)
      } else {
      }
      %mul3A_170 = arith.constant 96 : i32
      %mul3A_171 = arith.muli %add3A_150, %mul3A_170 : i32
      %add3A_172 = arith.addi %mul3A_2, %mul3A_171 : i32
      %dma_wait3A_173 = tpu.memref_slice %arg4[%add3A_172] : memref<320000xi32, #tpu.memory_space<hbm>> -> memref<96xi32, #tpu.memory_space<hbm>>
      %dma_wait3A_174 = tpu.memref_slice %arg4[%add3A_172] : memref<320000xi32, #tpu.memory_space<hbm>> -> memref<96xi32, #tpu.memory_space<hbm>>
      tpu.wait_dma2 semaphore(%arg31 : memref<!tpu.dma_semaphore, #tpu.memory_space<semaphore_mem>>) src(%dma_wait3A_174 : memref<96xi32, #tpu.memory_space<hbm>>) dst(%arg12 : memref<96xi32, #tpu.memory_space<vmem>>)
      %dma_wait3A_175 = arith.constant 0 : i32
      %dma_wait3A_176 = arith.constant 0 : i32
      %dma_wait3A_177 = tpu.memref_slice %arg2[%dma_wait3A_175, %dma_wait3A_176] : memref<10000x128xf32, #tpu.memory_space<hbm>> -> memref<10000x128xf32, #tpu.memory_space<hbm>>
      tpu.wait_indirect_dma semaphore(%arg23 : memref<!tpu.dma_semaphore, #tpu.memory_space<semaphore_mem>>) src(%dma_wait3A_177 : memref<10000x128xf32, #tpu.memory_space<hbm>>) dst(%arg18 : memref<96x128xf32, #tpu.memory_space<vmem>>)
      %dma_start3A_178 = arith.constant 0 : i32
      %dma_start3A_179 = arith.constant 0 : i32
      %dma_start3A_180 = tpu.memref_slice %arg21[%dma_start3A_178, %dma_start3A_179] : memref<10000x128xf32, #tpu.memory_space<vmem_shared>> -> memref<10000x128xf32, #tpu.memory_space<vmem_shared>>
      tpu.enqueue_indirect_dma source(%arg18 : memref<96x128xf32, #tpu.memory_space<vmem>>) target(%dma_start3A_180 : memref<10000x128xf32, #tpu.memory_space<vmem_shared>>) offsets(%arg12 : memref<96xi32, #tpu.memory_space<vmem>>) semaphore(%arg35 : memref<!tpu.dma_semaphore, #tpu.memory_space<semaphore_mem>>) {add = true}
      %add3A_181 = arith.constant 2 : i32
      %add3A_182 = arith.addi %mul3A_120, %add3A_181 : i32
      %ge3A_183 = arith.constant 2 : i32
      %ge3A_184 = arith.cmpi sge, %add3A_182, %ge3A_183 : i32
      %convert_element_type3A_185 = arith.extui %ge3A_184 : i1 to i32
      %cond3A_186 = arith.constant 0 : i32
      %cond3A_187 = arith.cmpi ne, %convert_element_type3A_185, %cond3A_186 : i32
      scf.if %cond3A_187 {
        %dma_wait3A_245 = arith.constant 0 : i32
        %dma_wait3A_246 = arith.constant 0 : i32
        %dma_wait3A_247 = tpu.memref_slice %arg21[%dma_wait3A_245, %dma_wait3A_246] : memref<10000x128xf32, #tpu.memory_space<vmem_shared>> -> memref<10000x128xf32, #tpu.memory_space<vmem_shared>>
        tpu.wait_indirect_dma semaphore(%arg34 : memref<!tpu.dma_semaphore, #tpu.memory_space<semaphore_mem>>) src(%arg17 : memref<96x128xf32, #tpu.memory_space<vmem>>) dst(%dma_wait3A_247 : memref<10000x128xf32, #tpu.memory_space<vmem_shared>>)
      } else {
      }
      %add3A_188 = arith.constant 2 : i32
      %add3A_189 = arith.addi %add3A_182, %add3A_188 : i32
      %lt3A_190 = arith.constant 104 : i32
      %lt3A_191 = arith.cmpi slt, %add3A_189, %lt3A_190 : i32
      %convert_element_type3A_192 = arith.extui %lt3A_191 : i1 to i32
      %cond3A_193 = arith.constant 0 : i32
      %cond3A_194 = arith.cmpi ne, %convert_element_type3A_192, %cond3A_193 : i32
      scf.if %cond3A_194 {
        %add3A_245 = arith.constant 2 : i32
        %add3A_246 = arith.addi %add3A_182, %add3A_245 : i32
        %mul3A_247 = arith.constant 96 : i32
        %mul3A_248 = arith.muli %add3A_246, %mul3A_247 : i32
        %add3A_249 = arith.addi %mul3A_2, %mul3A_248 : i32
        %dma_start3A_250 = tpu.memref_slice %arg4[%add3A_249] : memref<320000xi32, #tpu.memory_space<hbm>> -> memref<96xi32, #tpu.memory_space<hbm>>
        %dma_start3A_251 = tpu.memref_slice %arg4[%add3A_249] : memref<320000xi32, #tpu.memory_space<hbm>> -> memref<96xi32, #tpu.memory_space<hbm>>
        tpu.enqueue_dma source(%dma_start3A_251 : memref<96xi32, #tpu.memory_space<hbm>>) target(%arg11 : memref<96xi32, #tpu.memory_space<vmem>>) target_semaphore(%arg30 : memref<!tpu.dma_semaphore, #tpu.memory_space<semaphore_mem>>)
        %add3A_252 = arith.constant 2 : i32
        %add3A_253 = arith.addi %add3A_182, %add3A_252 : i32
        %mul3A_254 = arith.constant 96 : i32
        %mul3A_255 = arith.muli %add3A_253, %mul3A_254 : i32
        %add3A_256 = arith.addi %mul3A_2, %mul3A_255 : i32
        %dma_wait3A_257 = tpu.memref_slice %arg3[%add3A_256] : memref<320000xi32, #tpu.memory_space<hbm>> -> memref<96xi32, #tpu.memory_space<hbm>>
        %dma_wait3A_258 = tpu.memref_slice %arg3[%add3A_256] : memref<320000xi32, #tpu.memory_space<hbm>> -> memref<96xi32, #tpu.memory_space<hbm>>
        tpu.wait_dma2 semaphore(%arg26 : memref<!tpu.dma_semaphore, #tpu.memory_space<semaphore_mem>>) src(%dma_wait3A_258 : memref<96xi32, #tpu.memory_space<hbm>>) dst(%arg7 : memref<96xi32, #tpu.memory_space<vmem>>)
        %dma_start3A_259 = arith.constant 0 : i32
        %dma_start3A_260 = arith.constant 0 : i32
        %dma_start3A_261 = tpu.memref_slice %arg2[%dma_start3A_259, %dma_start3A_260] : memref<10000x128xf32, #tpu.memory_space<hbm>> -> memref<10000x128xf32, #tpu.memory_space<hbm>>
        tpu.enqueue_indirect_dma source(%dma_start3A_261 : memref<10000x128xf32, #tpu.memory_space<hbm>>) target(%arg17 : memref<96x128xf32, #tpu.memory_space<vmem>>) offsets(%arg7 : memref<96xi32, #tpu.memory_space<vmem>>) semaphore(%arg22 : memref<!tpu.dma_semaphore, #tpu.memory_space<semaphore_mem>>)
      } else {
      }
      %add3A_195 = arith.constant 3 : i32
      %add3A_196 = arith.addi %add3A_182, %add3A_195 : i32
      %lt3A_197 = arith.constant 104 : i32
      %lt3A_198 = arith.cmpi slt, %add3A_196, %lt3A_197 : i32
      %convert_element_type3A_199 = arith.extui %lt3A_198 : i1 to i32
      %cond3A_200 = arith.constant 0 : i32
      %cond3A_201 = arith.cmpi ne, %convert_element_type3A_199, %cond3A_200 : i32
      scf.if %cond3A_201 {
        %add3A_245 = arith.constant 3 : i32
        %add3A_246 = arith.addi %add3A_182, %add3A_245 : i32
        %mul3A_247 = arith.constant 96 : i32
        %mul3A_248 = arith.muli %add3A_246, %mul3A_247 : i32
        %add3A_249 = arith.addi %mul3A_2, %mul3A_248 : i32
        %dma_start3A_250 = tpu.memref_slice %arg3[%add3A_249] : memref<320000xi32, #tpu.memory_space<hbm>> -> memref<96xi32, #tpu.memory_space<hbm>>
        %dma_start3A_251 = tpu.memref_slice %arg3[%add3A_249] : memref<320000xi32, #tpu.memory_space<hbm>> -> memref<96xi32, #tpu.memory_space<hbm>>
        tpu.enqueue_dma source(%dma_start3A_251 : memref<96xi32, #tpu.memory_space<hbm>>) target(%arg8 : memref<96xi32, #tpu.memory_space<vmem>>) target_semaphore(%arg27 : memref<!tpu.dma_semaphore, #tpu.memory_space<semaphore_mem>>)
      } else {
      }
      %mul3A_202 = arith.constant 96 : i32
      %mul3A_203 = arith.muli %add3A_182, %mul3A_202 : i32
      %add3A_204 = arith.addi %mul3A_2, %mul3A_203 : i32
      %dma_wait3A_205 = tpu.memref_slice %arg4[%add3A_204] : memref<320000xi32, #tpu.memory_space<hbm>> -> memref<96xi32, #tpu.memory_space<hbm>>
      %dma_wait3A_206 = tpu.memref_slice %arg4[%add3A_204] : memref<320000xi32, #tpu.memory_space<hbm>> -> memref<96xi32, #tpu.memory_space<hbm>>
      tpu.wait_dma2 semaphore(%arg32 : memref<!tpu.dma_semaphore, #tpu.memory_space<semaphore_mem>>) src(%dma_wait3A_206 : memref<96xi32, #tpu.memory_space<hbm>>) dst(%arg13 : memref<96xi32, #tpu.memory_space<vmem>>)
      %dma_wait3A_207 = arith.constant 0 : i32
      %dma_wait3A_208 = arith.constant 0 : i32
      %dma_wait3A_209 = tpu.memref_slice %arg2[%dma_wait3A_207, %dma_wait3A_208] : memref<10000x128xf32, #tpu.memory_space<hbm>> -> memref<10000x128xf32, #tpu.memory_space<hbm>>
      tpu.wait_indirect_dma semaphore(%arg24 : memref<!tpu.dma_semaphore, #tpu.memory_space<semaphore_mem>>) src(%dma_wait3A_209 : memref<10000x128xf32, #tpu.memory_space<hbm>>) dst(%arg19 : memref<96x128xf32, #tpu.memory_space<vmem>>)
      %dma_start3A_210 = arith.constant 0 : i32
      %dma_start3A_211 = arith.constant 0 : i32
      %dma_start3A_212 = tpu.memref_slice %arg21[%dma_start3A_210, %dma_start3A_211] : memref<10000x128xf32, #tpu.memory_space<vmem_shared>> -> memref<10000x128xf32, #tpu.memory_space<vmem_shared>>
      tpu.enqueue_indirect_dma source(%arg19 : memref<96x128xf32, #tpu.memory_space<vmem>>) target(%dma_start3A_212 : memref<10000x128xf32, #tpu.memory_space<vmem_shared>>) offsets(%arg13 : memref<96xi32, #tpu.memory_space<vmem>>) semaphore(%arg36 : memref<!tpu.dma_semaphore, #tpu.memory_space<semaphore_mem>>) {add = true}
      %add3A_213 = arith.constant 3 : i32
      %add3A_214 = arith.addi %mul3A_120, %add3A_213 : i32
      %ge3A_215 = arith.constant 2 : i32
      %ge3A_216 = arith.cmpi sge, %add3A_214, %ge3A_215 : i32
      %convert_element_type3A_217 = arith.extui %ge3A_216 : i1 to i32
      %cond3A_218 = arith.constant 0 : i32
      %cond3A_219 = arith.cmpi ne, %convert_element_type3A_217, %cond3A_218 : i32
      scf.if %cond3A_219 {
        %dma_wait3A_245 = arith.constant 0 : i32
        %dma_wait3A_246 = arith.constant 0 : i32
        %dma_wait3A_247 = tpu.memref_slice %arg21[%dma_wait3A_245, %dma_wait3A_246] : memref<10000x128xf32, #tpu.memory_space<vmem_shared>> -> memref<10000x128xf32, #tpu.memory_space<vmem_shared>>
        tpu.wait_indirect_dma semaphore(%arg35 : memref<!tpu.dma_semaphore, #tpu.memory_space<semaphore_mem>>) src(%arg18 : memref<96x128xf32, #tpu.memory_space<vmem>>) dst(%dma_wait3A_247 : memref<10000x128xf32, #tpu.memory_space<vmem_shared>>)
      } else {
      }
      %add3A_220 = arith.constant 2 : i32
      %add3A_221 = arith.addi %add3A_214, %add3A_220 : i32
      %lt3A_222 = arith.constant 104 : i32
      %lt3A_223 = arith.cmpi slt, %add3A_221, %lt3A_222 : i32
      %convert_element_type3A_224 = arith.extui %lt3A_223 : i1 to i32
      %cond3A_225 = arith.constant 0 : i32
      %cond3A_226 = arith.cmpi ne, %convert_element_type3A_224, %cond3A_225 : i32
      scf.if %cond3A_226 {
        %add3A_245 = arith.constant 2 : i32
        %add3A_246 = arith.addi %add3A_214, %add3A_245 : i32
        %mul3A_247 = arith.constant 96 : i32
        %mul3A_248 = arith.muli %add3A_246, %mul3A_247 : i32
        %add3A_249 = arith.addi %mul3A_2, %mul3A_248 : i32
        %dma_start3A_250 = tpu.memref_slice %arg4[%add3A_249] : memref<320000xi32, #tpu.memory_space<hbm>> -> memref<96xi32, #tpu.memory_space<hbm>>
        %dma_start3A_251 = tpu.memref_slice %arg4[%add3A_249] : memref<320000xi32, #tpu.memory_space<hbm>> -> memref<96xi32, #tpu.memory_space<hbm>>
        tpu.enqueue_dma source(%dma_start3A_251 : memref<96xi32, #tpu.memory_space<hbm>>) target(%arg12 : memref<96xi32, #tpu.memory_space<vmem>>) target_semaphore(%arg31 : memref<!tpu.dma_semaphore, #tpu.memory_space<semaphore_mem>>)
        %add3A_252 = arith.constant 2 : i32
        %add3A_253 = arith.addi %add3A_214, %add3A_252 : i32
        %mul3A_254 = arith.constant 96 : i32
        %mul3A_255 = arith.muli %add3A_253, %mul3A_254 : i32
        %add3A_256 = arith.addi %mul3A_2, %mul3A_255 : i32
        %dma_wait3A_257 = tpu.memref_slice %arg3[%add3A_256] : memref<320000xi32, #tpu.memory_space<hbm>> -> memref<96xi32, #tpu.memory_space<hbm>>
        %dma_wait3A_258 = tpu.memref_slice %arg3[%add3A_256] : memref<320000xi32, #tpu.memory_space<hbm>> -> memref<96xi32, #tpu.memory_space<hbm>>
        tpu.wait_dma2 semaphore(%arg27 : memref<!tpu.dma_semaphore, #tpu.memory_space<semaphore_mem>>) src(%dma_wait3A_258 : memref<96xi32, #tpu.memory_space<hbm>>) dst(%arg8 : memref<96xi32, #tpu.memory_space<vmem>>)
        %dma_start3A_259 = arith.constant 0 : i32
        %dma_start3A_260 = arith.constant 0 : i32
        %dma_start3A_261 = tpu.memref_slice %arg2[%dma_start3A_259, %dma_start3A_260] : memref<10000x128xf32, #tpu.memory_space<hbm>> -> memref<10000x128xf32, #tpu.memory_space<hbm>>
        tpu.enqueue_indirect_dma source(%dma_start3A_261 : memref<10000x128xf32, #tpu.memory_space<hbm>>) target(%arg18 : memref<96x128xf32, #tpu.memory_space<vmem>>) offsets(%arg8 : memref<96xi32, #tpu.memory_space<vmem>>) semaphore(%arg23 : memref<!tpu.dma_semaphore, #tpu.memory_space<semaphore_mem>>)
      } else {
      }
      %add3A_227 = arith.constant 3 : i32
      %add3A_228 = arith.addi %add3A_214, %add3A_227 : i32
      %lt3A_229 = arith.constant 104 : i32
      %lt3A_230 = arith.cmpi slt, %add3A_228, %lt3A_229 : i32
      %convert_element_type3A_231 = arith.extui %lt3A_230 : i1 to i32
      %cond3A_232 = arith.constant 0 : i32
      %cond3A_233 = arith.cmpi ne, %convert_element_type3A_231, %cond3A_232 : i32
      scf.if %cond3A_233 {
        %add3A_245 = arith.constant 3 : i32
        %add3A_246 = arith.addi %add3A_214, %add3A_245 : i32
        %mul3A_247 = arith.constant 96 : i32
        %mul3A_248 = arith.muli %add3A_246, %mul3A_247 : i32
        %add3A_249 = arith.addi %mul3A_2, %mul3A_248 : i32
        %dma_start3A_250 = tpu.memref_slice %arg3[%add3A_249] : memref<320000xi32, #tpu.memory_space<hbm>> -> memref<96xi32, #tpu.memory_space<hbm>>
        %dma_start3A_251 = tpu.memref_slice %arg3[%add3A_249] : memref<320000xi32, #tpu.memory_space<hbm>> -> memref<96xi32, #tpu.memory_space<hbm>>
        tpu.enqueue_dma source(%dma_start3A_251 : memref<96xi32, #tpu.memory_space<hbm>>) target(%arg9 : memref<96xi32, #tpu.memory_space<vmem>>) target_semaphore(%arg28 : memref<!tpu.dma_semaphore, #tpu.memory_space<semaphore_mem>>)
      } else {
      }
      %mul3A_234 = arith.constant 96 : i32
      %mul3A_235 = arith.muli %add3A_214, %mul3A_234 : i32
      %add3A_236 = arith.addi %mul3A_2, %mul3A_235 : i32
      %dma_wait3A_237 = tpu.memref_slice %arg4[%add3A_236] : memref<320000xi32, #tpu.memory_space<hbm>> -> memref<96xi32, #tpu.memory_space<hbm>>
      %dma_wait3A_238 = tpu.memref_slice %arg4[%add3A_236] : memref<320000xi32, #tpu.memory_space<hbm>> -> memref<96xi32, #tpu.memory_space<hbm>>
      tpu.wait_dma2 semaphore(%arg33 : memref<!tpu.dma_semaphore, #tpu.memory_space<semaphore_mem>>) src(%dma_wait3A_238 : memref<96xi32, #tpu.memory_space<hbm>>) dst(%arg14 : memref<96xi32, #tpu.memory_space<vmem>>)
      %dma_wait3A_239 = arith.constant 0 : i32
      %dma_wait3A_240 = arith.constant 0 : i32
      %dma_wait3A_241 = tpu.memref_slice %arg2[%dma_wait3A_239, %dma_wait3A_240] : memref<10000x128xf32, #tpu.memory_space<hbm>> -> memref<10000x128xf32, #tpu.memory_space<hbm>>
      tpu.wait_indirect_dma semaphore(%arg25 : memref<!tpu.dma_semaphore, #tpu.memory_space<semaphore_mem>>) src(%dma_wait3A_241 : memref<10000x128xf32, #tpu.memory_space<hbm>>) dst(%arg20 : memref<96x128xf32, #tpu.memory_space<vmem>>)
      %dma_start3A_242 = arith.constant 0 : i32
      %dma_start3A_243 = arith.constant 0 : i32
      %dma_start3A_244 = tpu.memref_slice %arg21[%dma_start3A_242, %dma_start3A_243] : memref<10000x128xf32, #tpu.memory_space<vmem_shared>> -> memref<10000x128xf32, #tpu.memory_space<vmem_shared>>
      tpu.enqueue_indirect_dma source(%arg20 : memref<96x128xf32, #tpu.memory_space<vmem>>) target(%dma_start3A_244 : memref<10000x128xf32, #tpu.memory_space<vmem_shared>>) offsets(%arg14 : memref<96xi32, #tpu.memory_space<vmem>>) semaphore(%arg37 : memref<!tpu.dma_semaphore, #tpu.memory_space<semaphore_mem>>) {add = true}
    }
    %scan3A_89 = arith.constant 26 : i32
    %dma_wait3A_90 = arith.constant 0 : i32
    %dma_wait3A_91 = arith.constant 0 : i32
    %dma_wait3A_92 = tpu.memref_slice %arg21[%dma_wait3A_90, %dma_wait3A_91] : memref<10000x128xf32, #tpu.memory_space<vmem_shared>> -> memref<10000x128xf32, #tpu.memory_space<vmem_shared>>
    tpu.wait_indirect_dma semaphore(%arg36 : memref<!tpu.dma_semaphore, #tpu.memory_space<semaphore_mem>>) src(%arg19 : memref<96x128xf32, #tpu.memory_space<vmem>>) dst(%dma_wait3A_92 : memref<10000x128xf32, #tpu.memory_space<vmem_shared>>)
    %dma_wait3A_93 = arith.constant 0 : i32
    %dma_wait3A_94 = arith.constant 0 : i32
    %dma_wait3A_95 = tpu.memref_slice %arg21[%dma_wait3A_93, %dma_wait3A_94] : memref<10000x128xf32, #tpu.memory_space<vmem_shared>> -> memref<10000x128xf32, #tpu.memory_space<vmem_shared>>
    tpu.wait_indirect_dma semaphore(%arg37 : memref<!tpu.dma_semaphore, #tpu.memory_space<semaphore_mem>>) src(%arg20 : memref<96x128xf32, #tpu.memory_space<vmem>>) dst(%dma_wait3A_95 : memref<10000x128xf32, #tpu.memory_space<vmem_shared>>)
    %add3A_96 = arith.constant 9984 : i32
    %add3A_97 = arith.addi %mul3A_2, %add3A_96 : i32
    "tpu.region"() ({
      %run_scoped3A = tpu.sem_alloc : memref<!tpu.dma_semaphore, #tpu.memory_space<semaphore_mem>>
      %dma_start3A_118 = tpu.memref_slice %arg3[%add3A_97] : memref<320000xi32, #tpu.memory_space<hbm>> -> memref<16xi32, #tpu.memory_space<hbm>>
      %dma_start3A_119 = tpu.memref_slice %arg3[%add3A_97] : memref<320000xi32, #tpu.memory_space<hbm>> -> memref<16xi32, #tpu.memory_space<hbm>>
      tpu.enqueue_dma source(%dma_start3A_119 : memref<16xi32, #tpu.memory_space<hbm>>) target(%arg15 : memref<16xi32, #tpu.memory_space<vmem>>) target_semaphore(%run_scoped3A : memref<!tpu.dma_semaphore, #tpu.memory_space<semaphore_mem>>)
      %dma_wait3A_120 = tpu.memref_slice %arg3[%add3A_97] : memref<320000xi32, #tpu.memory_space<hbm>> -> memref<16xi32, #tpu.memory_space<hbm>>
      %dma_wait3A_121 = tpu.memref_slice %arg3[%add3A_97] : memref<320000xi32, #tpu.memory_space<hbm>> -> memref<16xi32, #tpu.memory_space<hbm>>
      tpu.wait_dma2 semaphore(%run_scoped3A : memref<!tpu.dma_semaphore, #tpu.memory_space<semaphore_mem>>) src(%dma_wait3A_121 : memref<16xi32, #tpu.memory_space<hbm>>) dst(%arg15 : memref<16xi32, #tpu.memory_space<vmem>>)
      tpu.yield
    }) : () -> ()
    %add3A_98 = arith.constant 9984 : i32
    %add3A_99 = arith.addi %mul3A_2, %add3A_98 : i32
    "tpu.region"() ({
      %run_scoped3A = tpu.sem_alloc : memref<!tpu.dma_semaphore, #tpu.memory_space<semaphore_mem>>
      %dma_start3A_118 = tpu.memref_slice %arg4[%add3A_99] : memref<320000xi32, #tpu.memory_space<hbm>> -> memref<16xi32, #tpu.memory_space<hbm>>
      %dma_start3A_119 = tpu.memref_slice %arg4[%add3A_99] : memref<320000xi32, #tpu.memory_space<hbm>> -> memref<16xi32, #tpu.memory_space<hbm>>
      tpu.enqueue_dma source(%dma_start3A_119 : memref<16xi32, #tpu.memory_space<hbm>>) target(%arg16 : memref<16xi32, #tpu.memory_space<vmem>>) target_semaphore(%run_scoped3A : memref<!tpu.dma_semaphore, #tpu.memory_space<semaphore_mem>>)
      %dma_wait3A_120 = tpu.memref_slice %arg4[%add3A_99] : memref<320000xi32, #tpu.memory_space<hbm>> -> memref<16xi32, #tpu.memory_space<hbm>>
      %dma_wait3A_121 = tpu.memref_slice %arg4[%add3A_99] : memref<320000xi32, #tpu.memory_space<hbm>> -> memref<16xi32, #tpu.memory_space<hbm>>
      tpu.wait_dma2 semaphore(%run_scoped3A : memref<!tpu.dma_semaphore, #tpu.memory_space<semaphore_mem>>) src(%dma_wait3A_121 : memref<16xi32, #tpu.memory_space<hbm>>) dst(%arg16 : memref<16xi32, #tpu.memory_space<vmem>>)
      tpu.yield
    }) : () -> ()
    %dma_start3A_100 = arith.constant 0 : i32
    %dma_start3A_101 = arith.constant 0 : i32
    %dma_start3A_102 = tpu.memref_slice %arg17[%dma_start3A_100, %dma_start3A_101] : memref<96x128xf32, #tpu.memory_space<vmem>> -> memref<16x128xf32, #tpu.memory_space<vmem>>
    %dma_start3A_103 = arith.constant 0 : i32
    %dma_start3A_104 = arith.constant 0 : i32
    %dma_start3A_105 = tpu.memref_slice %arg2[%dma_start3A_103, %dma_start3A_104] : memref<10000x128xf32, #tpu.memory_space<hbm>> -> memref<10000x128xf32, #tpu.memory_space<hbm>>
    tpu.enqueue_indirect_dma source(%dma_start3A_105 : memref<10000x128xf32, #tpu.memory_space<hbm>>) target(%dma_start3A_102 : memref<16x128xf32, #tpu.memory_space<vmem>>) offsets(%arg15 : memref<16xi32, #tpu.memory_space<vmem>>) semaphore(%arg22 : memref<!tpu.dma_semaphore, #tpu.memory_space<semaphore_mem>>)
    %dma_wait3A_106 = arith.constant 0 : i32
    %dma_wait3A_107 = arith.constant 0 : i32
    %dma_wait3A_108 = tpu.memref_slice %arg17[%dma_wait3A_106, %dma_wait3A_107] : memref<96x128xf32, #tpu.memory_space<vmem>> -> memref<16x128xf32, #tpu.memory_space<vmem>>
    %dma_wait3A_109 = arith.constant 0 : i32
    %dma_wait3A_110 = arith.constant 0 : i32
    %dma_wait3A_111 = tpu.memref_slice %arg2[%dma_wait3A_109, %dma_wait3A_110] : memref<10000x128xf32, #tpu.memory_space<hbm>> -> memref<10000x128xf32, #tpu.memory_space<hbm>>
    tpu.wait_indirect_dma semaphore(%arg22 : memref<!tpu.dma_semaphore, #tpu.memory_space<semaphore_mem>>) src(%dma_wait3A_111 : memref<10000x128xf32, #tpu.memory_space<hbm>>) dst(%dma_wait3A_108 : memref<16x128xf32, #tpu.memory_space<vmem>>)
    "tpu.region"() ({
      %run_scoped3A = tpu.sem_alloc : memref<!tpu.dma_semaphore, #tpu.memory_space<semaphore_mem>>
      %dma_start3A_118 = arith.constant 0 : i32
      %dma_start3A_119 = arith.constant 0 : i32
      %dma_start3A_120 = tpu.memref_slice %arg17[%dma_start3A_118, %dma_start3A_119] : memref<96x128xf32, #tpu.memory_space<vmem>> -> memref<16x128xf32, #tpu.memory_space<vmem>>
      %dma_start3A_121 = arith.constant 0 : i32
      %dma_start3A_122 = arith.constant 0 : i32
      %dma_start3A_123 = tpu.memref_slice %arg21[%dma_start3A_121, %dma_start3A_122] : memref<10000x128xf32, #tpu.memory_space<vmem_shared>> -> memref<10000x128xf32, #tpu.memory_space<vmem_shared>>
      tpu.enqueue_indirect_dma source(%dma_start3A_120 : memref<16x128xf32, #tpu.memory_space<vmem>>) target(%dma_start3A_123 : memref<10000x128xf32, #tpu.memory_space<vmem_shared>>) offsets(%arg16 : memref<16xi32, #tpu.memory_space<vmem>>) semaphore(%run_scoped3A : memref<!tpu.dma_semaphore, #tpu.memory_space<semaphore_mem>>) {add = true}
      %dma_wait3A_124 = arith.constant 0 : i32
      %dma_wait3A_125 = arith.constant 0 : i32
      %dma_wait3A_126 = tpu.memref_slice %arg17[%dma_wait3A_124, %dma_wait3A_125] : memref<96x128xf32, #tpu.memory_space<vmem>> -> memref<16x128xf32, #tpu.memory_space<vmem>>
      %dma_wait3A_127 = arith.constant 0 : i32
      %dma_wait3A_128 = arith.constant 0 : i32
      %dma_wait3A_129 = tpu.memref_slice %arg21[%dma_wait3A_127, %dma_wait3A_128] : memref<10000x128xf32, #tpu.memory_space<vmem_shared>> -> memref<10000x128xf32, #tpu.memory_space<vmem_shared>>
      tpu.wait_indirect_dma semaphore(%run_scoped3A : memref<!tpu.dma_semaphore, #tpu.memory_space<semaphore_mem>>) src(%dma_wait3A_126 : memref<16x128xf32, #tpu.memory_space<vmem>>) dst(%dma_wait3A_129 : memref<10000x128xf32, #tpu.memory_space<vmem_shared>>)
      tpu.yield
    }) : () -> ()
    %barrier3A_112 = arith.constant 0 : index
    tpu.barrier barrier_id(%barrier3A_112)
    "tpu.region"() ({
      %run_scoped3A = tpu.sem_alloc : memref<!tpu.dma_semaphore, #tpu.memory_space<semaphore_mem>>
      %dma_start3A_118 = arith.constant 0 : i32
      %dma_start3A_119 = tpu.memref_slice %arg6[%arg0, %mul3A_4, %dma_start3A_118] : memref<2x10000x128xf32, #tpu.memory_space<hbm>> -> memref<1x624x128xf32, #tpu.memory_space<hbm>>
      %dma_start3A_120 = tpu.memref_squeeze %dma_start3A_119 : memref<1x624x128xf32, #tpu.memory_space<hbm>> -> memref<624x128xf32, #tpu.memory_space<hbm>>
      %dma_start3A_121 = arith.constant 0 : i32
      %dma_start3A_122 = tpu.memref_slice %arg21[%mul3A_4, %dma_start3A_121] : memref<10000x128xf32, #tpu.memory_space<vmem_shared>> -> memref<624x128xf32, #tpu.memory_space<vmem_shared>>
      tpu.enqueue_dma source(%dma_start3A_122 : memref<624x128xf32, #tpu.memory_space<vmem_shared>>) target(%dma_start3A_120 : memref<624x128xf32, #tpu.memory_space<hbm>>) target_semaphore(%run_scoped3A : memref<!tpu.dma_semaphore, #tpu.memory_space<semaphore_mem>>)
      %dma_wait3A_123 = arith.constant 0 : i32
      %dma_wait3A_124 = tpu.memref_slice %arg6[%arg0, %mul3A_4, %dma_wait3A_123] : memref<2x10000x128xf32, #tpu.memory_space<hbm>> -> memref<1x624x128xf32, #tpu.memory_space<hbm>>
      %dma_wait3A_125 = tpu.memref_squeeze %dma_wait3A_124 : memref<1x624x128xf32, #tpu.memory_space<hbm>> -> memref<624x128xf32, #tpu.memory_space<hbm>>
      %dma_wait3A_126 = arith.constant 0 : i32
      %dma_wait3A_127 = tpu.memref_slice %arg21[%mul3A_4, %dma_wait3A_126] : memref<10000x128xf32, #tpu.memory_space<vmem_shared>> -> memref<624x128xf32, #tpu.memory_space<vmem_shared>>
      tpu.wait_dma2 semaphore(%run_scoped3A : memref<!tpu.dma_semaphore, #tpu.memory_space<semaphore_mem>>) src(%dma_wait3A_127 : memref<624x128xf32, #tpu.memory_space<vmem_shared>>) dst(%dma_wait3A_125 : memref<624x128xf32, #tpu.memory_space<hbm>>)
      tpu.yield
    }) : () -> ()
    %eq3A_113 = arith.constant 0 : i32
    %eq3A_114 = arith.cmpi eq, %arg1, %eq3A_113 : i32
    %convert_element_type3A_115 = arith.extui %eq3A_114 : i1 to i32
    %cond3A_116 = arith.constant 0 : i32
    %cond3A_117 = arith.cmpi ne, %convert_element_type3A_115, %cond3A_116 : i32
    scf.if %cond3A_117 {
      "tpu.region"() ({
        %run_scoped3A = tpu.sem_alloc : memref<!tpu.dma_semaphore, #tpu.memory_space<semaphore_mem>>
        %dma_start3A_118 = arith.constant 9984 : i32
        %dma_start3A_119 = arith.constant 0 : i32
        %dma_start3A_120 = tpu.memref_slice %arg6[%arg0, %dma_start3A_118, %dma_start3A_119] : memref<2x10000x128xf32, #tpu.memory_space<hbm>> -> memref<1x16x128xf32, #tpu.memory_space<hbm>>
        %dma_start3A_121 = tpu.memref_squeeze %dma_start3A_120 : memref<1x16x128xf32, #tpu.memory_space<hbm>> -> memref<16x128xf32, #tpu.memory_space<hbm>>
        %dma_start3A_122 = arith.constant 9984 : i32
        %dma_start3A_123 = arith.constant 0 : i32
        %dma_start3A_124 = tpu.memref_slice %arg21[%dma_start3A_122, %dma_start3A_123] : memref<10000x128xf32, #tpu.memory_space<vmem_shared>> -> memref<16x128xf32, #tpu.memory_space<vmem_shared>>
        tpu.enqueue_dma source(%dma_start3A_124 : memref<16x128xf32, #tpu.memory_space<vmem_shared>>) target(%dma_start3A_121 : memref<16x128xf32, #tpu.memory_space<hbm>>) target_semaphore(%run_scoped3A : memref<!tpu.dma_semaphore, #tpu.memory_space<semaphore_mem>>)
        %dma_wait3A_125 = arith.constant 9984 : i32
        %dma_wait3A_126 = arith.constant 0 : i32
        %dma_wait3A_127 = tpu.memref_slice %arg6[%arg0, %dma_wait3A_125, %dma_wait3A_126] : memref<2x10000x128xf32, #tpu.memory_space<hbm>> -> memref<1x16x128xf32, #tpu.memory_space<hbm>>
        %dma_wait3A_128 = tpu.memref_squeeze %dma_wait3A_127 : memref<1x16x128xf32, #tpu.memory_space<hbm>> -> memref<16x128xf32, #tpu.memory_space<hbm>>
        %dma_wait3A_129 = arith.constant 9984 : i32
        %dma_wait3A_130 = arith.constant 0 : i32
        %dma_wait3A_131 = tpu.memref_slice %arg21[%dma_wait3A_129, %dma_wait3A_130] : memref<10000x128xf32, #tpu.memory_space<vmem_shared>> -> memref<16x128xf32, #tpu.memory_space<vmem_shared>>
        tpu.wait_dma2 semaphore(%run_scoped3A : memref<!tpu.dma_semaphore, #tpu.memory_space<semaphore_mem>>) src(%dma_wait3A_131 : memref<16x128xf32, #tpu.memory_space<vmem_shared>>) dst(%dma_wait3A_128 : memref<16x128xf32, #tpu.memory_space<hbm>>)
        tpu.yield
      }) : () -> ()
    } else {
    }
    return
  }
}

#map = affine_map<(d0, d1) -> (0, 0)>
#map1 = affine_map<(d0, d1) -> (0)>
#map2 = affine_map<(d0, d1) -> (0, 0, 0)>
module attributes {stable_mosaic.version = 14 : i64} {
  func.func @_sc_agg(%arg0: i32, %arg1: i32, %arg2: memref<10000x128xf32, #tpu.memory_space<hbm>>, %arg3: memref<320000xi32, #tpu.memory_space<hbm>>, %arg4: memref<320000xi32, #tpu.memory_space<hbm>>, %arg5: memref<10000x128xf32, #tpu.memory_space<hbm>>, %arg6: memref<2x10000x128xf32, #tpu.memory_space<hbm>>, %arg7: memref<96xi32, #tpu.memory_space<vmem>>, %arg8: memref<96xi32, #tpu.memory_space<vmem>>, %arg9: memref<96xi32, #tpu.memory_space<vmem>>, %arg10: memref<96xi32, #tpu.memory_space<vmem>>, %arg11: memref<96xi32, #tpu.memory_space<vmem>>, %arg12: memref<96xi32, #tpu.memory_space<vmem>>, %arg13: memref<96xi32, #tpu.memory_space<vmem>>, %arg14: memref<96xi32, #tpu.memory_space<vmem>>, %arg15: memref<16xi32, #tpu.memory_space<vmem>>, %arg16: memref<16xi32, #tpu.memory_space<vmem>>, %arg17: memref<96x128xf32, #tpu.memory_space<vmem>>, %arg18: memref<96x128xf32, #tpu.memory_space<vmem>>, %arg19: memref<96x128xf32, #tpu.memory_space<vmem>>, %arg20: memref<96x128xf32, #tpu.memory_space<vmem>>, %arg21: memref<10000x128xf32, #tpu.memory_space<vmem_shared>>, %arg22: memref<!tpu.dma_semaphore, #tpu.memory_space<semaphore_mem>>, %arg23: memref<!tpu.dma_semaphore, #tpu.memory_space<semaphore_mem>>, %arg24: memref<!tpu.dma_semaphore, #tpu.memory_space<semaphore_mem>>, %arg25: memref<!tpu.dma_semaphore, #tpu.memory_space<semaphore_mem>>, %arg26: memref<!tpu.dma_semaphore, #tpu.memory_space<semaphore_mem>>, %arg27: memref<!tpu.dma_semaphore, #tpu.memory_space<semaphore_mem>>, %arg28: memref<!tpu.dma_semaphore, #tpu.memory_space<semaphore_mem>>, %arg29: memref<!tpu.dma_semaphore, #tpu.memory_space<semaphore_mem>>, %arg30: memref<!tpu.dma_semaphore, #tpu.memory_space<semaphore_mem>>, %arg31: memref<!tpu.dma_semaphore, #tpu.memory_space<semaphore_mem>>, %arg32: memref<!tpu.dma_semaphore, #tpu.memory_space<semaphore_mem>>, %arg33: memref<!tpu.dma_semaphore, #tpu.memory_space<semaphore_mem>>, %arg34: memref<!tpu.dma_semaphore, #tpu.memory_space<semaphore_mem>>, %arg35: memref<!tpu.dma_semaphore, #tpu.memory_space<semaphore_mem>>, %arg36: memref<!tpu.dma_semaphore, #tpu.memory_space<semaphore_mem>>, %arg37: memref<!tpu.dma_semaphore, #tpu.memory_space<semaphore_mem>>) attributes {dimension_semantics = [#tpu.dimension_semantics<core_parallel>, #tpu.dimension_semantics<subcore_parallel>], iteration_bounds = array<i64: 2, 16>, scalar_prefetch = 0 : i64, scratch_operands = 31 : i64, tpu.core_type = #tpu.core_type<sc_vector_subcore>, window_params = [{transform_indices = #map}, {transform_indices = #map1}, {transform_indices = #map1}, {transform_indices = #map}, {transform_indices = #map2}]} {
    %mul3A = arith.constant 16 : i32
    %mul3A_0 = arith.muli %arg0, %mul3A : i32
    %add3A = arith.addi %mul3A_0, %arg1 : i32
    %mul3A_1 = arith.constant 10000 : i32
    %mul3A_2 = arith.muli %add3A, %mul3A_1 : i32
    %mul3A_3 = arith.constant 624 : i32
    %mul3A_4 = arith.muli %arg1, %mul3A_3 : i32
    %eq3A = arith.constant 0 : i32
    %eq3A_5 = arith.cmpi eq, %arg0, %eq3A : i32
    %convert_element_type3A = arith.extui %eq3A_5 : i1 to i32
    %cond3A = arith.constant 0 : i32
    %cond3A_6 = arith.cmpi ne, %convert_element_type3A, %cond3A : i32
    scf.if %cond3A_6 {
      %dma_start3A_118 = arith.constant 0 : i32
      %dma_start3A_119 = tpu.memref_slice %arg21[%mul3A_4, %dma_start3A_118] : memref<10000x128xf32, #tpu.memory_space<vmem_shared>> -> memref<624x128xf32, #tpu.memory_space<vmem_shared>>
      %dma_start3A_120 = arith.constant 0 : i32
      %dma_start3A_121 = tpu.memref_slice %arg2[%mul3A_4, %dma_start3A_120] : memref<10000x128xf32, #tpu.memory_space<hbm>> -> memref<624x128xf32, #tpu.memory_space<hbm>>
      tpu.enqueue_dma source(%dma_start3A_121 : memref<624x128xf32, #tpu.memory_space<hbm>>) target(%dma_start3A_119 : memref<624x128xf32, #tpu.memory_space<vmem_shared>>) target_semaphore(%arg34 : memref<!tpu.dma_semaphore, #tpu.memory_space<semaphore_mem>>)
    } else {
    }
    %eq3A_7 = arith.constant 1 : i32
    %eq3A_8 = arith.cmpi eq, %arg0, %eq3A_7 : i32
    %convert_element_type3A_9 = arith.extui %eq3A_8 : i1 to i32
    %cond3A_10 = arith.constant 0 : i32
    %cond3A_11 = arith.cmpi ne, %convert_element_type3A_9, %cond3A_10 : i32
    scf.if %cond3A_11 {
      %dma_start3A_118 = arith.constant 0 : i32
      %dma_start3A_119 = tpu.memref_slice %arg21[%mul3A_4, %dma_start3A_118] : memref<10000x128xf32, #tpu.memory_space<vmem_shared>> -> memref<624x128xf32, #tpu.memory_space<vmem_shared>>
      %dma_start3A_120 = arith.constant 0 : i32
      %dma_start3A_121 = tpu.memref_slice %arg5[%mul3A_4, %dma_start3A_120] : memref<10000x128xf32, #tpu.memory_space<hbm>> -> memref<624x128xf32, #tpu.memory_space<hbm>>
      tpu.enqueue_dma source(%dma_start3A_121 : memref<624x128xf32, #tpu.memory_space<hbm>>) target(%dma_start3A_119 : memref<624x128xf32, #tpu.memory_space<vmem_shared>>) target_semaphore(%arg34 : memref<!tpu.dma_semaphore, #tpu.memory_space<semaphore_mem>>)
    } else {
    }
    %eq3A_12 = arith.constant 0 : i32
    %eq3A_13 = arith.cmpi eq, %arg0, %eq3A_12 : i32
    %eq3A_14 = arith.constant 0 : i32
    %eq3A_15 = arith.cmpi eq, %arg1, %eq3A_14 : i32
    %and3A = arith.andi %eq3A_13, %eq3A_15 : i1
    %convert_element_type3A_16 = arith.extui %and3A : i1 to i32
    %cond3A_17 = arith.constant 0 : i32
    %cond3A_18 = arith.cmpi ne, %convert_element_type3A_16, %cond3A_17 : i32
    scf.if %cond3A_18 {
      %dma_start3A_118 = arith.constant 9984 : i32
      %dma_start3A_119 = arith.constant 0 : i32
      %dma_start3A_120 = tpu.memref_slice %arg21[%dma_start3A_118, %dma_start3A_119] : memref<10000x128xf32, #tpu.memory_space<vmem_shared>> -> memref<16x128xf32, #tpu.memory_space<vmem_shared>>
      %dma_start3A_121 = arith.constant 9984 : i32
      %dma_start3A_122 = arith.constant 0 : i32
      %dma_start3A_123 = tpu.memref_slice %arg2[%dma_start3A_121, %dma_start3A_122] : memref<10000x128xf32, #tpu.memory_space<hbm>> -> memref<16x128xf32, #tpu.memory_space<hbm>>
      tpu.enqueue_dma source(%dma_start3A_123 : memref<16x128xf32, #tpu.memory_space<hbm>>) target(%dma_start3A_120 : memref<16x128xf32, #tpu.memory_space<vmem_shared>>) target_semaphore(%arg35 : memref<!tpu.dma_semaphore, #tpu.memory_space<semaphore_mem>>)
    } else {
    }
    %eq3A_19 = arith.constant 1 : i32
    %eq3A_20 = arith.cmpi eq, %arg0, %eq3A_19 : i32
    %eq3A_21 = arith.constant 0 : i32
    %eq3A_22 = arith.cmpi eq, %arg1, %eq3A_21 : i32
    %and3A_23 = arith.andi %eq3A_20, %eq3A_22 : i1
    %convert_element_type3A_24 = arith.extui %and3A_23 : i1 to i32
    %cond3A_25 = arith.constant 0 : i32
    %cond3A_26 = arith.cmpi ne, %convert_element_type3A_24, %cond3A_25 : i32
    scf.if %cond3A_26 {
      %dma_start3A_118 = arith.constant 9984 : i32
      %dma_start3A_119 = arith.constant 0 : i32
      %dma_start3A_120 = tpu.memref_slice %arg21[%dma_start3A_118, %dma_start3A_119] : memref<10000x128xf32, #tpu.memory_space<vmem_shared>> -> memref<16x128xf32, #tpu.memory_space<vmem_shared>>
      %dma_start3A_121 = arith.constant 9984 : i32
      %dma_start3A_122 = arith.constant 0 : i32
      %dma_start3A_123 = tpu.memref_slice %arg5[%dma_start3A_121, %dma_start3A_122] : memref<10000x128xf32, #tpu.memory_space<hbm>> -> memref<16x128xf32, #tpu.memory_space<hbm>>
      tpu.enqueue_dma source(%dma_start3A_123 : memref<16x128xf32, #tpu.memory_space<hbm>>) target(%dma_start3A_120 : memref<16x128xf32, #tpu.memory_space<vmem_shared>>) target_semaphore(%arg35 : memref<!tpu.dma_semaphore, #tpu.memory_space<semaphore_mem>>)
    } else {
    }
    %add3A_27 = arith.constant 0 : i32
    %add3A_28 = arith.addi %mul3A_2, %add3A_27 : i32
    %dma_start3A = tpu.memref_slice %arg3[%add3A_28] : memref<320000xi32, #tpu.memory_space<hbm>> -> memref<96xi32, #tpu.memory_space<hbm>>
    %dma_start3A_29 = tpu.memref_slice %arg3[%add3A_28] : memref<320000xi32, #tpu.memory_space<hbm>> -> memref<96xi32, #tpu.memory_space<hbm>>
    tpu.enqueue_dma source(%dma_start3A_29 : memref<96xi32, #tpu.memory_space<hbm>>) target(%arg7 : memref<96xi32, #tpu.memory_space<vmem>>) target_semaphore(%arg26 : memref<!tpu.dma_semaphore, #tpu.memory_space<semaphore_mem>>)
    %add3A_30 = arith.constant 96 : i32
    %add3A_31 = arith.addi %mul3A_2, %add3A_30 : i32
    %dma_start3A_32 = tpu.memref_slice %arg3[%add3A_31] : memref<320000xi32, #tpu.memory_space<hbm>> -> memref<96xi32, #tpu.memory_space<hbm>>
    %dma_start3A_33 = tpu.memref_slice %arg3[%add3A_31] : memref<320000xi32, #tpu.memory_space<hbm>> -> memref<96xi32, #tpu.memory_space<hbm>>
    tpu.enqueue_dma source(%dma_start3A_33 : memref<96xi32, #tpu.memory_space<hbm>>) target(%arg8 : memref<96xi32, #tpu.memory_space<vmem>>) target_semaphore(%arg27 : memref<!tpu.dma_semaphore, #tpu.memory_space<semaphore_mem>>)
    %add3A_34 = arith.constant 192 : i32
    %add3A_35 = arith.addi %mul3A_2, %add3A_34 : i32
    %dma_start3A_36 = tpu.memref_slice %arg3[%add3A_35] : memref<320000xi32, #tpu.memory_space<hbm>> -> memref<96xi32, #tpu.memory_space<hbm>>
    %dma_start3A_37 = tpu.memref_slice %arg3[%add3A_35] : memref<320000xi32, #tpu.memory_space<hbm>> -> memref<96xi32, #tpu.memory_space<hbm>>
    tpu.enqueue_dma source(%dma_start3A_37 : memref<96xi32, #tpu.memory_space<hbm>>) target(%arg9 : memref<96xi32, #tpu.memory_space<vmem>>) target_semaphore(%arg28 : memref<!tpu.dma_semaphore, #tpu.memory_space<semaphore_mem>>)
    %add3A_38 = arith.constant 0 : i32
    %add3A_39 = arith.addi %mul3A_2, %add3A_38 : i32
    %dma_start3A_40 = tpu.memref_slice %arg4[%add3A_39] : memref<320000xi32, #tpu.memory_space<hbm>> -> memref<96xi32, #tpu.memory_space<hbm>>
    %dma_start3A_41 = tpu.memref_slice %arg4[%add3A_39] : memref<320000xi32, #tpu.memory_space<hbm>> -> memref<96xi32, #tpu.memory_space<hbm>>
    tpu.enqueue_dma source(%dma_start3A_41 : memref<96xi32, #tpu.memory_space<hbm>>) target(%arg11 : memref<96xi32, #tpu.memory_space<vmem>>) target_semaphore(%arg30 : memref<!tpu.dma_semaphore, #tpu.memory_space<semaphore_mem>>)
    %add3A_42 = arith.constant 96 : i32
    %add3A_43 = arith.addi %mul3A_2, %add3A_42 : i32
    %dma_start3A_44 = tpu.memref_slice %arg4[%add3A_43] : memref<320000xi32, #tpu.memory_space<hbm>> -> memref<96xi32, #tpu.memory_space<hbm>>
    %dma_start3A_45 = tpu.memref_slice %arg4[%add3A_43] : memref<320000xi32, #tpu.memory_space<hbm>> -> memref<96xi32, #tpu.memory_space<hbm>>
    tpu.enqueue_dma source(%dma_start3A_45 : memref<96xi32, #tpu.memory_space<hbm>>) target(%arg12 : memref<96xi32, #tpu.memory_space<vmem>>) target_semaphore(%arg31 : memref<!tpu.dma_semaphore, #tpu.memory_space<semaphore_mem>>)
    %add3A_46 = arith.constant 0 : i32
    %add3A_47 = arith.addi %mul3A_2, %add3A_46 : i32
    %dma_wait3A = tpu.memref_slice %arg3[%add3A_47] : memref<320000xi32, #tpu.memory_space<hbm>> -> memref<96xi32, #tpu.memory_space<hbm>>
    %dma_wait3A_48 = tpu.memref_slice %arg3[%add3A_47] : memref<320000xi32, #tpu.memory_space<hbm>> -> memref<96xi32, #tpu.memory_space<hbm>>
    tpu.wait_dma2 semaphore(%arg26 : memref<!tpu.dma_semaphore, #tpu.memory_space<semaphore_mem>>) src(%dma_wait3A_48 : memref<96xi32, #tpu.memory_space<hbm>>) dst(%arg7 : memref<96xi32, #tpu.memory_space<vmem>>)
    %dma_start3A_49 = arith.constant 0 : i32
    %dma_start3A_50 = arith.constant 0 : i32
    %dma_start3A_51 = tpu.memref_slice %arg2[%dma_start3A_49, %dma_start3A_50] : memref<10000x128xf32, #tpu.memory_space<hbm>> -> memref<10000x128xf32, #tpu.memory_space<hbm>>
    tpu.enqueue_indirect_dma source(%dma_start3A_51 : memref<10000x128xf32, #tpu.memory_space<hbm>>) target(%arg17 : memref<96x128xf32, #tpu.memory_space<vmem>>) offsets(%arg7 : memref<96xi32, #tpu.memory_space<vmem>>) semaphore(%arg22 : memref<!tpu.dma_semaphore, #tpu.memory_space<semaphore_mem>>)
    %add3A_52 = arith.constant 96 : i32
    %add3A_53 = arith.addi %mul3A_2, %add3A_52 : i32
    %dma_wait3A_54 = tpu.memref_slice %arg3[%add3A_53] : memref<320000xi32, #tpu.memory_space<hbm>> -> memref<96xi32, #tpu.memory_space<hbm>>
    %dma_wait3A_55 = tpu.memref_slice %arg3[%add3A_53] : memref<320000xi32, #tpu.memory_space<hbm>> -> memref<96xi32, #tpu.memory_space<hbm>>
    tpu.wait_dma2 semaphore(%arg27 : memref<!tpu.dma_semaphore, #tpu.memory_space<semaphore_mem>>) src(%dma_wait3A_55 : memref<96xi32, #tpu.memory_space<hbm>>) dst(%arg8 : memref<96xi32, #tpu.memory_space<vmem>>)
    %dma_start3A_56 = arith.constant 0 : i32
    %dma_start3A_57 = arith.constant 0 : i32
    %dma_start3A_58 = tpu.memref_slice %arg2[%dma_start3A_56, %dma_start3A_57] : memref<10000x128xf32, #tpu.memory_space<hbm>> -> memref<10000x128xf32, #tpu.memory_space<hbm>>
    tpu.enqueue_indirect_dma source(%dma_start3A_58 : memref<10000x128xf32, #tpu.memory_space<hbm>>) target(%arg18 : memref<96x128xf32, #tpu.memory_space<vmem>>) offsets(%arg8 : memref<96xi32, #tpu.memory_space<vmem>>) semaphore(%arg23 : memref<!tpu.dma_semaphore, #tpu.memory_space<semaphore_mem>>)
    %eq3A_59 = arith.constant 0 : i32
    %eq3A_60 = arith.cmpi eq, %arg0, %eq3A_59 : i32
    %convert_element_type3A_61 = arith.extui %eq3A_60 : i1 to i32
    %cond3A_62 = arith.constant 0 : i32
    %cond3A_63 = arith.cmpi ne, %convert_element_type3A_61, %cond3A_62 : i32
    scf.if %cond3A_63 {
      %dma_wait3A_118 = arith.constant 0 : i32
      %dma_wait3A_119 = tpu.memref_slice %arg21[%mul3A_4, %dma_wait3A_118] : memref<10000x128xf32, #tpu.memory_space<vmem_shared>> -> memref<624x128xf32, #tpu.memory_space<vmem_shared>>
      %dma_wait3A_120 = arith.constant 0 : i32
      %dma_wait3A_121 = tpu.memref_slice %arg2[%mul3A_4, %dma_wait3A_120] : memref<10000x128xf32, #tpu.memory_space<hbm>> -> memref<624x128xf32, #tpu.memory_space<hbm>>
      tpu.wait_dma2 semaphore(%arg34 : memref<!tpu.dma_semaphore, #tpu.memory_space<semaphore_mem>>) src(%dma_wait3A_121 : memref<624x128xf32, #tpu.memory_space<hbm>>) dst(%dma_wait3A_119 : memref<624x128xf32, #tpu.memory_space<vmem_shared>>)
    } else {
    }
    %eq3A_64 = arith.constant 1 : i32
    %eq3A_65 = arith.cmpi eq, %arg0, %eq3A_64 : i32
    %convert_element_type3A_66 = arith.extui %eq3A_65 : i1 to i32
    %cond3A_67 = arith.constant 0 : i32
    %cond3A_68 = arith.cmpi ne, %convert_element_type3A_66, %cond3A_67 : i32
    scf.if %cond3A_68 {
      %dma_wait3A_118 = arith.constant 0 : i32
      %dma_wait3A_119 = tpu.memref_slice %arg21[%mul3A_4, %dma_wait3A_118] : memref<10000x128xf32, #tpu.memory_space<vmem_shared>> -> memref<624x128xf32, #tpu.memory_space<vmem_shared>>
      %dma_wait3A_120 = arith.constant 0 : i32
      %dma_wait3A_121 = tpu.memref_slice %arg5[%mul3A_4, %dma_wait3A_120] : memref<10000x128xf32, #tpu.memory_space<hbm>> -> memref<624x128xf32, #tpu.memory_space<hbm>>
      tpu.wait_dma2 semaphore(%arg34 : memref<!tpu.dma_semaphore, #tpu.memory_space<semaphore_mem>>) src(%dma_wait3A_121 : memref<624x128xf32, #tpu.memory_space<hbm>>) dst(%dma_wait3A_119 : memref<624x128xf32, #tpu.memory_space<vmem_shared>>)
    } else {
    }
    %eq3A_69 = arith.constant 0 : i32
    %eq3A_70 = arith.cmpi eq, %arg0, %eq3A_69 : i32
    %eq3A_71 = arith.constant 0 : i32
    %eq3A_72 = arith.cmpi eq, %arg1, %eq3A_71 : i32
    %and3A_73 = arith.andi %eq3A_70, %eq3A_72 : i1
    %convert_element_type3A_74 = arith.extui %and3A_73 : i1 to i32
    %cond3A_75 = arith.constant 0 : i32
    %cond3A_76 = arith.cmpi ne, %convert_element_type3A_74, %cond3A_75 : i32
    scf.if %cond3A_76 {
      %dma_wait3A_118 = arith.constant 9984 : i32
      %dma_wait3A_119 = arith.constant 0 : i32
      %dma_wait3A_120 = tpu.memref_slice %arg21[%dma_wait3A_118, %dma_wait3A_119] : memref<10000x128xf32, #tpu.memory_space<vmem_shared>> -> memref<16x128xf32, #tpu.memory_space<vmem_shared>>
      %dma_wait3A_121 = arith.constant 9984 : i32
      %dma_wait3A_122 = arith.constant 0 : i32
      %dma_wait3A_123 = tpu.memref_slice %arg2[%dma_wait3A_121, %dma_wait3A_122] : memref<10000x128xf32, #tpu.memory_space<hbm>> -> memref<16x128xf32, #tpu.memory_space<hbm>>
      tpu.wait_dma2 semaphore(%arg35 : memref<!tpu.dma_semaphore, #tpu.memory_space<semaphore_mem>>) src(%dma_wait3A_123 : memref<16x128xf32, #tpu.memory_space<hbm>>) dst(%dma_wait3A_120 : memref<16x128xf32, #tpu.memory_space<vmem_shared>>)
    } else {
    }
    %eq3A_77 = arith.constant 1 : i32
    %eq3A_78 = arith.cmpi eq, %arg0, %eq3A_77 : i32
    %eq3A_79 = arith.constant 0 : i32
    %eq3A_80 = arith.cmpi eq, %arg1, %eq3A_79 : i32
    %and3A_81 = arith.andi %eq3A_78, %eq3A_80 : i1
    %convert_element_type3A_82 = arith.extui %and3A_81 : i1 to i32
    %cond3A_83 = arith.constant 0 : i32
    %cond3A_84 = arith.cmpi ne, %convert_element_type3A_82, %cond3A_83 : i32
    scf.if %cond3A_84 {
      %dma_wait3A_118 = arith.constant 9984 : i32
      %dma_wait3A_119 = arith.constant 0 : i32
      %dma_wait3A_120 = tpu.memref_slice %arg21[%dma_wait3A_118, %dma_wait3A_119] : memref<10000x128xf32, #tpu.memory_space<vmem_shared>> -> memref<16x128xf32, #tpu.memory_space<vmem_shared>>
      %dma_wait3A_121 = arith.constant 9984 : i32
      %dma_wait3A_122 = arith.constant 0 : i32
      %dma_wait3A_123 = tpu.memref_slice %arg5[%dma_wait3A_121, %dma_wait3A_122] : memref<10000x128xf32, #tpu.memory_space<hbm>> -> memref<16x128xf32, #tpu.memory_space<hbm>>
      tpu.wait_dma2 semaphore(%arg35 : memref<!tpu.dma_semaphore, #tpu.memory_space<semaphore_mem>>) src(%dma_wait3A_123 : memref<16x128xf32, #tpu.memory_space<hbm>>) dst(%dma_wait3A_120 : memref<16x128xf32, #tpu.memory_space<vmem_shared>>)
    } else {
    }
    %barrier3A = arith.constant 0 : index
    tpu.barrier barrier_id(%barrier3A)
    %scan3A = arith.constant 0 : i32
    %scan3A_85 = arith.constant 0 : i32
    %scan3A_86 = arith.constant 26 : i32
    %scan3A_87 = arith.addi %scan3A_85, %scan3A_86 : i32
    %scan3A_88 = arith.constant 1 : i32
    scf.for %scan3A_118 = %scan3A_85 to %scan3A_87 step %scan3A_88  : i32 {
      %mul3A_119 = arith.constant 4 : i32
      %mul3A_120 = arith.muli %mul3A_119, %scan3A_118 : i32
      %ge3A = arith.constant 2 : i32
      %ge3A_121 = arith.cmpi sge, %mul3A_120, %ge3A : i32
      %convert_element_type3A_122 = arith.extui %ge3A_121 : i1 to i32
      %cond3A_123 = arith.constant 0 : i32
      %cond3A_124 = arith.cmpi ne, %convert_element_type3A_122, %cond3A_123 : i32
      scf.if %cond3A_124 {
        %dma_wait3A_245 = arith.constant 0 : i32
        %dma_wait3A_246 = arith.constant 0 : i32
        %dma_wait3A_247 = tpu.memref_slice %arg21[%dma_wait3A_245, %dma_wait3A_246] : memref<10000x128xf32, #tpu.memory_space<vmem_shared>> -> memref<10000x128xf32, #tpu.memory_space<vmem_shared>>
        tpu.wait_indirect_dma semaphore(%arg36 : memref<!tpu.dma_semaphore, #tpu.memory_space<semaphore_mem>>) src(%arg19 : memref<96x128xf32, #tpu.memory_space<vmem>>) dst(%dma_wait3A_247 : memref<10000x128xf32, #tpu.memory_space<vmem_shared>>)
      } else {
      }
      %add3A_125 = arith.constant 2 : i32
      %add3A_126 = arith.addi %mul3A_120, %add3A_125 : i32
      %lt3A = arith.constant 104 : i32
      %lt3A_127 = arith.cmpi slt, %add3A_126, %lt3A : i32
      %convert_element_type3A_128 = arith.extui %lt3A_127 : i1 to i32
      %cond3A_129 = arith.constant 0 : i32
      %cond3A_130 = arith.cmpi ne, %convert_element_type3A_128, %cond3A_129 : i32
      scf.if %cond3A_130 {
        %add3A_245 = arith.constant 2 : i32
        %add3A_246 = arith.addi %mul3A_120, %add3A_245 : i32
        %mul3A_247 = arith.constant 96 : i32
        %mul3A_248 = arith.muli %add3A_246, %mul3A_247 : i32
        %add3A_249 = arith.addi %mul3A_2, %mul3A_248 : i32
        %dma_start3A_250 = tpu.memref_slice %arg4[%add3A_249] : memref<320000xi32, #tpu.memory_space<hbm>> -> memref<96xi32, #tpu.memory_space<hbm>>
        %dma_start3A_251 = tpu.memref_slice %arg4[%add3A_249] : memref<320000xi32, #tpu.memory_space<hbm>> -> memref<96xi32, #tpu.memory_space<hbm>>
        tpu.enqueue_dma source(%dma_start3A_251 : memref<96xi32, #tpu.memory_space<hbm>>) target(%arg13 : memref<96xi32, #tpu.memory_space<vmem>>) target_semaphore(%arg32 : memref<!tpu.dma_semaphore, #tpu.memory_space<semaphore_mem>>)
        %add3A_252 = arith.constant 2 : i32
        %add3A_253 = arith.addi %mul3A_120, %add3A_252 : i32
        %mul3A_254 = arith.constant 96 : i32
        %mul3A_255 = arith.muli %add3A_253, %mul3A_254 : i32
        %add3A_256 = arith.addi %mul3A_2, %mul3A_255 : i32
        %dma_wait3A_257 = tpu.memref_slice %arg3[%add3A_256] : memref<320000xi32, #tpu.memory_space<hbm>> -> memref<96xi32, #tpu.memory_space<hbm>>
        %dma_wait3A_258 = tpu.memref_slice %arg3[%add3A_256] : memref<320000xi32, #tpu.memory_space<hbm>> -> memref<96xi32, #tpu.memory_space<hbm>>
        tpu.wait_dma2 semaphore(%arg28 : memref<!tpu.dma_semaphore, #tpu.memory_space<semaphore_mem>>) src(%dma_wait3A_258 : memref<96xi32, #tpu.memory_space<hbm>>) dst(%arg9 : memref<96xi32, #tpu.memory_space<vmem>>)
        %dma_start3A_259 = arith.constant 0 : i32
        %dma_start3A_260 = arith.constant 0 : i32
        %dma_start3A_261 = tpu.memref_slice %arg2[%dma_start3A_259, %dma_start3A_260] : memref<10000x128xf32, #tpu.memory_space<hbm>> -> memref<10000x128xf32, #tpu.memory_space<hbm>>
        tpu.enqueue_indirect_dma source(%dma_start3A_261 : memref<10000x128xf32, #tpu.memory_space<hbm>>) target(%arg19 : memref<96x128xf32, #tpu.memory_space<vmem>>) offsets(%arg9 : memref<96xi32, #tpu.memory_space<vmem>>) semaphore(%arg24 : memref<!tpu.dma_semaphore, #tpu.memory_space<semaphore_mem>>)
      } else {
      }
      %add3A_131 = arith.constant 3 : i32
      %add3A_132 = arith.addi %mul3A_120, %add3A_131 : i32
      %lt3A_133 = arith.constant 104 : i32
      %lt3A_134 = arith.cmpi slt, %add3A_132, %lt3A_133 : i32
      %convert_element_type3A_135 = arith.extui %lt3A_134 : i1 to i32
      %cond3A_136 = arith.constant 0 : i32
      %cond3A_137 = arith.cmpi ne, %convert_element_type3A_135, %cond3A_136 : i32
      scf.if %cond3A_137 {
        %add3A_245 = arith.constant 3 : i32
        %add3A_246 = arith.addi %mul3A_120, %add3A_245 : i32
        %mul3A_247 = arith.constant 96 : i32
        %mul3A_248 = arith.muli %add3A_246, %mul3A_247 : i32
        %add3A_249 = arith.addi %mul3A_2, %mul3A_248 : i32
        %dma_start3A_250 = tpu.memref_slice %arg3[%add3A_249] : memref<320000xi32, #tpu.memory_space<hbm>> -> memref<96xi32, #tpu.memory_space<hbm>>
        %dma_start3A_251 = tpu.memref_slice %arg3[%add3A_249] : memref<320000xi32, #tpu.memory_space<hbm>> -> memref<96xi32, #tpu.memory_space<hbm>>
        tpu.enqueue_dma source(%dma_start3A_251 : memref<96xi32, #tpu.memory_space<hbm>>) target(%arg10 : memref<96xi32, #tpu.memory_space<vmem>>) target_semaphore(%arg29 : memref<!tpu.dma_semaphore, #tpu.memory_space<semaphore_mem>>)
      } else {
      }
      %mul3A_138 = arith.constant 96 : i32
      %mul3A_139 = arith.muli %mul3A_120, %mul3A_138 : i32
      %add3A_140 = arith.addi %mul3A_2, %mul3A_139 : i32
      %dma_wait3A_141 = tpu.memref_slice %arg4[%add3A_140] : memref<320000xi32, #tpu.memory_space<hbm>> -> memref<96xi32, #tpu.memory_space<hbm>>
      %dma_wait3A_142 = tpu.memref_slice %arg4[%add3A_140] : memref<320000xi32, #tpu.memory_space<hbm>> -> memref<96xi32, #tpu.memory_space<hbm>>
      tpu.wait_dma2 semaphore(%arg30 : memref<!tpu.dma_semaphore, #tpu.memory_space<semaphore_mem>>) src(%dma_wait3A_142 : memref<96xi32, #tpu.memory_space<hbm>>) dst(%arg11 : memref<96xi32, #tpu.memory_space<vmem>>)
      %dma_wait3A_143 = arith.constant 0 : i32
      %dma_wait3A_144 = arith.constant 0 : i32
      %dma_wait3A_145 = tpu.memref_slice %arg2[%dma_wait3A_143, %dma_wait3A_144] : memref<10000x128xf32, #tpu.memory_space<hbm>> -> memref<10000x128xf32, #tpu.memory_space<hbm>>
      tpu.wait_indirect_dma semaphore(%arg22 : memref<!tpu.dma_semaphore, #tpu.memory_space<semaphore_mem>>) src(%dma_wait3A_145 : memref<10000x128xf32, #tpu.memory_space<hbm>>) dst(%arg17 : memref<96x128xf32, #tpu.memory_space<vmem>>)
      %dma_start3A_146 = arith.constant 0 : i32
      %dma_start3A_147 = arith.constant 0 : i32
      %dma_start3A_148 = tpu.memref_slice %arg21[%dma_start3A_146, %dma_start3A_147] : memref<10000x128xf32, #tpu.memory_space<vmem_shared>> -> memref<10000x128xf32, #tpu.memory_space<vmem_shared>>
      tpu.enqueue_indirect_dma source(%arg17 : memref<96x128xf32, #tpu.memory_space<vmem>>) target(%dma_start3A_148 : memref<10000x128xf32, #tpu.memory_space<vmem_shared>>) offsets(%arg11 : memref<96xi32, #tpu.memory_space<vmem>>) semaphore(%arg34 : memref<!tpu.dma_semaphore, #tpu.memory_space<semaphore_mem>>) {add = true}
      %add3A_149 = arith.constant 1 : i32
      %add3A_150 = arith.addi %mul3A_120, %add3A_149 : i32
      %ge3A_151 = arith.constant 2 : i32
      %ge3A_152 = arith.cmpi sge, %add3A_150, %ge3A_151 : i32
      %convert_element_type3A_153 = arith.extui %ge3A_152 : i1 to i32
      %cond3A_154 = arith.constant 0 : i32
      %cond3A_155 = arith.cmpi ne, %convert_element_type3A_153, %cond3A_154 : i32
      scf.if %cond3A_155 {
        %dma_wait3A_245 = arith.constant 0 : i32
        %dma_wait3A_246 = arith.constant 0 : i32
        %dma_wait3A_247 = tpu.memref_slice %arg21[%dma_wait3A_245, %dma_wait3A_246] : memref<10000x128xf32, #tpu.memory_space<vmem_shared>> -> memref<10000x128xf32, #tpu.memory_space<vmem_shared>>
        tpu.wait_indirect_dma semaphore(%arg37 : memref<!tpu.dma_semaphore, #tpu.memory_space<semaphore_mem>>) src(%arg20 : memref<96x128xf32, #tpu.memory_space<vmem>>) dst(%dma_wait3A_247 : memref<10000x128xf32, #tpu.memory_space<vmem_shared>>)
      } else {
      }
      %add3A_156 = arith.constant 2 : i32
      %add3A_157 = arith.addi %add3A_150, %add3A_156 : i32
      %lt3A_158 = arith.constant 104 : i32
      %lt3A_159 = arith.cmpi slt, %add3A_157, %lt3A_158 : i32
      %convert_element_type3A_160 = arith.extui %lt3A_159 : i1 to i32
      %cond3A_161 = arith.constant 0 : i32
      %cond3A_162 = arith.cmpi ne, %convert_element_type3A_160, %cond3A_161 : i32
      scf.if %cond3A_162 {
        %add3A_245 = arith.constant 2 : i32
        %add3A_246 = arith.addi %add3A_150, %add3A_245 : i32
        %mul3A_247 = arith.constant 96 : i32
        %mul3A_248 = arith.muli %add3A_246, %mul3A_247 : i32
        %add3A_249 = arith.addi %mul3A_2, %mul3A_248 : i32
        %dma_start3A_250 = tpu.memref_slice %arg4[%add3A_249] : memref<320000xi32, #tpu.memory_space<hbm>> -> memref<96xi32, #tpu.memory_space<hbm>>
        %dma_start3A_251 = tpu.memref_slice %arg4[%add3A_249] : memref<320000xi32, #tpu.memory_space<hbm>> -> memref<96xi32, #tpu.memory_space<hbm>>
        tpu.enqueue_dma source(%dma_start3A_251 : memref<96xi32, #tpu.memory_space<hbm>>) target(%arg14 : memref<96xi32, #tpu.memory_space<vmem>>) target_semaphore(%arg33 : memref<!tpu.dma_semaphore, #tpu.memory_space<semaphore_mem>>)
        %add3A_252 = arith.constant 2 : i32
        %add3A_253 = arith.addi %add3A_150, %add3A_252 : i32
        %mul3A_254 = arith.constant 96 : i32
        %mul3A_255 = arith.muli %add3A_253, %mul3A_254 : i32
        %add3A_256 = arith.addi %mul3A_2, %mul3A_255 : i32
        %dma_wait3A_257 = tpu.memref_slice %arg3[%add3A_256] : memref<320000xi32, #tpu.memory_space<hbm>> -> memref<96xi32, #tpu.memory_space<hbm>>
        %dma_wait3A_258 = tpu.memref_slice %arg3[%add3A_256] : memref<320000xi32, #tpu.memory_space<hbm>> -> memref<96xi32, #tpu.memory_space<hbm>>
        tpu.wait_dma2 semaphore(%arg29 : memref<!tpu.dma_semaphore, #tpu.memory_space<semaphore_mem>>) src(%dma_wait3A_258 : memref<96xi32, #tpu.memory_space<hbm>>) dst(%arg10 : memref<96xi32, #tpu.memory_space<vmem>>)
        %dma_start3A_259 = arith.constant 0 : i32
        %dma_start3A_260 = arith.constant 0 : i32
        %dma_start3A_261 = tpu.memref_slice %arg2[%dma_start3A_259, %dma_start3A_260] : memref<10000x128xf32, #tpu.memory_space<hbm>> -> memref<10000x128xf32, #tpu.memory_space<hbm>>
        tpu.enqueue_indirect_dma source(%dma_start3A_261 : memref<10000x128xf32, #tpu.memory_space<hbm>>) target(%arg20 : memref<96x128xf32, #tpu.memory_space<vmem>>) offsets(%arg10 : memref<96xi32, #tpu.memory_space<vmem>>) semaphore(%arg25 : memref<!tpu.dma_semaphore, #tpu.memory_space<semaphore_mem>>)
      } else {
      }
      %add3A_163 = arith.constant 3 : i32
      %add3A_164 = arith.addi %add3A_150, %add3A_163 : i32
      %lt3A_165 = arith.constant 104 : i32
      %lt3A_166 = arith.cmpi slt, %add3A_164, %lt3A_165 : i32
      %convert_element_type3A_167 = arith.extui %lt3A_166 : i1 to i32
      %cond3A_168 = arith.constant 0 : i32
      %cond3A_169 = arith.cmpi ne, %convert_element_type3A_167, %cond3A_168 : i32
      scf.if %cond3A_169 {
        %add3A_245 = arith.constant 3 : i32
        %add3A_246 = arith.addi %add3A_150, %add3A_245 : i32
        %mul3A_247 = arith.constant 96 : i32
        %mul3A_248 = arith.muli %add3A_246, %mul3A_247 : i32
        %add3A_249 = arith.addi %mul3A_2, %mul3A_248 : i32
        %dma_start3A_250 = tpu.memref_slice %arg3[%add3A_249] : memref<320000xi32, #tpu.memory_space<hbm>> -> memref<96xi32, #tpu.memory_space<hbm>>
        %dma_start3A_251 = tpu.memref_slice %arg3[%add3A_249] : memref<320000xi32, #tpu.memory_space<hbm>> -> memref<96xi32, #tpu.memory_space<hbm>>
        tpu.enqueue_dma source(%dma_start3A_251 : memref<96xi32, #tpu.memory_space<hbm>>) target(%arg7 : memref<96xi32, #tpu.memory_space<vmem>>) target_semaphore(%arg26 : memref<!tpu.dma_semaphore, #tpu.memory_space<semaphore_mem>>)
      } else {
      }
      %mul3A_170 = arith.constant 96 : i32
      %mul3A_171 = arith.muli %add3A_150, %mul3A_170 : i32
      %add3A_172 = arith.addi %mul3A_2, %mul3A_171 : i32
      %dma_wait3A_173 = tpu.memref_slice %arg4[%add3A_172] : memref<320000xi32, #tpu.memory_space<hbm>> -> memref<96xi32, #tpu.memory_space<hbm>>
      %dma_wait3A_174 = tpu.memref_slice %arg4[%add3A_172] : memref<320000xi32, #tpu.memory_space<hbm>> -> memref<96xi32, #tpu.memory_space<hbm>>
      tpu.wait_dma2 semaphore(%arg31 : memref<!tpu.dma_semaphore, #tpu.memory_space<semaphore_mem>>) src(%dma_wait3A_174 : memref<96xi32, #tpu.memory_space<hbm>>) dst(%arg12 : memref<96xi32, #tpu.memory_space<vmem>>)
      %dma_wait3A_175 = arith.constant 0 : i32
      %dma_wait3A_176 = arith.constant 0 : i32
      %dma_wait3A_177 = tpu.memref_slice %arg2[%dma_wait3A_175, %dma_wait3A_176] : memref<10000x128xf32, #tpu.memory_space<hbm>> -> memref<10000x128xf32, #tpu.memory_space<hbm>>
      tpu.wait_indirect_dma semaphore(%arg23 : memref<!tpu.dma_semaphore, #tpu.memory_space<semaphore_mem>>) src(%dma_wait3A_177 : memref<10000x128xf32, #tpu.memory_space<hbm>>) dst(%arg18 : memref<96x128xf32, #tpu.memory_space<vmem>>)
      %dma_start3A_178 = arith.constant 0 : i32
      %dma_start3A_179 = arith.constant 0 : i32
      %dma_start3A_180 = tpu.memref_slice %arg21[%dma_start3A_178, %dma_start3A_179] : memref<10000x128xf32, #tpu.memory_space<vmem_shared>> -> memref<10000x128xf32, #tpu.memory_space<vmem_shared>>
      tpu.enqueue_indirect_dma source(%arg18 : memref<96x128xf32, #tpu.memory_space<vmem>>) target(%dma_start3A_180 : memref<10000x128xf32, #tpu.memory_space<vmem_shared>>) offsets(%arg12 : memref<96xi32, #tpu.memory_space<vmem>>) semaphore(%arg35 : memref<!tpu.dma_semaphore, #tpu.memory_space<semaphore_mem>>) {add = true}
      %add3A_181 = arith.constant 2 : i32
      %add3A_182 = arith.addi %mul3A_120, %add3A_181 : i32
      %ge3A_183 = arith.constant 2 : i32
      %ge3A_184 = arith.cmpi sge, %add3A_182, %ge3A_183 : i32
      %convert_element_type3A_185 = arith.extui %ge3A_184 : i1 to i32
      %cond3A_186 = arith.constant 0 : i32
      %cond3A_187 = arith.cmpi ne, %convert_element_type3A_185, %cond3A_186 : i32
      scf.if %cond3A_187 {
        %dma_wait3A_245 = arith.constant 0 : i32
        %dma_wait3A_246 = arith.constant 0 : i32
        %dma_wait3A_247 = tpu.memref_slice %arg21[%dma_wait3A_245, %dma_wait3A_246] : memref<10000x128xf32, #tpu.memory_space<vmem_shared>> -> memref<10000x128xf32, #tpu.memory_space<vmem_shared>>
        tpu.wait_indirect_dma semaphore(%arg34 : memref<!tpu.dma_semaphore, #tpu.memory_space<semaphore_mem>>) src(%arg17 : memref<96x128xf32, #tpu.memory_space<vmem>>) dst(%dma_wait3A_247 : memref<10000x128xf32, #tpu.memory_space<vmem_shared>>)
      } else {
      }
      %add3A_188 = arith.constant 2 : i32
      %add3A_189 = arith.addi %add3A_182, %add3A_188 : i32
      %lt3A_190 = arith.constant 104 : i32
      %lt3A_191 = arith.cmpi slt, %add3A_189, %lt3A_190 : i32
      %convert_element_type3A_192 = arith.extui %lt3A_191 : i1 to i32
      %cond3A_193 = arith.constant 0 : i32
      %cond3A_194 = arith.cmpi ne, %convert_element_type3A_192, %cond3A_193 : i32
      scf.if %cond3A_194 {
        %add3A_245 = arith.constant 2 : i32
        %add3A_246 = arith.addi %add3A_182, %add3A_245 : i32
        %mul3A_247 = arith.constant 96 : i32
        %mul3A_248 = arith.muli %add3A_246, %mul3A_247 : i32
        %add3A_249 = arith.addi %mul3A_2, %mul3A_248 : i32
        %dma_start3A_250 = tpu.memref_slice %arg4[%add3A_249] : memref<320000xi32, #tpu.memory_space<hbm>> -> memref<96xi32, #tpu.memory_space<hbm>>
        %dma_start3A_251 = tpu.memref_slice %arg4[%add3A_249] : memref<320000xi32, #tpu.memory_space<hbm>> -> memref<96xi32, #tpu.memory_space<hbm>>
        tpu.enqueue_dma source(%dma_start3A_251 : memref<96xi32, #tpu.memory_space<hbm>>) target(%arg11 : memref<96xi32, #tpu.memory_space<vmem>>) target_semaphore(%arg30 : memref<!tpu.dma_semaphore, #tpu.memory_space<semaphore_mem>>)
        %add3A_252 = arith.constant 2 : i32
        %add3A_253 = arith.addi %add3A_182, %add3A_252 : i32
        %mul3A_254 = arith.constant 96 : i32
        %mul3A_255 = arith.muli %add3A_253, %mul3A_254 : i32
        %add3A_256 = arith.addi %mul3A_2, %mul3A_255 : i32
        %dma_wait3A_257 = tpu.memref_slice %arg3[%add3A_256] : memref<320000xi32, #tpu.memory_space<hbm>> -> memref<96xi32, #tpu.memory_space<hbm>>
        %dma_wait3A_258 = tpu.memref_slice %arg3[%add3A_256] : memref<320000xi32, #tpu.memory_space<hbm>> -> memref<96xi32, #tpu.memory_space<hbm>>
        tpu.wait_dma2 semaphore(%arg26 : memref<!tpu.dma_semaphore, #tpu.memory_space<semaphore_mem>>) src(%dma_wait3A_258 : memref<96xi32, #tpu.memory_space<hbm>>) dst(%arg7 : memref<96xi32, #tpu.memory_space<vmem>>)
        %dma_start3A_259 = arith.constant 0 : i32
        %dma_start3A_260 = arith.constant 0 : i32
        %dma_start3A_261 = tpu.memref_slice %arg2[%dma_start3A_259, %dma_start3A_260] : memref<10000x128xf32, #tpu.memory_space<hbm>> -> memref<10000x128xf32, #tpu.memory_space<hbm>>
        tpu.enqueue_indirect_dma source(%dma_start3A_261 : memref<10000x128xf32, #tpu.memory_space<hbm>>) target(%arg17 : memref<96x128xf32, #tpu.memory_space<vmem>>) offsets(%arg7 : memref<96xi32, #tpu.memory_space<vmem>>) semaphore(%arg22 : memref<!tpu.dma_semaphore, #tpu.memory_space<semaphore_mem>>)
      } else {
      }
      %add3A_195 = arith.constant 3 : i32
      %add3A_196 = arith.addi %add3A_182, %add3A_195 : i32
      %lt3A_197 = arith.constant 104 : i32
      %lt3A_198 = arith.cmpi slt, %add3A_196, %lt3A_197 : i32
      %convert_element_type3A_199 = arith.extui %lt3A_198 : i1 to i32
      %cond3A_200 = arith.constant 0 : i32
      %cond3A_201 = arith.cmpi ne, %convert_element_type3A_199, %cond3A_200 : i32
      scf.if %cond3A_201 {
        %add3A_245 = arith.constant 3 : i32
        %add3A_246 = arith.addi %add3A_182, %add3A_245 : i32
        %mul3A_247 = arith.constant 96 : i32
        %mul3A_248 = arith.muli %add3A_246, %mul3A_247 : i32
        %add3A_249 = arith.addi %mul3A_2, %mul3A_248 : i32
        %dma_start3A_250 = tpu.memref_slice %arg3[%add3A_249] : memref<320000xi32, #tpu.memory_space<hbm>> -> memref<96xi32, #tpu.memory_space<hbm>>
        %dma_start3A_251 = tpu.memref_slice %arg3[%add3A_249] : memref<320000xi32, #tpu.memory_space<hbm>> -> memref<96xi32, #tpu.memory_space<hbm>>
        tpu.enqueue_dma source(%dma_start3A_251 : memref<96xi32, #tpu.memory_space<hbm>>) target(%arg8 : memref<96xi32, #tpu.memory_space<vmem>>) target_semaphore(%arg27 : memref<!tpu.dma_semaphore, #tpu.memory_space<semaphore_mem>>)
      } else {
      }
      %mul3A_202 = arith.constant 96 : i32
      %mul3A_203 = arith.muli %add3A_182, %mul3A_202 : i32
      %add3A_204 = arith.addi %mul3A_2, %mul3A_203 : i32
      %dma_wait3A_205 = tpu.memref_slice %arg4[%add3A_204] : memref<320000xi32, #tpu.memory_space<hbm>> -> memref<96xi32, #tpu.memory_space<hbm>>
      %dma_wait3A_206 = tpu.memref_slice %arg4[%add3A_204] : memref<320000xi32, #tpu.memory_space<hbm>> -> memref<96xi32, #tpu.memory_space<hbm>>
      tpu.wait_dma2 semaphore(%arg32 : memref<!tpu.dma_semaphore, #tpu.memory_space<semaphore_mem>>) src(%dma_wait3A_206 : memref<96xi32, #tpu.memory_space<hbm>>) dst(%arg13 : memref<96xi32, #tpu.memory_space<vmem>>)
      %dma_wait3A_207 = arith.constant 0 : i32
      %dma_wait3A_208 = arith.constant 0 : i32
      %dma_wait3A_209 = tpu.memref_slice %arg2[%dma_wait3A_207, %dma_wait3A_208] : memref<10000x128xf32, #tpu.memory_space<hbm>> -> memref<10000x128xf32, #tpu.memory_space<hbm>>
      tpu.wait_indirect_dma semaphore(%arg24 : memref<!tpu.dma_semaphore, #tpu.memory_space<semaphore_mem>>) src(%dma_wait3A_209 : memref<10000x128xf32, #tpu.memory_space<hbm>>) dst(%arg19 : memref<96x128xf32, #tpu.memory_space<vmem>>)
      %dma_start3A_210 = arith.constant 0 : i32
      %dma_start3A_211 = arith.constant 0 : i32
      %dma_start3A_212 = tpu.memref_slice %arg21[%dma_start3A_210, %dma_start3A_211] : memref<10000x128xf32, #tpu.memory_space<vmem_shared>> -> memref<10000x128xf32, #tpu.memory_space<vmem_shared>>
      tpu.enqueue_indirect_dma source(%arg19 : memref<96x128xf32, #tpu.memory_space<vmem>>) target(%dma_start3A_212 : memref<10000x128xf32, #tpu.memory_space<vmem_shared>>) offsets(%arg13 : memref<96xi32, #tpu.memory_space<vmem>>) semaphore(%arg36 : memref<!tpu.dma_semaphore, #tpu.memory_space<semaphore_mem>>) {add = true}
      %add3A_213 = arith.constant 3 : i32
      %add3A_214 = arith.addi %mul3A_120, %add3A_213 : i32
      %ge3A_215 = arith.constant 2 : i32
      %ge3A_216 = arith.cmpi sge, %add3A_214, %ge3A_215 : i32
      %convert_element_type3A_217 = arith.extui %ge3A_216 : i1 to i32
      %cond3A_218 = arith.constant 0 : i32
      %cond3A_219 = arith.cmpi ne, %convert_element_type3A_217, %cond3A_218 : i32
      scf.if %cond3A_219 {
        %dma_wait3A_245 = arith.constant 0 : i32
        %dma_wait3A_246 = arith.constant 0 : i32
        %dma_wait3A_247 = tpu.memref_slice %arg21[%dma_wait3A_245, %dma_wait3A_246] : memref<10000x128xf32, #tpu.memory_space<vmem_shared>> -> memref<10000x128xf32, #tpu.memory_space<vmem_shared>>
        tpu.wait_indirect_dma semaphore(%arg35 : memref<!tpu.dma_semaphore, #tpu.memory_space<semaphore_mem>>) src(%arg18 : memref<96x128xf32, #tpu.memory_space<vmem>>) dst(%dma_wait3A_247 : memref<10000x128xf32, #tpu.memory_space<vmem_shared>>)
      } else {
      }
      %add3A_220 = arith.constant 2 : i32
      %add3A_221 = arith.addi %add3A_214, %add3A_220 : i32
      %lt3A_222 = arith.constant 104 : i32
      %lt3A_223 = arith.cmpi slt, %add3A_221, %lt3A_222 : i32
      %convert_element_type3A_224 = arith.extui %lt3A_223 : i1 to i32
      %cond3A_225 = arith.constant 0 : i32
      %cond3A_226 = arith.cmpi ne, %convert_element_type3A_224, %cond3A_225 : i32
      scf.if %cond3A_226 {
        %add3A_245 = arith.constant 2 : i32
        %add3A_246 = arith.addi %add3A_214, %add3A_245 : i32
        %mul3A_247 = arith.constant 96 : i32
        %mul3A_248 = arith.muli %add3A_246, %mul3A_247 : i32
        %add3A_249 = arith.addi %mul3A_2, %mul3A_248 : i32
        %dma_start3A_250 = tpu.memref_slice %arg4[%add3A_249] : memref<320000xi32, #tpu.memory_space<hbm>> -> memref<96xi32, #tpu.memory_space<hbm>>
        %dma_start3A_251 = tpu.memref_slice %arg4[%add3A_249] : memref<320000xi32, #tpu.memory_space<hbm>> -> memref<96xi32, #tpu.memory_space<hbm>>
        tpu.enqueue_dma source(%dma_start3A_251 : memref<96xi32, #tpu.memory_space<hbm>>) target(%arg12 : memref<96xi32, #tpu.memory_space<vmem>>) target_semaphore(%arg31 : memref<!tpu.dma_semaphore, #tpu.memory_space<semaphore_mem>>)
        %add3A_252 = arith.constant 2 : i32
        %add3A_253 = arith.addi %add3A_214, %add3A_252 : i32
        %mul3A_254 = arith.constant 96 : i32
        %mul3A_255 = arith.muli %add3A_253, %mul3A_254 : i32
        %add3A_256 = arith.addi %mul3A_2, %mul3A_255 : i32
        %dma_wait3A_257 = tpu.memref_slice %arg3[%add3A_256] : memref<320000xi32, #tpu.memory_space<hbm>> -> memref<96xi32, #tpu.memory_space<hbm>>
        %dma_wait3A_258 = tpu.memref_slice %arg3[%add3A_256] : memref<320000xi32, #tpu.memory_space<hbm>> -> memref<96xi32, #tpu.memory_space<hbm>>
        tpu.wait_dma2 semaphore(%arg27 : memref<!tpu.dma_semaphore, #tpu.memory_space<semaphore_mem>>) src(%dma_wait3A_258 : memref<96xi32, #tpu.memory_space<hbm>>) dst(%arg8 : memref<96xi32, #tpu.memory_space<vmem>>)
        %dma_start3A_259 = arith.constant 0 : i32
        %dma_start3A_260 = arith.constant 0 : i32
        %dma_start3A_261 = tpu.memref_slice %arg2[%dma_start3A_259, %dma_start3A_260] : memref<10000x128xf32, #tpu.memory_space<hbm>> -> memref<10000x128xf32, #tpu.memory_space<hbm>>
        tpu.enqueue_indirect_dma source(%dma_start3A_261 : memref<10000x128xf32, #tpu.memory_space<hbm>>) target(%arg18 : memref<96x128xf32, #tpu.memory_space<vmem>>) offsets(%arg8 : memref<96xi32, #tpu.memory_space<vmem>>) semaphore(%arg23 : memref<!tpu.dma_semaphore, #tpu.memory_space<semaphore_mem>>)
      } else {
      }
      %add3A_227 = arith.constant 3 : i32
      %add3A_228 = arith.addi %add3A_214, %add3A_227 : i32
      %lt3A_229 = arith.constant 104 : i32
      %lt3A_230 = arith.cmpi slt, %add3A_228, %lt3A_229 : i32
      %convert_element_type3A_231 = arith.extui %lt3A_230 : i1 to i32
      %cond3A_232 = arith.constant 0 : i32
      %cond3A_233 = arith.cmpi ne, %convert_element_type3A_231, %cond3A_232 : i32
      scf.if %cond3A_233 {
        %add3A_245 = arith.constant 3 : i32
        %add3A_246 = arith.addi %add3A_214, %add3A_245 : i32
        %mul3A_247 = arith.constant 96 : i32
        %mul3A_248 = arith.muli %add3A_246, %mul3A_247 : i32
        %add3A_249 = arith.addi %mul3A_2, %mul3A_248 : i32
        %dma_start3A_250 = tpu.memref_slice %arg3[%add3A_249] : memref<320000xi32, #tpu.memory_space<hbm>> -> memref<96xi32, #tpu.memory_space<hbm>>
        %dma_start3A_251 = tpu.memref_slice %arg3[%add3A_249] : memref<320000xi32, #tpu.memory_space<hbm>> -> memref<96xi32, #tpu.memory_space<hbm>>
        tpu.enqueue_dma source(%dma_start3A_251 : memref<96xi32, #tpu.memory_space<hbm>>) target(%arg9 : memref<96xi32, #tpu.memory_space<vmem>>) target_semaphore(%arg28 : memref<!tpu.dma_semaphore, #tpu.memory_space<semaphore_mem>>)
      } else {
      }
      %mul3A_234 = arith.constant 96 : i32
      %mul3A_235 = arith.muli %add3A_214, %mul3A_234 : i32
      %add3A_236 = arith.addi %mul3A_2, %mul3A_235 : i32
      %dma_wait3A_237 = tpu.memref_slice %arg4[%add3A_236] : memref<320000xi32, #tpu.memory_space<hbm>> -> memref<96xi32, #tpu.memory_space<hbm>>
      %dma_wait3A_238 = tpu.memref_slice %arg4[%add3A_236] : memref<320000xi32, #tpu.memory_space<hbm>> -> memref<96xi32, #tpu.memory_space<hbm>>
      tpu.wait_dma2 semaphore(%arg33 : memref<!tpu.dma_semaphore, #tpu.memory_space<semaphore_mem>>) src(%dma_wait3A_238 : memref<96xi32, #tpu.memory_space<hbm>>) dst(%arg14 : memref<96xi32, #tpu.memory_space<vmem>>)
      %dma_wait3A_239 = arith.constant 0 : i32
      %dma_wait3A_240 = arith.constant 0 : i32
      %dma_wait3A_241 = tpu.memref_slice %arg2[%dma_wait3A_239, %dma_wait3A_240] : memref<10000x128xf32, #tpu.memory_space<hbm>> -> memref<10000x128xf32, #tpu.memory_space<hbm>>
      tpu.wait_indirect_dma semaphore(%arg25 : memref<!tpu.dma_semaphore, #tpu.memory_space<semaphore_mem>>) src(%dma_wait3A_241 : memref<10000x128xf32, #tpu.memory_space<hbm>>) dst(%arg20 : memref<96x128xf32, #tpu.memory_space<vmem>>)
      %dma_start3A_242 = arith.constant 0 : i32
      %dma_start3A_243 = arith.constant 0 : i32
      %dma_start3A_244 = tpu.memref_slice %arg21[%dma_start3A_242, %dma_start3A_243] : memref<10000x128xf32, #tpu.memory_space<vmem_shared>> -> memref<10000x128xf32, #tpu.memory_space<vmem_shared>>
      tpu.enqueue_indirect_dma source(%arg20 : memref<96x128xf32, #tpu.memory_space<vmem>>) target(%dma_start3A_244 : memref<10000x128xf32, #tpu.memory_space<vmem_shared>>) offsets(%arg14 : memref<96xi32, #tpu.memory_space<vmem>>) semaphore(%arg37 : memref<!tpu.dma_semaphore, #tpu.memory_space<semaphore_mem>>) {add = true}
    }
    %scan3A_89 = arith.constant 26 : i32
    %dma_wait3A_90 = arith.constant 0 : i32
    %dma_wait3A_91 = arith.constant 0 : i32
    %dma_wait3A_92 = tpu.memref_slice %arg21[%dma_wait3A_90, %dma_wait3A_91] : memref<10000x128xf32, #tpu.memory_space<vmem_shared>> -> memref<10000x128xf32, #tpu.memory_space<vmem_shared>>
    tpu.wait_indirect_dma semaphore(%arg36 : memref<!tpu.dma_semaphore, #tpu.memory_space<semaphore_mem>>) src(%arg19 : memref<96x128xf32, #tpu.memory_space<vmem>>) dst(%dma_wait3A_92 : memref<10000x128xf32, #tpu.memory_space<vmem_shared>>)
    %dma_wait3A_93 = arith.constant 0 : i32
    %dma_wait3A_94 = arith.constant 0 : i32
    %dma_wait3A_95 = tpu.memref_slice %arg21[%dma_wait3A_93, %dma_wait3A_94] : memref<10000x128xf32, #tpu.memory_space<vmem_shared>> -> memref<10000x128xf32, #tpu.memory_space<vmem_shared>>
    tpu.wait_indirect_dma semaphore(%arg37 : memref<!tpu.dma_semaphore, #tpu.memory_space<semaphore_mem>>) src(%arg20 : memref<96x128xf32, #tpu.memory_space<vmem>>) dst(%dma_wait3A_95 : memref<10000x128xf32, #tpu.memory_space<vmem_shared>>)
    %add3A_96 = arith.constant 9984 : i32
    %add3A_97 = arith.addi %mul3A_2, %add3A_96 : i32
    "tpu.region"() ({
      %run_scoped3A = tpu.sem_alloc : memref<!tpu.dma_semaphore, #tpu.memory_space<semaphore_mem>>
      %dma_start3A_118 = tpu.memref_slice %arg3[%add3A_97] : memref<320000xi32, #tpu.memory_space<hbm>> -> memref<16xi32, #tpu.memory_space<hbm>>
      %dma_start3A_119 = tpu.memref_slice %arg3[%add3A_97] : memref<320000xi32, #tpu.memory_space<hbm>> -> memref<16xi32, #tpu.memory_space<hbm>>
      tpu.enqueue_dma source(%dma_start3A_119 : memref<16xi32, #tpu.memory_space<hbm>>) target(%arg15 : memref<16xi32, #tpu.memory_space<vmem>>) target_semaphore(%run_scoped3A : memref<!tpu.dma_semaphore, #tpu.memory_space<semaphore_mem>>)
      %dma_wait3A_120 = tpu.memref_slice %arg3[%add3A_97] : memref<320000xi32, #tpu.memory_space<hbm>> -> memref<16xi32, #tpu.memory_space<hbm>>
      %dma_wait3A_121 = tpu.memref_slice %arg3[%add3A_97] : memref<320000xi32, #tpu.memory_space<hbm>> -> memref<16xi32, #tpu.memory_space<hbm>>
      tpu.wait_dma2 semaphore(%run_scoped3A : memref<!tpu.dma_semaphore, #tpu.memory_space<semaphore_mem>>) src(%dma_wait3A_121 : memref<16xi32, #tpu.memory_space<hbm>>) dst(%arg15 : memref<16xi32, #tpu.memory_space<vmem>>)
      tpu.yield
    }) : () -> ()
    %add3A_98 = arith.constant 9984 : i32
    %add3A_99 = arith.addi %mul3A_2, %add3A_98 : i32
    "tpu.region"() ({
      %run_scoped3A = tpu.sem_alloc : memref<!tpu.dma_semaphore, #tpu.memory_space<semaphore_mem>>
      %dma_start3A_118 = tpu.memref_slice %arg4[%add3A_99] : memref<320000xi32, #tpu.memory_space<hbm>> -> memref<16xi32, #tpu.memory_space<hbm>>
      %dma_start3A_119 = tpu.memref_slice %arg4[%add3A_99] : memref<320000xi32, #tpu.memory_space<hbm>> -> memref<16xi32, #tpu.memory_space<hbm>>
      tpu.enqueue_dma source(%dma_start3A_119 : memref<16xi32, #tpu.memory_space<hbm>>) target(%arg16 : memref<16xi32, #tpu.memory_space<vmem>>) target_semaphore(%run_scoped3A : memref<!tpu.dma_semaphore, #tpu.memory_space<semaphore_mem>>)
      %dma_wait3A_120 = tpu.memref_slice %arg4[%add3A_99] : memref<320000xi32, #tpu.memory_space<hbm>> -> memref<16xi32, #tpu.memory_space<hbm>>
      %dma_wait3A_121 = tpu.memref_slice %arg4[%add3A_99] : memref<320000xi32, #tpu.memory_space<hbm>> -> memref<16xi32, #tpu.memory_space<hbm>>
      tpu.wait_dma2 semaphore(%run_scoped3A : memref<!tpu.dma_semaphore, #tpu.memory_space<semaphore_mem>>) src(%dma_wait3A_121 : memref<16xi32, #tpu.memory_space<hbm>>) dst(%arg16 : memref<16xi32, #tpu.memory_space<vmem>>)
      tpu.yield
    }) : () -> ()
    %dma_start3A_100 = arith.constant 0 : i32
    %dma_start3A_101 = arith.constant 0 : i32
    %dma_start3A_102 = tpu.memref_slice %arg17[%dma_start3A_100, %dma_start3A_101] : memref<96x128xf32, #tpu.memory_space<vmem>> -> memref<16x128xf32, #tpu.memory_space<vmem>>
    %dma_start3A_103 = arith.constant 0 : i32
    %dma_start3A_104 = arith.constant 0 : i32
    %dma_start3A_105 = tpu.memref_slice %arg2[%dma_start3A_103, %dma_start3A_104] : memref<10000x128xf32, #tpu.memory_space<hbm>> -> memref<10000x128xf32, #tpu.memory_space<hbm>>
    tpu.enqueue_indirect_dma source(%dma_start3A_105 : memref<10000x128xf32, #tpu.memory_space<hbm>>) target(%dma_start3A_102 : memref<16x128xf32, #tpu.memory_space<vmem>>) offsets(%arg15 : memref<16xi32, #tpu.memory_space<vmem>>) semaphore(%arg22 : memref<!tpu.dma_semaphore, #tpu.memory_space<semaphore_mem>>)
    %dma_wait3A_106 = arith.constant 0 : i32
    %dma_wait3A_107 = arith.constant 0 : i32
    %dma_wait3A_108 = tpu.memref_slice %arg17[%dma_wait3A_106, %dma_wait3A_107] : memref<96x128xf32, #tpu.memory_space<vmem>> -> memref<16x128xf32, #tpu.memory_space<vmem>>
    %dma_wait3A_109 = arith.constant 0 : i32
    %dma_wait3A_110 = arith.constant 0 : i32
    %dma_wait3A_111 = tpu.memref_slice %arg2[%dma_wait3A_109, %dma_wait3A_110] : memref<10000x128xf32, #tpu.memory_space<hbm>> -> memref<10000x128xf32, #tpu.memory_space<hbm>>
    tpu.wait_indirect_dma semaphore(%arg22 : memref<!tpu.dma_semaphore, #tpu.memory_space<semaphore_mem>>) src(%dma_wait3A_111 : memref<10000x128xf32, #tpu.memory_space<hbm>>) dst(%dma_wait3A_108 : memref<16x128xf32, #tpu.memory_space<vmem>>)
    "tpu.region"() ({
      %run_scoped3A = tpu.sem_alloc : memref<!tpu.dma_semaphore, #tpu.memory_space<semaphore_mem>>
      %dma_start3A_118 = arith.constant 0 : i32
      %dma_start3A_119 = arith.constant 0 : i32
      %dma_start3A_120 = tpu.memref_slice %arg17[%dma_start3A_118, %dma_start3A_119] : memref<96x128xf32, #tpu.memory_space<vmem>> -> memref<16x128xf32, #tpu.memory_space<vmem>>
      %dma_start3A_121 = arith.constant 0 : i32
      %dma_start3A_122 = arith.constant 0 : i32
      %dma_start3A_123 = tpu.memref_slice %arg21[%dma_start3A_121, %dma_start3A_122] : memref<10000x128xf32, #tpu.memory_space<vmem_shared>> -> memref<10000x128xf32, #tpu.memory_space<vmem_shared>>
      tpu.enqueue_indirect_dma source(%dma_start3A_120 : memref<16x128xf32, #tpu.memory_space<vmem>>) target(%dma_start3A_123 : memref<10000x128xf32, #tpu.memory_space<vmem_shared>>) offsets(%arg16 : memref<16xi32, #tpu.memory_space<vmem>>) semaphore(%run_scoped3A : memref<!tpu.dma_semaphore, #tpu.memory_space<semaphore_mem>>) {add = true}
      %dma_wait3A_124 = arith.constant 0 : i32
      %dma_wait3A_125 = arith.constant 0 : i32
      %dma_wait3A_126 = tpu.memref_slice %arg17[%dma_wait3A_124, %dma_wait3A_125] : memref<96x128xf32, #tpu.memory_space<vmem>> -> memref<16x128xf32, #tpu.memory_space<vmem>>
      %dma_wait3A_127 = arith.constant 0 : i32
      %dma_wait3A_128 = arith.constant 0 : i32
      %dma_wait3A_129 = tpu.memref_slice %arg21[%dma_wait3A_127, %dma_wait3A_128] : memref<10000x128xf32, #tpu.memory_space<vmem_shared>> -> memref<10000x128xf32, #tpu.memory_space<vmem_shared>>
      tpu.wait_indirect_dma semaphore(%run_scoped3A : memref<!tpu.dma_semaphore, #tpu.memory_space<semaphore_mem>>) src(%dma_wait3A_126 : memref<16x128xf32, #tpu.memory_space<vmem>>) dst(%dma_wait3A_129 : memref<10000x128xf32, #tpu.memory_space<vmem_shared>>)
      tpu.yield
    }) : () -> ()
    %barrier3A_112 = arith.constant 0 : index
    tpu.barrier barrier_id(%barrier3A_112)
    "tpu.region"() ({
      %run_scoped3A = tpu.sem_alloc : memref<!tpu.dma_semaphore, #tpu.memory_space<semaphore_mem>>
      %dma_start3A_118 = arith.constant 0 : i32
      %dma_start3A_119 = tpu.memref_slice %arg6[%arg0, %mul3A_4, %dma_start3A_118] : memref<2x10000x128xf32, #tpu.memory_space<hbm>> -> memref<1x624x128xf32, #tpu.memory_space<hbm>>
      %dma_start3A_120 = tpu.memref_squeeze %dma_start3A_119 : memref<1x624x128xf32, #tpu.memory_space<hbm>> -> memref<624x128xf32, #tpu.memory_space<hbm>>
      %dma_start3A_121 = arith.constant 0 : i32
      %dma_start3A_122 = tpu.memref_slice %arg21[%mul3A_4, %dma_start3A_121] : memref<10000x128xf32, #tpu.memory_space<vmem_shared>> -> memref<624x128xf32, #tpu.memory_space<vmem_shared>>
      tpu.enqueue_dma source(%dma_start3A_122 : memref<624x128xf32, #tpu.memory_space<vmem_shared>>) target(%dma_start3A_120 : memref<624x128xf32, #tpu.memory_space<hbm>>) target_semaphore(%run_scoped3A : memref<!tpu.dma_semaphore, #tpu.memory_space<semaphore_mem>>)
      %dma_wait3A_123 = arith.constant 0 : i32
      %dma_wait3A_124 = tpu.memref_slice %arg6[%arg0, %mul3A_4, %dma_wait3A_123] : memref<2x10000x128xf32, #tpu.memory_space<hbm>> -> memref<1x624x128xf32, #tpu.memory_space<hbm>>
      %dma_wait3A_125 = tpu.memref_squeeze %dma_wait3A_124 : memref<1x624x128xf32, #tpu.memory_space<hbm>> -> memref<624x128xf32, #tpu.memory_space<hbm>>
      %dma_wait3A_126 = arith.constant 0 : i32
      %dma_wait3A_127 = tpu.memref_slice %arg21[%mul3A_4, %dma_wait3A_126] : memref<10000x128xf32, #tpu.memory_space<vmem_shared>> -> memref<624x128xf32, #tpu.memory_space<vmem_shared>>
      tpu.wait_dma2 semaphore(%run_scoped3A : memref<!tpu.dma_semaphore, #tpu.memory_space<semaphore_mem>>) src(%dma_wait3A_127 : memref<624x128xf32, #tpu.memory_space<vmem_shared>>) dst(%dma_wait3A_125 : memref<624x128xf32, #tpu.memory_space<hbm>>)
      tpu.yield
    }) : () -> ()
    %eq3A_113 = arith.constant 0 : i32
    %eq3A_114 = arith.cmpi eq, %arg1, %eq3A_113 : i32
    %convert_element_type3A_115 = arith.extui %eq3A_114 : i1 to i32
    %cond3A_116 = arith.constant 0 : i32
    %cond3A_117 = arith.cmpi ne, %convert_element_type3A_115, %cond3A_116 : i32
    scf.if %cond3A_117 {
      "tpu.region"() ({
        %run_scoped3A = tpu.sem_alloc : memref<!tpu.dma_semaphore, #tpu.memory_space<semaphore_mem>>
        %dma_start3A_118 = arith.constant 9984 : i32
        %dma_start3A_119 = arith.constant 0 : i32
        %dma_start3A_120 = tpu.memref_slice %arg6[%arg0, %dma_start3A_118, %dma_start3A_119] : memref<2x10000x128xf32, #tpu.memory_space<hbm>> -> memref<1x16x128xf32, #tpu.memory_space<hbm>>
        %dma_start3A_121 = tpu.memref_squeeze %dma_start3A_120 : memref<1x16x128xf32, #tpu.memory_space<hbm>> -> memref<16x128xf32, #tpu.memory_space<hbm>>
        %dma_start3A_122 = arith.constant 9984 : i32
        %dma_start3A_123 = arith.constant 0 : i32
        %dma_start3A_124 = tpu.memref_slice %arg21[%dma_start3A_122, %dma_start3A_123] : memref<10000x128xf32, #tpu.memory_space<vmem_shared>> -> memref<16x128xf32, #tpu.memory_space<vmem_shared>>
        tpu.enqueue_dma source(%dma_start3A_124 : memref<16x128xf32, #tpu.memory_space<vmem_shared>>) target(%dma_start3A_121 : memref<16x128xf32, #tpu.memory_space<hbm>>) target_semaphore(%run_scoped3A : memref<!tpu.dma_semaphore, #tpu.memory_space<semaphore_mem>>)
        %dma_wait3A_125 = arith.constant 9984 : i32
        %dma_wait3A_126 = arith.constant 0 : i32
        %dma_wait3A_127 = tpu.memref_slice %arg6[%arg0, %dma_wait3A_125, %dma_wait3A_126] : memref<2x10000x128xf32, #tpu.memory_space<hbm>> -> memref<1x16x128xf32, #tpu.memory_space<hbm>>
        %dma_wait3A_128 = tpu.memref_squeeze %dma_wait3A_127 : memref<1x16x128xf32, #tpu.memory_space<hbm>> -> memref<16x128xf32, #tpu.memory_space<hbm>>
        %dma_wait3A_129 = arith.constant 9984 : i32
        %dma_wait3A_130 = arith.constant 0 : i32
        %dma_wait3A_131 = tpu.memref_slice %arg21[%dma_wait3A_129, %dma_wait3A_130] : memref<10000x128xf32, #tpu.memory_space<vmem_shared>> -> memref<16x128xf32, #tpu.memory_space<vmem_shared>>
        tpu.wait_dma2 semaphore(%run_scoped3A : memref<!tpu.dma_semaphore, #tpu.memory_space<semaphore_mem>>) src(%dma_wait3A_131 : memref<16x128xf32, #tpu.memory_space<vmem_shared>>) dst(%dma_wait3A_128 : memref<16x128xf32, #tpu.memory_space<hbm>>)
        tpu.yield
      }) : () -> ()
    } else {
    }
    return
  }
}

module attributes {stable_mosaic.version = 14 : i64} {
  func.func @_mlp_body(%arg0: i32, %arg1: memref<2x2000x128xf32, #tpu.memory_space<vmem>>, %arg2: memref<128x128xf32, #tpu.memory_space<vmem>>, %arg3: memref<1x128xf32, #tpu.memory_space<vmem>>, %arg4: memref<128x128xf32, #tpu.memory_space<vmem>>, %arg5: memref<1x128xf32, #tpu.memory_space<vmem>>, %arg6: memref<2000x128xf32, #tpu.memory_space<vmem>>) attributes {dimension_semantics = [#tpu.dimension_semantics<arbitrary>], iteration_bounds = array<i64: 5>, scalar_prefetch = 0 : i64, scratch_operands = 0 : i64, tpu.core_type = #tpu.core_type<tc>, window_params = [{transform_indices = @transform_0, window_bounds = array<i64: 2, 2000, 128>}, {pipeline_mode = #tpu.pipeline_mode<synchronous>, transform_indices = @transform_1, window_bounds = array<i64: 128, 128>}, {pipeline_mode = #tpu.pipeline_mode<synchronous>, transform_indices = @transform_2, window_bounds = array<i64: 1, 128>}, {pipeline_mode = #tpu.pipeline_mode<synchronous>, transform_indices = @transform_3, window_bounds = array<i64: 128, 128>}, {pipeline_mode = #tpu.pipeline_mode<synchronous>, transform_indices = @transform_4, window_bounds = array<i64: 1, 128>}, {transform_indices = @transform_5, window_bounds = array<i64: 2000, 128>}]} {
    %get3A = arith.constant 0 : index
    %get3A_0 = arith.constant 0 : index
    %get3A_1 = arith.constant 0 : index
    %get3A_2 = vector.load %arg1[%get3A, %get3A_0, %get3A_1] : memref<2x2000x128xf32, #tpu.memory_space<vmem>>, vector<1x2000x128xf32>
    %get3A_3 = vector.shape_cast %get3A_2 : vector<1x2000x128xf32> to vector<2000x128xf32>
    %get3A_4 = arith.constant 1 : index
    %get3A_5 = arith.constant 0 : index
    %get3A_6 = arith.constant 0 : index
    %get3A_7 = vector.load %arg1[%get3A_4, %get3A_5, %get3A_6] : memref<2x2000x128xf32, #tpu.memory_space<vmem>>, vector<1x2000x128xf32>
    %get3A_8 = vector.shape_cast %get3A_7 : vector<1x2000x128xf32> to vector<2000x128xf32>
    %add3A = arith.addf %get3A_3, %get3A_8 : vector<2000x128xf32>
    %get3A_9 = arith.constant 0 : index
    %get3A_10 = arith.constant 0 : index
    %get3A_11 = vector.load %arg2[%get3A_9, %get3A_10] : memref<128x128xf32, #tpu.memory_space<vmem>>, vector<128x128xf32>
    %dot_general3A = arith.constant dense<0.000000e+00> : vector<2000x128xf32>
    %dot_general3A_12 = tpu.matmul %add3A, %get3A_11, %dot_general3A {dimension_numbers = #tpu.dot_dimension_numbers<[1], [0], [0], [1], [0, 0, 1, 1], [], []>, transpose_lhs_hint = false} : vector<2000x128xf32>, vector<128x128xf32>, vector<2000x128xf32> -> vector<2000x128xf32>
    %get3A_13 = arith.constant 0 : index
    %get3A_14 = arith.constant 0 : index
    %get3A_15 = vector.load %arg3[%get3A_13, %get3A_14] : memref<1x128xf32, #tpu.memory_space<vmem>>, vector<1x128xf32>
    %add3A_16 = vector.broadcast %get3A_15 : vector<1x128xf32> to vector<2000x128xf32>
    %add3A_17 = arith.addf %dot_general3A_12, %add3A_16 : vector<2000x128xf32>
    %ge3A = arith.constant 0.000000e+00 : f32
    %ge3A_18 = vector.broadcast %ge3A : f32 to vector<2000x128xf32>
    %ge3A_19 = arith.cmpf oge, %add3A_17, %ge3A_18 : vector<2000x128xf32>
    %mul3A = arith.constant 1.000000e-01 : f32
    %mul3A_20 = vector.broadcast %mul3A : f32 to vector<2000x128xf32>
    %mul3A_21 = arith.mulf %mul3A_20, %add3A_17 : vector<2000x128xf32>
    %select_n3A = arith.select %ge3A_19, %add3A_17, %mul3A_21 : vector<2000x128xi1>, vector<2000x128xf32>
    %get3A_22 = arith.constant 0 : index
    %get3A_23 = arith.constant 0 : index
    %get3A_24 = vector.load %arg4[%get3A_22, %get3A_23] : memref<128x128xf32, #tpu.memory_space<vmem>>, vector<128x128xf32>
    %dot_general3A_25 = arith.constant dense<0.000000e+00> : vector<2000x128xf32>
    %dot_general3A_26 = tpu.matmul %select_n3A, %get3A_24, %dot_general3A_25 {dimension_numbers = #tpu.dot_dimension_numbers<[1], [0], [0], [1], [0, 0, 1, 1], [], []>, transpose_lhs_hint = false} : vector<2000x128xf32>, vector<128x128xf32>, vector<2000x128xf32> -> vector<2000x128xf32>
    %get3A_27 = arith.constant 0 : index
    %get3A_28 = arith.constant 0 : index
    %get3A_29 = vector.load %arg5[%get3A_27, %get3A_28] : memref<1x128xf32, #tpu.memory_space<vmem>>, vector<1x128xf32>
    %add3A_30 = vector.broadcast %get3A_29 : vector<1x128xf32> to vector<2000x128xf32>
    %add3A_31 = arith.addf %dot_general3A_26, %add3A_30 : vector<2000x128xf32>
    %swap3A = arith.constant 0 : index
    %swap3A_32 = arith.constant 0 : index
    %swap3A_33 = vector.load %arg6[%swap3A, %swap3A_32] : memref<2000x128xf32, #tpu.memory_space<vmem>>, vector<2000x128xf32>
    tpu.vector_store %arg6[%swap3A, %swap3A_32], %add3A_31 {strides = array<i32>} : memref<2000x128xf32, #tpu.memory_space<vmem>>, vector<2000x128xf32>,
    return
  }
  func.func @transform_0(%arg0: i32) -> (i32, i32, i32) {
    %c0_i32 = arith.constant 0 : i32
    %c0_i32_0 = arith.constant 0 : i32
    %c0_i32_1 = arith.constant 0 : i32
    return %c0_i32, %arg0, %c0_i32_0 : i32, i32, i32
  }
  func.func @transform_1(%arg0: i32) -> (i32, i32) {
    %c0_i32 = arith.constant 0 : i32
    %c0_i32_0 = arith.constant 0 : i32
    %c0_i32_1 = arith.constant 0 : i32
    return %c0_i32, %c0_i32_0 : i32, i32
  }
  func.func @transform_2(%arg0: i32) -> (i32, i32) {
    %c0_i32 = arith.constant 0 : i32
    %c0_i32_0 = arith.constant 0 : i32
    %c0_i32_1 = arith.constant 0 : i32
    return %c0_i32, %c0_i32_0 : i32, i32
  }
  func.func @transform_3(%arg0: i32) -> (i32, i32) {
    %c0_i32 = arith.constant 0 : i32
    %c0_i32_0 = arith.constant 0 : i32
    %c0_i32_1 = arith.constant 0 : i32
    return %c0_i32, %c0_i32_0 : i32, i32
  }
  func.func @transform_4(%arg0: i32) -> (i32, i32) {
    %c0_i32 = arith.constant 0 : i32
    %c0_i32_0 = arith.constant 0 : i32
    %c0_i32_1 = arith.constant 0 : i32
    return %c0_i32, %c0_i32_0 : i32, i32
  }
  func.func @transform_5(%arg0: i32) -> (i32, i32) {
    %c0_i32 = arith.constant 0 : i32
    %c0_i32_0 = arith.constant 0 : i32
    return %arg0, %c0_i32 : i32, i32
  }
}

module attributes {stable_mosaic.version = 14 : i64} {
  func.func @_mlp_pool_body(%arg0: i32, %arg1: memref<1x1x2000xi32, #tpu.memory_space<vmem>>, %arg2: memref<2x2000x128xf32, #tpu.memory_space<vmem>>, %arg3: memref<128x128xf32, #tpu.memory_space<vmem>>, %arg4: memref<1x128xf32, #tpu.memory_space<vmem>>, %arg5: memref<128x128xf32, #tpu.memory_space<vmem>>, %arg6: memref<1x128xf32, #tpu.memory_space<vmem>>, %arg7: memref<128x128xf32, #tpu.memory_space<vmem>>, %arg8: memref<1x128xf32, #tpu.memory_space<vmem>>, %arg9: memref<128x128xf32, #tpu.memory_space<vmem>>, %arg10: memref<1x128xf32, #tpu.memory_space<vmem>>, %arg11: memref<64x128xf32, #tpu.memory_space<vmem>>, %arg12: memref<64x128xf32, #tpu.memory_space<vmem>>) attributes {dimension_semantics = [#tpu.dimension_semantics<arbitrary>], iteration_bounds = array<i64: 5>, scalar_prefetch = 0 : i64, scratch_operands = 1 : i64, tpu.core_type = #tpu.core_type<tc>, window_params = [{transform_indices = @transform_0, window_bounds = array<i64: 1, 1, 2000>}, {transform_indices = @transform_1, window_bounds = array<i64: 2, 2000, 128>}, {pipeline_mode = #tpu.pipeline_mode<synchronous>, transform_indices = @transform_2, window_bounds = array<i64: 128, 128>}, {pipeline_mode = #tpu.pipeline_mode<synchronous>, transform_indices = @transform_3, window_bounds = array<i64: 1, 128>}, {pipeline_mode = #tpu.pipeline_mode<synchronous>, transform_indices = @transform_4, window_bounds = array<i64: 128, 128>}, {pipeline_mode = #tpu.pipeline_mode<synchronous>, transform_indices = @transform_5, window_bounds = array<i64: 1, 128>}, {pipeline_mode = #tpu.pipeline_mode<synchronous>, transform_indices = @transform_6, window_bounds = array<i64: 128, 128>}, {pipeline_mode = #tpu.pipeline_mode<synchronous>, transform_indices = @transform_7, window_bounds = array<i64: 1, 128>}, {pipeline_mode = #tpu.pipeline_mode<synchronous>, transform_indices = @transform_8, window_bounds = array<i64: 128, 128>}, {pipeline_mode = #tpu.pipeline_mode<synchronous>, transform_indices = @transform_9, window_bounds = array<i64: 1, 128>}, {pipeline_mode = #tpu.pipeline_mode<synchronous>, transform_indices = @transform_10, window_bounds = array<i64: 64, 128>}]} {
    %eq3A = arith.constant 0 : i32
    %eq3A_0 = arith.cmpi eq, %arg0, %eq3A : i32
    %convert_element_type3A = arith.extui %eq3A_0 : i1 to i32
    %cond3A = arith.constant 0 : i32
    %cond3A_1 = arith.cmpi ne, %convert_element_type3A, %cond3A : i32
    scf.if %cond3A_1 {
      %broadcast_in_dim3A = arith.constant 0.000000e+00 : f32
      %broadcast_in_dim3A_56 = vector.broadcast %broadcast_in_dim3A : f32 to vector<64x128xf32>
      %swap3A_57 = arith.constant 0 : index
      %swap3A_58 = arith.constant 0 : index
      %swap3A_59 = vector.load %arg12[%swap3A_57, %swap3A_58] : memref<64x128xf32, #tpu.memory_space<vmem>>, vector<64x128xf32>
      tpu.vector_store %arg12[%swap3A_57, %swap3A_58], %broadcast_in_dim3A_56 {strides = array<i32>} : memref<64x128xf32, #tpu.memory_space<vmem>>, vector<64x128xf32>,
    } else {
    }
    %get3A = arith.constant 0 : index
    %get3A_2 = arith.constant 0 : index
    %get3A_3 = arith.constant 0 : index
    %get3A_4 = vector.load %arg2[%get3A, %get3A_2, %get3A_3] : memref<2x2000x128xf32, #tpu.memory_space<vmem>>, vector<1x2000x128xf32>
    %get3A_5 = vector.shape_cast %get3A_4 : vector<1x2000x128xf32> to vector<2000x128xf32>
    %get3A_6 = arith.constant 1 : index
    %get3A_7 = arith.constant 0 : index
    %get3A_8 = arith.constant 0 : index
    %get3A_9 = vector.load %arg2[%get3A_6, %get3A_7, %get3A_8] : memref<2x2000x128xf32, #tpu.memory_space<vmem>>, vector<1x2000x128xf32>
    %get3A_10 = vector.shape_cast %get3A_9 : vector<1x2000x128xf32> to vector<2000x128xf32>
    %add3A = arith.addf %get3A_5, %get3A_10 : vector<2000x128xf32>
    %get3A_11 = arith.constant 0 : index
    %get3A_12 = arith.constant 0 : index
    %get3A_13 = vector.load %arg3[%get3A_11, %get3A_12] : memref<128x128xf32, #tpu.memory_space<vmem>>, vector<128x128xf32>
    %dot_general3A = arith.constant dense<0.000000e+00> : vector<2000x128xf32>
    %dot_general3A_14 = tpu.matmul %add3A, %get3A_13, %dot_general3A {dimension_numbers = #tpu.dot_dimension_numbers<[1], [0], [0], [1], [0, 0, 1, 1], [], []>, transpose_lhs_hint = false} : vector<2000x128xf32>, vector<128x128xf32>, vector<2000x128xf32> -> vector<2000x128xf32>
    %get3A_15 = arith.constant 0 : index
    %get3A_16 = arith.constant 0 : index
    %get3A_17 = vector.load %arg4[%get3A_15, %get3A_16] : memref<1x128xf32, #tpu.memory_space<vmem>>, vector<1x128xf32>
    %add3A_18 = vector.broadcast %get3A_17 : vector<1x128xf32> to vector<2000x128xf32>
    %add3A_19 = arith.addf %dot_general3A_14, %add3A_18 : vector<2000x128xf32>
    %ge3A = arith.constant 0.000000e+00 : f32
    %ge3A_20 = vector.broadcast %ge3A : f32 to vector<2000x128xf32>
    %ge3A_21 = arith.cmpf oge, %add3A_19, %ge3A_20 : vector<2000x128xf32>
    %mul3A = arith.constant 1.000000e-01 : f32
    %mul3A_22 = vector.broadcast %mul3A : f32 to vector<2000x128xf32>
    %mul3A_23 = arith.mulf %mul3A_22, %add3A_19 : vector<2000x128xf32>
    %select_n3A = arith.select %ge3A_21, %add3A_19, %mul3A_23 : vector<2000x128xi1>, vector<2000x128xf32>
    %get3A_24 = arith.constant 0 : index
    %get3A_25 = arith.constant 0 : index
    %get3A_26 = vector.load %arg5[%get3A_24, %get3A_25] : memref<128x128xf32, #tpu.memory_space<vmem>>, vector<128x128xf32>
    %dot_general3A_27 = arith.constant dense<0.000000e+00> : vector<2000x128xf32>
    %dot_general3A_28 = tpu.matmul %select_n3A, %get3A_26, %dot_general3A_27 {dimension_numbers = #tpu.dot_dimension_numbers<[1], [0], [0], [1], [0, 0, 1, 1], [], []>, transpose_lhs_hint = false} : vector<2000x128xf32>, vector<128x128xf32>, vector<2000x128xf32> -> vector<2000x128xf32>
    %get3A_29 = arith.constant 0 : index
    %get3A_30 = arith.constant 0 : index
    %get3A_31 = vector.load %arg6[%get3A_29, %get3A_30] : memref<1x128xf32, #tpu.memory_space<vmem>>, vector<1x128xf32>
    %add3A_32 = vector.broadcast %get3A_31 : vector<1x128xf32> to vector<2000x128xf32>
    %add3A_33 = arith.addf %dot_general3A_28, %add3A_32 : vector<2000x128xf32>
    %get3A_34 = arith.constant 0 : index
    %get3A_35 = arith.constant 0 : index
    %get3A_36 = arith.constant 0 : index
    %get3A_37 = vector.load %arg1[%get3A_34, %get3A_35, %get3A_36] : memref<1x1x2000xi32, #tpu.memory_space<vmem>>, vector<1x1x2000xi32>
    %get3A_38 = vector.shape_cast %get3A_37 : vector<1x1x2000xi32> to vector<1x2000xi32>
    %iota3A = tpu.iota {dimensions = array<i32: 0>} : vector<64x2000xi32>
    %eq3A_39 = vector.broadcast %get3A_38 : vector<1x2000xi32> to vector<64x2000xi32>
    %eq3A_40 = arith.cmpi eq, %iota3A, %eq3A_39 : vector<64x2000xi32>
    %convert_element_type3A_41 = arith.extui %eq3A_40 : vector<64x2000xi1> to vector<64x2000xi32>
    %convert_element_type3A_42 = arith.sitofp %convert_element_type3A_41 : vector<64x2000xi32> to vector<64x2000xf32>
    %get3A_43 = arith.constant 0 : index
    %get3A_44 = arith.constant 0 : index
    %get3A_45 = vector.load %arg12[%get3A_43, %get3A_44] : memref<64x128xf32, #tpu.memory_space<vmem>>, vector<64x128xf32>
    %dot_general3A_46 = arith.constant dense<0.000000e+00> : vector<64x128xf32>
    %dot_general3A_47 = tpu.matmul %convert_element_type3A_42, %add3A_33, %dot_general3A_46 {dimension_numbers = #tpu.dot_dimension_numbers<[1], [0], [0], [1], [0, 0, 1, 1], [], []>, transpose_lhs_hint = false} : vector<64x2000xf32>, vector<2000x128xf32>, vector<64x128xf32> -> vector<64x128xf32>
    %add3A_48 = arith.addf %get3A_45, %dot_general3A_47 : vector<64x128xf32>
    %swap3A = arith.constant 0 : index
    %swap3A_49 = arith.constant 0 : index
    %swap3A_50 = vector.load %arg12[%swap3A, %swap3A_49] : memref<64x128xf32, #tpu.memory_space<vmem>>, vector<64x128xf32>
    tpu.vector_store %arg12[%swap3A, %swap3A_49], %add3A_48 {strides = array<i32>} : memref<64x128xf32, #tpu.memory_space<vmem>>, vector<64x128xf32>,
    %eq3A_51 = arith.constant 4 : i32
    %eq3A_52 = arith.cmpi eq, %arg0, %eq3A_51 : i32
    %convert_element_type3A_53 = arith.extui %eq3A_52 : i1 to i32
    %cond3A_54 = arith.constant 0 : i32
    %cond3A_55 = arith.cmpi ne, %convert_element_type3A_53, %cond3A_54 : i32
    scf.if %cond3A_55 {
      %get3A_56 = arith.constant 0 : index
      %get3A_57 = arith.constant 0 : index
      %get3A_58 = vector.load %arg12[%get3A_56, %get3A_57] : memref<64x128xf32, #tpu.memory_space<vmem>>, vector<64x128xf32>
      %get3A_59 = arith.constant 0 : index
      %get3A_60 = arith.constant 0 : index
      %get3A_61 = vector.load %arg7[%get3A_59, %get3A_60] : memref<128x128xf32, #tpu.memory_space<vmem>>, vector<128x128xf32>
      %dot_general3A_62 = arith.constant dense<0.000000e+00> : vector<64x128xf32>
      %dot_general3A_63 = tpu.matmul %get3A_58, %get3A_61, %dot_general3A_62 {dimension_numbers = #tpu.dot_dimension_numbers<[1], [0], [0], [1], [0, 0, 1, 1], [], []>, transpose_lhs_hint = false} : vector<64x128xf32>, vector<128x128xf32>, vector<64x128xf32> -> vector<64x128xf32>
      %get3A_64 = arith.constant 0 : index
      %get3A_65 = arith.constant 0 : index
      %get3A_66 = vector.load %arg8[%get3A_64, %get3A_65] : memref<1x128xf32, #tpu.memory_space<vmem>>, vector<1x128xf32>
      %add3A_67 = vector.broadcast %get3A_66 : vector<1x128xf32> to vector<64x128xf32>
      %add3A_68 = arith.addf %dot_general3A_63, %add3A_67 : vector<64x128xf32>
      %ge3A_69 = arith.constant 0.000000e+00 : f32
      %ge3A_70 = vector.broadcast %ge3A_69 : f32 to vector<64x128xf32>
      %ge3A_71 = arith.cmpf oge, %add3A_68, %ge3A_70 : vector<64x128xf32>
      %mul3A_72 = arith.constant 1.000000e-01 : f32
      %mul3A_73 = vector.broadcast %mul3A_72 : f32 to vector<64x128xf32>
      %mul3A_74 = arith.mulf %mul3A_73, %add3A_68 : vector<64x128xf32>
      %select_n3A_75 = arith.select %ge3A_71, %add3A_68, %mul3A_74 : vector<64x128xi1>, vector<64x128xf32>
      %get3A_76 = arith.constant 0 : index
      %get3A_77 = arith.constant 0 : index
      %get3A_78 = vector.load %arg9[%get3A_76, %get3A_77] : memref<128x128xf32, #tpu.memory_space<vmem>>, vector<128x128xf32>
      %dot_general3A_79 = arith.constant dense<0.000000e+00> : vector<64x128xf32>
      %dot_general3A_80 = tpu.matmul %select_n3A_75, %get3A_78, %dot_general3A_79 {dimension_numbers = #tpu.dot_dimension_numbers<[1], [0], [0], [1], [0, 0, 1, 1], [], []>, transpose_lhs_hint = false} : vector<64x128xf32>, vector<128x128xf32>, vector<64x128xf32> -> vector<64x128xf32>
      %get3A_81 = arith.constant 0 : index
      %get3A_82 = arith.constant 0 : index
      %get3A_83 = vector.load %arg10[%get3A_81, %get3A_82] : memref<1x128xf32, #tpu.memory_space<vmem>>, vector<1x128xf32>
      %add3A_84 = vector.broadcast %get3A_83 : vector<1x128xf32> to vector<64x128xf32>
      %add3A_85 = arith.addf %dot_general3A_80, %add3A_84 : vector<64x128xf32>
      %swap3A_86 = arith.constant 0 : index
      %swap3A_87 = arith.constant 0 : index
      %swap3A_88 = vector.load %arg11[%swap3A_86, %swap3A_87] : memref<64x128xf32, #tpu.memory_space<vmem>>, vector<64x128xf32>
      tpu.vector_store %arg11[%swap3A_86, %swap3A_87], %add3A_85 {strides = array<i32>} : memref<64x128xf32, #tpu.memory_space<vmem>>, vector<64x128xf32>,
    } else {
    }
    return
  }
  func.func @transform_0(%arg0: i32) -> (i32, i32, i32) {
    %c0_i32 = arith.constant 0 : i32
    %c0_i32_0 = arith.constant 0 : i32
    %c0_i32_1 = arith.constant 0 : i32
    return %arg0, %c0_i32, %c0_i32_0 : i32, i32, i32
  }
  func.func @transform_1(%arg0: i32) -> (i32, i32, i32) {
    %c0_i32 = arith.constant 0 : i32
    %c0_i32_0 = arith.constant 0 : i32
    %c0_i32_1 = arith.constant 0 : i32
    return %c0_i32, %arg0, %c0_i32_0 : i32, i32, i32
  }
  func.func @transform_2(%arg0: i32) -> (i32, i32) {
    %c0_i32 = arith.constant 0 : i32
    %c0_i32_0 = arith.constant 0 : i32
    %c0_i32_1 = arith.constant 0 : i32
    return %c0_i32, %c0_i32_0 : i32, i32
  }
  func.func @transform_3(%arg0: i32) -> (i32, i32) {
    %c0_i32 = arith.constant 0 : i32
    %c0_i32_0 = arith.constant 0 : i32
    %c0_i32_1 = arith.constant 0 : i32
    return %c0_i32, %c0_i32_0 : i32, i32
  }
  func.func @transform_4(%arg0: i32) -> (i32, i32) {
    %c0_i32 = arith.constant 0 : i32
    %c0_i32_0 = arith.constant 0 : i32
    %c0_i32_1 = arith.constant 0 : i32
    return %c0_i32, %c0_i32_0 : i32, i32
  }
  func.func @transform_5(%arg0: i32) -> (i32, i32) {
    %c0_i32 = arith.constant 0 : i32
    %c0_i32_0 = arith.constant 0 : i32
    %c0_i32_1 = arith.constant 0 : i32
    return %c0_i32, %c0_i32_0 : i32, i32
  }
  func.func @transform_6(%arg0: i32) -> (i32, i32) {
    %c0_i32 = arith.constant 0 : i32
    %c0_i32_0 = arith.constant 0 : i32
    %c0_i32_1 = arith.constant 0 : i32
    return %c0_i32, %c0_i32_0 : i32, i32
  }
  func.func @transform_7(%arg0: i32) -> (i32, i32) {
    %c0_i32 = arith.constant 0 : i32
    %c0_i32_0 = arith.constant 0 : i32
    %c0_i32_1 = arith.constant 0 : i32
    return %c0_i32, %c0_i32_0 : i32, i32
  }
  func.func @transform_8(%arg0: i32) -> (i32, i32) {
    %c0_i32 = arith.constant 0 : i32
    %c0_i32_0 = arith.constant 0 : i32
    %c0_i32_1 = arith.constant 0 : i32
    return %c0_i32, %c0_i32_0 : i32, i32
  }
  func.func @transform_9(%arg0: i32) -> (i32, i32) {
    %c0_i32 = arith.constant 0 : i32
    %c0_i32_0 = arith.constant 0 : i32
    %c0_i32_1 = arith.constant 0 : i32
    return %c0_i32, %c0_i32_0 : i32, i32
  }
  func.func @transform_10(%arg0: i32) -> (i32, i32) {
    %c0_i32 = arith.constant 0 : i32
    %c0_i32_0 = arith.constant 0 : i32
    %c0_i32_1 = arith.constant 0 : i32
    return %c0_i32, %c0_i32_0 : i32, i32
  }
}

</mosaic_0001>

<sc_bundles>
// kernel: kernel.11.cloned.1.call-start
scs
__scs_entry_jumppad:
0x0: {  	(pc) =	sbr.rel $0x88, $3  }
0x1: {  	(tag) =	ssettag $0x0;
	lr =	simm.s32 $0x1  }
0x2: {  	[smem:$0x3F86] =	sst lr;
	_ =	strace $0xD0000000  }
0x3: {  	_ = 	snop  }
0x4: {  	_ = 	snop  }
0x5: {  	_ = 	snop  }
0x6: {  	_ = 	snop  }
0x7: {  	_ = 	snop  }
__scs_overlays_trampoline_lowered:
0x8: {  	[smem:$0x3F95] =	sst s0  }
0x9: {  	[smem:$0x3F96] =	sst s1  }
0xa: {  	[smem:$0x3F97] =	sst s2  }
0xb: {  	[smem:$0x3F98] =	sst s3  }
0xc: {  	[smem:$0x3F99] =	sst s4  }
0xd: {  	[smem:$0x3F9A] =	sst s5  }
0xe: {  	[smem:$0x3F9B] =	sst s6  }
0xf: {  	[smem:$0x3F9C] =	sst s7  }
0x10: {  	[smem:$0x3F9D] =	sst s8  }
0x11: {  	[smem:$0x3F9E] =	sst s9;
	s0 =	simm.s32 @!p0 $0x0  }
0x12: {  	s1 =	sld [smem:$0x3F84];
	s0 =	simm.s32 @p0 $0x1  }
0x13: {  	[smem:$0x3F9F] =	sst s0;
	s0 =	simm.s32 @!p1 $0x0  }
0x14: {  	s2 =	sld [smem:$0x3F83];
	s0 =	simm.s32 @p1 $0x1  }
0x15: {  	[smem:$0x3FA0] =	sst s0;
	s0 =	simm.s32 @!p2 $0x0  }
0x16: {  	s3 =	sld [smem:$0x3FDB];
	s0 =	simm.s32 @p2 $0x1  }
0x17: {  	s4 =	simm.s32 $0x1BF5;
	[smem:$0x3FA2] =	sst s0  }
0x18: {  	s0 =	sld [smem:$0x3F85];
	_ =	swait.ge [sflag:s4], $0x0  }
0x19: {  	s7 =	sld [smem:$0x3F86]  }
0x1a: {  	s8 =	sadd.s32 $0xFFFFE003, lr  }
0x1b: {  	s9 =	sadd.s32 $0xFFFFFEF7, lr;
	s5 =	simm.s32 $0xFFFFFFFF;
	p2 =	slt.u32 s8, $0xFFFFF086  }
0x1c: {  	p1 =	slt.u32 s9, $0xF7A;
	s5 =	simm.s32 @!p2 $0x0  }
0x1d: {  	s5 =	simm.s32 @p1 $0x1;
	p0 =	seq.s32 s7, s2  }
0x1e: {  	s7 =	smul.u32 @!p0 $0xF7A, s2;
	p2 =	seq.s32 @!p0 s5, $0x0  }
0x1f: {  	s9 =	smul.u32 $0xF7A, s1;
	s8 =	simm.s32 @!p0 $0x1BF5;
	p2 =	por !p2, p0  }
0x20: {  	[sflag:s8] =	ssyncset.s32 @!p0 $0xFFFFF086;
	s6 =	sadd.s32 @!p0 s3, s7;
	s7 =	simm.s32 @!p0 $0x108  }
0x21: {  	s3 =	sadd.s32 s3, s9;
	s6 =	sadd.s32 @!p0 $0x88, s6;
	s7 =	simm.s32 @p2 $0x1082  }
0x22: {  	[simem:s7], [sflag:s8] =	dma.local @!p0 [hbm:s6], $0xF7A  }
0x23: {  	s9 =	sor.u32 $0xD0000000, s2;
	s6 =	simm.s32 $0x108;
	_ =	swait.ge @!p0 [sflag:s8], $0x0  }
0x24: {  	s3 =	sadd.s32 $0x88, s3;
	s6 =	simm.s32 @!p1 $0x1082;
	[sflag:s4] =	ssyncset.s32 $0xFFFFF086  }
0x25: {  	[simem:s6], [sflag:s4] =	dma.local [hbm:s3], $0xF7A  }
0x26: {  	[smem:$0x3F86] =	sst s1;
	(tag) =	ssettag s2;
	_ =	strace s9  }
0x27: {  	s1 =	sld [smem:$0x3F96]  }
0x28: {  	s2 =	sld [smem:$0x3F97]  }
0x29: {  	s4 =	sld [smem:$0x3F99]  }
0x2a: {  	p0 =	seq.s32 s5, $0x0;
	s5 =	sld [smem:$0x3F9A]  }
0x2b: {  	s6 =	sld [smem:$0x3F9B]  }
0x2c: {  	s7 =	sld [smem:$0x3F9C]  }
0x2d: {  	s3 =	simm.s32 $0x108;
	s8 =	sld [smem:$0x3F9D]  }
0x2e: {  	s3 =	simm.s32 @!p0 $0x1082;
	s9 =	sld [smem:$0x3F9E]  }
0x2f: {  	lr =	sadd.s32 s0, s3;
	s0 =	sld [smem:$0x3F95]  }
0x30: {  	s3 =	sld [smem:$0x3F98]  }
0x31: {  	[smem:$0x3FA1] =	sst s10  }
0x32: {  	s10 =	sld [smem:$0x3F9F];
	_ =	sdelay $0x3  }
0x33: {  	p0 =	seq.s32 s10, $0x1;
	s10 =	sld [smem:$0x3FA1];
	_ =	sdelay $0x3  }
0x34: {  	[smem:$0x3FA1] =	sst s10  }
0x35: {  	s10 =	sld [smem:$0x3FA0];
	_ =	sdelay $0x3  }
0x36: {  	p1 =	seq.s32 s10, $0x1;
	s10 =	sld [smem:$0x3FA1];
	_ =	sdelay $0x3  }
0x37: {  	[smem:$0x3FA1] =	sst s10  }
0x38: {  	s10 =	sld [smem:$0x3FA2]  }
0x39: {  	_ = 	snop;
	(pc) =	sbr.ind lr, $3  }
0x3a: {  	_ = 	snop  }
0x3b: {  	_ = 	snop  }
0x3c: {  	p2 =	seq.s32 s10, $0x1;
	s10 =	sld [smem:$0x3FA1]  }
0x3d: {  	_ =	shalt  }
0x3e: {  	_ =	shalt  }
0x3f: {  	_ =	shalt  }
0x40: {  	_ =	shalt  }
0x41: {  	_ =	shalt  }
0x42: {  	_ =	shalt  }
0x43: {  	_ =	shalt  }
0x44: {  	_ =	shalt  }
0x45: {  	_ =	shalt  }
0x46: {  	_ =	shalt  }
0x47: {  	_ =	shalt  }
0x48: {  	_ =	shalt  }
0x49: {  	_ =	shalt  }
0x4a: {  	_ =	shalt  }
0x4b: {  	_ =	shalt  }
0x4c: {  	_ =	shalt  }
0x4d: {  	_ =	shalt  }
0x4e: {  	_ =	shalt  }
0x4f: {  	_ =	shalt  }
0x50: {  	_ =	shalt  }
0x51: {  	_ =	shalt  }
0x52: {  	_ =	shalt  }
0x53: {  	_ =	shalt  }
0x54: {  	_ =	shalt  }
0x55: {  	_ =	shalt  }
0x56: {  	_ =	shalt  }
0x57: {  	_ =	shalt  }
0x58: {  	_ =	shalt  }
0x59: {  	_ =	shalt  }
0x5a: {  	_ =	shalt  }
0x5b: {  	_ =	shalt  }
0x5c: {  	_ =	shalt  }
0x5d: {  	_ =	shalt  }
0x5e: {  	_ =	shalt  }
0x5f: {  	_ =	shalt  }
0x60: {  	_ =	shalt  }
0x61: {  	_ =	shalt  }
0x62: {  	_ =	shalt  }
0x63: {  	_ =	shalt  }
0x64: {  	_ =	shalt  }
0x65: {  	_ =	shalt  }
0x66: {  	_ =	shalt  }
0x67: {  	_ =	shalt  }
0x68: {  	_ =	shalt  }
0x69: {  	_ =	shalt  }
0x6a: {  	_ =	shalt  }
0x6b: {  	_ =	shalt  }
0x6c: {  	_ =	shalt  }
0x6d: {  	_ =	shalt  }
0x6e: {  	_ =	shalt  }
0x6f: {  	_ =	shalt  }
0x70: {  	_ =	shalt  }
0x71: {  	_ =	shalt  }
0x72: {  	_ =	shalt  }
0x73: {  	_ =	shalt  }
0x74: {  	_ =	shalt  }
0x75: {  	_ =	shalt  }
0x76: {  	_ =	shalt  }
0x77: {  	_ =	shalt  }
0x78: {  	_ =	shalt  }
0x79: {  	_ =	shalt  }
0x7a: {  	_ =	shalt  }
0x7b: {  	_ =	shalt  }
0x7c: {  	_ =	shalt  }
0x7d: {  	_ =	shalt  }
0x7e: {  	_ =	shalt  }
0x7f: {  	_ =	shalt  }
0x80: {  	_ =	shalt  }
0x81: {  	_ =	shalt  }
0x82: {  	_ =	shalt  }
0x83: {  	_ =	shalt  }
0x84: {  	_ =	shalt  }
0x85: {  	_ =	shalt  }
0x86: {  	_ =	shalt  }
0x87: {  	_ =	shalt  }
.Lfunc_end0:
.L_simem_size_0:
called_computation.1_lowered:
.L_overlay_start_0:
0x88: {  	s2 =	sld [smem:$0x3FD9]  }
0x89: {  	s3 =	sld [smem:$0x3FFE];
	_ =	sdelay $0x1  }
0x8a: {  	s1 =	srdreg.scid  }
0x8b: {  	s0 =	sand.u32 $0x1, s1  }
0x8c: {  	s16 =	sshll.u32 s0, $0xA;
	s2 =	sadd.s32 s3, s2  }
0x8d: {  	s2 =	sadd.s32 s2, s16  }
0x8e: {  	[smem:$0x3FAD] =	sst s2  }
0x8f: {  	_ = 	snop  }
0x90: {  	(tm) =	ssettm $0x1  }
0x91: {  	s17 =	sld [smem:$0x3FFB];
	_ =	sdelay $0x3  }
0x92: {  	_ =	strace s17  }
0x93: {  	s2 =	sld [smem:$0x3FFC];
	_ =	sdelay $0x3  }
0x94: {  	_ =	strace s2  }
0x95: {  	s2 =	sld [smem:$0x3FFD];
	_ =	sdelay $0x3  }
0x96: {  	_ =	strace s2  }
0x97: {  	_ =	strace $0x8FFFFFFF  }
0x98: {  	s18 =	sld [smem:$0x3FDB];
	_ =	sdelay $0x1  }
0x99: {  	s19 =	simm.s32 $_scs_section_size  }
0x9a: {  	s4 =	simm.s32 $_size__tile_overlayer_lowered;
	s5 =	simm.s32 $_tile_overlayer_lowered  }
0x9b: {  	s22 =	simm.s32 $0x1BFF;
	s21 =	sshll.u32 s5, $0x1;
	s2 =	sadd.s32 s19, s18  }
0x9c: {  	s6 =	simm.s32 $0x0;
	s20 =	sshll.u32 s4, $0x1;
	s4 =	sadd.s32 s21, s2  }
0x9d: {  	[timem:s6], [sflag:s22] =	dma.local [hbm:s4], s20  }
0x9e: {  	_ =	swait.ge [sflag:s22], s20  }
0x9f: {  	s3 =	ssub.s32 $0x0, s20;
	[sflag:s22] =	ssyncset.done $0x0  }
0xa0: {  	[sflag:s22] =	ssyncadd.s32 s3;
	_ =	sdelay $0x1  }
0xa1: {  	s23 =	simm.s32 $0x1B8B  }
0xa2: {  	_ =	swait.ge [sflag:s23], $0x1  }
0xa3: {  	[sflag:s23] =	ssyncset.done $0x0  }
0xa4: {  	s25 =	simm.s32 $0x1B8E;
	s24 =	sld [smem:$0x3FFE];
	[sflag:s23] =	ssyncadd.s32 $0xFFFFFFFF  }
0xa5: {  	s26 =	simm.s32 $execute0_lowered;
	[smem:$0x3FD2] =	sst s25  }
0xa6: {  	s4 =	sshll.u32 s26, $0x1;
	_ =	strace $0x80000049;
	[dreg:$0x1] =	wrdreg $0xFFFFFFFF  }
0xa7: {  	s28 =	simm.s32 $_size_execute0_lowered;
	s2 =	sadd.s32 s2, s4;
	[dreg:$0x0] =	wrdreg $0x0  }
0xa8: {  	s4 =	sshll.u32 s28, $0x1;
	[dreg:$0x2] =	wrdreg s2  }
0xa9: {  	[dreg:$0x3] =	wrdreg s4  }
0xaa: {  	[dreg:$0x4] =	wrdreg $0xC0  }
0xab: {  	_ =	task [dreg:s6], $0x5FFFF  }
0xac: {  	[dreg:$0x1] =	wrdreg $0xFFFFFFFF  }
0xad: {  	[dreg:$0x0] =	wrdreg $0x60  }
0xae: {  	[dreg:$0x2] =	wrdreg s24  }
0xaf: {  	[dreg:$0x3] =	wrdreg $0xC5000  }
0xb0: {  	[dreg:$0x4] =	wrdreg $0x9  }
0xb1: {  	_ =	task.clear_ibuf [dreg:s6], $0x5FFFF;
	_ =	strace $0x90000049  }
0xb2: {  	s29 =	simm.s32 $0x9;
	_ =	strace $0x8000004B  }
0xb3: {  	_ =	swait.ge [sflag:s29], $0x1  }
0xb4: {  	[sflag:s29] =	ssyncadd.s32 $0xFFFFFFFF  }
0xb5: {  	_ =	strace $0x9000004B  }
0xb6: {  	_ =	sfence  }
0xb7: {  	s30 =	sld [smem:$0x0];
	_ =	sdelay $0x2  }
0xb8: {  	s31 =	sshll.u32 s1, $0xD;
	s1 =	sshrl.u32 s1, $0x2  }
0xb9: {  	s3 =	sand.u32 $0x4000, s31;
	s1 =	sadd.s32 s1, s30  }
0xba: {  	s0 =	sor.u32 s3, s0;
	s1 =	sshll.u32 s1, $0x11  }
0xbb: {  	s0 =	sor.u32 s1, s0  }
0xbc: {  	s0 =	sadd.s32 $0x8F2B, s0  }
0xbd: {  	[sflag:s0] =	ssyncadd.remote.s32 $0x1  }
0xbe: {  	_ =	sfence.sel $0xFFFF  }
0xbf: {  	[dreg:$0x0] =	wrdreg $0xFFFFFFFF;
	(pc) =	sbr.abs _section_cstart, $3  }
0xc0: {  	[dreg:$0x1] =	wrdreg $0xFFFFFFFF  }
0xc1: {  	_ =	task.clear_ibuf [dreg:s6], $0x2FFFF;
	_ =	strace $0x9FFFFFFF  }
0xc2: {  	(tm) =	ssettm $0x7FFFFFFF  }
0xc3: {  	_ =	shalt  }
tec
execute0_lowered:
.L_overlay_start_1:
0x0: {  	(tag) =	ssettag $0x1  }
0x1: {  	s3 =	rddreg [dreg:$0x0]  }
0x2: {  	s1 =	rddreg [dreg:$0x1];
	s2 =	simm.s32 $0x0  }
0x3: {  	s18 =	stileid.u32;
	s0 =	srdreg.scid;
	s30 =	simm.s32 $0x60  }
0x4: {  	s31 =	simm.s32 $0x500;
	s28 =	simm.s32 $0x7;
	[smem:$0x7FF] =	sst s2  }
0x5: {  	s4 =	sadd.s32 $0x3F200, s3;
	s8 =	smul.u32 $0x2700, s18;
	s5 =	sadd.s32 $0xE200, s3  }
0x6: {  	s6 =	sadd.s32 $0x4400, s3;
	s0 =	sand.u32 $0x1, s0;
	s7 =	smul.u32 $0x4E000, s18  }
0x7: {  	s11 =	sadd.s32 $0x66400, s3;
	p1 =	seq.s32 s18, $0x0;
	s14 =	smul.u32 $0x2710, s18  }
0x8: {  	s19 =	sadd.s32 $0x138000, s1;
	s29 =	sadd.s32 $0x66200, s3;
	s16 =	smul.u32 $0x13800, s18  }
0x9: {  	p3 =	sne.s32 s18, $0x0;
	_ =	strace $0x8000004A;
	s10 =	ssub.s32 $0x2, s0  }
0xa: {  	s12 =	sshll.u32 s0, $0x4;
	p0 =	seq.s32 s0, $0x1;
	s26 =	smul.u32 $0x27100, s0  }
0xb: {  	[dreg:$0xf] =	wrdreg s29;
	s15 =	smul.u32 $0x138800, s0;
	p2 =	sne.s32 s0, $0x0  }
0xc: {  	[dreg:$0xe] =	wrdreg s19;
	s9 =	sadd.s32 s8, s3;
	s13 =	sshrl.u32 s10, $0x1  }
0xd: {  	s12 =	sor.u32 s18, s12;
	s7 =	sshrl.u32 s7, $0x2;
	s8 =	sadd.s32 s4, s8  }
0xe: {  	p1 =	por !p1, !p0;
	s3 =	sadd.s32 $0x3F000, s3;
	s13 =	ssub.s32 s10, s13  }
0xf: {  	s12 =	smul.u32 $0x2710, s12;
	s7 =	sadd.s32 s7, s1;
	[dreg:$0xc] =	wrdreg s8  }
0x10: {  	s25 =	sadd.s32 $0x18000, s9;
	s8 =	sor.u32 s18, s0;
	s9 =	sadd.s32 s14, s26  }
0x11: {  	[dreg:$0x10] =	wrdreg s3;
	s16 =	sadd.s32 s16, s15;
	s15 =	sshrl.u32 s15, $0x3  }
0x12: {  	s0 =	simm.s32 @!p3 $0x0;
	[dreg:$0xd] =	wrdreg s25;
	s17 =	sadd.s32 $0x1E0, s9  }
0x13: {  	s16 =	sshrl.u32 s16, $0x3;
	s25 =	sadd.s32 $0x240, s9;
	s29 =	sadd.s32 $0xC0, s9  }
0x14: {  	s0 =	simm.s32 @p3 $0x1;
	[dreg:$0xb] =	wrdreg s7;
	s3 =	sshrl.u32 s17, $0x3  }
0x15: {  	s16 =	sadd.s32 s11, s16;
	s11 =	sadd.s32 s11, s15;
	[smem:$0x7FD] =	sst s0  }
0x16: {  	s26 =	sshrl.u32 s25, $0x3;
	s25 =	simm.s32 $0x300;
	[dreg:$0x13] =	wrdreg s16  }
0x17: {  	s15 =	sshrl.u32 s29, $0x3;
	s29 =	simm.s32 $0x6500;
	[dreg:$0x9] =	wrdreg s25  }
0x18: {  	s22 =	sadd.s32 $0x120, s9;
	s21 =	sadd.s32 s3, s6;
	[dreg:$0xa] =	wrdreg s29  }
0x19: {  	s12 =	sshrl.u32 s12, $0x3;
	s3 =	sadd.s32 s3, s5;
	[dreg:$0x3] =	wrdreg s21  }
0x1a: {  	s14 =	sadd.s32 s5, s12;
	s20 =	sadd.s32 $0xC, s12;
	[dreg:$0x4] =	wrdreg s3  }
0x1b: {  	s16 =	sshrl.u32 s22, $0x3;
	s17 =	sadd.s32 s5, s20;
	[dreg:$0x11] =	wrdreg s14  }
0x1c: {  	p1 =	por !p1, !p1;
	s23 =	sadd.s32 s16, s6;
	[dreg:$0x12] =	wrdreg s17  }
0x1d: {  	p4 =	sne.s32 s8, $0x0;
	s24 =	sadd.s32 s16, s5;
	[dreg:$0x5] =	wrdreg s23  }
0x1e: {  	s8 =	simm.s32 $0x180;
	s10 =	sadd.s32 $0x18, s14;
	[dreg:$0x6] =	wrdreg s24  }
0x1f: {  	s25 =	simm.s32 $0x100;
	s3 =	sadd.s32 s26, s5;
	[dreg:$0x14] =	wrdreg s10  }
0x20: {  	s16 =	sadd.s32 s6, s12;
	s20 =	sadd.s32 s6, s20;
	[dreg:$0x7] =	wrdreg s3  }
0x21: {  	s12 =	sadd.s32 $0x4E0, s12;
	s26 =	sadd.s32 $0x180, s9;
	[dreg:$0x15] =	wrdreg s16  }
0x22: {  	s9 =	simm.s32 $0x9;
	s14 =	simm.s32 $0x8;
	[dreg:$0x16] =	wrdreg s20  }
0x23: {  	s17 =	sadd.s32 s15, s6;
	s21 =	sadd.s32 s5, s12;
	[dreg:$0x1b] =	wrdreg s26  }
0x24: {  	s22 =	sadd.s32 s6, s12;
	s23 =	sadd.s32 $0x27000, s11;
	[dreg:$0x8] =	wrdreg s17  }
0x25: {  	s24 =	smax.u32 s13, $0x1;
	s26 =	simm.s32 $0x200;
	[dreg:$0x17] =	wrdreg s21  }
0x26: {  	s11 =	simm.s32 $0x1;
	s12 =	simm.s32 $0x380;
	[dreg:$0x18] =	wrdreg s22  }
0x27: {  	s15 =	simm.s32 $0x9500;
	s13 =	simm.s32 $0xC;
	[dreg:$0x19] =	wrdreg s23  }
0x28: {  	s16 =	simm.s32 $0x4;
	[dreg:$0x1a] =	wrdreg s24;
	s21 =	simm.s32 $0x0  }
.LBB2_1:
0x29: {  	s0 =	sshll.u32 @!p2 s18, $0x6  }
0x2a: {  	s3 =	sshrl.u32 @!p2 s7, $0x3;
	s10 =	rddreg [dreg:$0xc];
	s0 =	sor.u32 @!p2 $0x1C0D, s0  }
0x2b: {  	[spmem:s3], [sflag:s0] =	dma.local @!p2 [hbm:s10], $0x2700  }
0x2c: {  	s0 =	sshll.u32 @p0 s18, $0x6  }
0x2d: {  	s3 =	sshrl.u32 @p0 s7, $0x3;
	s0 =	sor.u32 @p0 $0x1C0D, s0;
	s7 =	rddreg [dreg:$0xd]  }
0x2e: {  	[spmem:s3], [sflag:s0] =	dma.local @p0 [hbm:s7], $0x2700  }
0x2f: {  	s0 =	sshll.u32 @!p4 s18, $0x6  }
0x30: {  	s3 =	sshrl.u32 @!p4 s19, $0x3;
	s0 =	sor.u32 @!p4 $0x1C0E, s0;
	s7 =	rddreg [dreg:$0xf]  }
0x31: {  	[spmem:s3], [sflag:s0] =	dma.local @!p4 [hbm:s7], $0x100  }
0x32: {  	s0 =	sshrl.u32 @p1 s19, $0x3;
	s3 =	simm.s32 @p1 $0x1C0E;
	s7 =	rddreg [dreg:$0x10]  }
0x33: {  	[spmem:s0], [sflag:s3] =	dma.local @p1 [hbm:s7], $0x100  }
0x34: {  	s0 =	rddreg [dreg:$0x11]  }
0x35: {  	[tilespmem:s2], [sflag:$0x5] =	stream.linear.gather [hbm4b:s0+s2], $0x60, $0x38;
	[tilespmem:$0x1FD80] =	vst v63  }
0x36: {  	s20 =	simm.s32 $0x80;
	s19 =	rddreg [dreg:$0x12]  }
0x37: {  	[tilespmem:s20], [sflag:$0x6] =	stream.linear.gather [hbm4b:s19+s2], $0x60, $0x38;
	[tilespmem:$0x1FD80] =	vst v63  }
0x38: {  	s22 =	rddreg [dreg:$0x14]  }
0x39: {  	[tilespmem:s25], [sflag:$0x7] =	stream.linear.gather [hbm4b:s22+s2], $0x60, $0x38;
	[tilespmem:$0x1FD80] =	vst v63  }
0x3a: {  	s23 =	rddreg [dreg:$0x15]  }
0x3b: {  	[tilespmem:s26], [sflag:$0x9] =	stream.linear.gather [hbm4b:s23+s2], $0x60, $0x38;
	[tilespmem:$0x1FD80] =	vst v63  }
0x3c: {  	s29 =	simm.s32 $0x280;
	s7 =	simm.s32 $0x5;
	s24 =	rddreg [dreg:$0x16]  }
0x3d: {  	[tilespmem:s29], [sflag:$0xA] =	stream.linear.gather [hbm4b:s24+s2], $0x60, $0x38;
	[tilespmem:$0x1FD80] =	vst v63  }
0x3e: {  	_ =	swait.ge [sflag:s7], $0x60  }
0x3f: {  	[sflag:s7] =	ssyncset.done $0x0  }
0x40: {  	s10 =	simm.s32 $0x6;
	[sflag:s7] =	ssyncadd.s32 $0xFFFFFFA0  }
0x41: {  	[tilespmem:s31], [sflag:$0x1] =	stream.indirect.gather [hbm4b:s4+s30], $0x80, s2, s30, $0xb8;
	[tilespmem:$0x1FD80] =	vst v63  }
0x42: {  	_ =	swait.ge [sflag:s10], $0x60  }
0x43: {  	[sflag:s10] =	ssyncset.done $0x0  }
0x44: {  	s17 =	simm.s32 $0x3500;
	s0 =	simm.s32 @!p2 $0xD;
	[sflag:s10] =	ssyncadd.s32 $0xFFFFFFA0  }
0x45: {  	[tilespmem:s17], [sflag:$0x2] =	stream.indirect.gather [hbm4b:s4+s30], $0x80, s20, s30, $0xb8;
	[tilespmem:$0x1FD80] =	vst v63  }
0x46: {  	_ =	swait.ge @!p2 [sflag:s0], $0x2700  }
0x47: {  	[sflag:s0] =	ssyncset.done @!p2 $0x0  }
0x48: {  	[sflag:s0] =	ssyncadd.s32 @!p2 $0xFFFFD900;
	s0 =	simm.s32 @p0 $0xD  }
0x49: {  	_ =	swait.ge @p0 [sflag:s0], $0x2700  }
0x4a: {  	[sflag:s0] =	ssyncset.done @p0 $0x0  }
0x4b: {  	[sflag:s0] =	ssyncadd.s32 @p0 $0xFFFFD900;
	s0 =	simm.s32 @!p4 $0xE  }
0x4c: {  	_ =	swait.ge @!p4 [sflag:s0], $0x100  }
0x4d: {  	[sflag:s0] =	ssyncset.done @!p4 $0x0  }
0x4e: {  	[sflag:s0] =	ssyncadd.s32 @!p4 $0xFFFFFF00;
	s0 =	simm.s32 @p1 $0xE  }
0x4f: {  	_ =	swait.ge @p1 [sflag:s0], $0x100  }
0x50: {  	p3 =	por $0x1, $0x1;
	[sflag:s0] =	ssyncset.done @p1 $0x0  }
0x51: {  	p3 =	por p3, p3;
	[sflag:s0] =	ssyncadd.s32 @p1 $0xFFFFFF00  }
0x52: {  	s0 =	simm.s32 @!p3 $0xF;
	[bflag:$0x0] =	sbarrier.arrive $0xFFFF  }
0x53: {  	_ =	swait.ge @!p3 [sflag:s0], $0x3000  }
0x54: {  	s18 =	rddreg [dreg:$0x8];
	[sflag:s0] =	ssyncset.done @!p3 $0x0  }
0x55: {  	s17 =	rddreg [dreg:$0x9];
	[sflag:s0] =	ssyncadd.s32 @!p3 $0xFFFFD000;
	s19 =	sadd.s32 $0x0, s18  }
0x56: {  	[tilespmem:s17], [sflag:$0xB] =	stream.linear.gather [hbm4b:s19+s2], $0x60, $0x38;
	[tilespmem:$0x1FD80] =	vst v63  }
0x57: {  	_ =	swait.ge [sflag:s28], $0x60  }
0x58: {  	s20 =	rddreg [dreg:$0xa];
	[sflag:s28] =	ssyncset.done $0x0  }
0x59: {  	s22 =	rddreg [dreg:$0x6];
	[sflag:s28] =	ssyncadd.s32 $0xFFFFFFA0  }
0x5a: {  	[tilespmem:s20], [sflag:$0x3] =	stream.indirect.gather [hbm4b:s4+s30], $0x80, s25, s30, $0xb8;
	[tilespmem:$0x1FD80] =	vst v63  }
0x5b: {  	s23 =	sadd.s32 $0x0, s22  }
0x5c: {  	[tilespmem:s8], [sflag:$0x8] =	stream.linear.gather [hbm4b:s23+s2], $0x60, $0x38;
	[tilespmem:$0x1FD80] =	vst v63  }
0x5d: {  	_ =	swait.ge [sflag:s9], $0x60  }
0x5e: {  	[sflag:s9] =	ssyncset.done $0x0  }
0x5f: {  	[sflag:s9] =	ssyncadd.s32 $0xFFFFFFA0  }
0x60: {  	_ =	swait.ge [sflag:s11], $0x3000  }
0x61: {  	[sflag:s11] =	ssyncset.done $0x0  }
0x62: {  	s0 =	simm.s32 @!p3 $0x10;
	[sflag:s11] =	ssyncadd.s32 $0xFFFFD000  }
0x63: {  	[spmem:s1] =	stream.indirect.scatter.add.f32 [tilespmem:s31], [sflag:$0xD], $0x80, s26, s30, $0xb8;
	[tilespmem:$0x1FD80] =	vst v63  }
0x64: {  	_ =	swait.ge @!p3 [sflag:s0], $0x3000  }
0x65: {  	s24 =	rddreg [dreg:$0x5];
	[sflag:s0] =	ssyncset.done @!p3 $0x0  }
0x66: {  	[sflag:s0] =	ssyncadd.s32 @!p3 $0xFFFFD000;
	s29 =	sadd.s32 $0x0, s24  }
0x67: {  	[tilespmem:s12], [sflag:$0xC] =	stream.linear.gather [hbm4b:s29+s2], $0x60, $0x38;
	[tilespmem:$0x1FD80] =	vst v63  }
0x68: {  	_ =	swait.ge [sflag:s14], $0x60  }
0x69: {  	p3 =	por $0x1, $0x1;
	[sflag:s14] =	ssyncset.done $0x0;
	s7 =	rddreg [dreg:$0x1b]  }
0x6a: {  	[sflag:s14] =	ssyncadd.s32 $0xFFFFFFA0;
	s0 =	sshrl.u32 @p3 s7, $0x3  }
0x6b: {  	[tilespmem:s15], [sflag:$0x4] =	stream.indirect.gather [hbm4b:s4+s30], $0x80, s8, s30, $0xb8;
	[tilespmem:$0x1FD80] =	vst v63  }
0x6c: {  	s3 =	simm.s32 @p3 $0x0;
	s19 =	simm.s32 @p3 $0xA;
	s17 =	sadd.s32 @p3 s5, s0  }
0x6d: {  	[tilespmem:s3], [sflag:$0x5] =	stream.linear.gather @p3 [hbm4b:s17+s3], $0x60, $0x38;
	[tilespmem:$0x1FD80] =	vst v63  }
0x6e: {  	_ =	swait.ge @p3 [sflag:s19], $0x60  }
0x6f: {  	[sflag:s19] =	ssyncset.done @p3 $0x0  }
0x70: {  	s17 =	simm.s32 @p3 $0x2;
	[sflag:s19] =	ssyncadd.s32 @p3 $0xFFFFFFA0  }
0x71: {  	_ =	swait.ge @p3 [sflag:s17], $0x3000  }
0x72: {  	s20 =	simm.s32 @p3 $0x60;
	s22 =	simm.s32 @p3 $0x280;
	[sflag:s17] =	ssyncset.done @p3 $0x0  }
0x73: {  	s19 =	simm.s32 @p3 $0x3500;
	[sflag:s17] =	ssyncadd.s32 @p3 $0xFFFFD000;
	s17 =	simm.s32 @p3 $0xD  }
0x74: {  	[spmem:s1] =	stream.indirect.scatter.add.f32 @p3 [tilespmem:s19], [sflag:$0xE], $0x80, s22, s20, $0xb8;
	[tilespmem:$0x1FD80] =	vst v63  }
0x75: {  	_ =	swait.ge @p3 [sflag:s17], $0x3000  }
0x76: {  	s29 =	simm.s32 @p3 $0x200;
	[sflag:s17] =	ssyncset.done @p3 $0x0  }
0x77: {  	s0 =	sadd.s32 @p3 s6, s0;
	[sflag:s17] =	ssyncadd.s32 @p3 $0xFFFFD000;
	s17 =	simm.s32 @p3 $0x5  }
0x78: {  	[tilespmem:s29], [sflag:$0x9] =	stream.linear.gather @p3 [hbm4b:s0+s3], $0x60, $0x38;
	[tilespmem:$0x1FD80] =	vst v63  }
0x79: {  	_ =	swait.ge @p3 [sflag:s17], $0x60  }
0x7a: {  	[sflag:s17] =	ssyncset.done @p3 $0x0  }
0x7b: {  	s29 =	simm.s32 @p3 $0x500;
	s0 =	rddreg [dreg:$0x4];
	[sflag:s17] =	ssyncadd.s32 @p3 $0xFFFFFFA0  }
0x7c: {  	[tilespmem:s29], [sflag:$0x1] =	stream.indirect.gather @p3 [hbm4b:s4+s20], $0x80, s3, s20, $0xb8;
	[tilespmem:$0x1FD80] =	vst v63  }
0x7d: {  	s17 =	simm.s32 @p3 $0x80;
	s0 =	sadd.s32 @p3 $0x0, s0;
	s29 =	simm.s32 @p3 $0xB  }
0x7e: {  	[tilespmem:s17], [sflag:$0x6] =	stream.linear.gather @p3 [hbm4b:s0+s3], $0x60, $0x38;
	[tilespmem:$0x1FD80] =	vst v63  }
0x7f: {  	_ =	swait.ge @p3 [sflag:s29], $0x60  }
0x80: {  	[sflag:s29] =	ssyncset.done @p3 $0x0  }
0x81: {  	s0 =	simm.s32 @p3 $0x3;
	[sflag:s29] =	ssyncadd.s32 @p3 $0xFFFFFFA0  }
0x82: {  	_ =	swait.ge @p3 [sflag:s0], $0x3000  }
0x83: {  	[sflag:s0] =	ssyncset.done @p3 $0x0  }
0x84: {  	s29 =	simm.s32 @p3 $0x300;
	[sflag:s0] =	ssyncadd.s32 @p3 $0xFFFFD000;
	s0 =	simm.s32 @p3 $0x6500  }
0x85: {  	[spmem:s1] =	stream.indirect.scatter.add.f32 @p3 [tilespmem:s0], [sflag:$0xF], $0x80, s29, s20, $0xb8;
	[tilespmem:$0x1FD80] =	vst v63  }
0x86: {  	s0 =	simm.s32 @p3 $0xE  }
0x87: {  	_ =	swait.ge @p3 [sflag:s0], $0x3000  }
0x88: {  	s29 =	rddreg [dreg:$0x3];
	[sflag:s0] =	ssyncset.done @p3 $0x0  }
0x89: {  	[sflag:s0] =	ssyncadd.s32 @p3 $0xFFFFD000;
	s0 =	sadd.s32 @p3 $0x0, s29  }
0x8a: {  	[tilespmem:s22], [sflag:$0xA] =	stream.linear.gather @p3 [hbm4b:s0+s3], $0x60, $0x38;
	[tilespmem:$0x1FD80] =	vst v63  }
0x8b: {  	s0 =	simm.s32 @p3 $0x6  }
0x8c: {  	_ =	swait.ge @p3 [sflag:s0], $0x60  }
0x8d: {  	[sflag:s0] =	ssyncset.done @p3 $0x0  }
0x8e: {  	s22 =	rddreg [dreg:$0x7];
	[sflag:s0] =	ssyncadd.s32 @p3 $0xFFFFFFA0  }
0x8f: {  	[tilespmem:s19], [sflag:$0x2] =	stream.indirect.gather @p3 [hbm4b:s4+s20], $0x80, s17, s20, $0xb8;
	[tilespmem:$0x1FD80] =	vst v63  }
0x90: {  	s0 =	simm.s32 @p3 $0x100;
	s17 =	sadd.s32 @p3 $0x0, s22;
	s19 =	simm.s32 @!p3 $0xA  }
0x91: {  	[tilespmem:s0], [sflag:$0x7] =	stream.linear.gather @p3 [hbm4b:s17+s3], $0x60, $0x38;
	[tilespmem:$0x1FD80] =	vst v63  }
0x92: {  	_ =	swait.ge @!p3 [sflag:s19], $0x60  }
0x93: {  	[sflag:s19] =	ssyncset.done @!p3 $0x0  }
0x94: {  	s0 =	simm.s32 @!p3 $0x2;
	[sflag:s19] =	ssyncadd.s32 @!p3 $0xFFFFFFA0  }
0x95: {  	_ =	swait.ge @!p3 [sflag:s0], $0x3000  }
0x96: {  	s3 =	simm.s32 @!p3 $0x3500;
	s17 =	simm.s32 @!p3 $0x60;
	[sflag:s0] =	ssyncset.done @!p3 $0x0  }
0x97: {  	s19 =	simm.s32 @!p3 $0x280;
	[sflag:s0] =	ssyncadd.s32 @!p3 $0xFFFFD000;
	s0 =	simm.s32 @!p3 $0xD  }
0x98: {  	[spmem:s1] =	stream.indirect.scatter.add.f32 @!p3 [tilespmem:s3], [sflag:$0xE], $0x80, s19, s17, $0xb8;
	[tilespmem:$0x1FD80] =	vst v63  }
0x99: {  	_ =	swait.ge @!p3 [sflag:s0], $0x3000  }
0x9a: {  	[sflag:s0] =	ssyncset.done @!p3 $0x0  }
0x9b: {  	s3 =	simm.s32 @!p3 $0xB;
	[sflag:s0] =	ssyncadd.s32 @!p3 $0xFFFFD000  }
0x9c: {  	_ =	swait.ge @!p3 [sflag:s3], $0x60  }
0x9d: {  	[sflag:s3] =	ssyncset.done @!p3 $0x0  }
0x9e: {  	s0 =	simm.s32 @!p3 $0x3;
	[sflag:s3] =	ssyncadd.s32 @!p3 $0xFFFFFFA0  }
0x9f: {  	_ =	swait.ge @!p3 [sflag:s0], $0x3000  }
0xa0: {  	s19 =	simm.s32 @!p3 $0x6500;
	[sflag:s0] =	ssyncset.done @!p3 $0x0  }
0xa1: {  	s3 =	simm.s32 @!p3 $0x300;
	[sflag:s0] =	ssyncadd.s32 @!p3 $0xFFFFD000;
	s0 =	simm.s32 @!p3 $0xE  }
0xa2: {  	[spmem:s1] =	stream.indirect.scatter.add.f32 @!p3 [tilespmem:s19], [sflag:$0xF], $0x80, s3, s17, $0xb8;
	[tilespmem:$0x1FD80] =	vst v63  }
0xa3: {  	_ =	swait.ge @!p3 [sflag:s0], $0x3000  }
0xa4: {  	[sflag:s0] =	ssyncset.done @!p3 $0x0  }
0xa5: {  	[sflag:s0] =	ssyncadd.s32 @!p3 $0xFFFFD000  }
0xa6: {  	_ =	swait.ge [sflag:s13], $0x60  }
0xa7: {  	p6 =	por $0x0, $0x0;
	[sflag:s13] =	ssyncset.done $0x0  }
0xa8: {  	p5 =	por p6, p6;
	[sflag:s13] =	ssyncadd.s32 $0xFFFFFFA0  }
0xa9: {  	s22 =	simm.s32 $0x30;
	s20 =	simm.s32 $0x60;
	_ =	swait.ge [sflag:s16], $0x3000  }
0xaa: {  	s19 =	sadd.s32 $0x180, s7;
	s0 =	simm.s32 @!p5 $0xF;
	[sflag:s16] =	ssyncset.done $0x0  }
.LBB2_2:
0xab: {  	[sflag:s16] =	ssyncadd.s32 $0xFFFFD000  }
0xac: {  	[spmem:s1] =	stream.indirect.scatter.add.f32 [tilespmem:s15], [sflag:$0x10], $0x80, s12, s30, $0xb8;
	[tilespmem:$0x1FD80] =	vst v63  }
0xad: {  	_ =	swait.ge @!p5 [sflag:s0], $0x3000  }
0xae: {  	[sflag:s0] =	ssyncset.done @!p5 $0x0;
	s3 =	rddreg [dreg:$0x8]  }
0xaf: {  	s7 =	rddreg [dreg:$0x9];
	[sflag:s0] =	ssyncadd.s32 @!p5 $0xFFFFD000;
	s3 =	sadd.s32 s22, s3  }
0xb0: {  	[tilespmem:s7], [sflag:$0xB] =	stream.linear.gather [hbm4b:s3+s2], $0x60, $0x38;
	[tilespmem:$0x1FD80] =	vst v63  }
0xb1: {  	_ =	swait.ge [sflag:s28], $0x60  }
0xb2: {  	s10 =	rddreg [dreg:$0xa];
	[sflag:s28] =	ssyncset.done $0x0  }
0xb3: {  	s17 =	rddreg [dreg:$0x6];
	[sflag:s28] =	ssyncadd.s32 $0xFFFFFFA0  }
0xb4: {  	[tilespmem:s10], [sflag:$0x3] =	stream.indirect.gather [hbm4b:s4+s30], $0x80, s25, s30, $0xb8;
	[tilespmem:$0x1FD80] =	vst v63  }
0xb5: {  	s18 =	sadd.s32 s22, s17  }
0xb6: {  	[tilespmem:s8], [sflag:$0x8] =	stream.linear.gather [hbm4b:s18+s2], $0x60, $0x38;
	[tilespmem:$0x1FD80] =	vst v63  }
0xb7: {  	_ =	swait.ge [sflag:s9], $0x60  }
0xb8: {  	[sflag:s9] =	ssyncset.done $0x0  }
0xb9: {  	[sflag:s9] =	ssyncadd.s32 $0xFFFFFFA0  }
0xba: {  	_ =	swait.ge [sflag:s11], $0x3000  }
0xbb: {  	[sflag:s11] =	ssyncset.done $0x0  }
0xbc: {  	s0 =	simm.s32 @!p5 $0x10;
	[sflag:s11] =	ssyncadd.s32 $0xFFFFD000  }
0xbd: {  	[spmem:s1] =	stream.indirect.scatter.add.f32 [tilespmem:s31], [sflag:$0xD], $0x80, s26, s30, $0xb8;
	[tilespmem:$0x1FD80] =	vst v63  }
0xbe: {  	_ =	swait.ge @!p5 [sflag:s0], $0x3000  }
0xbf: {  	s23 =	rddreg [dreg:$0x5];
	[sflag:s0] =	ssyncset.done @!p5 $0x0  }
0xc0: {  	[sflag:s0] =	ssyncadd.s32 @!p5 $0xFFFFD000;
	s24 =	sadd.s32 s22, s23  }
0xc1: {  	[tilespmem:s12], [sflag:$0xC] =	stream.linear.gather [hbm4b:s24+s2], $0x60, $0x38;
	[tilespmem:$0x1FD80] =	vst v63  }
0xc2: {  	p3 =	seq.s32 s20, $0x0;
	_ =	swait.ge [sflag:s14], $0x60  }
0xc3: {  	p5 =	por p3, p3;
	p3 =	sne.s32 s22, $0x4B0;
	[sflag:s14] =	ssyncset.done $0x0  }
0xc4: {  	s3 =	sshrl.u32 @p3 s19, $0x3;
	[sflag:s14] =	ssyncadd.s32 $0xFFFFFFA0  }
0xc5: {  	[tilespmem:s15], [sflag:$0x4] =	stream.indirect.gather [hbm4b:s4+s30], $0x80, s8, s30, $0xb8;
	[tilespmem:$0x1FD80] =	vst v63  }
0xc6: {  	s0 =	simm.s32 @p3 $0x0;
	s23 =	simm.s32 @p3 $0xA;
	s17 =	sadd.s32 @p3 s5, s3  }
0xc7: {  	[tilespmem:s0], [sflag:$0x5] =	stream.linear.gather @p3 [hbm4b:s17+s0], $0x60, $0x38;
	[tilespmem:$0x1FD80] =	vst v63  }
0xc8: {  	_ =	swait.ge @p3 [sflag:s23], $0x60  }
0xc9: {  	[sflag:s23] =	ssyncset.done @p3 $0x0  }
0xca: {  	s7 =	simm.s32 @p3 $0x2;
	[sflag:s23] =	ssyncadd.s32 @p3 $0xFFFFFFA0  }
0xcb: {  	s18 =	sadd.s32 @p3 s6, s3;
	_ =	swait.ge @p3 [sflag:s7], $0x3000  }
0xcc: {  	s3 =	simm.s32 @p3 $0x60;
	s17 =	simm.s32 @p3 $0x3500;
	[sflag:s7] =	ssyncset.done @p3 $0x0  }
0xcd: {  	s23 =	simm.s32 @p3 $0x280;
	[sflag:s7] =	ssyncadd.s32 @p3 $0xFFFFD000;
	s7 =	simm.s32 @p3 $0xD  }
0xce: {  	[spmem:s1] =	stream.indirect.scatter.add.f32 @p3 [tilespmem:s17], [sflag:$0xE], $0x80, s23, s3, $0xb8;
	[tilespmem:$0x1FD80] =	vst v63  }
0xcf: {  	_ =	swait.ge @p3 [sflag:s7], $0x3000  }
0xd0: {  	[sflag:s7] =	ssyncset.done @p3 $0x0  }
0xd1: {  	s10 =	simm.s32 @p3 $0x200;
	[sflag:s7] =	ssyncadd.s32 @p3 $0xFFFFD000;
	s7 =	simm.s32 @p3 $0x5  }
0xd2: {  	[tilespmem:s10], [sflag:$0x9] =	stream.linear.gather @p3 [hbm4b:s18+s0], $0x60, $0x38;
	[tilespmem:$0x1FD80] =	vst v63  }
0xd3: {  	_ =	swait.ge @p3 [sflag:s7], $0x60  }
0xd4: {  	[sflag:s7] =	ssyncset.done @p3 $0x0  }
0xd5: {  	s10 =	simm.s32 @p3 $0x500;
	s18 =	rddreg [dreg:$0x4];
	[sflag:s7] =	ssyncadd.s32 @p3 $0xFFFFFFA0  }
0xd6: {  	[tilespmem:s10], [sflag:$0x1] =	stream.indirect.gather @p3 [hbm4b:s4+s3], $0x80, s0, s3, $0xb8;
	[tilespmem:$0x1FD80] =	vst v63  }
0xd7: {  	s7 =	simm.s32 @p3 $0x80;
	s10 =	sadd.s32 @p3 s22, s18;
	s18 =	simm.s32 @p3 $0xB  }
0xd8: {  	[tilespmem:s7], [sflag:$0x6] =	stream.linear.gather @p3 [hbm4b:s10+s0], $0x60, $0x38;
	[tilespmem:$0x1FD80] =	vst v63  }
0xd9: {  	_ =	swait.ge @p3 [sflag:s18], $0x60  }
0xda: {  	[sflag:s18] =	ssyncset.done @p3 $0x0  }
0xdb: {  	s10 =	simm.s32 @p3 $0x3;
	[sflag:s18] =	ssyncadd.s32 @p3 $0xFFFFFFA0  }
0xdc: {  	_ =	swait.ge @p3 [sflag:s10], $0x3000  }
0xdd: {  	s24 =	simm.s32 @p3 $0x6500;
	[sflag:s10] =	ssyncset.done @p3 $0x0  }
0xde: {  	s18 =	simm.s32 @p3 $0x300;
	[sflag:s10] =	ssyncadd.s32 @p3 $0xFFFFD000;
	s10 =	simm.s32 @p3 $0xE  }
0xdf: {  	[spmem:s1] =	stream.indirect.scatter.add.f32 @p3 [tilespmem:s24], [sflag:$0xF], $0x80, s18, s3, $0xb8;
	[tilespmem:$0x1FD80] =	vst v63  }
0xe0: {  	_ =	swait.ge @p3 [sflag:s10], $0x3000  }
0xe1: {  	[sflag:s10] =	ssyncset.done @p3 $0x0;
	s18 =	rddreg [dreg:$0x3]  }
0xe2: {  	[sflag:s10] =	ssyncadd.s32 @p3 $0xFFFFD000;
	s10 =	sadd.s32 @p3 s22, s18;
	s18 =	simm.s32 @p3 $0x6  }
0xe3: {  	[tilespmem:s23], [sflag:$0xA] =	stream.linear.gather @p3 [hbm4b:s10+s0], $0x60, $0x38;
	[tilespmem:$0x1FD80] =	vst v63  }
0xe4: {  	_ =	swait.ge @p3 [sflag:s18], $0x60  }
0xe5: {  	[sflag:s18] =	ssyncset.done @p3 $0x0  }
0xe6: {  	s10 =	rddreg [dreg:$0x7];
	[sflag:s18] =	ssyncadd.s32 @p3 $0xFFFFFFA0  }
0xe7: {  	[tilespmem:s17], [sflag:$0x2] =	stream.indirect.gather @p3 [hbm4b:s4+s3], $0x80, s7, s3, $0xb8;
	[tilespmem:$0x1FD80] =	vst v63  }
0xe8: {  	s18 =	simm.s32 @p3 $0x100;
	s3 =	sadd.s32 @p3 s22, s10;
	s7 =	simm.s32 @!p3 $0xA  }
0xe9: {  	[tilespmem:s18], [sflag:$0x7] =	stream.linear.gather @p3 [hbm4b:s3+s0], $0x60, $0x38;
	[tilespmem:$0x1FD80] =	vst v63  }
0xea: {  	_ =	swait.ge @!p3 [sflag:s7], $0x60  }
0xeb: {  	[sflag:s7] =	ssyncset.done @!p3 $0x0  }
0xec: {  	s0 =	simm.s32 @!p3 $0x2;
	[sflag:s7] =	ssyncadd.s32 @!p3 $0xFFFFFFA0  }
0xed: {  	_ =	swait.ge @!p3 [sflag:s0], $0x3000  }
0xee: {  	s10 =	simm.s32 @!p3 $0x280;
	s3 =	simm.s32 @!p3 $0x3500;
	[sflag:s0] =	ssyncset.done @!p3 $0x0  }
0xef: {  	s7 =	simm.s32 @!p3 $0x60;
	[sflag:s0] =	ssyncadd.s32 @!p3 $0xFFFFD000;
	s0 =	simm.s32 @!p3 $0xD  }
0xf0: {  	[spmem:s1] =	stream.indirect.scatter.add.f32 @!p3 [tilespmem:s3], [sflag:$0xE], $0x80, s10, s7, $0xb8;
	[tilespmem:$0x1FD80] =	vst v63  }
0xf1: {  	_ =	swait.ge @!p3 [sflag:s0], $0x3000  }
0xf2: {  	[sflag:s0] =	ssyncset.done @!p3 $0x0  }
0xf3: {  	s3 =	simm.s32 @!p3 $0xB;
	[sflag:s0] =	ssyncadd.s32 @!p3 $0xFFFFD000  }
0xf4: {  	_ =	swait.ge @!p3 [sflag:s3], $0x60  }
0xf5: {  	[sflag:s3] =	ssyncset.done @!p3 $0x0  }
0xf6: {  	s0 =	simm.s32 @!p3 $0x3;
	[sflag:s3] =	ssyncadd.s32 @!p3 $0xFFFFFFA0  }
0xf7: {  	_ =	swait.ge @!p3 [sflag:s0], $0x3000  }
0xf8: {  	s10 =	simm.s32 @!p3 $0x6500;
	[sflag:s0] =	ssyncset.done @!p3 $0x0  }
0xf9: {  	s3 =	simm.s32 @!p3 $0x300;
	[sflag:s0] =	ssyncadd.s32 @!p3 $0xFFFFD000;
	s0 =	simm.s32 @!p3 $0xE  }
0xfa: {  	[spmem:s1] =	stream.indirect.scatter.add.f32 @!p3 [tilespmem:s10], [sflag:$0xF], $0x80, s3, s7, $0xb8;
	[tilespmem:$0x1FD80] =	vst v63  }
0xfb: {  	_ =	swait.ge @!p3 [sflag:s0], $0x3000  }
0xfc: {  	s29 =	smov.u32 s20;
	s20 =	sadd.s32 $0x30, s20;
	[sflag:s0] =	ssyncset.done @!p3 $0x0  }
0xfd: {  	p6 =	sne.s32 s20, $0x4E0;
	[sflag:s0] =	ssyncadd.s32 @!p3 $0xFFFFD000  }
.Ltmp0:
0xfe: {  	_ =	swait.ge [sflag:s13], $0x60;
	(pc) =	sbr.rel @p6 .LBB2_2-.Ltmp0, $4  }
0xff: {  	[sflag:s13] =	ssyncset.done $0x0  }
0x100: {  	[sflag:s13] =	ssyncadd.s32 $0xFFFFFFA0  }
0x101: {  	s19 =	sadd.s32 $0x180, s19;
	_ =	swait.ge [sflag:s16], $0x3000  }
0x102: {  	s22 =	smov.u32 s29;
	s0 =	simm.s32 @!p5 $0xF;
	[sflag:s16] =	ssyncset.done $0x0  }
0x103: {  	[sflag:s16] =	ssyncadd.s32 $0xFFFFD000  }
0x104: {  	[spmem:s1] =	stream.indirect.scatter.add.f32 [tilespmem:s15], [sflag:$0x10], $0x80, s12, s30, $0xb8;
	[tilespmem:$0x1FD80] =	vst v63  }
0x105: {  	_ =	swait.ge @!p5 [sflag:s0], $0x3000  }
0x106: {  	s3 =	rddreg [dreg:$0x8];
	[sflag:s0] =	ssyncset.done @!p5 $0x0  }
0x107: {  	s7 =	rddreg [dreg:$0x9];
	[sflag:s0] =	ssyncadd.s32 @!p5 $0xFFFFD000;
	s29 =	sadd.s32 s22, s3  }
0x108: {  	[tilespmem:s7], [sflag:$0xB] =	stream.linear.gather [hbm4b:s29+s2], $0x60, $0x38;
	[tilespmem:$0x1FD80] =	vst v63  }
0x109: {  	_ =	swait.ge [sflag:s28], $0x60  }
0x10a: {  	s3 =	rddreg [dreg:$0xa];
	[sflag:s28] =	ssyncset.done $0x0  }
0x10b: {  	s7 =	rddreg [dreg:$0x6];
	[sflag:s28] =	ssyncadd.s32 $0xFFFFFFA0  }
0x10c: {  	[tilespmem:s3], [sflag:$0x3] =	stream.indirect.gather [hbm4b:s4+s30], $0x80, s25, s30, $0xb8;
	[tilespmem:$0x1FD80] =	vst v63  }
0x10d: {  	s10 =	sadd.s32 s22, s7  }
0x10e: {  	[tilespmem:s8], [sflag:$0x8] =	stream.linear.gather [hbm4b:s10+s2], $0x60, $0x38;
	[tilespmem:$0x1FD80] =	vst v63  }
0x10f: {  	_ =	swait.ge [sflag:s9], $0x60  }
0x110: {  	[sflag:s9] =	ssyncset.done $0x0  }
0x111: {  	[sflag:s9] =	ssyncadd.s32 $0xFFFFFFA0  }
0x112: {  	_ =	swait.ge [sflag:s11], $0x3000  }
0x113: {  	[sflag:s11] =	ssyncset.done $0x0  }
0x114: {  	s0 =	simm.s32 @!p5 $0x10;
	[sflag:s11] =	ssyncadd.s32 $0xFFFFD000  }
0x115: {  	[spmem:s1] =	stream.indirect.scatter.add.f32 [tilespmem:s31], [sflag:$0xD], $0x80, s26, s30, $0xb8;
	[tilespmem:$0x1FD80] =	vst v63  }
0x116: {  	_ =	swait.ge @!p5 [sflag:s0], $0x3000  }
0x117: {  	s17 =	rddreg [dreg:$0x5];
	[sflag:s0] =	ssyncset.done @!p5 $0x0  }
0x118: {  	[sflag:s0] =	ssyncadd.s32 @!p5 $0xFFFFD000;
	s18 =	sadd.s32 s22, s17  }
0x119: {  	[tilespmem:s12], [sflag:$0xC] =	stream.linear.gather [hbm4b:s18+s2], $0x60, $0x38;
	[tilespmem:$0x1FD80] =	vst v63  }
0x11a: {  	_ =	swait.ge [sflag:s14], $0x60  }
0x11b: {  	p3 =	sne.s32 s22, $0x4B0;
	[sflag:s14] =	ssyncset.done $0x0  }
0x11c: {  	s0 =	sshrl.u32 @p3 s19, $0x3;
	[sflag:s14] =	ssyncadd.s32 $0xFFFFFFA0  }
0x11d: {  	[tilespmem:s15], [sflag:$0x4] =	stream.indirect.gather [hbm4b:s4+s30], $0x80, s8, s30, $0xb8;
	[tilespmem:$0x1FD80] =	vst v63  }
0x11e: {  	s3 =	simm.s32 @p3 $0x0;
	s10 =	simm.s32 @p3 $0xA;
	s7 =	sadd.s32 @p3 s5, s0  }
0x11f: {  	[tilespmem:s3], [sflag:$0x5] =	stream.linear.gather @p3 [hbm4b:s7+s3], $0x60, $0x38;
	[tilespmem:$0x1FD80] =	vst v63  }
0x120: {  	_ =	swait.ge @p3 [sflag:s10], $0x60  }
0x121: {  	[sflag:s10] =	ssyncset.done @p3 $0x0  }
0x122: {  	s7 =	simm.s32 @p3 $0x2;
	[sflag:s10] =	ssyncadd.s32 @p3 $0xFFFFFFA0  }
0x123: {  	_ =	swait.ge @p3 [sflag:s7], $0x3000  }
0x124: {  	s17 =	simm.s32 @p3 $0x60;
	s18 =	simm.s32 @p3 $0x280;
	[sflag:s7] =	ssyncset.done @p3 $0x0  }
0x125: {  	s10 =	simm.s32 @p3 $0x3500;
	[sflag:s7] =	ssyncadd.s32 @p3 $0xFFFFD000;
	s7 =	simm.s32 @p3 $0xD  }
0x126: {  	[spmem:s1] =	stream.indirect.scatter.add.f32 @p3 [tilespmem:s10], [sflag:$0xE], $0x80, s18, s17, $0xb8;
	[tilespmem:$0x1FD80] =	vst v63  }
0x127: {  	_ =	swait.ge @p3 [sflag:s7], $0x3000  }
0x128: {  	s19 =	simm.s32 @p3 $0x200;
	[sflag:s7] =	ssyncset.done @p3 $0x0  }
0x129: {  	s0 =	sadd.s32 @p3 s6, s0;
	[sflag:s7] =	ssyncadd.s32 @p3 $0xFFFFD000;
	s7 =	simm.s32 @p3 $0x5  }
0x12a: {  	[tilespmem:s19], [sflag:$0x9] =	stream.linear.gather @p3 [hbm4b:s0+s3], $0x60, $0x38;
	[tilespmem:$0x1FD80] =	vst v63  }
0x12b: {  	_ =	swait.ge @p3 [sflag:s7], $0x60  }
0x12c: {  	[sflag:s7] =	ssyncset.done @p3 $0x0  }
0x12d: {  	s19 =	simm.s32 @p3 $0x500;
	s0 =	rddreg [dreg:$0x4];
	[sflag:s7] =	ssyncadd.s32 @p3 $0xFFFFFFA0  }
0x12e: {  	[tilespmem:s19], [sflag:$0x1] =	stream.indirect.gather @p3 [hbm4b:s4+s17], $0x80, s3, s17, $0xb8;
	[tilespmem:$0x1FD80] =	vst v63  }
0x12f: {  	s7 =	simm.s32 @p3 $0x80;
	s0 =	sadd.s32 @p3 s22, s0;
	s19 =	simm.s32 @p3 $0xB  }
0x130: {  	[tilespmem:s7], [sflag:$0x6] =	stream.linear.gather @p3 [hbm4b:s0+s3], $0x60, $0x38;
	[tilespmem:$0x1FD80] =	vst v63  }
0x131: {  	_ =	swait.ge @p3 [sflag:s19], $0x60  }
0x132: {  	[sflag:s19] =	ssyncset.done @p3 $0x0  }
0x133: {  	s0 =	simm.s32 @p3 $0x3;
	[sflag:s19] =	ssyncadd.s32 @p3 $0xFFFFFFA0  }
0x134: {  	_ =	swait.ge @p3 [sflag:s0], $0x3000  }
0x135: {  	[sflag:s0] =	ssyncset.done @p3 $0x0  }
0x136: {  	s19 =	simm.s32 @p3 $0x300;
	[sflag:s0] =	ssyncadd.s32 @p3 $0xFFFFD000;
	s0 =	simm.s32 @p3 $0x6500  }
0x137: {  	[spmem:s1] =	stream.indirect.scatter.add.f32 @p3 [tilespmem:s0], [sflag:$0xF], $0x80, s19, s17, $0xb8;
	[tilespmem:$0x1FD80] =	vst v63  }
0x138: {  	s0 =	simm.s32 @p3 $0xE  }
0x139: {  	_ =	swait.ge @p3 [sflag:s0], $0x3000  }
0x13a: {  	s19 =	rddreg [dreg:$0x3];
	[sflag:s0] =	ssyncset.done @p3 $0x0  }
0x13b: {  	[sflag:s0] =	ssyncadd.s32 @p3 $0xFFFFD000;
	s0 =	sadd.s32 @p3 s22, s19  }
0x13c: {  	[tilespmem:s18], [sflag:$0xA] =	stream.linear.gather @p3 [hbm4b:s0+s3], $0x60, $0x38;
	[tilespmem:$0x1FD80] =	vst v63  }
0x13d: {  	s0 =	simm.s32 @p3 $0x6  }
0x13e: {  	_ =	swait.ge @p3 [sflag:s0], $0x60  }
0x13f: {  	[sflag:s0] =	ssyncset.done @p3 $0x0  }
0x140: {  	s18 =	rddreg [dreg:$0x7];
	[sflag:s0] =	ssyncadd.s32 @p3 $0xFFFFFFA0  }
0x141: {  	[tilespmem:s10], [sflag:$0x2] =	stream.indirect.gather @p3 [hbm4b:s4+s17], $0x80, s7, s17, $0xb8;
	[tilespmem:$0x1FD80] =	vst v63  }
0x142: {  	s0 =	sadd.s32 @p3 s22, s18;
	s7 =	simm.s32 @p3 $0x100  }
0x143: {  	[tilespmem:s7], [sflag:$0x7] =	stream.linear.gather @p3 [hbm4b:s0+s3], $0x60, $0x38;
	[tilespmem:$0x1FD80] =	vst v63  }
0x144: {  	s0 =	simm.s32 @!p3 $0xA  }
0x145: {  	_ =	swait.ge @!p3 [sflag:s0], $0x60  }
0x146: {  	[sflag:s0] =	ssyncset.done @!p3 $0x0  }
0x147: {  	s3 =	simm.s32 @!p3 $0x2;
	[sflag:s0] =	ssyncadd.s32 @!p3 $0xFFFFFFA0  }
0x148: {  	_ =	swait.ge @!p3 [sflag:s3], $0x3000  }
0x149: {  	s7 =	simm.s32 @!p3 $0x60;
	[sflag:s3] =	ssyncset.done @!p3 $0x0  }
0x14a: {  	s0 =	simm.s32 @!p3 $0x3500;
	[sflag:s3] =	ssyncadd.s32 @!p3 $0xFFFFD000;
	s3 =	simm.s32 @!p3 $0x280  }
0x14b: {  	[spmem:s1] =	stream.indirect.scatter.add.f32 @!p3 [tilespmem:s0], [sflag:$0xE], $0x80, s3, s7, $0xb8;
	[tilespmem:$0x1FD80] =	vst v63  }
0x14c: {  	s0 =	simm.s32 @!p3 $0xD  }
0x14d: {  	_ =	swait.ge @!p3 [sflag:s0], $0x3000  }
0x14e: {  	[sflag:s0] =	ssyncset.done @!p3 $0x0  }
0x14f: {  	s3 =	simm.s32 @!p3 $0xB;
	[sflag:s0] =	ssyncadd.s32 @!p3 $0xFFFFD000  }
0x150: {  	_ =	swait.ge @!p3 [sflag:s3], $0x60  }
0x151: {  	[sflag:s3] =	ssyncset.done @!p3 $0x0  }
0x152: {  	s0 =	simm.s32 @!p3 $0x3;
	[sflag:s3] =	ssyncadd.s32 @!p3 $0xFFFFFFA0  }
0x153: {  	_ =	swait.ge @!p3 [sflag:s0], $0x3000  }
0x154: {  	[sflag:s0] =	ssyncset.done @!p3 $0x0  }
0x155: {  	s3 =	simm.s32 @!p3 $0x300;
	[sflag:s0] =	ssyncadd.s32 @!p3 $0xFFFFD000;
	s0 =	simm.s32 @!p3 $0x6500  }
0x156: {  	[spmem:s1] =	stream.indirect.scatter.add.f32 @!p3 [tilespmem:s0], [sflag:$0xF], $0x80, s3, s7, $0xb8;
	[tilespmem:$0x1FD80] =	vst v63  }
0x157: {  	s0 =	simm.s32 @!p3 $0xE  }
0x158: {  	_ =	swait.ge @!p3 [sflag:s0], $0x3000  }
0x159: {  	[sflag:s0] =	ssyncset.done @!p3 $0x0  }
0x15a: {  	[sflag:s0] =	ssyncadd.s32 @!p3 $0xFFFFD000  }
0x15b: {  	_ =	swait.ge [sflag:s13], $0x60  }
0x15c: {  	[sflag:s13] =	ssyncset.done $0x0  }
0x15d: {  	[sflag:s13] =	ssyncadd.s32 $0xFFFFFFA0  }
0x15e: {  	_ =	swait.ge [sflag:s16], $0x3000  }
0x15f: {  	[sflag:s16] =	ssyncset.done $0x0  }
0x160: {  	s20 =	simm.s32 $0xF;
	[sflag:s16] =	ssyncadd.s32 $0xFFFFD000  }
0x161: {  	[spmem:s1] =	stream.indirect.scatter.add.f32 [tilespmem:s15], [sflag:$0x10], $0x80, s12, s30, $0xb8;
	[tilespmem:$0x1FD80] =	vst v63  }
0x162: {  	_ =	swait.ge [sflag:s20], $0x3000  }
0x163: {  	[sflag:s20] =	ssyncset.done $0x0  }
0x164: {  	s22 =	simm.s32 $0x10;
	[sflag:s20] =	ssyncadd.s32 $0xFFFFD000  }
0x165: {  	_ =	swait.ge [sflag:s22], $0x3000  }
0x166: {  	s24 =	simm.s32 $0x400;
	[sflag:s22] =	ssyncset.done $0x0  }
0x167: {  	s29 =	simm.s32 $0x11;
	s23 =	rddreg [dreg:$0x17];
	[sflag:s22] =	ssyncadd.s32 $0xFFFFD000  }
0x168: {  	[tilespmem:s24], [sflag:$0x11] =	stream.linear.gather [hbm4b:s23+s2], $0x10, $0x38;
	[tilespmem:$0x1FD80] =	vst v63  }
0x169: {  	_ =	swait.ge [sflag:s29], $0x10  }
0x16a: {  	[sflag:s29] =	ssyncset.done $0x0  }
0x16b: {  	s19 =	simm.s32 $0x480;
	s18 =	rddreg [dreg:$0x18];
	[sflag:s29] =	ssyncadd.s32 $0xFFFFFFF0  }
0x16c: {  	[tilespmem:s19], [sflag:$0x11] =	stream.linear.gather [hbm4b:s18+s2], $0x10, $0x38;
	[tilespmem:$0x1FD80] =	vst v63  }
0x16d: {  	_ =	swait.ge [sflag:s29], $0x10  }
0x16e: {  	[sflag:s29] =	ssyncset.done $0x0  }
0x16f: {  	[sflag:s29] =	ssyncadd.s32 $0xFFFFFFF0  }
0x170: {  	[tilespmem:s31], [sflag:$0x1] =	stream.indirect.gather [hbm4b:s4+s22], $0x80, s24, s22, $0xb8;
	[tilespmem:$0x1FD80] =	vst v63  }
0x171: {  	_ =	swait.ge [sflag:s11], $0x800  }
0x172: {  	[sflag:s11] =	ssyncset.done $0x0  }
0x173: {  	[sflag:s11] =	ssyncadd.s32 $0xFFFFF800  }
0x174: {  	[spmem:s1] =	stream.indirect.scatter.add.f32 [tilespmem:s31], [sflag:$0x11], $0x80, s19, s22, $0xb8;
	[tilespmem:$0x1FD80] =	vst v63  }
0x175: {  	_ =	swait.ge [sflag:s29], $0x800  }
0x176: {  	[sflag:s29] =	ssyncset.done $0x0  }
0x177: {  	[sflag:s29] =	ssyncadd.s32 $0xFFFFF800  }
0x178: {  	s18 =	stileid.u32;
	[bflag:$0x0] =	sbarrier.arrive $0xFFFF  }
0x179: {  	s20 =	sshll.u32 s18, $0x6;
	s7 =	rddreg [dreg:$0xb]  }
0x17a: {  	s0 =	sor.u32 $0x1C11, s20;
	s23 =	rddreg [dreg:$0x13];
	s22 =	sshrl.u32 s7, $0x3  }
0x17b: {  	[hbm:s23], [sflag:s0] =	dma.local [spmem:s22], $0x2700  }
0x17c: {  	_ =	swait.ge [sflag:s29], $0x2700  }
0x17d: {  	s24 =	sld [smem:$0x7FD];
	_ =	sdelay $0x2  }
0x17e: {  	[sflag:s29] =	ssyncset.done $0x0;
	s19 =	rddreg [dreg:$0xe];
	p5 =	seq.s32 s24, $0x1  }
0x17f: {  	s10 =	rddreg [dreg:$0x19];
	[sflag:s29] =	ssyncadd.s32 $0xFFFFD900;
	s3 =	sshrl.u32 @!p5 s19, $0x3  }
0x180: {  	[hbm:s10], [sflag:s0] =	dma.local @!p5 [spmem:s3], $0x100  }
0x181: {  	s0 =	simm.s32 @!p5 $0x11  }
0x182: {  	_ =	swait.ge @!p5 [sflag:s0], $0x100  }
0x183: {  	s21 =	sadd.s32 $0x1, s21;
	s29 =	rddreg [dreg:$0x1a]  }
0x184: {  	p3 =	sne.s32 s21, s29  }
.Ltmp1:
0x185: {  	_ = 	snop;
	(pc) =	sbr.rel @p3 .LBB2_1-.Ltmp1, $3  }
0x186: {  	_ =	sdelay $0x1  }
0x187: {  	[sflag:s0] =	ssyncset.done @!p5 $0x0  }
0x188: {  	[sflag:s0] =	ssyncadd.s32 @!p5 $0xFFFFFF00  }
0x189: {  	_ =	sfence.sel $0x180000  }
0x18a: {  	[bflag:$0x0] =	sbarrier.arrive $0xFFFF  }
0x18b: {  	_ =	strace $0x9000004A  }
0x18c: {  	[bflag:$0x2] =	sbarrier.arrive $0xFFFF  }
0x18d: {  	s1 =	sld [smem:$0x7FD];
	_ =	sdelay $0x2  }
0x18e: {  	s0 =	rddreg [dreg:$0x2];
	p0 =	seq.s32 s1, $0x1  }
0x18f: {  	s0 =	sadd.s32 @!p0 $0x100000, s0  }
0x190: {  	[sflag:s0] =	ssyncadd.tile.s32 @!p0 $0x1;
	_ =	shalt  }
.Lfunc_end2:
_tile_overlayer_lowered:
.L_overlay_start_2:
0x191: {  	(tag) =	ssettag $0x2  }
0x192: {  	s0 =	rddreg [dreg:$0x0];
	s2 =	stileid.u32  }
0x193: {  	s1 =	rddreg [dreg:$0x1];
	p0 =	sne.s32 s2, $0x0  }
0x194: {  	s3 =	rddreg [dreg:$0x2];
	[bflag:$0x3] =	sbarrier.arrive $0xFFFF;
	s2 =	simm.s32 @!p0 $0x1C11  }
0x195: {  	[timem:s3], [sflag:s2] =	dma.local @!p0 [hbm:s0], s1  }
0x196: {  	s0 =	simm.s32 @!p0 $0x11  }
0x197: {  	_ =	swait.ge @!p0 [sflag:s0], s1  }
0x198: {  	s1 =	ssub.s32 @!p0 $0x0, s1;
	[sflag:s0] =	ssyncset.done @!p0 $0x0  }
0x199: {  	[sflag:s0] =	ssyncadd.s32 @!p0 s1  }
0x19a: {  	[bflag:$0x3] =	sbarrier.arrive $0xFFFF  }
0x19b: {  	_ =	shalt  }

// kernel: kernel.14.cloned.1.call-start
scs
__scs_entry_jumppad:
0x0: {  	(pc) =	sbr.rel $0x88, $3  }
0x1: {  	(tag) =	ssettag $0x0;
	lr =	simm.s32 $0x1  }
0x2: {  	[smem:$0x3F86] =	sst lr;
	_ =	strace $0xD0000000  }
0x3: {  	_ = 	snop  }
0x4: {  	_ = 	snop  }
0x5: {  	_ = 	snop  }
0x6: {  	_ = 	snop  }
0x7: {  	_ = 	snop  }
__scs_overlays_trampoline_lowered:
0x8: {  	[smem:$0x3F95] =	sst s0  }
0x9: {  	[smem:$0x3F96] =	sst s1  }
0xa: {  	[smem:$0x3F97] =	sst s2  }
0xb: {  	[smem:$0x3F98] =	sst s3  }
0xc: {  	[smem:$0x3F99] =	sst s4  }
0xd: {  	[smem:$0x3F9A] =	sst s5  }
0xe: {  	[smem:$0x3F9B] =	sst s6  }
0xf: {  	[smem:$0x3F9C] =	sst s7  }
0x10: {  	[smem:$0x3F9D] =	sst s8  }
0x11: {  	[smem:$0x3F9E] =	sst s9;
	s0 =	simm.s32 @!p0 $0x0  }
0x12: {  	s1 =	sld [smem:$0x3F84];
	s0 =	simm.s32 @p0 $0x1  }
0x13: {  	[smem:$0x3F9F] =	sst s0;
	s0 =	simm.s32 @!p1 $0x0  }
0x14: {  	s2 =	sld [smem:$0x3F83];
	s0 =	simm.s32 @p1 $0x1  }
0x15: {  	[smem:$0x3FA0] =	sst s0;
	s0 =	simm.s32 @!p2 $0x0  }
0x16: {  	s3 =	sld [smem:$0x3FDB];
	s0 =	simm.s32 @p2 $0x1  }
0x17: {  	s4 =	simm.s32 $0x1BF5;
	[smem:$0x3FA2] =	sst s0  }
0x18: {  	s0 =	sld [smem:$0x3F85];
	_ =	swait.ge [sflag:s4], $0x0  }
0x19: {  	s7 =	sld [smem:$0x3F86]  }
0x1a: {  	s8 =	sadd.s32 $0xFFFFE003, lr  }
0x1b: {  	s9 =	sadd.s32 $0xFFFFFEF7, lr;
	s5 =	simm.s32 $0xFFFFFFFF;
	p2 =	slt.u32 s8, $0xFFFFF086  }
0x1c: {  	p1 =	slt.u32 s9, $0xF7A;
	s5 =	simm.s32 @!p2 $0x0  }
0x1d: {  	s5 =	simm.s32 @p1 $0x1;
	p0 =	seq.s32 s7, s2  }
0x1e: {  	s7 =	smul.u32 @!p0 $0xF7A, s2;
	p2 =	seq.s32 @!p0 s5, $0x0  }
0x1f: {  	s9 =	smul.u32 $0xF7A, s1;
	s8 =	simm.s32 @!p0 $0x1BF5;
	p2 =	por !p2, p0  }
0x20: {  	[sflag:s8] =	ssyncset.s32 @!p0 $0xFFFFF086;
	s6 =	sadd.s32 @!p0 s3, s7;
	s7 =	simm.s32 @!p0 $0x108  }
0x21: {  	s3 =	sadd.s32 s3, s9;
	s6 =	sadd.s32 @!p0 $0x88, s6;
	s7 =	simm.s32 @p2 $0x1082  }
0x22: {  	[simem:s7], [sflag:s8] =	dma.local @!p0 [hbm:s6], $0xF7A  }
0x23: {  	s9 =	sor.u32 $0xD0000000, s2;
	s6 =	simm.s32 $0x108;
	_ =	swait.ge @!p0 [sflag:s8], $0x0  }
0x24: {  	s3 =	sadd.s32 $0x88, s3;
	s6 =	simm.s32 @!p1 $0x1082;
	[sflag:s4] =	ssyncset.s32 $0xFFFFF086  }
0x25: {  	[simem:s6], [sflag:s4] =	dma.local [hbm:s3], $0xF7A  }
0x26: {  	[smem:$0x3F86] =	sst s1;
	(tag) =	ssettag s2;
	_ =	strace s9  }
0x27: {  	s1 =	sld [smem:$0x3F96]  }
0x28: {  	s2 =	sld [smem:$0x3F97]  }
0x29: {  	s4 =	sld [smem:$0x3F99]  }
0x2a: {  	p0 =	seq.s32 s5, $0x0;
	s5 =	sld [smem:$0x3F9A]  }
0x2b: {  	s6 =	sld [smem:$0x3F9B]  }
0x2c: {  	s7 =	sld [smem:$0x3F9C]  }
0x2d: {  	s3 =	simm.s32 $0x108;
	s8 =	sld [smem:$0x3F9D]  }
0x2e: {  	s3 =	simm.s32 @!p0 $0x1082;
	s9 =	sld [smem:$0x3F9E]  }
0x2f: {  	lr =	sadd.s32 s0, s3;
	s0 =	sld [smem:$0x3F95]  }
0x30: {  	s3 =	sld [smem:$0x3F98]  }
0x31: {  	[smem:$0x3FA1] =	sst s10  }
0x32: {  	s10 =	sld [smem:$0x3F9F];
	_ =	sdelay $0x3  }
0x33: {  	p0 =	seq.s32 s10, $0x1;
	s10 =	sld [smem:$0x3FA1];
	_ =	sdelay $0x3  }
0x34: {  	[smem:$0x3FA1] =	sst s10  }
0x35: {  	s10 =	sld [smem:$0x3FA0];
	_ =	sdelay $0x3  }
0x36: {  	p1 =	seq.s32 s10, $0x1;
	s10 =	sld [smem:$0x3FA1];
	_ =	sdelay $0x3  }
0x37: {  	[smem:$0x3FA1] =	sst s10  }
0x38: {  	s10 =	sld [smem:$0x3FA2]  }
0x39: {  	_ = 	snop;
	(pc) =	sbr.ind lr, $3  }
0x3a: {  	_ = 	snop  }
0x3b: {  	_ = 	snop  }
0x3c: {  	p2 =	seq.s32 s10, $0x1;
	s10 =	sld [smem:$0x3FA1]  }
0x3d: {  	_ =	shalt  }
0x3e: {  	_ =	shalt  }
0x3f: {  	_ =	shalt  }
0x40: {  	_ =	shalt  }
0x41: {  	_ =	shalt  }
0x42: {  	_ =	shalt  }
0x43: {  	_ =	shalt  }
0x44: {  	_ =	shalt  }
0x45: {  	_ =	shalt  }
0x46: {  	_ =	shalt  }
0x47: {  	_ =	shalt  }
0x48: {  	_ =	shalt  }
0x49: {  	_ =	shalt  }
0x4a: {  	_ =	shalt  }
0x4b: {  	_ =	shalt  }
0x4c: {  	_ =	shalt  }
0x4d: {  	_ =	shalt  }
0x4e: {  	_ =	shalt  }
0x4f: {  	_ =	shalt  }
0x50: {  	_ =	shalt  }
0x51: {  	_ =	shalt  }
0x52: {  	_ =	shalt  }
0x53: {  	_ =	shalt  }
0x54: {  	_ =	shalt  }
0x55: {  	_ =	shalt  }
0x56: {  	_ =	shalt  }
0x57: {  	_ =	shalt  }
0x58: {  	_ =	shalt  }
0x59: {  	_ =	shalt  }
0x5a: {  	_ =	shalt  }
0x5b: {  	_ =	shalt  }
0x5c: {  	_ =	shalt  }
0x5d: {  	_ =	shalt  }
0x5e: {  	_ =	shalt  }
0x5f: {  	_ =	shalt  }
0x60: {  	_ =	shalt  }
0x61: {  	_ =	shalt  }
0x62: {  	_ =	shalt  }
0x63: {  	_ =	shalt  }
0x64: {  	_ =	shalt  }
0x65: {  	_ =	shalt  }
0x66: {  	_ =	shalt  }
0x67: {  	_ =	shalt  }
0x68: {  	_ =	shalt  }
0x69: {  	_ =	shalt  }
0x6a: {  	_ =	shalt  }
0x6b: {  	_ =	shalt  }
0x6c: {  	_ =	shalt  }
0x6d: {  	_ =	shalt  }
0x6e: {  	_ =	shalt  }
0x6f: {  	_ =	shalt  }
0x70: {  	_ =	shalt  }
0x71: {  	_ =	shalt  }
0x72: {  	_ =	shalt  }
0x73: {  	_ =	shalt  }
0x74: {  	_ =	shalt  }
0x75: {  	_ =	shalt  }
0x76: {  	_ =	shalt  }
0x77: {  	_ =	shalt  }
0x78: {  	_ =	shalt  }
0x79: {  	_ =	shalt  }
0x7a: {  	_ =	shalt  }
0x7b: {  	_ =	shalt  }
0x7c: {  	_ =	shalt  }
0x7d: {  	_ =	shalt  }
0x7e: {  	_ =	shalt  }
0x7f: {  	_ =	shalt  }
0x80: {  	_ =	shalt  }
0x81: {  	_ =	shalt  }
0x82: {  	_ =	shalt  }
0x83: {  	_ =	shalt  }
0x84: {  	_ =	shalt  }
0x85: {  	_ =	shalt  }
0x86: {  	_ =	shalt  }
0x87: {  	_ =	shalt  }
.Lfunc_end0:
.L_simem_size_0:
called_computation.2_lowered:
.L_overlay_start_0:
0x88: {  	s2 =	sld [smem:$0x3FD9]  }
0x89: {  	s3 =	sld [smem:$0x3FFE];
	_ =	sdelay $0x1  }
0x8a: {  	s1 =	srdreg.scid  }
0x8b: {  	s0 =	sand.u32 $0x1, s1  }
0x8c: {  	s16 =	sshll.u32 s0, $0xA;
	s2 =	sadd.s32 s3, s2  }
0x8d: {  	s2 =	sadd.s32 s2, s16  }
0x8e: {  	[smem:$0x3FAD] =	sst s2  }
0x8f: {  	_ = 	snop  }
0x90: {  	(tm) =	ssettm $0x1  }
0x91: {  	s17 =	sld [smem:$0x3FFB];
	_ =	sdelay $0x3  }
0x92: {  	_ =	strace s17  }
0x93: {  	s2 =	sld [smem:$0x3FFC];
	_ =	sdelay $0x3  }
0x94: {  	_ =	strace s2  }
0x95: {  	s2 =	sld [smem:$0x3FFD];
	_ =	sdelay $0x3  }
0x96: {  	_ =	strace s2  }
0x97: {  	_ =	strace $0x8FFFFFFF  }
0x98: {  	s18 =	sld [smem:$0x3FDB];
	_ =	sdelay $0x1  }
0x99: {  	s19 =	simm.s32 $_scs_section_size  }
0x9a: {  	s4 =	simm.s32 $_size__tile_overlayer_lowered;
	s5 =	simm.s32 $_tile_overlayer_lowered  }
0x9b: {  	s22 =	simm.s32 $0x1BFF;
	s21 =	sshll.u32 s5, $0x1;
	s2 =	sadd.s32 s19, s18  }
0x9c: {  	s6 =	simm.s32 $0x0;
	s20 =	sshll.u32 s4, $0x1;
	s4 =	sadd.s32 s21, s2  }
0x9d: {  	[timem:s6], [sflag:s22] =	dma.local [hbm:s4], s20  }
0x9e: {  	_ =	swait.ge [sflag:s22], s20  }
0x9f: {  	s3 =	ssub.s32 $0x0, s20;
	[sflag:s22] =	ssyncset.done $0x0  }
0xa0: {  	[sflag:s22] =	ssyncadd.s32 s3;
	_ =	sdelay $0x1  }
0xa1: {  	s23 =	simm.s32 $0x1B8B  }
0xa2: {  	_ =	swait.ge [sflag:s23], $0x1  }
0xa3: {  	[sflag:s23] =	ssyncset.done $0x0  }
0xa4: {  	s25 =	simm.s32 $0x1B8E;
	s24 =	sld [smem:$0x3FFE];
	[sflag:s23] =	ssyncadd.s32 $0xFFFFFFFF  }
0xa5: {  	s26 =	simm.s32 $execute0_lowered;
	[smem:$0x3FD2] =	sst s25  }
0xa6: {  	s4 =	sshll.u32 s26, $0x1;
	_ =	strace $0x8000004C;
	[dreg:$0x1] =	wrdreg $0xFFFFFFFF  }
0xa7: {  	s28 =	simm.s32 $_size_execute0_lowered;
	s2 =	sadd.s32 s2, s4;
	[dreg:$0x0] =	wrdreg $0x0  }
0xa8: {  	s4 =	sshll.u32 s28, $0x1;
	[dreg:$0x2] =	wrdreg s2  }
0xa9: {  	[dreg:$0x3] =	wrdreg s4  }
0xaa: {  	[dreg:$0x4] =	wrdreg $0xC0  }
0xab: {  	_ =	task [dreg:s6], $0x5FFFF  }
0xac: {  	[dreg:$0x1] =	wrdreg $0xFFFFFFFF  }
0xad: {  	[dreg:$0x0] =	wrdreg $0x60  }
0xae: {  	[dreg:$0x2] =	wrdreg s24  }
0xaf: {  	[dreg:$0x3] =	wrdreg $0xC5000  }
0xb0: {  	[dreg:$0x4] =	wrdreg $0x9  }
0xb1: {  	_ =	task.clear_ibuf [dreg:s6], $0x5FFFF;
	_ =	strace $0x9000004C  }
0xb2: {  	s29 =	simm.s32 $0x9;
	_ =	strace $0x8000004E  }
0xb3: {  	_ =	swait.ge [sflag:s29], $0x1  }
0xb4: {  	[sflag:s29] =	ssyncadd.s32 $0xFFFFFFFF  }
0xb5: {  	_ =	strace $0x9000004E  }
0xb6: {  	_ =	sfence  }
0xb7: {  	s30 =	sld [smem:$0x0];
	_ =	sdelay $0x2  }
0xb8: {  	s31 =	sshll.u32 s1, $0xD;
	s1 =	sshrl.u32 s1, $0x2  }
0xb9: {  	s3 =	sand.u32 $0x4000, s31;
	s1 =	sadd.s32 s1, s30  }
0xba: {  	s0 =	sor.u32 s3, s0;
	s1 =	sshll.u32 s1, $0x11  }
0xbb: {  	s0 =	sor.u32 s1, s0  }
0xbc: {  	s0 =	sadd.s32 $0x8F2B, s0  }
0xbd: {  	[sflag:s0] =	ssyncadd.remote.s32 $0x1  }
0xbe: {  	_ =	sfence.sel $0xFFFF  }
0xbf: {  	[dreg:$0x0] =	wrdreg $0xFFFFFFFF;
	(pc) =	sbr.abs _section_cstart, $3  }
0xc0: {  	[dreg:$0x1] =	wrdreg $0xFFFFFFFF  }
0xc1: {  	_ =	task.clear_ibuf [dreg:s6], $0x2FFFF;
	_ =	strace $0x9FFFFFFF  }
0xc2: {  	(tm) =	ssettm $0x7FFFFFFF  }
0xc3: {  	_ =	shalt  }
tec
execute0_lowered:
.L_overlay_start_1:
0x0: {  	(tag) =	ssettag $0x1  }
0x1: {  	s3 =	rddreg [dreg:$0x0]  }
0x2: {  	s1 =	rddreg [dreg:$0x1];
	s2 =	simm.s32 $0x0  }
0x3: {  	s18 =	stileid.u32;
	s0 =	srdreg.scid;
	s30 =	simm.s32 $0x60  }
0x4: {  	s31 =	simm.s32 $0x500;
	s28 =	simm.s32 $0x7;
	[smem:$0x7FF] =	sst s2  }
0x5: {  	s4 =	sadd.s32 $0x3F200, s3;
	s8 =	smul.u32 $0x2700, s18;
	s5 =	sadd.s32 $0xE200, s3  }
0x6: {  	s6 =	sadd.s32 $0x4400, s3;
	s0 =	sand.u32 $0x1, s0;
	s7 =	smul.u32 $0x4E000, s18  }
0x7: {  	s11 =	sadd.s32 $0x66400, s3;
	p1 =	seq.s32 s18, $0x0;
	s14 =	smul.u32 $0x2710, s18  }
0x8: {  	s19 =	sadd.s32 $0x138000, s1;
	s29 =	sadd.s32 $0x66200, s3;
	s16 =	smul.u32 $0x13800, s18  }
0x9: {  	p3 =	sne.s32 s18, $0x0;
	_ =	strace $0x8000004D;
	s10 =	ssub.s32 $0x2, s0  }
0xa: {  	s12 =	sshll.u32 s0, $0x4;
	p0 =	seq.s32 s0, $0x1;
	s26 =	smul.u32 $0x27100, s0  }
0xb: {  	[dreg:$0xf] =	wrdreg s29;
	s15 =	smul.u32 $0x138800, s0;
	p2 =	sne.s32 s0, $0x0  }
0xc: {  	[dreg:$0xe] =	wrdreg s19;
	s9 =	sadd.s32 s8, s3;
	s13 =	sshrl.u32 s10, $0x1  }
0xd: {  	s12 =	sor.u32 s18, s12;
	s7 =	sshrl.u32 s7, $0x2;
	s8 =	sadd.s32 s4, s8  }
0xe: {  	p1 =	por !p1, !p0;
	s3 =	sadd.s32 $0x3F000, s3;
	s13 =	ssub.s32 s10, s13  }
0xf: {  	s12 =	smul.u32 $0x2710, s12;
	s7 =	sadd.s32 s7, s1;
	[dreg:$0xc] =	wrdreg s8  }
0x10: {  	s25 =	sadd.s32 $0x18000, s9;
	s8 =	sor.u32 s18, s0;
	s9 =	sadd.s32 s14, s26  }
0x11: {  	[dreg:$0x10] =	wrdreg s3;
	s16 =	sadd.s32 s16, s15;
	s15 =	sshrl.u32 s15, $0x3  }
0x12: {  	s0 =	simm.s32 @!p3 $0x0;
	[dreg:$0xd] =	wrdreg s25;
	s17 =	sadd.s32 $0x1E0, s9  }
0x13: {  	s16 =	sshrl.u32 s16, $0x3;
	s25 =	sadd.s32 $0x240, s9;
	s29 =	sadd.s32 $0xC0, s9  }
0x14: {  	s0 =	simm.s32 @p3 $0x1;
	[dreg:$0xb] =	wrdreg s7;
	s3 =	sshrl.u32 s17, $0x3  }
0x15: {  	s16 =	sadd.s32 s11, s16;
	s11 =	sadd.s32 s11, s15;
	[smem:$0x7FD] =	sst s0  }
0x16: {  	s26 =	sshrl.u32 s25, $0x3;
	s25 =	simm.s32 $0x300;
	[dreg:$0x13] =	wrdreg s16  }
0x17: {  	s15 =	sshrl.u32 s29, $0x3;
	s29 =	simm.s32 $0x6500;
	[dreg:$0x9] =	wrdreg s25  }
0x18: {  	s22 =	sadd.s32 $0x120, s9;
	s21 =	sadd.s32 s3, s6;
	[dreg:$0xa] =	wrdreg s29  }
0x19: {  	s12 =	sshrl.u32 s12, $0x3;
	s3 =	sadd.s32 s3, s5;
	[dreg:$0x3] =	wrdreg s21  }
0x1a: {  	s14 =	sadd.s32 s5, s12;
	s20 =	sadd.s32 $0xC, s12;
	[dreg:$0x4] =	wrdreg s3  }
0x1b: {  	s16 =	sshrl.u32 s22, $0x3;
	s17 =	sadd.s32 s5, s20;
	[dreg:$0x11] =	wrdreg s14  }
0x1c: {  	p1 =	por !p1, !p1;
	s23 =	sadd.s32 s16, s6;
	[dreg:$0x12] =	wrdreg s17  }
0x1d: {  	p4 =	sne.s32 s8, $0x0;
	s24 =	sadd.s32 s16, s5;
	[dreg:$0x5] =	wrdreg s23  }
0x1e: {  	s8 =	simm.s32 $0x180;
	s10 =	sadd.s32 $0x18, s14;
	[dreg:$0x6] =	wrdreg s24  }
0x1f: {  	s25 =	simm.s32 $0x100;
	s3 =	sadd.s32 s26, s5;
	[dreg:$0x14] =	wrdreg s10  }
0x20: {  	s16 =	sadd.s32 s6, s12;
	s20 =	sadd.s32 s6, s20;
	[dreg:$0x7] =	wrdreg s3  }
0x21: {  	s12 =	sadd.s32 $0x4E0, s12;
	s26 =	sadd.s32 $0x180, s9;
	[dreg:$0x15] =	wrdreg s16  }
0x22: {  	s9 =	simm.s32 $0x9;
	s14 =	simm.s32 $0x8;
	[dreg:$0x16] =	wrdreg s20  }
0x23: {  	s17 =	sadd.s32 s15, s6;
	s21 =	sadd.s32 s5, s12;
	[dreg:$0x1b] =	wrdreg s26  }
0x24: {  	s22 =	sadd.s32 s6, s12;
	s23 =	sadd.s32 $0x27000, s11;
	[dreg:$0x8] =	wrdreg s17  }
0x25: {  	s24 =	smax.u32 s13, $0x1;
	s26 =	simm.s32 $0x200;
	[dreg:$0x17] =	wrdreg s21  }
0x26: {  	s11 =	simm.s32 $0x1;
	s12 =	simm.s32 $0x380;
	[dreg:$0x18] =	wrdreg s22  }
0x27: {  	s15 =	simm.s32 $0x9500;
	s13 =	simm.s32 $0xC;
	[dreg:$0x19] =	wrdreg s23  }
0x28: {  	s16 =	simm.s32 $0x4;
	[dreg:$0x1a] =	wrdreg s24;
	s21 =	simm.s32 $0x0  }
.LBB2_1:
0x29: {  	s0 =	sshll.u32 @!p2 s18, $0x6  }
0x2a: {  	s3 =	sshrl.u32 @!p2 s7, $0x3;
	s10 =	rddreg [dreg:$0xc];
	s0 =	sor.u32 @!p2 $0x1C0D, s0  }
0x2b: {  	[spmem:s3], [sflag:s0] =	dma.local @!p2 [hbm:s10], $0x2700  }
0x2c: {  	s0 =	sshll.u32 @p0 s18, $0x6  }
0x2d: {  	s3 =	sshrl.u32 @p0 s7, $0x3;
	s0 =	sor.u32 @p0 $0x1C0D, s0;
	s7 =	rddreg [dreg:$0xd]  }
0x2e: {  	[spmem:s3], [sflag:s0] =	dma.local @p0 [hbm:s7], $0x2700  }
0x2f: {  	s0 =	sshll.u32 @!p4 s18, $0x6  }
0x30: {  	s3 =	sshrl.u32 @!p4 s19, $0x3;
	s0 =	sor.u32 @!p4 $0x1C0E, s0;
	s7 =	rddreg [dreg:$0xf]  }
0x31: {  	[spmem:s3], [sflag:s0] =	dma.local @!p4 [hbm:s7], $0x100  }
0x32: {  	s0 =	sshrl.u32 @p1 s19, $0x3;
	s3 =	simm.s32 @p1 $0x1C0E;
	s7 =	rddreg [dreg:$0x10]  }
0x33: {  	[spmem:s0], [sflag:s3] =	dma.local @p1 [hbm:s7], $0x100  }
0x34: {  	s0 =	rddreg [dreg:$0x11]  }
0x35: {  	[tilespmem:s2], [sflag:$0x5] =	stream.linear.gather [hbm4b:s0+s2], $0x60, $0x38;
	[tilespmem:$0x1FD80] =	vst v63  }
0x36: {  	s20 =	simm.s32 $0x80;
	s19 =	rddreg [dreg:$0x12]  }
0x37: {  	[tilespmem:s20], [sflag:$0x6] =	stream.linear.gather [hbm4b:s19+s2], $0x60, $0x38;
	[tilespmem:$0x1FD80] =	vst v63  }
0x38: {  	s22 =	rddreg [dreg:$0x14]  }
0x39: {  	[tilespmem:s25], [sflag:$0x7] =	stream.linear.gather [hbm4b:s22+s2], $0x60, $0x38;
	[tilespmem:$0x1FD80] =	vst v63  }
0x3a: {  	s23 =	rddreg [dreg:$0x15]  }
0x3b: {  	[tilespmem:s26], [sflag:$0x9] =	stream.linear.gather [hbm4b:s23+s2], $0x60, $0x38;
	[tilespmem:$0x1FD80] =	vst v63  }
0x3c: {  	s29 =	simm.s32 $0x280;
	s7 =	simm.s32 $0x5;
	s24 =	rddreg [dreg:$0x16]  }
0x3d: {  	[tilespmem:s29], [sflag:$0xA] =	stream.linear.gather [hbm4b:s24+s2], $0x60, $0x38;
	[tilespmem:$0x1FD80] =	vst v63  }
0x3e: {  	_ =	swait.ge [sflag:s7], $0x60  }
0x3f: {  	[sflag:s7] =	ssyncset.done $0x0  }
0x40: {  	s10 =	simm.s32 $0x6;
	[sflag:s7] =	ssyncadd.s32 $0xFFFFFFA0  }
0x41: {  	[tilespmem:s31], [sflag:$0x1] =	stream.indirect.gather [hbm4b:s4+s30], $0x80, s2, s30, $0xb8;
	[tilespmem:$0x1FD80] =	vst v63  }
0x42: {  	_ =	swait.ge [sflag:s10], $0x60  }
0x43: {  	[sflag:s10] =	ssyncset.done $0x0  }
0x44: {  	s17 =	simm.s32 $0x3500;
	s0 =	simm.s32 @!p2 $0xD;
	[sflag:s10] =	ssyncadd.s32 $0xFFFFFFA0  }
0x45: {  	[tilespmem:s17], [sflag:$0x2] =	stream.indirect.gather [hbm4b:s4+s30], $0x80, s20, s30, $0xb8;
	[tilespmem:$0x1FD80] =	vst v63  }
0x46: {  	_ =	swait.ge @!p2 [sflag:s0], $0x2700  }
0x47: {  	[sflag:s0] =	ssyncset.done @!p2 $0x0  }
0x48: {  	[sflag:s0] =	ssyncadd.s32 @!p2 $0xFFFFD900;
	s0 =	simm.s32 @p0 $0xD  }
0x49: {  	_ =	swait.ge @p0 [sflag:s0], $0x2700  }
0x4a: {  	[sflag:s0] =	ssyncset.done @p0 $0x0  }
0x4b: {  	[sflag:s0] =	ssyncadd.s32 @p0 $0xFFFFD900;
	s0 =	simm.s32 @!p4 $0xE  }
0x4c: {  	_ =	swait.ge @!p4 [sflag:s0], $0x100  }
0x4d: {  	[sflag:s0] =	ssyncset.done @!p4 $0x0  }
0x4e: {  	[sflag:s0] =	ssyncadd.s32 @!p4 $0xFFFFFF00;
	s0 =	simm.s32 @p1 $0xE  }
0x4f: {  	_ =	swait.ge @p1 [sflag:s0], $0x100  }
0x50: {  	p3 =	por $0x1, $0x1;
	[sflag:s0] =	ssyncset.done @p1 $0x0  }
0x51: {  	p3 =	por p3, p3;
	[sflag:s0] =	ssyncadd.s32 @p1 $0xFFFFFF00  }
0x52: {  	s0 =	simm.s32 @!p3 $0xF;
	[bflag:$0x0] =	sbarrier.arrive $0xFFFF  }
0x53: {  	_ =	swait.ge @!p3 [sflag:s0], $0x3000  }
0x54: {  	s18 =	rddreg [dreg:$0x8];
	[sflag:s0] =	ssyncset.done @!p3 $0x0  }
0x55: {  	s17 =	rddreg [dreg:$0x9];
	[sflag:s0] =	ssyncadd.s32 @!p3 $0xFFFFD000;
	s19 =	sadd.s32 $0x0, s18  }
0x56: {  	[tilespmem:s17], [sflag:$0xB] =	stream.linear.gather [hbm4b:s19+s2], $0x60, $0x38;
	[tilespmem:$0x1FD80] =	vst v63  }
0x57: {  	_ =	swait.ge [sflag:s28], $0x60  }
0x58: {  	s20 =	rddreg [dreg:$0xa];
	[sflag:s28] =	ssyncset.done $0x0  }
0x59: {  	s22 =	rddreg [dreg:$0x6];
	[sflag:s28] =	ssyncadd.s32 $0xFFFFFFA0  }
0x5a: {  	[tilespmem:s20], [sflag:$0x3] =	stream.indirect.gather [hbm4b:s4+s30], $0x80, s25, s30, $0xb8;
	[tilespmem:$0x1FD80] =	vst v63  }
0x5b: {  	s23 =	sadd.s32 $0x0, s22  }
0x5c: {  	[tilespmem:s8], [sflag:$0x8] =	stream.linear.gather [hbm4b:s23+s2], $0x60, $0x38;
	[tilespmem:$0x1FD80] =	vst v63  }
0x5d: {  	_ =	swait.ge [sflag:s9], $0x60  }
0x5e: {  	[sflag:s9] =	ssyncset.done $0x0  }
0x5f: {  	[sflag:s9] =	ssyncadd.s32 $0xFFFFFFA0  }
0x60: {  	_ =	swait.ge [sflag:s11], $0x3000  }
0x61: {  	[sflag:s11] =	ssyncset.done $0x0  }
0x62: {  	s0 =	simm.s32 @!p3 $0x10;
	[sflag:s11] =	ssyncadd.s32 $0xFFFFD000  }
0x63: {  	[spmem:s1] =	stream.indirect.scatter.add.f32 [tilespmem:s31], [sflag:$0xD], $0x80, s26, s30, $0xb8;
	[tilespmem:$0x1FD80] =	vst v63  }
0x64: {  	_ =	swait.ge @!p3 [sflag:s0], $0x3000  }
0x65: {  	s24 =	rddreg [dreg:$0x5];
	[sflag:s0] =	ssyncset.done @!p3 $0x0  }
0x66: {  	[sflag:s0] =	ssyncadd.s32 @!p3 $0xFFFFD000;
	s29 =	sadd.s32 $0x0, s24  }
0x67: {  	[tilespmem:s12], [sflag:$0xC] =	stream.linear.gather [hbm4b:s29+s2], $0x60, $0x38;
	[tilespmem:$0x1FD80] =	vst v63  }
0x68: {  	_ =	swait.ge [sflag:s14], $0x60  }
0x69: {  	p3 =	por $0x1, $0x1;
	[sflag:s14] =	ssyncset.done $0x0;
	s7 =	rddreg [dreg:$0x1b]  }
0x6a: {  	[sflag:s14] =	ssyncadd.s32 $0xFFFFFFA0;
	s0 =	sshrl.u32 @p3 s7, $0x3  }
0x6b: {  	[tilespmem:s15], [sflag:$0x4] =	stream.indirect.gather [hbm4b:s4+s30], $0x80, s8, s30, $0xb8;
	[tilespmem:$0x1FD80] =	vst v63  }
0x6c: {  	s3 =	simm.s32 @p3 $0x0;
	s19 =	simm.s32 @p3 $0xA;
	s17 =	sadd.s32 @p3 s5, s0  }
0x6d: {  	[tilespmem:s3], [sflag:$0x5] =	stream.linear.gather @p3 [hbm4b:s17+s3], $0x60, $0x38;
	[tilespmem:$0x1FD80] =	vst v63  }
0x6e: {  	_ =	swait.ge @p3 [sflag:s19], $0x60  }
0x6f: {  	[sflag:s19] =	ssyncset.done @p3 $0x0  }
0x70: {  	s17 =	simm.s32 @p3 $0x2;
	[sflag:s19] =	ssyncadd.s32 @p3 $0xFFFFFFA0  }
0x71: {  	_ =	swait.ge @p3 [sflag:s17], $0x3000  }
0x72: {  	s20 =	simm.s32 @p3 $0x60;
	s22 =	simm.s32 @p3 $0x280;
	[sflag:s17] =	ssyncset.done @p3 $0x0  }
0x73: {  	s19 =	simm.s32 @p3 $0x3500;
	[sflag:s17] =	ssyncadd.s32 @p3 $0xFFFFD000;
	s17 =	simm.s32 @p3 $0xD  }
0x74: {  	[spmem:s1] =	stream.indirect.scatter.add.f32 @p3 [tilespmem:s19], [sflag:$0xE], $0x80, s22, s20, $0xb8;
	[tilespmem:$0x1FD80] =	vst v63  }
0x75: {  	_ =	swait.ge @p3 [sflag:s17], $0x3000  }
0x76: {  	s29 =	simm.s32 @p3 $0x200;
	[sflag:s17] =	ssyncset.done @p3 $0x0  }
0x77: {  	s0 =	sadd.s32 @p3 s6, s0;
	[sflag:s17] =	ssyncadd.s32 @p3 $0xFFFFD000;
	s17 =	simm.s32 @p3 $0x5  }
0x78: {  	[tilespmem:s29], [sflag:$0x9] =	stream.linear.gather @p3 [hbm4b:s0+s3], $0x60, $0x38;
	[tilespmem:$0x1FD80] =	vst v63  }
0x79: {  	_ =	swait.ge @p3 [sflag:s17], $0x60  }
0x7a: {  	[sflag:s17] =	ssyncset.done @p3 $0x0  }
0x7b: {  	s29 =	simm.s32 @p3 $0x500;
	s0 =	rddreg [dreg:$0x4];
	[sflag:s17] =	ssyncadd.s32 @p3 $0xFFFFFFA0  }
0x7c: {  	[tilespmem:s29], [sflag:$0x1] =	stream.indirect.gather @p3 [hbm4b:s4+s20], $0x80, s3, s20, $0xb8;
	[tilespmem:$0x1FD80] =	vst v63  }
0x7d: {  	s17 =	simm.s32 @p3 $0x80;
	s0 =	sadd.s32 @p3 $0x0, s0;
	s29 =	simm.s32 @p3 $0xB  }
0x7e: {  	[tilespmem:s17], [sflag:$0x6] =	stream.linear.gather @p3 [hbm4b:s0+s3], $0x60, $0x38;
	[tilespmem:$0x1FD80] =	vst v63  }
0x7f: {  	_ =	swait.ge @p3 [sflag:s29], $0x60  }
0x80: {  	[sflag:s29] =	ssyncset.done @p3 $0x0  }
0x81: {  	s0 =	simm.s32 @p3 $0x3;
	[sflag:s29] =	ssyncadd.s32 @p3 $0xFFFFFFA0  }
0x82: {  	_ =	swait.ge @p3 [sflag:s0], $0x3000  }
0x83: {  	[sflag:s0] =	ssyncset.done @p3 $0x0  }
0x84: {  	s29 =	simm.s32 @p3 $0x300;
	[sflag:s0] =	ssyncadd.s32 @p3 $0xFFFFD000;
	s0 =	simm.s32 @p3 $0x6500  }
0x85: {  	[spmem:s1] =	stream.indirect.scatter.add.f32 @p3 [tilespmem:s0], [sflag:$0xF], $0x80, s29, s20, $0xb8;
	[tilespmem:$0x1FD80] =	vst v63  }
0x86: {  	s0 =	simm.s32 @p3 $0xE  }
0x87: {  	_ =	swait.ge @p3 [sflag:s0], $0x3000  }
0x88: {  	s29 =	rddreg [dreg:$0x3];
	[sflag:s0] =	ssyncset.done @p3 $0x0  }
0x89: {  	[sflag:s0] =	ssyncadd.s32 @p3 $0xFFFFD000;
	s0 =	sadd.s32 @p3 $0x0, s29  }
0x8a: {  	[tilespmem:s22], [sflag:$0xA] =	stream.linear.gather @p3 [hbm4b:s0+s3], $0x60, $0x38;
	[tilespmem:$0x1FD80] =	vst v63  }
0x8b: {  	s0 =	simm.s32 @p3 $0x6  }
0x8c: {  	_ =	swait.ge @p3 [sflag:s0], $0x60  }
0x8d: {  	[sflag:s0] =	ssyncset.done @p3 $0x0  }
0x8e: {  	s22 =	rddreg [dreg:$0x7];
	[sflag:s0] =	ssyncadd.s32 @p3 $0xFFFFFFA0  }
0x8f: {  	[tilespmem:s19], [sflag:$0x2] =	stream.indirect.gather @p3 [hbm4b:s4+s20], $0x80, s17, s20, $0xb8;
	[tilespmem:$0x1FD80] =	vst v63  }
0x90: {  	s0 =	simm.s32 @p3 $0x100;
	s17 =	sadd.s32 @p3 $0x0, s22;
	s19 =	simm.s32 @!p3 $0xA  }
0x91: {  	[tilespmem:s0], [sflag:$0x7] =	stream.linear.gather @p3 [hbm4b:s17+s3], $0x60, $0x38;
	[tilespmem:$0x1FD80] =	vst v63  }
0x92: {  	_ =	swait.ge @!p3 [sflag:s19], $0x60  }
0x93: {  	[sflag:s19] =	ssyncset.done @!p3 $0x0  }
0x94: {  	s0 =	simm.s32 @!p3 $0x2;
	[sflag:s19] =	ssyncadd.s32 @!p3 $0xFFFFFFA0  }
0x95: {  	_ =	swait.ge @!p3 [sflag:s0], $0x3000  }
0x96: {  	s3 =	simm.s32 @!p3 $0x3500;
	s17 =	simm.s32 @!p3 $0x60;
	[sflag:s0] =	ssyncset.done @!p3 $0x0  }
0x97: {  	s19 =	simm.s32 @!p3 $0x280;
	[sflag:s0] =	ssyncadd.s32 @!p3 $0xFFFFD000;
	s0 =	simm.s32 @!p3 $0xD  }
0x98: {  	[spmem:s1] =	stream.indirect.scatter.add.f32 @!p3 [tilespmem:s3], [sflag:$0xE], $0x80, s19, s17, $0xb8;
	[tilespmem:$0x1FD80] =	vst v63  }
0x99: {  	_ =	swait.ge @!p3 [sflag:s0], $0x3000  }
0x9a: {  	[sflag:s0] =	ssyncset.done @!p3 $0x0  }
0x9b: {  	s3 =	simm.s32 @!p3 $0xB;
	[sflag:s0] =	ssyncadd.s32 @!p3 $0xFFFFD000  }
0x9c: {  	_ =	swait.ge @!p3 [sflag:s3], $0x60  }
0x9d: {  	[sflag:s3] =	ssyncset.done @!p3 $0x0  }
0x9e: {  	s0 =	simm.s32 @!p3 $0x3;
	[sflag:s3] =	ssyncadd.s32 @!p3 $0xFFFFFFA0  }
0x9f: {  	_ =	swait.ge @!p3 [sflag:s0], $0x3000  }
0xa0: {  	s19 =	simm.s32 @!p3 $0x6500;
	[sflag:s0] =	ssyncset.done @!p3 $0x0  }
0xa1: {  	s3 =	simm.s32 @!p3 $0x300;
	[sflag:s0] =	ssyncadd.s32 @!p3 $0xFFFFD000;
	s0 =	simm.s32 @!p3 $0xE  }
0xa2: {  	[spmem:s1] =	stream.indirect.scatter.add.f32 @!p3 [tilespmem:s19], [sflag:$0xF], $0x80, s3, s17, $0xb8;
	[tilespmem:$0x1FD80] =	vst v63  }
0xa3: {  	_ =	swait.ge @!p3 [sflag:s0], $0x3000  }
0xa4: {  	[sflag:s0] =	ssyncset.done @!p3 $0x0  }
0xa5: {  	[sflag:s0] =	ssyncadd.s32 @!p3 $0xFFFFD000  }
0xa6: {  	_ =	swait.ge [sflag:s13], $0x60  }
0xa7: {  	p6 =	por $0x0, $0x0;
	[sflag:s13] =	ssyncset.done $0x0  }
0xa8: {  	p5 =	por p6, p6;
	[sflag:s13] =	ssyncadd.s32 $0xFFFFFFA0  }
0xa9: {  	s22 =	simm.s32 $0x30;
	s20 =	simm.s32 $0x60;
	_ =	swait.ge [sflag:s16], $0x3000  }
0xaa: {  	s19 =	sadd.s32 $0x180, s7;
	s0 =	simm.s32 @!p5 $0xF;
	[sflag:s16] =	ssyncset.done $0x0  }
.LBB2_2:
0xab: {  	[sflag:s16] =	ssyncadd.s32 $0xFFFFD000  }
0xac: {  	[spmem:s1] =	stream.indirect.scatter.add.f32 [tilespmem:s15], [sflag:$0x10], $0x80, s12, s30, $0xb8;
	[tilespmem:$0x1FD80] =	vst v63  }
0xad: {  	_ =	swait.ge @!p5 [sflag:s0], $0x3000  }
0xae: {  	[sflag:s0] =	ssyncset.done @!p5 $0x0;
	s3 =	rddreg [dreg:$0x8]  }
0xaf: {  	s7 =	rddreg [dreg:$0x9];
	[sflag:s0] =	ssyncadd.s32 @!p5 $0xFFFFD000;
	s3 =	sadd.s32 s22, s3  }
0xb0: {  	[tilespmem:s7], [sflag:$0xB] =	stream.linear.gather [hbm4b:s3+s2], $0x60, $0x38;
	[tilespmem:$0x1FD80] =	vst v63  }
0xb1: {  	_ =	swait.ge [sflag:s28], $0x60  }
0xb2: {  	s10 =	rddreg [dreg:$0xa];
	[sflag:s28] =	ssyncset.done $0x0  }
0xb3: {  	s17 =	rddreg [dreg:$0x6];
	[sflag:s28] =	ssyncadd.s32 $0xFFFFFFA0  }
0xb4: {  	[tilespmem:s10], [sflag:$0x3] =	stream.indirect.gather [hbm4b:s4+s30], $0x80, s25, s30, $0xb8;
	[tilespmem:$0x1FD80] =	vst v63  }
0xb5: {  	s18 =	sadd.s32 s22, s17  }
0xb6: {  	[tilespmem:s8], [sflag:$0x8] =	stream.linear.gather [hbm4b:s18+s2], $0x60, $0x38;
	[tilespmem:$0x1FD80] =	vst v63  }
0xb7: {  	_ =	swait.ge [sflag:s9], $0x60  }
0xb8: {  	[sflag:s9] =	ssyncset.done $0x0  }
0xb9: {  	[sflag:s9] =	ssyncadd.s32 $0xFFFFFFA0  }
0xba: {  	_ =	swait.ge [sflag:s11], $0x3000  }
0xbb: {  	[sflag:s11] =	ssyncset.done $0x0  }
0xbc: {  	s0 =	simm.s32 @!p5 $0x10;
	[sflag:s11] =	ssyncadd.s32 $0xFFFFD000  }
0xbd: {  	[spmem:s1] =	stream.indirect.scatter.add.f32 [tilespmem:s31], [sflag:$0xD], $0x80, s26, s30, $0xb8;
	[tilespmem:$0x1FD80] =	vst v63  }
0xbe: {  	_ =	swait.ge @!p5 [sflag:s0], $0x3000  }
0xbf: {  	s23 =	rddreg [dreg:$0x5];
	[sflag:s0] =	ssyncset.done @!p5 $0x0  }
0xc0: {  	[sflag:s0] =	ssyncadd.s32 @!p5 $0xFFFFD000;
	s24 =	sadd.s32 s22, s23  }
0xc1: {  	[tilespmem:s12], [sflag:$0xC] =	stream.linear.gather [hbm4b:s24+s2], $0x60, $0x38;
	[tilespmem:$0x1FD80] =	vst v63  }
0xc2: {  	p3 =	seq.s32 s20, $0x0;
	_ =	swait.ge [sflag:s14], $0x60  }
0xc3: {  	p5 =	por p3, p3;
	p3 =	sne.s32 s22, $0x4B0;
	[sflag:s14] =	ssyncset.done $0x0  }
0xc4: {  	s3 =	sshrl.u32 @p3 s19, $0x3;
	[sflag:s14] =	ssyncadd.s32 $0xFFFFFFA0  }
0xc5: {  	[tilespmem:s15], [sflag:$0x4] =	stream.indirect.gather [hbm4b:s4+s30], $0x80, s8, s30, $0xb8;
	[tilespmem:$0x1FD80] =	vst v63  }
0xc6: {  	s0 =	simm.s32 @p3 $0x0;
	s23 =	simm.s32 @p3 $0xA;
	s17 =	sadd.s32 @p3 s5, s3  }
0xc7: {  	[tilespmem:s0], [sflag:$0x5] =	stream.linear.gather @p3 [hbm4b:s17+s0], $0x60, $0x38;
	[tilespmem:$0x1FD80] =	vst v63  }
0xc8: {  	_ =	swait.ge @p3 [sflag:s23], $0x60  }
0xc9: {  	[sflag:s23] =	ssyncset.done @p3 $0x0  }
0xca: {  	s7 =	simm.s32 @p3 $0x2;
	[sflag:s23] =	ssyncadd.s32 @p3 $0xFFFFFFA0  }
0xcb: {  	s18 =	sadd.s32 @p3 s6, s3;
	_ =	swait.ge @p3 [sflag:s7], $0x3000  }
0xcc: {  	s3 =	simm.s32 @p3 $0x60;
	s17 =	simm.s32 @p3 $0x3500;
	[sflag:s7] =	ssyncset.done @p3 $0x0  }
0xcd: {  	s23 =	simm.s32 @p3 $0x280;
	[sflag:s7] =	ssyncadd.s32 @p3 $0xFFFFD000;
	s7 =	simm.s32 @p3 $0xD  }
0xce: {  	[spmem:s1] =	stream.indirect.scatter.add.f32 @p3 [tilespmem:s17], [sflag:$0xE], $0x80, s23, s3, $0xb8;
	[tilespmem:$0x1FD80] =	vst v63  }
0xcf: {  	_ =	swait.ge @p3 [sflag:s7], $0x3000  }
0xd0: {  	[sflag:s7] =	ssyncset.done @p3 $0x0  }
0xd1: {  	s10 =	simm.s32 @p3 $0x200;
	[sflag:s7] =	ssyncadd.s32 @p3 $0xFFFFD000;
	s7 =	simm.s32 @p3 $0x5  }
0xd2: {  	[tilespmem:s10], [sflag:$0x9] =	stream.linear.gather @p3 [hbm4b:s18+s0], $0x60, $0x38;
	[tilespmem:$0x1FD80] =	vst v63  }
0xd3: {  	_ =	swait.ge @p3 [sflag:s7], $0x60  }
0xd4: {  	[sflag:s7] =	ssyncset.done @p3 $0x0  }
0xd5: {  	s10 =	simm.s32 @p3 $0x500;
	s18 =	rddreg [dreg:$0x4];
	[sflag:s7] =	ssyncadd.s32 @p3 $0xFFFFFFA0  }
0xd6: {  	[tilespmem:s10], [sflag:$0x1] =	stream.indirect.gather @p3 [hbm4b:s4+s3], $0x80, s0, s3, $0xb8;
	[tilespmem:$0x1FD80] =	vst v63  }
0xd7: {  	s7 =	simm.s32 @p3 $0x80;
	s10 =	sadd.s32 @p3 s22, s18;
	s18 =	simm.s32 @p3 $0xB  }
0xd8: {  	[tilespmem:s7], [sflag:$0x6] =	stream.linear.gather @p3 [hbm4b:s10+s0], $0x60, $0x38;
	[tilespmem:$0x1FD80] =	vst v63  }
0xd9: {  	_ =	swait.ge @p3 [sflag:s18], $0x60  }
0xda: {  	[sflag:s18] =	ssyncset.done @p3 $0x0  }
0xdb: {  	s10 =	simm.s32 @p3 $0x3;
	[sflag:s18] =	ssyncadd.s32 @p3 $0xFFFFFFA0  }
0xdc: {  	_ =	swait.ge @p3 [sflag:s10], $0x3000  }
0xdd: {  	s24 =	simm.s32 @p3 $0x6500;
	[sflag:s10] =	ssyncset.done @p3 $0x0  }
0xde: {  	s18 =	simm.s32 @p3 $0x300;
	[sflag:s10] =	ssyncadd.s32 @p3 $0xFFFFD000;
	s10 =	simm.s32 @p3 $0xE  }
0xdf: {  	[spmem:s1] =	stream.indirect.scatter.add.f32 @p3 [tilespmem:s24], [sflag:$0xF], $0x80, s18, s3, $0xb8;
	[tilespmem:$0x1FD80] =	vst v63  }
0xe0: {  	_ =	swait.ge @p3 [sflag:s10], $0x3000  }
0xe1: {  	[sflag:s10] =	ssyncset.done @p3 $0x0;
	s18 =	rddreg [dreg:$0x3]  }
0xe2: {  	[sflag:s10] =	ssyncadd.s32 @p3 $0xFFFFD000;
	s10 =	sadd.s32 @p3 s22, s18;
	s18 =	simm.s32 @p3 $0x6  }
0xe3: {  	[tilespmem:s23], [sflag:$0xA] =	stream.linear.gather @p3 [hbm4b:s10+s0], $0x60, $0x38;
	[tilespmem:$0x1FD80] =	vst v63  }
0xe4: {  	_ =	swait.ge @p3 [sflag:s18], $0x60  }
0xe5: {  	[sflag:s18] =	ssyncset.done @p3 $0x0  }
0xe6: {  	s10 =	rddreg [dreg:$0x7];
	[sflag:s18] =	ssyncadd.s32 @p3 $0xFFFFFFA0  }
0xe7: {  	[tilespmem:s17], [sflag:$0x2] =	stream.indirect.gather @p3 [hbm4b:s4+s3], $0x80, s7, s3, $0xb8;
	[tilespmem:$0x1FD80] =	vst v63  }
0xe8: {  	s18 =	simm.s32 @p3 $0x100;
	s3 =	sadd.s32 @p3 s22, s10;
	s7 =	simm.s32 @!p3 $0xA  }
0xe9: {  	[tilespmem:s18], [sflag:$0x7] =	stream.linear.gather @p3 [hbm4b:s3+s0], $0x60, $0x38;
	[tilespmem:$0x1FD80] =	vst v63  }
0xea: {  	_ =	swait.ge @!p3 [sflag:s7], $0x60  }
0xeb: {  	[sflag:s7] =	ssyncset.done @!p3 $0x0  }
0xec: {  	s0 =	simm.s32 @!p3 $0x2;
	[sflag:s7] =	ssyncadd.s32 @!p3 $0xFFFFFFA0  }
0xed: {  	_ =	swait.ge @!p3 [sflag:s0], $0x3000  }
0xee: {  	s10 =	simm.s32 @!p3 $0x280;
	s3 =	simm.s32 @!p3 $0x3500;
	[sflag:s0] =	ssyncset.done @!p3 $0x0  }
0xef: {  	s7 =	simm.s32 @!p3 $0x60;
	[sflag:s0] =	ssyncadd.s32 @!p3 $0xFFFFD000;
	s0 =	simm.s32 @!p3 $0xD  }
0xf0: {  	[spmem:s1] =	stream.indirect.scatter.add.f32 @!p3 [tilespmem:s3], [sflag:$0xE], $0x80, s10, s7, $0xb8;
	[tilespmem:$0x1FD80] =	vst v63  }
0xf1: {  	_ =	swait.ge @!p3 [sflag:s0], $0x3000  }
0xf2: {  	[sflag:s0] =	ssyncset.done @!p3 $0x0  }
0xf3: {  	s3 =	simm.s32 @!p3 $0xB;
	[sflag:s0] =	ssyncadd.s32 @!p3 $0xFFFFD000  }
0xf4: {  	_ =	swait.ge @!p3 [sflag:s3], $0x60  }
0xf5: {  	[sflag:s3] =	ssyncset.done @!p3 $0x0  }
0xf6: {  	s0 =	simm.s32 @!p3 $0x3;
	[sflag:s3] =	ssyncadd.s32 @!p3 $0xFFFFFFA0  }
0xf7: {  	_ =	swait.ge @!p3 [sflag:s0], $0x3000  }
0xf8: {  	s10 =	simm.s32 @!p3 $0x6500;
	[sflag:s0] =	ssyncset.done @!p3 $0x0  }
0xf9: {  	s3 =	simm.s32 @!p3 $0x300;
	[sflag:s0] =	ssyncadd.s32 @!p3 $0xFFFFD000;
	s0 =	simm.s32 @!p3 $0xE  }
0xfa: {  	[spmem:s1] =	stream.indirect.scatter.add.f32 @!p3 [tilespmem:s10], [sflag:$0xF], $0x80, s3, s7, $0xb8;
	[tilespmem:$0x1FD80] =	vst v63  }
0xfb: {  	_ =	swait.ge @!p3 [sflag:s0], $0x3000  }
0xfc: {  	s29 =	smov.u32 s20;
	s20 =	sadd.s32 $0x30, s20;
	[sflag:s0] =	ssyncset.done @!p3 $0x0  }
0xfd: {  	p6 =	sne.s32 s20, $0x4E0;
	[sflag:s0] =	ssyncadd.s32 @!p3 $0xFFFFD000  }
.Ltmp0:
0xfe: {  	_ =	swait.ge [sflag:s13], $0x60;
	(pc) =	sbr.rel @p6 .LBB2_2-.Ltmp0, $4  }
0xff: {  	[sflag:s13] =	ssyncset.done $0x0  }
0x100: {  	[sflag:s13] =	ssyncadd.s32 $0xFFFFFFA0  }
0x101: {  	s19 =	sadd.s32 $0x180, s19;
	_ =	swait.ge [sflag:s16], $0x3000  }
0x102: {  	s22 =	smov.u32 s29;
	s0 =	simm.s32 @!p5 $0xF;
	[sflag:s16] =	ssyncset.done $0x0  }
0x103: {  	[sflag:s16] =	ssyncadd.s32 $0xFFFFD000  }
0x104: {  	[spmem:s1] =	stream.indirect.scatter.add.f32 [tilespmem:s15], [sflag:$0x10], $0x80, s12, s30, $0xb8;
	[tilespmem:$0x1FD80] =	vst v63  }
0x105: {  	_ =	swait.ge @!p5 [sflag:s0], $0x3000  }
0x106: {  	s3 =	rddreg [dreg:$0x8];
	[sflag:s0] =	ssyncset.done @!p5 $0x0  }
0x107: {  	s7 =	rddreg [dreg:$0x9];
	[sflag:s0] =	ssyncadd.s32 @!p5 $0xFFFFD000;
	s29 =	sadd.s32 s22, s3  }
0x108: {  	[tilespmem:s7], [sflag:$0xB] =	stream.linear.gather [hbm4b:s29+s2], $0x60, $0x38;
	[tilespmem:$0x1FD80] =	vst v63  }
0x109: {  	_ =	swait.ge [sflag:s28], $0x60  }
0x10a: {  	s3 =	rddreg [dreg:$0xa];
	[sflag:s28] =	ssyncset.done $0x0  }
0x10b: {  	s7 =	rddreg [dreg:$0x6];
	[sflag:s28] =	ssyncadd.s32 $0xFFFFFFA0  }
0x10c: {  	[tilespmem:s3], [sflag:$0x3] =	stream.indirect.gather [hbm4b:s4+s30], $0x80, s25, s30, $0xb8;
	[tilespmem:$0x1FD80] =	vst v63  }
0x10d: {  	s10 =	sadd.s32 s22, s7  }
0x10e: {  	[tilespmem:s8], [sflag:$0x8] =	stream.linear.gather [hbm4b:s10+s2], $0x60, $0x38;
	[tilespmem:$0x1FD80] =	vst v63  }
0x10f: {  	_ =	swait.ge [sflag:s9], $0x60  }
0x110: {  	[sflag:s9] =	ssyncset.done $0x0  }
0x111: {  	[sflag:s9] =	ssyncadd.s32 $0xFFFFFFA0  }
0x112: {  	_ =	swait.ge [sflag:s11], $0x3000  }
0x113: {  	[sflag:s11] =	ssyncset.done $0x0  }
0x114: {  	s0 =	simm.s32 @!p5 $0x10;
	[sflag:s11] =	ssyncadd.s32 $0xFFFFD000  }
0x115: {  	[spmem:s1] =	stream.indirect.scatter.add.f32 [tilespmem:s31], [sflag:$0xD], $0x80, s26, s30, $0xb8;
	[tilespmem:$0x1FD80] =	vst v63  }
0x116: {  	_ =	swait.ge @!p5 [sflag:s0], $0x3000  }
0x117: {  	s17 =	rddreg [dreg:$0x5];
	[sflag:s0] =	ssyncset.done @!p5 $0x0  }
0x118: {  	[sflag:s0] =	ssyncadd.s32 @!p5 $0xFFFFD000;
	s18 =	sadd.s32 s22, s17  }
0x119: {  	[tilespmem:s12], [sflag:$0xC] =	stream.linear.gather [hbm4b:s18+s2], $0x60, $0x38;
	[tilespmem:$0x1FD80] =	vst v63  }
0x11a: {  	_ =	swait.ge [sflag:s14], $0x60  }
0x11b: {  	p3 =	sne.s32 s22, $0x4B0;
	[sflag:s14] =	ssyncset.done $0x0  }
0x11c: {  	s0 =	sshrl.u32 @p3 s19, $0x3;
	[sflag:s14] =	ssyncadd.s32 $0xFFFFFFA0  }
0x11d: {  	[tilespmem:s15], [sflag:$0x4] =	stream.indirect.gather [hbm4b:s4+s30], $0x80, s8, s30, $0xb8;
	[tilespmem:$0x1FD80] =	vst v63  }
0x11e: {  	s3 =	simm.s32 @p3 $0x0;
	s10 =	simm.s32 @p3 $0xA;
	s7 =	sadd.s32 @p3 s5, s0  }
0x11f: {  	[tilespmem:s3], [sflag:$0x5] =	stream.linear.gather @p3 [hbm4b:s7+s3], $0x60, $0x38;
	[tilespmem:$0x1FD80] =	vst v63  }
0x120: {  	_ =	swait.ge @p3 [sflag:s10], $0x60  }
0x121: {  	[sflag:s10] =	ssyncset.done @p3 $0x0  }
0x122: {  	s7 =	simm.s32 @p3 $0x2;
	[sflag:s10] =	ssyncadd.s32 @p3 $0xFFFFFFA0  }
0x123: {  	_ =	swait.ge @p3 [sflag:s7], $0x3000  }
0x124: {  	s17 =	simm.s32 @p3 $0x60;
	s18 =	simm.s32 @p3 $0x280;
	[sflag:s7] =	ssyncset.done @p3 $0x0  }
0x125: {  	s10 =	simm.s32 @p3 $0x3500;
	[sflag:s7] =	ssyncadd.s32 @p3 $0xFFFFD000;
	s7 =	simm.s32 @p3 $0xD  }
0x126: {  	[spmem:s1] =	stream.indirect.scatter.add.f32 @p3 [tilespmem:s10], [sflag:$0xE], $0x80, s18, s17, $0xb8;
	[tilespmem:$0x1FD80] =	vst v63  }
0x127: {  	_ =	swait.ge @p3 [sflag:s7], $0x3000  }
0x128: {  	s19 =	simm.s32 @p3 $0x200;
	[sflag:s7] =	ssyncset.done @p3 $0x0  }
0x129: {  	s0 =	sadd.s32 @p3 s6, s0;
	[sflag:s7] =	ssyncadd.s32 @p3 $0xFFFFD000;
	s7 =	simm.s32 @p3 $0x5  }
0x12a: {  	[tilespmem:s19], [sflag:$0x9] =	stream.linear.gather @p3 [hbm4b:s0+s3], $0x60, $0x38;
	[tilespmem:$0x1FD80] =	vst v63  }
0x12b: {  	_ =	swait.ge @p3 [sflag:s7], $0x60  }
0x12c: {  	[sflag:s7] =	ssyncset.done @p3 $0x0  }
0x12d: {  	s19 =	simm.s32 @p3 $0x500;
	s0 =	rddreg [dreg:$0x4];
	[sflag:s7] =	ssyncadd.s32 @p3 $0xFFFFFFA0  }
0x12e: {  	[tilespmem:s19], [sflag:$0x1] =	stream.indirect.gather @p3 [hbm4b:s4+s17], $0x80, s3, s17, $0xb8;
	[tilespmem:$0x1FD80] =	vst v63  }
0x12f: {  	s7 =	simm.s32 @p3 $0x80;
	s0 =	sadd.s32 @p3 s22, s0;
	s19 =	simm.s32 @p3 $0xB  }
0x130: {  	[tilespmem:s7], [sflag:$0x6] =	stream.linear.gather @p3 [hbm4b:s0+s3], $0x60, $0x38;
	[tilespmem:$0x1FD80] =	vst v63  }
0x131: {  	_ =	swait.ge @p3 [sflag:s19], $0x60  }
0x132: {  	[sflag:s19] =	ssyncset.done @p3 $0x0  }
0x133: {  	s0 =	simm.s32 @p3 $0x3;
	[sflag:s19] =	ssyncadd.s32 @p3 $0xFFFFFFA0  }
0x134: {  	_ =	swait.ge @p3 [sflag:s0], $0x3000  }
0x135: {  	[sflag:s0] =	ssyncset.done @p3 $0x0  }
0x136: {  	s19 =	simm.s32 @p3 $0x300;
	[sflag:s0] =	ssyncadd.s32 @p3 $0xFFFFD000;
	s0 =	simm.s32 @p3 $0x6500  }
0x137: {  	[spmem:s1] =	stream.indirect.scatter.add.f32 @p3 [tilespmem:s0], [sflag:$0xF], $0x80, s19, s17, $0xb8;
	[tilespmem:$0x1FD80] =	vst v63  }
0x138: {  	s0 =	simm.s32 @p3 $0xE  }
0x139: {  	_ =	swait.ge @p3 [sflag:s0], $0x3000  }
0x13a: {  	s19 =	rddreg [dreg:$0x3];
	[sflag:s0] =	ssyncset.done @p3 $0x0  }
0x13b: {  	[sflag:s0] =	ssyncadd.s32 @p3 $0xFFFFD000;
	s0 =	sadd.s32 @p3 s22, s19  }
0x13c: {  	[tilespmem:s18], [sflag:$0xA] =	stream.linear.gather @p3 [hbm4b:s0+s3], $0x60, $0x38;
	[tilespmem:$0x1FD80] =	vst v63  }
0x13d: {  	s0 =	simm.s32 @p3 $0x6  }
0x13e: {  	_ =	swait.ge @p3 [sflag:s0], $0x60  }
0x13f: {  	[sflag:s0] =	ssyncset.done @p3 $0x0  }
0x140: {  	s18 =	rddreg [dreg:$0x7];
	[sflag:s0] =	ssyncadd.s32 @p3 $0xFFFFFFA0  }
0x141: {  	[tilespmem:s10], [sflag:$0x2] =	stream.indirect.gather @p3 [hbm4b:s4+s17], $0x80, s7, s17, $0xb8;
	[tilespmem:$0x1FD80] =	vst v63  }
0x142: {  	s0 =	sadd.s32 @p3 s22, s18;
	s7 =	simm.s32 @p3 $0x100  }
0x143: {  	[tilespmem:s7], [sflag:$0x7] =	stream.linear.gather @p3 [hbm4b:s0+s3], $0x60, $0x38;
	[tilespmem:$0x1FD80] =	vst v63  }
0x144: {  	s0 =	simm.s32 @!p3 $0xA  }
0x145: {  	_ =	swait.ge @!p3 [sflag:s0], $0x60  }
0x146: {  	[sflag:s0] =	ssyncset.done @!p3 $0x0  }
0x147: {  	s3 =	simm.s32 @!p3 $0x2;
	[sflag:s0] =	ssyncadd.s32 @!p3 $0xFFFFFFA0  }
0x148: {  	_ =	swait.ge @!p3 [sflag:s3], $0x3000  }
0x149: {  	s7 =	simm.s32 @!p3 $0x60;
	[sflag:s3] =	ssyncset.done @!p3 $0x0  }
0x14a: {  	s0 =	simm.s32 @!p3 $0x3500;
	[sflag:s3] =	ssyncadd.s32 @!p3 $0xFFFFD000;
	s3 =	simm.s32 @!p3 $0x280  }
0x14b: {  	[spmem:s1] =	stream.indirect.scatter.add.f32 @!p3 [tilespmem:s0], [sflag:$0xE], $0x80, s3, s7, $0xb8;
	[tilespmem:$0x1FD80] =	vst v63  }
0x14c: {  	s0 =	simm.s32 @!p3 $0xD  }
0x14d: {  	_ =	swait.ge @!p3 [sflag:s0], $0x3000  }
0x14e: {  	[sflag:s0] =	ssyncset.done @!p3 $0x0  }
0x14f: {  	s3 =	simm.s32 @!p3 $0xB;
	[sflag:s0] =	ssyncadd.s32 @!p3 $0xFFFFD000  }
0x150: {  	_ =	swait.ge @!p3 [sflag:s3], $0x60  }
0x151: {  	[sflag:s3] =	ssyncset.done @!p3 $0x0  }
0x152: {  	s0 =	simm.s32 @!p3 $0x3;
	[sflag:s3] =	ssyncadd.s32 @!p3 $0xFFFFFFA0  }
0x153: {  	_ =	swait.ge @!p3 [sflag:s0], $0x3000  }
0x154: {  	[sflag:s0] =	ssyncset.done @!p3 $0x0  }
0x155: {  	s3 =	simm.s32 @!p3 $0x300;
	[sflag:s0] =	ssyncadd.s32 @!p3 $0xFFFFD000;
	s0 =	simm.s32 @!p3 $0x6500  }
0x156: {  	[spmem:s1] =	stream.indirect.scatter.add.f32 @!p3 [tilespmem:s0], [sflag:$0xF], $0x80, s3, s7, $0xb8;
	[tilespmem:$0x1FD80] =	vst v63  }
0x157: {  	s0 =	simm.s32 @!p3 $0xE  }
0x158: {  	_ =	swait.ge @!p3 [sflag:s0], $0x3000  }
0x159: {  	[sflag:s0] =	ssyncset.done @!p3 $0x0  }
0x15a: {  	[sflag:s0] =	ssyncadd.s32 @!p3 $0xFFFFD000  }
0x15b: {  	_ =	swait.ge [sflag:s13], $0x60  }
0x15c: {  	[sflag:s13] =	ssyncset.done $0x0  }
0x15d: {  	[sflag:s13] =	ssyncadd.s32 $0xFFFFFFA0  }
0x15e: {  	_ =	swait.ge [sflag:s16], $0x3000  }
0x15f: {  	[sflag:s16] =	ssyncset.done $0x0  }
0x160: {  	s20 =	simm.s32 $0xF;
	[sflag:s16] =	ssyncadd.s32 $0xFFFFD000  }
0x161: {  	[spmem:s1] =	stream.indirect.scatter.add.f32 [tilespmem:s15], [sflag:$0x10], $0x80, s12, s30, $0xb8;
	[tilespmem:$0x1FD80] =	vst v63  }
0x162: {  	_ =	swait.ge [sflag:s20], $0x3000  }
0x163: {  	[sflag:s20] =	ssyncset.done $0x0  }
0x164: {  	s22 =	simm.s32 $0x10;
	[sflag:s20] =	ssyncadd.s32 $0xFFFFD000  }
0x165: {  	_ =	swait.ge [sflag:s22], $0x3000  }
0x166: {  	s24 =	simm.s32 $0x400;
	[sflag:s22] =	ssyncset.done $0x0  }
0x167: {  	s29 =	simm.s32 $0x11;
	s23 =	rddreg [dreg:$0x17];
	[sflag:s22] =	ssyncadd.s32 $0xFFFFD000  }
0x168: {  	[tilespmem:s24], [sflag:$0x11] =	stream.linear.gather [hbm4b:s23+s2], $0x10, $0x38;
	[tilespmem:$0x1FD80] =	vst v63  }
0x169: {  	_ =	swait.ge [sflag:s29], $0x10  }
0x16a: {  	[sflag:s29] =	ssyncset.done $0x0  }
0x16b: {  	s19 =	simm.s32 $0x480;
	s18 =	rddreg [dreg:$0x18];
	[sflag:s29] =	ssyncadd.s32 $0xFFFFFFF0  }
0x16c: {  	[tilespmem:s19], [sflag:$0x11] =	stream.linear.gather [hbm4b:s18+s2], $0x10, $0x38;
	[tilespmem:$0x1FD80] =	vst v63  }
0x16d: {  	_ =	swait.ge [sflag:s29], $0x10  }
0x16e: {  	[sflag:s29] =	ssyncset.done $0x0  }
0x16f: {  	[sflag:s29] =	ssyncadd.s32 $0xFFFFFFF0  }
0x170: {  	[tilespmem:s31], [sflag:$0x1] =	stream.indirect.gather [hbm4b:s4+s22], $0x80, s24, s22, $0xb8;
	[tilespmem:$0x1FD80] =	vst v63  }
0x171: {  	_ =	swait.ge [sflag:s11], $0x800  }
0x172: {  	[sflag:s11] =	ssyncset.done $0x0  }
0x173: {  	[sflag:s11] =	ssyncadd.s32 $0xFFFFF800  }
0x174: {  	[spmem:s1] =	stream.indirect.scatter.add.f32 [tilespmem:s31], [sflag:$0x11], $0x80, s19, s22, $0xb8;
	[tilespmem:$0x1FD80] =	vst v63  }
0x175: {  	_ =	swait.ge [sflag:s29], $0x800  }
0x176: {  	[sflag:s29] =	ssyncset.done $0x0  }
0x177: {  	[sflag:s29] =	ssyncadd.s32 $0xFFFFF800  }
0x178: {  	s18 =	stileid.u32;
	[bflag:$0x0] =	sbarrier.arrive $0xFFFF  }
0x179: {  	s20 =	sshll.u32 s18, $0x6;
	s7 =	rddreg [dreg:$0xb]  }
0x17a: {  	s0 =	sor.u32 $0x1C11, s20;
	s23 =	rddreg [dreg:$0x13];
	s22 =	sshrl.u32 s7, $0x3  }
0x17b: {  	[hbm:s23], [sflag:s0] =	dma.local [spmem:s22], $0x2700  }
0x17c: {  	_ =	swait.ge [sflag:s29], $0x2700  }
0x17d: {  	s24 =	sld [smem:$0x7FD];
	_ =	sdelay $0x2  }
0x17e: {  	[sflag:s29] =	ssyncset.done $0x0;
	s19 =	rddreg [dreg:$0xe];
	p5 =	seq.s32 s24, $0x1  }
0x17f: {  	s10 =	rddreg [dreg:$0x19];
	[sflag:s29] =	ssyncadd.s32 $0xFFFFD900;
	s3 =	sshrl.u32 @!p5 s19, $0x3  }
0x180: {  	[hbm:s10], [sflag:s0] =	dma.local @!p5 [spmem:s3], $0x100  }
0x181: {  	s0 =	simm.s32 @!p5 $0x11  }
0x182: {  	_ =	swait.ge @!p5 [sflag:s0], $0x100  }
0x183: {  	s21 =	sadd.s32 $0x1, s21;
	s29 =	rddreg [dreg:$0x1a]  }
0x184: {  	p3 =	sne.s32 s21, s29  }
.Ltmp1:
0x185: {  	_ = 	snop;
	(pc) =	sbr.rel @p3 .LBB2_1-.Ltmp1, $3  }
0x186: {  	_ =	sdelay $0x1  }
0x187: {  	[sflag:s0] =	ssyncset.done @!p5 $0x0  }
0x188: {  	[sflag:s0] =	ssyncadd.s32 @!p5 $0xFFFFFF00  }
0x189: {  	_ =	sfence.sel $0x180000  }
0x18a: {  	[bflag:$0x0] =	sbarrier.arrive $0xFFFF  }
0x18b: {  	_ =	strace $0x9000004D  }
0x18c: {  	[bflag:$0x2] =	sbarrier.arrive $0xFFFF  }
0x18d: {  	s1 =	sld [smem:$0x7FD];
	_ =	sdelay $0x2  }
0x18e: {  	s0 =	rddreg [dreg:$0x2];
	p0 =	seq.s32 s1, $0x1  }
0x18f: {  	s0 =	sadd.s32 @!p0 $0x100000, s0  }
0x190: {  	[sflag:s0] =	ssyncadd.tile.s32 @!p0 $0x1;
	_ =	shalt  }
.Lfunc_end2:
_tile_overlayer_lowered:
.L_overlay_start_2:
0x191: {  	(tag) =	ssettag $0x2  }
0x192: {  	s0 =	rddreg [dreg:$0x0];
	s2 =	stileid.u32  }
0x193: {  	s1 =	rddreg [dreg:$0x1];
	p0 =	sne.s32 s2, $0x0  }
0x194: {  	s3 =	rddreg [dreg:$0x2];
	[bflag:$0x3] =	sbarrier.arrive $0xFFFF;
	s2 =	simm.s32 @!p0 $0x1C11  }
0x195: {  	[timem:s3], [sflag:s2] =	dma.local @!p0 [hbm:s0], s1  }
0x196: {  	s0 =	simm.s32 @!p0 $0x11  }
0x197: {  	_ =	swait.ge @!p0 [sflag:s0], s1  }
0x198: {  	s1 =	ssub.s32 @!p0 $0x0, s1;
	[sflag:s0] =	ssyncset.done @!p0 $0x0  }
0x199: {  	[sflag:s0] =	ssyncadd.s32 @!p0 s1  }
0x19a: {  	[bflag:$0x3] =	sbarrier.arrive $0xFFFF  }
0x19b: {  	_ =	shalt  }

// kernel: kernel.8.cloned.1.call-start
scs
__scs_entry_jumppad:
0x0: {  	(pc) =	sbr.rel $0x88, $3  }
0x1: {  	(tag) =	ssettag $0x0;
	lr =	simm.s32 $0x1  }
0x2: {  	[smem:$0x3F86] =	sst lr;
	_ =	strace $0xD0000000  }
0x3: {  	_ = 	snop  }
0x4: {  	_ = 	snop  }
0x5: {  	_ = 	snop  }
0x6: {  	_ = 	snop  }
0x7: {  	_ = 	snop  }
__scs_overlays_trampoline_lowered:
0x8: {  	[smem:$0x3F95] =	sst s0  }
0x9: {  	[smem:$0x3F96] =	sst s1  }
0xa: {  	[smem:$0x3F97] =	sst s2  }
0xb: {  	[smem:$0x3F98] =	sst s3  }
0xc: {  	[smem:$0x3F99] =	sst s4  }
0xd: {  	[smem:$0x3F9A] =	sst s5  }
0xe: {  	[smem:$0x3F9B] =	sst s6  }
0xf: {  	[smem:$0x3F9C] =	sst s7  }
0x10: {  	[smem:$0x3F9D] =	sst s8  }
0x11: {  	[smem:$0x3F9E] =	sst s9;
	s0 =	simm.s32 @!p0 $0x0  }
0x12: {  	s1 =	sld [smem:$0x3F84];
	s0 =	simm.s32 @p0 $0x1  }
0x13: {  	[smem:$0x3F9F] =	sst s0;
	s0 =	simm.s32 @!p1 $0x0  }
0x14: {  	s2 =	sld [smem:$0x3F83];
	s0 =	simm.s32 @p1 $0x1  }
0x15: {  	[smem:$0x3FA0] =	sst s0;
	s0 =	simm.s32 @!p2 $0x0  }
0x16: {  	s3 =	sld [smem:$0x3FDB];
	s0 =	simm.s32 @p2 $0x1  }
0x17: {  	s4 =	simm.s32 $0x1BF5;
	[smem:$0x3FA2] =	sst s0  }
0x18: {  	s0 =	sld [smem:$0x3F85];
	_ =	swait.ge [sflag:s4], $0x0  }
0x19: {  	s7 =	sld [smem:$0x3F86]  }
0x1a: {  	s8 =	sadd.s32 $0xFFFFE003, lr  }
0x1b: {  	s9 =	sadd.s32 $0xFFFFFEF7, lr;
	s5 =	simm.s32 $0xFFFFFFFF;
	p2 =	slt.u32 s8, $0xFFFFF086  }
0x1c: {  	p1 =	slt.u32 s9, $0xF7A;
	s5 =	simm.s32 @!p2 $0x0  }
0x1d: {  	s5 =	simm.s32 @p1 $0x1;
	p0 =	seq.s32 s7, s2  }
0x1e: {  	s7 =	smul.u32 @!p0 $0xF7A, s2;
	p2 =	seq.s32 @!p0 s5, $0x0  }
0x1f: {  	s9 =	smul.u32 $0xF7A, s1;
	s8 =	simm.s32 @!p0 $0x1BF5;
	p2 =	por !p2, p0  }
0x20: {  	[sflag:s8] =	ssyncset.s32 @!p0 $0xFFFFF086;
	s6 =	sadd.s32 @!p0 s3, s7;
	s7 =	simm.s32 @!p0 $0x108  }
0x21: {  	s3 =	sadd.s32 s3, s9;
	s6 =	sadd.s32 @!p0 $0x88, s6;
	s7 =	simm.s32 @p2 $0x1082  }
0x22: {  	[simem:s7], [sflag:s8] =	dma.local @!p0 [hbm:s6], $0xF7A  }
0x23: {  	s9 =	sor.u32 $0xD0000000, s2;
	s6 =	simm.s32 $0x108;
	_ =	swait.ge @!p0 [sflag:s8], $0x0  }
0x24: {  	s3 =	sadd.s32 $0x88, s3;
	s6 =	simm.s32 @!p1 $0x1082;
	[sflag:s4] =	ssyncset.s32 $0xFFFFF086  }
0x25: {  	[simem:s6], [sflag:s4] =	dma.local [hbm:s3], $0xF7A  }
0x26: {  	[smem:$0x3F86] =	sst s1;
	(tag) =	ssettag s2;
	_ =	strace s9  }
0x27: {  	s1 =	sld [smem:$0x3F96]  }
0x28: {  	s2 =	sld [smem:$0x3F97]  }
0x29: {  	s4 =	sld [smem:$0x3F99]  }
0x2a: {  	p0 =	seq.s32 s5, $0x0;
	s5 =	sld [smem:$0x3F9A]  }
0x2b: {  	s6 =	sld [smem:$0x3F9B]  }
0x2c: {  	s7 =	sld [smem:$0x3F9C]  }
0x2d: {  	s3 =	simm.s32 $0x108;
	s8 =	sld [smem:$0x3F9D]  }
0x2e: {  	s3 =	simm.s32 @!p0 $0x1082;
	s9 =	sld [smem:$0x3F9E]  }
0x2f: {  	lr =	sadd.s32 s0, s3;
	s0 =	sld [smem:$0x3F95]  }
0x30: {  	s3 =	sld [smem:$0x3F98]  }
0x31: {  	[smem:$0x3FA1] =	sst s10  }
0x32: {  	s10 =	sld [smem:$0x3F9F];
	_ =	sdelay $0x3  }
0x33: {  	p0 =	seq.s32 s10, $0x1;
	s10 =	sld [smem:$0x3FA1];
	_ =	sdelay $0x3  }
0x34: {  	[smem:$0x3FA1] =	sst s10  }
0x35: {  	s10 =	sld [smem:$0x3FA0];
	_ =	sdelay $0x3  }
0x36: {  	p1 =	seq.s32 s10, $0x1;
	s10 =	sld [smem:$0x3FA1];
	_ =	sdelay $0x3  }
0x37: {  	[smem:$0x3FA1] =	sst s10  }
0x38: {  	s10 =	sld [smem:$0x3FA2]  }
0x39: {  	_ = 	snop;
	(pc) =	sbr.ind lr, $3  }
0x3a: {  	_ = 	snop  }
0x3b: {  	_ = 	snop  }
0x3c: {  	p2 =	seq.s32 s10, $0x1;
	s10 =	sld [smem:$0x3FA1]  }
0x3d: {  	_ =	shalt  }
0x3e: {  	_ =	shalt  }
0x3f: {  	_ =	shalt  }
0x40: {  	_ =	shalt  }
0x41: {  	_ =	shalt  }
0x42: {  	_ =	shalt  }
0x43: {  	_ =	shalt  }
0x44: {  	_ =	shalt  }
0x45: {  	_ =	shalt  }
0x46: {  	_ =	shalt  }
0x47: {  	_ =	shalt  }
0x48: {  	_ =	shalt  }
0x49: {  	_ =	shalt  }
0x4a: {  	_ =	shalt  }
0x4b: {  	_ =	shalt  }
0x4c: {  	_ =	shalt  }
0x4d: {  	_ =	shalt  }
0x4e: {  	_ =	shalt  }
0x4f: {  	_ =	shalt  }
0x50: {  	_ =	shalt  }
0x51: {  	_ =	shalt  }
0x52: {  	_ =	shalt  }
0x53: {  	_ =	shalt  }
0x54: {  	_ =	shalt  }
0x55: {  	_ =	shalt  }
0x56: {  	_ =	shalt  }
0x57: {  	_ =	shalt  }
0x58: {  	_ =	shalt  }
0x59: {  	_ =	shalt  }
0x5a: {  	_ =	shalt  }
0x5b: {  	_ =	shalt  }
0x5c: {  	_ =	shalt  }
0x5d: {  	_ =	shalt  }
0x5e: {  	_ =	shalt  }
0x5f: {  	_ =	shalt  }
0x60: {  	_ =	shalt  }
0x61: {  	_ =	shalt  }
0x62: {  	_ =	shalt  }
0x63: {  	_ =	shalt  }
0x64: {  	_ =	shalt  }
0x65: {  	_ =	shalt  }
0x66: {  	_ =	shalt  }
0x67: {  	_ =	shalt  }
0x68: {  	_ =	shalt  }
0x69: {  	_ =	shalt  }
0x6a: {  	_ =	shalt  }
0x6b: {  	_ =	shalt  }
0x6c: {  	_ =	shalt  }
0x6d: {  	_ =	shalt  }
0x6e: {  	_ =	shalt  }
0x6f: {  	_ =	shalt  }
0x70: {  	_ =	shalt  }
0x71: {  	_ =	shalt  }
0x72: {  	_ =	shalt  }
0x73: {  	_ =	shalt  }
0x74: {  	_ =	shalt  }
0x75: {  	_ =	shalt  }
0x76: {  	_ =	shalt  }
0x77: {  	_ =	shalt  }
0x78: {  	_ =	shalt  }
0x79: {  	_ =	shalt  }
0x7a: {  	_ =	shalt  }
0x7b: {  	_ =	shalt  }
0x7c: {  	_ =	shalt  }
0x7d: {  	_ =	shalt  }
0x7e: {  	_ =	shalt  }
0x7f: {  	_ =	shalt  }
0x80: {  	_ =	shalt  }
0x81: {  	_ =	shalt  }
0x82: {  	_ =	shalt  }
0x83: {  	_ =	shalt  }
0x84: {  	_ =	shalt  }
0x85: {  	_ =	shalt  }
0x86: {  	_ =	shalt  }
0x87: {  	_ =	shalt  }
.Lfunc_end0:
.L_simem_size_0:
called_computation_lowered:
.L_overlay_start_0:
0x88: {  	s2 =	sld [smem:$0x3FD9]  }
0x89: {  	s3 =	sld [smem:$0x3FFE];
	_ =	sdelay $0x1  }
0x8a: {  	s1 =	srdreg.scid  }
0x8b: {  	s0 =	sand.u32 $0x1, s1  }
0x8c: {  	s17 =	sshll.u32 s0, $0xA;
	s2 =	sadd.s32 s3, s2  }
0x8d: {  	s2 =	sadd.s32 s2, s17  }
0x8e: {  	[smem:$0x3FAD] =	sst s2  }
0x8f: {  	_ = 	snop  }
0x90: {  	s2 =	sld [smem:$0x3FC9];
	(tm) =	ssettm $0x1  }
0x91: {  	s18 =	sld [smem:$0x3FFB];
	_ =	sdelay $0x3  }
0x92: {  	_ =	strace s18  }
0x93: {  	s3 =	sld [smem:$0x3FFC];
	_ =	sdelay $0x3  }
0x94: {  	_ =	strace s3  }
0x95: {  	s3 =	sld [smem:$0x3FFD];
	_ =	sdelay $0x3  }
0x96: {  	_ =	strace s3  }
0x97: {  	_ =	strace $0x8FFFFFFF  }
0x98: {  	s19 =	sld [smem:$0x3FDB];
	_ =	sdelay $0x1  }
0x99: {  	s4 =	simm.s32 $_scs_section_size  }
0x9a: {  	s5 =	simm.s32 $_size__tile_overlayer_lowered;
	s6 =	simm.s32 $_tile_overlayer_lowered  }
0x9b: {  	s22 =	simm.s32 $0x1BFF;
	s21 =	sshll.u32 s6, $0x1;
	s3 =	sadd.s32 s4, s19  }
0x9c: {  	s7 =	simm.s32 $0x0;
	s20 =	sshll.u32 s5, $0x1;
	s5 =	sadd.s32 s21, s3  }
0x9d: {  	[timem:s7], [sflag:s22] =	dma.local [hbm:s5], s20  }
0x9e: {  	_ =	swait.ge [sflag:s22], s20  }
0x9f: {  	s4 =	ssub.s32 $0x0, s20;
	[sflag:s22] =	ssyncset.done $0x0  }
0xa0: {  	[sflag:s22] =	ssyncadd.s32 s4;
	_ =	sdelay $0x1  }
0xa1: {  	s23 =	simm.s32 $0x1B8B  }
0xa2: {  	_ =	swait.ge [sflag:s23], $0x1  }
0xa3: {  	[sflag:s23] =	ssyncset.done $0x0  }
0xa4: {  	s25 =	simm.s32 $0x1B8E;
	s24 =	sld [smem:$0x3FFE];
	[sflag:s23] =	ssyncadd.s32 $0xFFFFFFFF  }
0xa5: {  	s26 =	simm.s32 $execute0_lowered;
	[smem:$0x3FD2] =	sst s25  }
0xa6: {  	s5 =	sshll.u32 s26, $0x1;
	_ =	strace $0x80000046;
	[dreg:$0x1] =	wrdreg $0xFFFFFFFF  }
0xa7: {  	s28 =	simm.s32 $_size_execute0_lowered;
	s3 =	sadd.s32 s3, s5;
	[dreg:$0x0] =	wrdreg $0x0  }
0xa8: {  	s5 =	sshll.u32 s28, $0x1;
	[dreg:$0x2] =	wrdreg s3  }
0xa9: {  	[dreg:$0x3] =	wrdreg s5  }
0xaa: {  	[dreg:$0x4] =	wrdreg $0xC0  }
0xab: {  	_ =	task [dreg:s7], $0x5FFFF  }
0xac: {  	[dreg:$0x1] =	wrdreg $0xFFFFFFFF  }
0xad: {  	[dreg:$0x0] =	wrdreg $0x60  }
0xae: {  	[dreg:$0x2] =	wrdreg s2  }
0xaf: {  	[dreg:$0x3] =	wrdreg s24  }
0xb0: {  	[dreg:$0x4] =	wrdreg $0xC5000  }
0xb1: {  	[dreg:$0x5] =	wrdreg $0x9  }
0xb2: {  	_ =	task.clear_ibuf [dreg:s7], $0x6FFFF;
	_ =	strace $0x90000046  }
0xb3: {  	s29 =	simm.s32 $0x9;
	_ =	strace $0x80000048  }
0xb4: {  	_ =	swait.ge [sflag:s29], $0x1  }
0xb5: {  	[sflag:s29] =	ssyncadd.s32 $0xFFFFFFFF  }
0xb6: {  	_ =	strace $0x90000048  }
0xb7: {  	_ =	sfence  }
0xb8: {  	s30 =	sld [smem:$0x0];
	_ =	sdelay $0x2  }
0xb9: {  	s31 =	sshll.u32 s1, $0xD;
	s1 =	sshrl.u32 s1, $0x2  }
0xba: {  	s3 =	sand.u32 $0x4000, s31;
	s1 =	sadd.s32 s1, s30  }
0xbb: {  	s0 =	sor.u32 s3, s0;
	s1 =	sshll.u32 s1, $0x11  }
0xbc: {  	s0 =	sor.u32 s1, s0  }
0xbd: {  	s0 =	sadd.s32 $0x8F2B, s0  }
0xbe: {  	[sflag:s0] =	ssyncadd.remote.s32 $0x1  }
0xbf: {  	_ =	sfence.sel $0xFFFF  }
0xc0: {  	[dreg:$0x0] =	wrdreg $0xFFFFFFFF;
	(pc) =	sbr.abs _section_cstart, $3  }
0xc1: {  	[dreg:$0x1] =	wrdreg $0xFFFFFFFF  }
0xc2: {  	_ =	task.clear_ibuf [dreg:s7], $0x2FFFF;
	_ =	strace $0x9FFFFFFF  }
0xc3: {  	(tm) =	ssettm $0x7FFFFFFF  }
tec
execute0_lowered:
.L_overlay_start_1:
0x0: {  	(tag) =	ssettag $0x1  }
0x1: {  	s1 =	rddreg [dreg:$0x0]  }
0x2: {  	s4 =	rddreg [dreg:$0x1]  }
0x3: {  	s2 =	rddreg [dreg:$0x2]  }
0x4: {  	s3 =	simm.s32 $0x0;
	s18 =	stileid.u32;
	s0 =	srdreg.scid  }
0x5: {  	s30 =	simm.s32 $0x60;
	s31 =	simm.s32 $0x500;
	s28 =	simm.s32 $0x7  }
0x6: {  	[smem:$0x7FF] =	sst s3;
	s8 =	smul.u32 $0x2700, s18;
	s5 =	sadd.s32 $0xE200, s4  }
0x7: {  	s6 =	sadd.s32 $0x4400, s4;
	s0 =	sand.u32 $0x1, s0;
	s7 =	smul.u32 $0x4E000, s18  }
0x8: {  	s11 =	sadd.s32 $0x3F200, s4;
	p1 =	seq.s32 s18, $0x0;
	s14 =	smul.u32 $0x2710, s18  }
0x9: {  	s19 =	sadd.s32 $0x138000, s2;
	s29 =	sadd.s32 $0x27000, s1;
	s16 =	smul.u32 $0x13800, s18  }
0xa: {  	p3 =	sne.s32 s18, $0x0;
	_ =	strace $0x80000047;
	s10 =	ssub.s32 $0x2, s0  }
0xb: {  	s12 =	sshll.u32 s0, $0x4;
	p0 =	seq.s32 s0, $0x1;
	s26 =	smul.u32 $0x27100, s0  }
0xc: {  	[dreg:$0x10] =	wrdreg s29;
	s15 =	smul.u32 $0x138800, s0;
	p2 =	sne.s32 s0, $0x0  }
0xd: {  	[dreg:$0xf] =	wrdreg s19;
	s9 =	sadd.s32 s8, s4;
	s13 =	sshrl.u32 s10, $0x1  }
0xe: {  	s12 =	sor.u32 s18, s12;
	s7 =	sshrl.u32 s7, $0x2;
	s8 =	sadd.s32 s1, s8  }
0xf: {  	p1 =	por !p1, !p0;
	s4 =	sadd.s32 $0x3F000, s4;
	s13 =	ssub.s32 s10, s13  }
0x10: {  	s12 =	smul.u32 $0x2710, s12;
	s7 =	sadd.s32 s7, s2;
	[dreg:$0xd] =	wrdreg s8  }
0x11: {  	s25 =	sadd.s32 $0x18000, s9;
	s8 =	sor.u32 s18, s0;
	s9 =	sadd.s32 s14, s26  }
0x12: {  	[dreg:$0x11] =	wrdreg s4;
	s16 =	sadd.s32 s16, s15;
	s15 =	sshrl.u32 s15, $0x3  }
0x13: {  	s0 =	simm.s32 @!p3 $0x0;
	[dreg:$0xe] =	wrdreg s25;
	s17 =	sadd.s32 $0x1E0, s9  }
0x14: {  	s16 =	sshrl.u32 s16, $0x3;
	s25 =	sadd.s32 $0x240, s9;
	s29 =	sadd.s32 $0xC0, s9  }
0x15: {  	s0 =	simm.s32 @p3 $0x1;
	[dreg:$0xc] =	wrdreg s7;
	s4 =	sshrl.u32 s17, $0x3  }
0x16: {  	s16 =	sadd.s32 s11, s16;
	s11 =	sadd.s32 s11, s15;
	[smem:$0x7FD] =	sst s0  }
0x17: {  	s26 =	sshrl.u32 s25, $0x3;
	s25 =	simm.s32 $0x300;
	[dreg:$0x14] =	wrdreg s16  }
0x18: {  	s15 =	sshrl.u32 s29, $0x3;
	s29 =	simm.s32 $0x6500;
	[dreg:$0xa] =	wrdreg s25  }
0x19: {  	s22 =	sadd.s32 $0x120, s9;
	s21 =	sadd.s32 s4, s6;
	[dreg:$0xb] =	wrdreg s29  }
0x1a: {  	s12 =	sshrl.u32 s12, $0x3;
	s4 =	sadd.s32 s4, s5;
	[dreg:$0x4] =	wrdreg s21  }
0x1b: {  	s14 =	sadd.s32 s5, s12;
	s20 =	sadd.s32 $0xC, s12;
	[dreg:$0x5] =	wrdreg s4  }
0x1c: {  	s16 =	sshrl.u32 s22, $0x3;
	s17 =	sadd.s32 s5, s20;
	[dreg:$0x12] =	wrdreg s14  }
0x1d: {  	p1 =	por !p1, !p1;
	s23 =	sadd.s32 s16, s6;
	[dreg:$0x13] =	wrdreg s17  }
0x1e: {  	p4 =	sne.s32 s8, $0x0;
	s24 =	sadd.s32 s16, s5;
	[dreg:$0x6] =	wrdreg s23  }
0x1f: {  	s8 =	simm.s32 $0x180;
	s10 =	sadd.s32 $0x18, s14;
	[dreg:$0x7] =	wrdreg s24  }
0x20: {  	s25 =	simm.s32 $0x100;
	s4 =	sadd.s32 s26, s5;
	[dreg:$0x15] =	wrdreg s10  }
0x21: {  	s16 =	sadd.s32 s6, s12;
	s20 =	sadd.s32 s6, s20;
	[dreg:$0x8] =	wrdreg s4  }
0x22: {  	s12 =	sadd.s32 $0x4E0, s12;
	s26 =	sadd.s32 $0x180, s9;
	[dreg:$0x16] =	wrdreg s16  }
0x23: {  	s9 =	simm.s32 $0x9;
	s14 =	simm.s32 $0x8;
	[dreg:$0x17] =	wrdreg s20  }
0x24: {  	s17 =	sadd.s32 s15, s6;
	s21 =	sadd.s32 s5, s12;
	[dreg:$0x1c] =	wrdreg s26  }
0x25: {  	s22 =	sadd.s32 s6, s12;
	s23 =	sadd.s32 $0x27000, s11;
	[dreg:$0x9] =	wrdreg s17  }
0x26: {  	s24 =	smax.u32 s13, $0x1;
	s26 =	simm.s32 $0x200;
	[dreg:$0x18] =	wrdreg s21  }
0x27: {  	s11 =	simm.s32 $0x1;
	s12 =	simm.s32 $0x380;
	[dreg:$0x19] =	wrdreg s22  }
0x28: {  	s15 =	simm.s32 $0x9500;
	s13 =	simm.s32 $0xC;
	[dreg:$0x1a] =	wrdreg s23  }
0x29: {  	s16 =	simm.s32 $0x4;
	[dreg:$0x1b] =	wrdreg s24;
	s21 =	simm.s32 $0x0  }
.LBB2_1:
0x2a: {  	s0 =	sshll.u32 @!p2 s18, $0x6  }
0x2b: {  	s4 =	sshrl.u32 @!p2 s7, $0x3;
	s10 =	rddreg [dreg:$0xd];
	s0 =	sor.u32 @!p2 $0x1C0D, s0  }
0x2c: {  	[spmem:s4], [sflag:s0] =	dma.local @!p2 [hbm:s10], $0x2700  }
0x2d: {  	s0 =	sshll.u32 @p0 s18, $0x6  }
0x2e: {  	s4 =	sshrl.u32 @p0 s7, $0x3;
	s0 =	sor.u32 @p0 $0x1C0D, s0;
	s7 =	rddreg [dreg:$0xe]  }
0x2f: {  	[spmem:s4], [sflag:s0] =	dma.local @p0 [hbm:s7], $0x2700  }
0x30: {  	s0 =	sshll.u32 @!p4 s18, $0x6  }
0x31: {  	s4 =	sshrl.u32 @!p4 s19, $0x3;
	s0 =	sor.u32 @!p4 $0x1C0E, s0;
	s7 =	rddreg [dreg:$0x10]  }
0x32: {  	[spmem:s4], [sflag:s0] =	dma.local @!p4 [hbm:s7], $0x100  }
0x33: {  	s0 =	sshrl.u32 @p1 s19, $0x3;
	s4 =	simm.s32 @p1 $0x1C0E;
	s7 =	rddreg [dreg:$0x11]  }
0x34: {  	[spmem:s0], [sflag:s4] =	dma.local @p1 [hbm:s7], $0x100  }
0x35: {  	s0 =	rddreg [dreg:$0x12]  }
0x36: {  	[tilespmem:s3], [sflag:$0x5] =	stream.linear.gather [hbm4b:s0+s3], $0x60, $0x38;
	[tilespmem:$0x1FD80] =	vst v63  }
0x37: {  	s20 =	simm.s32 $0x80;
	s19 =	rddreg [dreg:$0x13]  }
0x38: {  	[tilespmem:s20], [sflag:$0x6] =	stream.linear.gather [hbm4b:s19+s3], $0x60, $0x38;
	[tilespmem:$0x1FD80] =	vst v63  }
0x39: {  	s22 =	rddreg [dreg:$0x15]  }
0x3a: {  	[tilespmem:s25], [sflag:$0x7] =	stream.linear.gather [hbm4b:s22+s3], $0x60, $0x38;
	[tilespmem:$0x1FD80] =	vst v63  }
0x3b: {  	s23 =	rddreg [dreg:$0x16]  }
0x3c: {  	[tilespmem:s26], [sflag:$0x9] =	stream.linear.gather [hbm4b:s23+s3], $0x60, $0x38;
	[tilespmem:$0x1FD80] =	vst v63  }
0x3d: {  	s29 =	simm.s32 $0x280;
	s7 =	simm.s32 $0x5;
	s24 =	rddreg [dreg:$0x17]  }
0x3e: {  	[tilespmem:s29], [sflag:$0xA] =	stream.linear.gather [hbm4b:s24+s3], $0x60, $0x38;
	[tilespmem:$0x1FD80] =	vst v63  }
0x3f: {  	_ =	swait.ge [sflag:s7], $0x60  }
0x40: {  	[sflag:s7] =	ssyncset.done $0x0  }
0x41: {  	s10 =	simm.s32 $0x6;
	[sflag:s7] =	ssyncadd.s32 $0xFFFFFFA0  }
0x42: {  	[tilespmem:s31], [sflag:$0x1] =	stream.indirect.gather [hbm4b:s1+s30], $0x80, s3, s30, $0xb8;
	[tilespmem:$0x1FD80] =	vst v63  }
0x43: {  	_ =	swait.ge [sflag:s10], $0x60  }
0x44: {  	[sflag:s10] =	ssyncset.done $0x0  }
0x45: {  	s17 =	simm.s32 $0x3500;
	s0 =	simm.s32 @!p2 $0xD;
	[sflag:s10] =	ssyncadd.s32 $0xFFFFFFA0  }
0x46: {  	[tilespmem:s17], [sflag:$0x2] =	stream.indirect.gather [hbm4b:s1+s30], $0x80, s20, s30, $0xb8;
	[tilespmem:$0x1FD80] =	vst v63  }
0x47: {  	_ =	swait.ge @!p2 [sflag:s0], $0x2700  }
0x48: {  	[sflag:s0] =	ssyncset.done @!p2 $0x0  }
0x49: {  	[sflag:s0] =	ssyncadd.s32 @!p2 $0xFFFFD900;
	s0 =	simm.s32 @p0 $0xD  }
0x4a: {  	_ =	swait.ge @p0 [sflag:s0], $0x2700  }
0x4b: {  	[sflag:s0] =	ssyncset.done @p0 $0x0  }
0x4c: {  	[sflag:s0] =	ssyncadd.s32 @p0 $0xFFFFD900;
	s0 =	simm.s32 @!p4 $0xE  }
0x4d: {  	_ =	swait.ge @!p4 [sflag:s0], $0x100  }
0x4e: {  	[sflag:s0] =	ssyncset.done @!p4 $0x0  }
0x4f: {  	[sflag:s0] =	ssyncadd.s32 @!p4 $0xFFFFFF00;
	s0 =	simm.s32 @p1 $0xE  }
0x50: {  	_ =	swait.ge @p1 [sflag:s0], $0x100  }
0x51: {  	p3 =	por $0x1, $0x1;
	[sflag:s0] =	ssyncset.done @p1 $0x0  }
0x52: {  	p3 =	por p3, p3;
	[sflag:s0] =	ssyncadd.s32 @p1 $0xFFFFFF00  }
0x53: {  	s0 =	simm.s32 @!p3 $0xF;
	[bflag:$0x0] =	sbarrier.arrive $0xFFFF  }
0x54: {  	_ =	swait.ge @!p3 [sflag:s0], $0x3000  }
0x55: {  	s18 =	rddreg [dreg:$0x9];
	[sflag:s0] =	ssyncset.done @!p3 $0x0  }
0x56: {  	s17 =	rddreg [dreg:$0xa];
	[sflag:s0] =	ssyncadd.s32 @!p3 $0xFFFFD000;
	s19 =	sadd.s32 $0x0, s18  }
0x57: {  	[tilespmem:s17], [sflag:$0xB] =	stream.linear.gather [hbm4b:s19+s3], $0x60, $0x38;
	[tilespmem:$0x1FD80] =	vst v63  }
0x58: {  	_ =	swait.ge [sflag:s28], $0x60  }
0x59: {  	s20 =	rddreg [dreg:$0xb];
	[sflag:s28] =	ssyncset.done $0x0  }
0x5a: {  	s22 =	rddreg [dreg:$0x7];
	[sflag:s28] =	ssyncadd.s32 $0xFFFFFFA0  }
0x5b: {  	[tilespmem:s20], [sflag:$0x3] =	stream.indirect.gather [hbm4b:s1+s30], $0x80, s25, s30, $0xb8;
	[tilespmem:$0x1FD80] =	vst v63  }
0x5c: {  	s23 =	sadd.s32 $0x0, s22  }
0x5d: {  	[tilespmem:s8], [sflag:$0x8] =	stream.linear.gather [hbm4b:s23+s3], $0x60, $0x38;
	[tilespmem:$0x1FD80] =	vst v63  }
0x5e: {  	_ =	swait.ge [sflag:s9], $0x60  }
0x5f: {  	[sflag:s9] =	ssyncset.done $0x0  }
0x60: {  	[sflag:s9] =	ssyncadd.s32 $0xFFFFFFA0  }
0x61: {  	_ =	swait.ge [sflag:s11], $0x3000  }
0x62: {  	[sflag:s11] =	ssyncset.done $0x0  }
0x63: {  	s0 =	simm.s32 @!p3 $0x10;
	[sflag:s11] =	ssyncadd.s32 $0xFFFFD000  }
0x64: {  	[spmem:s2] =	stream.indirect.scatter.add.f32 [tilespmem:s31], [sflag:$0xD], $0x80, s26, s30, $0xb8;
	[tilespmem:$0x1FD80] =	vst v63  }
0x65: {  	_ =	swait.ge @!p3 [sflag:s0], $0x3000  }
0x66: {  	s24 =	rddreg [dreg:$0x6];
	[sflag:s0] =	ssyncset.done @!p3 $0x0  }
0x67: {  	[sflag:s0] =	ssyncadd.s32 @!p3 $0xFFFFD000;
	s29 =	sadd.s32 $0x0, s24  }
0x68: {  	[tilespmem:s12], [sflag:$0xC] =	stream.linear.gather [hbm4b:s29+s3], $0x60, $0x38;
	[tilespmem:$0x1FD80] =	vst v63  }
0x69: {  	_ =	swait.ge [sflag:s14], $0x60  }
0x6a: {  	p3 =	por $0x1, $0x1;
	[sflag:s14] =	ssyncset.done $0x0;
	s7 =	rddreg [dreg:$0x1c]  }
0x6b: {  	[sflag:s14] =	ssyncadd.s32 $0xFFFFFFA0;
	s0 =	sshrl.u32 @p3 s7, $0x3  }
0x6c: {  	[tilespmem:s15], [sflag:$0x4] =	stream.indirect.gather [hbm4b:s1+s30], $0x80, s8, s30, $0xb8;
	[tilespmem:$0x1FD80] =	vst v63  }
0x6d: {  	s4 =	simm.s32 @p3 $0x0;
	s19 =	simm.s32 @p3 $0xA;
	s17 =	sadd.s32 @p3 s5, s0  }
0x6e: {  	[tilespmem:s4], [sflag:$0x5] =	stream.linear.gather @p3 [hbm4b:s17+s4], $0x60, $0x38;
	[tilespmem:$0x1FD80] =	vst v63  }
0x6f: {  	_ =	swait.ge @p3 [sflag:s19], $0x60  }
0x70: {  	[sflag:s19] =	ssyncset.done @p3 $0x0  }
0x71: {  	s17 =	simm.s32 @p3 $0x2;
	[sflag:s19] =	ssyncadd.s32 @p3 $0xFFFFFFA0  }
0x72: {  	_ =	swait.ge @p3 [sflag:s17], $0x3000  }
0x73: {  	s20 =	simm.s32 @p3 $0x60;
	s22 =	simm.s32 @p3 $0x280;
	[sflag:s17] =	ssyncset.done @p3 $0x0  }
0x74: {  	s19 =	simm.s32 @p3 $0x3500;
	[sflag:s17] =	ssyncadd.s32 @p3 $0xFFFFD000;
	s17 =	simm.s32 @p3 $0xD  }
0x75: {  	[spmem:s2] =	stream.indirect.scatter.add.f32 @p3 [tilespmem:s19], [sflag:$0xE], $0x80, s22, s20, $0xb8;
	[tilespmem:$0x1FD80] =	vst v63  }
0x76: {  	_ =	swait.ge @p3 [sflag:s17], $0x3000  }
0x77: {  	s29 =	simm.s32 @p3 $0x200;
	[sflag:s17] =	ssyncset.done @p3 $0x0  }
0x78: {  	s0 =	sadd.s32 @p3 s6, s0;
	[sflag:s17] =	ssyncadd.s32 @p3 $0xFFFFD000;
	s17 =	simm.s32 @p3 $0x5  }
0x79: {  	[tilespmem:s29], [sflag:$0x9] =	stream.linear.gather @p3 [hbm4b:s0+s4], $0x60, $0x38;
	[tilespmem:$0x1FD80] =	vst v63  }
0x7a: {  	_ =	swait.ge @p3 [sflag:s17], $0x60  }
0x7b: {  	[sflag:s17] =	ssyncset.done @p3 $0x0  }
0x7c: {  	s29 =	simm.s32 @p3 $0x500;
	s0 =	rddreg [dreg:$0x5];
	[sflag:s17] =	ssyncadd.s32 @p3 $0xFFFFFFA0  }
0x7d: {  	[tilespmem:s29], [sflag:$0x1] =	stream.indirect.gather @p3 [hbm4b:s1+s20], $0x80, s4, s20, $0xb8;
	[tilespmem:$0x1FD80] =	vst v63  }
0x7e: {  	s17 =	simm.s32 @p3 $0x80;
	s0 =	sadd.s32 @p3 $0x0, s0;
	s29 =	simm.s32 @p3 $0xB  }
0x7f: {  	[tilespmem:s17], [sflag:$0x6] =	stream.linear.gather @p3 [hbm4b:s0+s4], $0x60, $0x38;
	[tilespmem:$0x1FD80] =	vst v63  }
0x80: {  	_ =	swait.ge @p3 [sflag:s29], $0x60  }
0x81: {  	[sflag:s29] =	ssyncset.done @p3 $0x0  }
0x82: {  	s0 =	simm.s32 @p3 $0x3;
	[sflag:s29] =	ssyncadd.s32 @p3 $0xFFFFFFA0  }
0x83: {  	_ =	swait.ge @p3 [sflag:s0], $0x3000  }
0x84: {  	[sflag:s0] =	ssyncset.done @p3 $0x0  }
0x85: {  	s29 =	simm.s32 @p3 $0x300;
	[sflag:s0] =	ssyncadd.s32 @p3 $0xFFFFD000;
	s0 =	simm.s32 @p3 $0x6500  }
0x86: {  	[spmem:s2] =	stream.indirect.scatter.add.f32 @p3 [tilespmem:s0], [sflag:$0xF], $0x80, s29, s20, $0xb8;
	[tilespmem:$0x1FD80] =	vst v63  }
0x87: {  	s0 =	simm.s32 @p3 $0xE  }
0x88: {  	_ =	swait.ge @p3 [sflag:s0], $0x3000  }
0x89: {  	s29 =	rddreg [dreg:$0x4];
	[sflag:s0] =	ssyncset.done @p3 $0x0  }
0x8a: {  	[sflag:s0] =	ssyncadd.s32 @p3 $0xFFFFD000;
	s0 =	sadd.s32 @p3 $0x0, s29  }
0x8b: {  	[tilespmem:s22], [sflag:$0xA] =	stream.linear.gather @p3 [hbm4b:s0+s4], $0x60, $0x38;
	[tilespmem:$0x1FD80] =	vst v63  }
0x8c: {  	s0 =	simm.s32 @p3 $0x6  }
0x8d: {  	_ =	swait.ge @p3 [sflag:s0], $0x60  }
0x8e: {  	[sflag:s0] =	ssyncset.done @p3 $0x0  }
0x8f: {  	s22 =	rddreg [dreg:$0x8];
	[sflag:s0] =	ssyncadd.s32 @p3 $0xFFFFFFA0  }
0x90: {  	[tilespmem:s19], [sflag:$0x2] =	stream.indirect.gather @p3 [hbm4b:s1+s20], $0x80, s17, s20, $0xb8;
	[tilespmem:$0x1FD80] =	vst v63  }
0x91: {  	s0 =	simm.s32 @p3 $0x100;
	s17 =	sadd.s32 @p3 $0x0, s22;
	s19 =	simm.s32 @!p3 $0xA  }
0x92: {  	[tilespmem:s0], [sflag:$0x7] =	stream.linear.gather @p3 [hbm4b:s17+s4], $0x60, $0x38;
	[tilespmem:$0x1FD80] =	vst v63  }
0x93: {  	_ =	swait.ge @!p3 [sflag:s19], $0x60  }
0x94: {  	[sflag:s19] =	ssyncset.done @!p3 $0x0  }
0x95: {  	s0 =	simm.s32 @!p3 $0x2;
	[sflag:s19] =	ssyncadd.s32 @!p3 $0xFFFFFFA0  }
0x96: {  	_ =	swait.ge @!p3 [sflag:s0], $0x3000  }
0x97: {  	s4 =	simm.s32 @!p3 $0x3500;
	s17 =	simm.s32 @!p3 $0x60;
	[sflag:s0] =	ssyncset.done @!p3 $0x0  }
0x98: {  	s19 =	simm.s32 @!p3 $0x280;
	[sflag:s0] =	ssyncadd.s32 @!p3 $0xFFFFD000;
	s0 =	simm.s32 @!p3 $0xD  }
0x99: {  	[spmem:s2] =	stream.indirect.scatter.add.f32 @!p3 [tilespmem:s4], [sflag:$0xE], $0x80, s19, s17, $0xb8;
	[tilespmem:$0x1FD80] =	vst v63  }
0x9a: {  	_ =	swait.ge @!p3 [sflag:s0], $0x3000  }
0x9b: {  	[sflag:s0] =	ssyncset.done @!p3 $0x0  }
0x9c: {  	s4 =	simm.s32 @!p3 $0xB;
	[sflag:s0] =	ssyncadd.s32 @!p3 $0xFFFFD000  }
0x9d: {  	_ =	swait.ge @!p3 [sflag:s4], $0x60  }
0x9e: {  	[sflag:s4] =	ssyncset.done @!p3 $0x0  }
0x9f: {  	s0 =	simm.s32 @!p3 $0x3;
	[sflag:s4] =	ssyncadd.s32 @!p3 $0xFFFFFFA0  }
0xa0: {  	_ =	swait.ge @!p3 [sflag:s0], $0x3000  }
0xa1: {  	s19 =	simm.s32 @!p3 $0x6500;
	[sflag:s0] =	ssyncset.done @!p3 $0x0  }
0xa2: {  	s4 =	simm.s32 @!p3 $0x300;
	[sflag:s0] =	ssyncadd.s32 @!p3 $0xFFFFD000;
	s0 =	simm.s32 @!p3 $0xE  }
0xa3: {  	[spmem:s2] =	stream.indirect.scatter.add.f32 @!p3 [tilespmem:s19], [sflag:$0xF], $0x80, s4, s17, $0xb8;
	[tilespmem:$0x1FD80] =	vst v63  }
0xa4: {  	_ =	swait.ge @!p3 [sflag:s0], $0x3000  }
0xa5: {  	[sflag:s0] =	ssyncset.done @!p3 $0x0  }
0xa6: {  	[sflag:s0] =	ssyncadd.s32 @!p3 $0xFFFFD000  }
0xa7: {  	_ =	swait.ge [sflag:s13], $0x60  }
0xa8: {  	p6 =	por $0x0, $0x0;
	[sflag:s13] =	ssyncset.done $0x0  }
0xa9: {  	p5 =	por p6, p6;
	[sflag:s13] =	ssyncadd.s32 $0xFFFFFFA0  }
0xaa: {  	s22 =	simm.s32 $0x30;
	s20 =	simm.s32 $0x60;
	_ =	swait.ge [sflag:s16], $0x3000  }
0xab: {  	s19 =	sadd.s32 $0x180, s7;
	s0 =	simm.s32 @!p5 $0xF;
	[sflag:s16] =	ssyncset.done $0x0  }
.LBB2_2:
0xac: {  	[sflag:s16] =	ssyncadd.s32 $0xFFFFD000  }
0xad: {  	[spmem:s2] =	stream.indirect.scatter.add.f32 [tilespmem:s15], [sflag:$0x10], $0x80, s12, s30, $0xb8;
	[tilespmem:$0x1FD80] =	vst v63  }
0xae: {  	_ =	swait.ge @!p5 [sflag:s0], $0x3000  }
0xaf: {  	[sflag:s0] =	ssyncset.done @!p5 $0x0;
	s4 =	rddreg [dreg:$0x9]  }
0xb0: {  	s7 =	rddreg [dreg:$0xa];
	[sflag:s0] =	ssyncadd.s32 @!p5 $0xFFFFD000;
	s4 =	sadd.s32 s22, s4  }
0xb1: {  	[tilespmem:s7], [sflag:$0xB] =	stream.linear.gather [hbm4b:s4+s3], $0x60, $0x38;
	[tilespmem:$0x1FD80] =	vst v63  }
0xb2: {  	_ =	swait.ge [sflag:s28], $0x60  }
0xb3: {  	s10 =	rddreg [dreg:$0xb];
	[sflag:s28] =	ssyncset.done $0x0  }
0xb4: {  	s17 =	rddreg [dreg:$0x7];
	[sflag:s28] =	ssyncadd.s32 $0xFFFFFFA0  }
0xb5: {  	[tilespmem:s10], [sflag:$0x3] =	stream.indirect.gather [hbm4b:s1+s30], $0x80, s25, s30, $0xb8;
	[tilespmem:$0x1FD80] =	vst v63  }
0xb6: {  	s18 =	sadd.s32 s22, s17  }
0xb7: {  	[tilespmem:s8], [sflag:$0x8] =	stream.linear.gather [hbm4b:s18+s3], $0x60, $0x38;
	[tilespmem:$0x1FD80] =	vst v63  }
0xb8: {  	_ =	swait.ge [sflag:s9], $0x60  }
0xb9: {  	[sflag:s9] =	ssyncset.done $0x0  }
0xba: {  	[sflag:s9] =	ssyncadd.s32 $0xFFFFFFA0  }
0xbb: {  	_ =	swait.ge [sflag:s11], $0x3000  }
0xbc: {  	[sflag:s11] =	ssyncset.done $0x0  }
0xbd: {  	s0 =	simm.s32 @!p5 $0x10;
	[sflag:s11] =	ssyncadd.s32 $0xFFFFD000  }
0xbe: {  	[spmem:s2] =	stream.indirect.scatter.add.f32 [tilespmem:s31], [sflag:$0xD], $0x80, s26, s30, $0xb8;
	[tilespmem:$0x1FD80] =	vst v63  }
0xbf: {  	_ =	swait.ge @!p5 [sflag:s0], $0x3000  }
0xc0: {  	s23 =	rddreg [dreg:$0x6];
	[sflag:s0] =	ssyncset.done @!p5 $0x0  }
0xc1: {  	[sflag:s0] =	ssyncadd.s32 @!p5 $0xFFFFD000;
	s24 =	sadd.s32 s22, s23  }
0xc2: {  	[tilespmem:s12], [sflag:$0xC] =	stream.linear.gather [hbm4b:s24+s3], $0x60, $0x38;
	[tilespmem:$0x1FD80] =	vst v63  }
0xc3: {  	p3 =	seq.s32 s20, $0x0;
	_ =	swait.ge [sflag:s14], $0x60  }
0xc4: {  	p5 =	por p3, p3;
	p3 =	sne.s32 s22, $0x4B0;
	[sflag:s14] =	ssyncset.done $0x0  }
0xc5: {  	s4 =	sshrl.u32 @p3 s19, $0x3;
	[sflag:s14] =	ssyncadd.s32 $0xFFFFFFA0  }
0xc6: {  	[tilespmem:s15], [sflag:$0x4] =	stream.indirect.gather [hbm4b:s1+s30], $0x80, s8, s30, $0xb8;
	[tilespmem:$0x1FD80] =	vst v63  }
0xc7: {  	s0 =	simm.s32 @p3 $0x0;
	s23 =	simm.s32 @p3 $0xA;
	s17 =	sadd.s32 @p3 s5, s4  }
0xc8: {  	[tilespmem:s0], [sflag:$0x5] =	stream.linear.gather @p3 [hbm4b:s17+s0], $0x60, $0x38;
	[tilespmem:$0x1FD80] =	vst v63  }
0xc9: {  	_ =	swait.ge @p3 [sflag:s23], $0x60  }
0xca: {  	[sflag:s23] =	ssyncset.done @p3 $0x0  }
0xcb: {  	s7 =	simm.s32 @p3 $0x2;
	[sflag:s23] =	ssyncadd.s32 @p3 $0xFFFFFFA0  }
0xcc: {  	s18 =	sadd.s32 @p3 s6, s4;
	_ =	swait.ge @p3 [sflag:s7], $0x3000  }
0xcd: {  	s4 =	simm.s32 @p3 $0x60;
	s17 =	simm.s32 @p3 $0x3500;
	[sflag:s7] =	ssyncset.done @p3 $0x0  }
0xce: {  	s23 =	simm.s32 @p3 $0x280;
	[sflag:s7] =	ssyncadd.s32 @p3 $0xFFFFD000;
	s7 =	simm.s32 @p3 $0xD  }
0xcf: {  	[spmem:s2] =	stream.indirect.scatter.add.f32 @p3 [tilespmem:s17], [sflag:$0xE], $0x80, s23, s4, $0xb8;
	[tilespmem:$0x1FD80] =	vst v63  }
0xd0: {  	_ =	swait.ge @p3 [sflag:s7], $0x3000  }
0xd1: {  	[sflag:s7] =	ssyncset.done @p3 $0x0  }
0xd2: {  	s10 =	simm.s32 @p3 $0x200;
	[sflag:s7] =	ssyncadd.s32 @p3 $0xFFFFD000;
	s7 =	simm.s32 @p3 $0x5  }
0xd3: {  	[tilespmem:s10], [sflag:$0x9] =	stream.linear.gather @p3 [hbm4b:s18+s0], $0x60, $0x38;
	[tilespmem:$0x1FD80] =	vst v63  }
0xd4: {  	_ =	swait.ge @p3 [sflag:s7], $0x60  }
0xd5: {  	[sflag:s7] =	ssyncset.done @p3 $0x0  }
0xd6: {  	s10 =	simm.s32 @p3 $0x500;
	s18 =	rddreg [dreg:$0x5];
	[sflag:s7] =	ssyncadd.s32 @p3 $0xFFFFFFA0  }
0xd7: {  	[tilespmem:s10], [sflag:$0x1] =	stream.indirect.gather @p3 [hbm4b:s1+s4], $0x80, s0, s4, $0xb8;
	[tilespmem:$0x1FD80] =	vst v63  }
0xd8: {  	s7 =	simm.s32 @p3 $0x80;
	s10 =	sadd.s32 @p3 s22, s18;
	s18 =	simm.s32 @p3 $0xB  }
0xd9: {  	[tilespmem:s7], [sflag:$0x6] =	stream.linear.gather @p3 [hbm4b:s10+s0], $0x60, $0x38;
	[tilespmem:$0x1FD80] =	vst v63  }
0xda: {  	_ =	swait.ge @p3 [sflag:s18], $0x60  }
0xdb: {  	[sflag:s18] =	ssyncset.done @p3 $0x0  }
0xdc: {  	s10 =	simm.s32 @p3 $0x3;
	[sflag:s18] =	ssyncadd.s32 @p3 $0xFFFFFFA0  }
0xdd: {  	_ =	swait.ge @p3 [sflag:s10], $0x3000  }
0xde: {  	s24 =	simm.s32 @p3 $0x6500;
	[sflag:s10] =	ssyncset.done @p3 $0x0  }
0xdf: {  	s18 =	simm.s32 @p3 $0x300;
	[sflag:s10] =	ssyncadd.s32 @p3 $0xFFFFD000;
	s10 =	simm.s32 @p3 $0xE  }
0xe0: {  	[spmem:s2] =	stream.indirect.scatter.add.f32 @p3 [tilespmem:s24], [sflag:$0xF], $0x80, s18, s4, $0xb8;
	[tilespmem:$0x1FD80] =	vst v63  }
0xe1: {  	_ =	swait.ge @p3 [sflag:s10], $0x3000  }
0xe2: {  	[sflag:s10] =	ssyncset.done @p3 $0x0;
	s18 =	rddreg [dreg:$0x4]  }
0xe3: {  	[sflag:s10] =	ssyncadd.s32 @p3 $0xFFFFD000;
	s10 =	sadd.s32 @p3 s22, s18;
	s18 =	simm.s32 @p3 $0x6  }
0xe4: {  	[tilespmem:s23], [sflag:$0xA] =	stream.linear.gather @p3 [hbm4b:s10+s0], $0x60, $0x38;
	[tilespmem:$0x1FD80] =	vst v63  }
0xe5: {  	_ =	swait.ge @p3 [sflag:s18], $0x60  }
0xe6: {  	[sflag:s18] =	ssyncset.done @p3 $0x0  }
0xe7: {  	s10 =	rddreg [dreg:$0x8];
	[sflag:s18] =	ssyncadd.s32 @p3 $0xFFFFFFA0  }
0xe8: {  	[tilespmem:s17], [sflag:$0x2] =	stream.indirect.gather @p3 [hbm4b:s1+s4], $0x80, s7, s4, $0xb8;
	[tilespmem:$0x1FD80] =	vst v63  }
0xe9: {  	s18 =	simm.s32 @p3 $0x100;
	s4 =	sadd.s32 @p3 s22, s10;
	s7 =	simm.s32 @!p3 $0xA  }
0xea: {  	[tilespmem:s18], [sflag:$0x7] =	stream.linear.gather @p3 [hbm4b:s4+s0], $0x60, $0x38;
	[tilespmem:$0x1FD80] =	vst v63  }
0xeb: {  	_ =	swait.ge @!p3 [sflag:s7], $0x60  }
0xec: {  	[sflag:s7] =	ssyncset.done @!p3 $0x0  }
0xed: {  	s0 =	simm.s32 @!p3 $0x2;
	[sflag:s7] =	ssyncadd.s32 @!p3 $0xFFFFFFA0  }
0xee: {  	_ =	swait.ge @!p3 [sflag:s0], $0x3000  }
0xef: {  	s10 =	simm.s32 @!p3 $0x280;
	s4 =	simm.s32 @!p3 $0x3500;
	[sflag:s0] =	ssyncset.done @!p3 $0x0  }
0xf0: {  	s7 =	simm.s32 @!p3 $0x60;
	[sflag:s0] =	ssyncadd.s32 @!p3 $0xFFFFD000;
	s0 =	simm.s32 @!p3 $0xD  }
0xf1: {  	[spmem:s2] =	stream.indirect.scatter.add.f32 @!p3 [tilespmem:s4], [sflag:$0xE], $0x80, s10, s7, $0xb8;
	[tilespmem:$0x1FD80] =	vst v63  }
0xf2: {  	_ =	swait.ge @!p3 [sflag:s0], $0x3000  }
0xf3: {  	[sflag:s0] =	ssyncset.done @!p3 $0x0  }
0xf4: {  	s4 =	simm.s32 @!p3 $0xB;
	[sflag:s0] =	ssyncadd.s32 @!p3 $0xFFFFD000  }
0xf5: {  	_ =	swait.ge @!p3 [sflag:s4], $0x60  }
0xf6: {  	[sflag:s4] =	ssyncset.done @!p3 $0x0  }
0xf7: {  	s0 =	simm.s32 @!p3 $0x3;
	[sflag:s4] =	ssyncadd.s32 @!p3 $0xFFFFFFA0  }
0xf8: {  	_ =	swait.ge @!p3 [sflag:s0], $0x3000  }
0xf9: {  	s10 =	simm.s32 @!p3 $0x6500;
	[sflag:s0] =	ssyncset.done @!p3 $0x0  }
0xfa: {  	s4 =	simm.s32 @!p3 $0x300;
	[sflag:s0] =	ssyncadd.s32 @!p3 $0xFFFFD000;
	s0 =	simm.s32 @!p3 $0xE  }
0xfb: {  	[spmem:s2] =	stream.indirect.scatter.add.f32 @!p3 [tilespmem:s10], [sflag:$0xF], $0x80, s4, s7, $0xb8;
	[tilespmem:$0x1FD80] =	vst v63  }
0xfc: {  	_ =	swait.ge @!p3 [sflag:s0], $0x3000  }
0xfd: {  	s29 =	smov.u32 s20;
	s20 =	sadd.s32 $0x30, s20;
	[sflag:s0] =	ssyncset.done @!p3 $0x0  }
0xfe: {  	p6 =	sne.s32 s20, $0x4E0;
	[sflag:s0] =	ssyncadd.s32 @!p3 $0xFFFFD000  }
.Ltmp0:
0xff: {  	_ =	swait.ge [sflag:s13], $0x60;
	(pc) =	sbr.rel @p6 .LBB2_2-.Ltmp0, $4  }
0x100: {  	[sflag:s13] =	ssyncset.done $0x0  }
0x101: {  	[sflag:s13] =	ssyncadd.s32 $0xFFFFFFA0  }
0x102: {  	s19 =	sadd.s32 $0x180, s19;
	_ =	swait.ge [sflag:s16], $0x3000  }
0x103: {  	s22 =	smov.u32 s29;
	s0 =	simm.s32 @!p5 $0xF;
	[sflag:s16] =	ssyncset.done $0x0  }
0x104: {  	[sflag:s16] =	ssyncadd.s32 $0xFFFFD000  }
0x105: {  	[spmem:s2] =	stream.indirect.scatter.add.f32 [tilespmem:s15], [sflag:$0x10], $0x80, s12, s30, $0xb8;
	[tilespmem:$0x1FD80] =	vst v63  }
0x106: {  	_ =	swait.ge @!p5 [sflag:s0], $0x3000  }
0x107: {  	s4 =	rddreg [dreg:$0x9];
	[sflag:s0] =	ssyncset.done @!p5 $0x0  }
0x108: {  	s7 =	rddreg [dreg:$0xa];
	[sflag:s0] =	ssyncadd.s32 @!p5 $0xFFFFD000;
	s29 =	sadd.s32 s22, s4  }
0x109: {  	[tilespmem:s7], [sflag:$0xB] =	stream.linear.gather [hbm4b:s29+s3], $0x60, $0x38;
	[tilespmem:$0x1FD80] =	vst v63  }
0x10a: {  	_ =	swait.ge [sflag:s28], $0x60  }
0x10b: {  	s4 =	rddreg [dreg:$0xb];
	[sflag:s28] =	ssyncset.done $0x0  }
0x10c: {  	s7 =	rddreg [dreg:$0x7];
	[sflag:s28] =	ssyncadd.s32 $0xFFFFFFA0  }
0x10d: {  	[tilespmem:s4], [sflag:$0x3] =	stream.indirect.gather [hbm4b:s1+s30], $0x80, s25, s30, $0xb8;
	[tilespmem:$0x1FD80] =	vst v63  }
0x10e: {  	s10 =	sadd.s32 s22, s7  }
0x10f: {  	[tilespmem:s8], [sflag:$0x8] =	stream.linear.gather [hbm4b:s10+s3], $0x60, $0x38;
	[tilespmem:$0x1FD80] =	vst v63  }
0x110: {  	_ =	swait.ge [sflag:s9], $0x60  }
0x111: {  	[sflag:s9] =	ssyncset.done $0x0  }
0x112: {  	[sflag:s9] =	ssyncadd.s32 $0xFFFFFFA0  }
0x113: {  	_ =	swait.ge [sflag:s11], $0x3000  }
0x114: {  	[sflag:s11] =	ssyncset.done $0x0  }
0x115: {  	s0 =	simm.s32 @!p5 $0x10;
	[sflag:s11] =	ssyncadd.s32 $0xFFFFD000  }
0x116: {  	[spmem:s2] =	stream.indirect.scatter.add.f32 [tilespmem:s31], [sflag:$0xD], $0x80, s26, s30, $0xb8;
	[tilespmem:$0x1FD80] =	vst v63  }
0x117: {  	_ =	swait.ge @!p5 [sflag:s0], $0x3000  }
0x118: {  	s17 =	rddreg [dreg:$0x6];
	[sflag:s0] =	ssyncset.done @!p5 $0x0  }
0x119: {  	[sflag:s0] =	ssyncadd.s32 @!p5 $0xFFFFD000;
	s18 =	sadd.s32 s22, s17  }
0x11a: {  	[tilespmem:s12], [sflag:$0xC] =	stream.linear.gather [hbm4b:s18+s3], $0x60, $0x38;
	[tilespmem:$0x1FD80] =	vst v63  }
0x11b: {  	_ =	swait.ge [sflag:s14], $0x60  }
0x11c: {  	p3 =	sne.s32 s22, $0x4B0;
	[sflag:s14] =	ssyncset.done $0x0  }
0x11d: {  	s0 =	sshrl.u32 @p3 s19, $0x3;
	[sflag:s14] =	ssyncadd.s32 $0xFFFFFFA0  }
0x11e: {  	[tilespmem:s15], [sflag:$0x4] =	stream.indirect.gather [hbm4b:s1+s30], $0x80, s8, s30, $0xb8;
	[tilespmem:$0x1FD80] =	vst v63  }
0x11f: {  	s4 =	simm.s32 @p3 $0x0;
	s10 =	simm.s32 @p3 $0xA;
	s7 =	sadd.s32 @p3 s5, s0  }
0x120: {  	[tilespmem:s4], [sflag:$0x5] =	stream.linear.gather @p3 [hbm4b:s7+s4], $0x60, $0x38;
	[tilespmem:$0x1FD80] =	vst v63  }
0x121: {  	_ =	swait.ge @p3 [sflag:s10], $0x60  }
0x122: {  	[sflag:s10] =	ssyncset.done @p3 $0x0  }
0x123: {  	s7 =	simm.s32 @p3 $0x2;
	[sflag:s10] =	ssyncadd.s32 @p3 $0xFFFFFFA0  }
0x124: {  	_ =	swait.ge @p3 [sflag:s7], $0x3000  }
0x125: {  	s17 =	simm.s32 @p3 $0x60;
	s18 =	simm.s32 @p3 $0x280;
	[sflag:s7] =	ssyncset.done @p3 $0x0  }
0x126: {  	s10 =	simm.s32 @p3 $0x3500;
	[sflag:s7] =	ssyncadd.s32 @p3 $0xFFFFD000;
	s7 =	simm.s32 @p3 $0xD  }
0x127: {  	[spmem:s2] =	stream.indirect.scatter.add.f32 @p3 [tilespmem:s10], [sflag:$0xE], $0x80, s18, s17, $0xb8;
	[tilespmem:$0x1FD80] =	vst v63  }
0x128: {  	_ =	swait.ge @p3 [sflag:s7], $0x3000  }
0x129: {  	s19 =	simm.s32 @p3 $0x200;
	[sflag:s7] =	ssyncset.done @p3 $0x0  }
0x12a: {  	s0 =	sadd.s32 @p3 s6, s0;
	[sflag:s7] =	ssyncadd.s32 @p3 $0xFFFFD000;
	s7 =	simm.s32 @p3 $0x5  }
0x12b: {  	[tilespmem:s19], [sflag:$0x9] =	stream.linear.gather @p3 [hbm4b:s0+s4], $0x60, $0x38;
	[tilespmem:$0x1FD80] =	vst v63  }
0x12c: {  	_ =	swait.ge @p3 [sflag:s7], $0x60  }
0x12d: {  	[sflag:s7] =	ssyncset.done @p3 $0x0  }
0x12e: {  	s19 =	simm.s32 @p3 $0x500;
	s0 =	rddreg [dreg:$0x5];
	[sflag:s7] =	ssyncadd.s32 @p3 $0xFFFFFFA0  }
0x12f: {  	[tilespmem:s19], [sflag:$0x1] =	stream.indirect.gather @p3 [hbm4b:s1+s17], $0x80, s4, s17, $0xb8;
	[tilespmem:$0x1FD80] =	vst v63  }
0x130: {  	s7 =	simm.s32 @p3 $0x80;
	s0 =	sadd.s32 @p3 s22, s0;
	s19 =	simm.s32 @p3 $0xB  }
0x131: {  	[tilespmem:s7], [sflag:$0x6] =	stream.linear.gather @p3 [hbm4b:s0+s4], $0x60, $0x38;
	[tilespmem:$0x1FD80] =	vst v63  }
0x132: {  	_ =	swait.ge @p3 [sflag:s19], $0x60  }
0x133: {  	[sflag:s19] =	ssyncset.done @p3 $0x0  }
0x134: {  	s0 =	simm.s32 @p3 $0x3;
	[sflag:s19] =	ssyncadd.s32 @p3 $0xFFFFFFA0  }
0x135: {  	_ =	swait.ge @p3 [sflag:s0], $0x3000  }
0x136: {  	[sflag:s0] =	ssyncset.done @p3 $0x0  }
0x137: {  	s19 =	simm.s32 @p3 $0x300;
	[sflag:s0] =	ssyncadd.s32 @p3 $0xFFFFD000;
	s0 =	simm.s32 @p3 $0x6500  }
0x138: {  	[spmem:s2] =	stream.indirect.scatter.add.f32 @p3 [tilespmem:s0], [sflag:$0xF], $0x80, s19, s17, $0xb8;
	[tilespmem:$0x1FD80] =	vst v63  }
0x139: {  	s0 =	simm.s32 @p3 $0xE  }
0x13a: {  	_ =	swait.ge @p3 [sflag:s0], $0x3000  }
0x13b: {  	s19 =	rddreg [dreg:$0x4];
	[sflag:s0] =	ssyncset.done @p3 $0x0  }
0x13c: {  	[sflag:s0] =	ssyncadd.s32 @p3 $0xFFFFD000;
	s0 =	sadd.s32 @p3 s22, s19  }
0x13d: {  	[tilespmem:s18], [sflag:$0xA] =	stream.linear.gather @p3 [hbm4b:s0+s4], $0x60, $0x38;
	[tilespmem:$0x1FD80] =	vst v63  }
0x13e: {  	s0 =	simm.s32 @p3 $0x6  }
0x13f: {  	_ =	swait.ge @p3 [sflag:s0], $0x60  }
0x140: {  	[sflag:s0] =	ssyncset.done @p3 $0x0  }
0x141: {  	s18 =	rddreg [dreg:$0x8];
	[sflag:s0] =	ssyncadd.s32 @p3 $0xFFFFFFA0  }
0x142: {  	[tilespmem:s10], [sflag:$0x2] =	stream.indirect.gather @p3 [hbm4b:s1+s17], $0x80, s7, s17, $0xb8;
	[tilespmem:$0x1FD80] =	vst v63  }
0x143: {  	s0 =	sadd.s32 @p3 s22, s18;
	s7 =	simm.s32 @p3 $0x100  }
0x144: {  	[tilespmem:s7], [sflag:$0x7] =	stream.linear.gather @p3 [hbm4b:s0+s4], $0x60, $0x38;
	[tilespmem:$0x1FD80] =	vst v63  }
0x145: {  	s0 =	simm.s32 @!p3 $0xA  }
0x146: {  	_ =	swait.ge @!p3 [sflag:s0], $0x60  }
0x147: {  	[sflag:s0] =	ssyncset.done @!p3 $0x0  }
0x148: {  	s4 =	simm.s32 @!p3 $0x2;
	[sflag:s0] =	ssyncadd.s32 @!p3 $0xFFFFFFA0  }
0x149: {  	_ =	swait.ge @!p3 [sflag:s4], $0x3000  }
0x14a: {  	s7 =	simm.s32 @!p3 $0x60;
	[sflag:s4] =	ssyncset.done @!p3 $0x0  }
0x14b: {  	s0 =	simm.s32 @!p3 $0x3500;
	[sflag:s4] =	ssyncadd.s32 @!p3 $0xFFFFD000;
	s4 =	simm.s32 @!p3 $0x280  }
0x14c: {  	[spmem:s2] =	stream.indirect.scatter.add.f32 @!p3 [tilespmem:s0], [sflag:$0xE], $0x80, s4, s7, $0xb8;
	[tilespmem:$0x1FD80] =	vst v63  }
0x14d: {  	s0 =	simm.s32 @!p3 $0xD  }
0x14e: {  	_ =	swait.ge @!p3 [sflag:s0], $0x3000  }
0x14f: {  	[sflag:s0] =	ssyncset.done @!p3 $0x0  }
0x150: {  	s4 =	simm.s32 @!p3 $0xB;
	[sflag:s0] =	ssyncadd.s32 @!p3 $0xFFFFD000  }
0x151: {  	_ =	swait.ge @!p3 [sflag:s4], $0x60  }
0x152: {  	[sflag:s4] =	ssyncset.done @!p3 $0x0  }
0x153: {  	s0 =	simm.s32 @!p3 $0x3;
	[sflag:s4] =	ssyncadd.s32 @!p3 $0xFFFFFFA0  }
0x154: {  	_ =	swait.ge @!p3 [sflag:s0], $0x3000  }
0x155: {  	[sflag:s0] =	ssyncset.done @!p3 $0x0  }
0x156: {  	s4 =	simm.s32 @!p3 $0x300;
	[sflag:s0] =	ssyncadd.s32 @!p3 $0xFFFFD000;
	s0 =	simm.s32 @!p3 $0x6500  }
0x157: {  	[spmem:s2] =	stream.indirect.scatter.add.f32 @!p3 [tilespmem:s0], [sflag:$0xF], $0x80, s4, s7, $0xb8;
	[tilespmem:$0x1FD80] =	vst v63  }
0x158: {  	s0 =	simm.s32 @!p3 $0xE  }
0x159: {  	_ =	swait.ge @!p3 [sflag:s0], $0x3000  }
0x15a: {  	[sflag:s0] =	ssyncset.done @!p3 $0x0  }
0x15b: {  	[sflag:s0] =	ssyncadd.s32 @!p3 $0xFFFFD000  }
0x15c: {  	_ =	swait.ge [sflag:s13], $0x60  }
0x15d: {  	[sflag:s13] =	ssyncset.done $0x0  }
0x15e: {  	[sflag:s13] =	ssyncadd.s32 $0xFFFFFFA0  }
0x15f: {  	_ =	swait.ge [sflag:s16], $0x3000  }
0x160: {  	[sflag:s16] =	ssyncset.done $0x0  }
0x161: {  	s20 =	simm.s32 $0xF;
	[sflag:s16] =	ssyncadd.s32 $0xFFFFD000  }
0x162: {  	[spmem:s2] =	stream.indirect.scatter.add.f32 [tilespmem:s15], [sflag:$0x10], $0x80, s12, s30, $0xb8;
	[tilespmem:$0x1FD80] =	vst v63  }
0x163: {  	_ =	swait.ge [sflag:s20], $0x3000  }
0x164: {  	[sflag:s20] =	ssyncset.done $0x0  }
0x165: {  	s22 =	simm.s32 $0x10;
	[sflag:s20] =	ssyncadd.s32 $0xFFFFD000  }
0x166: {  	_ =	swait.ge [sflag:s22], $0x3000  }
0x167: {  	s24 =	simm.s32 $0x400;
	[sflag:s22] =	ssyncset.done $0x0  }
0x168: {  	s29 =	simm.s32 $0x11;
	s23 =	rddreg [dreg:$0x18];
	[sflag:s22] =	ssyncadd.s32 $0xFFFFD000  }
0x169: {  	[tilespmem:s24], [sflag:$0x11] =	stream.linear.gather [hbm4b:s23+s3], $0x10, $0x38;
	[tilespmem:$0x1FD80] =	vst v63  }
0x16a: {  	_ =	swait.ge [sflag:s29], $0x10  }
0x16b: {  	[sflag:s29] =	ssyncset.done $0x0  }
0x16c: {  	s19 =	simm.s32 $0x480;
	s18 =	rddreg [dreg:$0x19];
	[sflag:s29] =	ssyncadd.s32 $0xFFFFFFF0  }
0x16d: {  	[tilespmem:s19], [sflag:$0x11] =	stream.linear.gather [hbm4b:s18+s3], $0x10, $0x38;
	[tilespmem:$0x1FD80] =	vst v63  }
0x16e: {  	_ =	swait.ge [sflag:s29], $0x10  }
0x16f: {  	[sflag:s29] =	ssyncset.done $0x0  }
0x170: {  	[sflag:s29] =	ssyncadd.s32 $0xFFFFFFF0  }
0x171: {  	[tilespmem:s31], [sflag:$0x1] =	stream.indirect.gather [hbm4b:s1+s22], $0x80, s24, s22, $0xb8;
	[tilespmem:$0x1FD80] =	vst v63  }
0x172: {  	_ =	swait.ge [sflag:s11], $0x800  }
0x173: {  	[sflag:s11] =	ssyncset.done $0x0  }
0x174: {  	[sflag:s11] =	ssyncadd.s32 $0xFFFFF800  }
0x175: {  	[spmem:s2] =	stream.indirect.scatter.add.f32 [tilespmem:s31], [sflag:$0x11], $0x80, s19, s22, $0xb8;
	[tilespmem:$0x1FD80] =	vst v63  }
0x176: {  	_ =	swait.ge [sflag:s29], $0x800  }
0x177: {  	[sflag:s29] =	ssyncset.done $0x0  }
0x178: {  	[sflag:s29] =	ssyncadd.s32 $0xFFFFF800  }
0x179: {  	s18 =	stileid.u32;
	[bflag:$0x0] =	sbarrier.arrive $0xFFFF  }
0x17a: {  	s20 =	sshll.u32 s18, $0x6;
	s7 =	rddreg [dreg:$0xc]  }
0x17b: {  	s0 =	sor.u32 $0x1C11, s20;
	s23 =	rddreg [dreg:$0x14];
	s22 =	sshrl.u32 s7, $0x3  }
0x17c: {  	[hbm:s23], [sflag:s0] =	dma.local [spmem:s22], $0x2700  }
0x17d: {  	_ =	swait.ge [sflag:s29], $0x2700  }
0x17e: {  	s24 =	sld [smem:$0x7FD];
	_ =	sdelay $0x2  }
0x17f: {  	[sflag:s29] =	ssyncset.done $0x0;
	s19 =	rddreg [dreg:$0xf];
	p5 =	seq.s32 s24, $0x1  }
0x180: {  	s10 =	rddreg [dreg:$0x1a];
	[sflag:s29] =	ssyncadd.s32 $0xFFFFD900;
	s4 =	sshrl.u32 @!p5 s19, $0x3  }
0x181: {  	[hbm:s10], [sflag:s0] =	dma.local @!p5 [spmem:s4], $0x100  }
0x182: {  	s0 =	simm.s32 @!p5 $0x11  }
0x183: {  	_ =	swait.ge @!p5 [sflag:s0], $0x100  }
0x184: {  	s21 =	sadd.s32 $0x1, s21;
	s29 =	rddreg [dreg:$0x1b]  }
0x185: {  	p3 =	sne.s32 s21, s29  }
.Ltmp1:
0x186: {  	_ = 	snop;
	(pc) =	sbr.rel @p3 .LBB2_1-.Ltmp1, $3  }
0x187: {  	_ =	sdelay $0x1  }
0x188: {  	[sflag:s0] =	ssyncset.done @!p5 $0x0  }
0x189: {  	[sflag:s0] =	ssyncadd.s32 @!p5 $0xFFFFFF00  }
0x18a: {  	_ =	sfence.sel $0x180000  }
0x18b: {  	[bflag:$0x0] =	sbarrier.arrive $0xFFFF  }
0x18c: {  	_ =	strace $0x90000047  }
0x18d: {  	[bflag:$0x2] =	sbarrier.arrive $0xFFFF  }
0x18e: {  	s1 =	sld [smem:$0x7FD];
	_ =	sdelay $0x2  }
0x18f: {  	s0 =	rddreg [dreg:$0x3];
	p0 =	seq.s32 s1, $0x1  }
0x190: {  	s0 =	sadd.s32 @!p0 $0x100000, s0  }
0x191: {  	[sflag:s0] =	ssyncadd.tile.s32 @!p0 $0x1;
	_ =	shalt  }
.Lfunc_end2:
_tile_overlayer_lowered:
.L_overlay_start_2:
0x192: {  	(tag) =	ssettag $0x2  }
0x193: {  	s0 =	rddreg [dreg:$0x0];
	s2 =	stileid.u32  }
0x194: {  	s1 =	rddreg [dreg:$0x1];
	p0 =	sne.s32 s2, $0x0  }
0x195: {  	s3 =	rddreg [dreg:$0x2];
	[bflag:$0x3] =	sbarrier.arrive $0xFFFF;
	s2 =	simm.s32 @!p0 $0x1C11  }
0x196: {  	[timem:s3], [sflag:s2] =	dma.local @!p0 [hbm:s0], s1  }
0x197: {  	s0 =	simm.s32 @!p0 $0x11  }
0x198: {  	_ =	swait.ge @!p0 [sflag:s0], s1  }
0x199: {  	s1 =	ssub.s32 @!p0 $0x0, s1;
	[sflag:s0] =	ssyncset.done @!p0 $0x0  }
0x19a: {  	[sflag:s0] =	ssyncadd.s32 @!p0 s1  }
0x19b: {  	[bflag:$0x3] =	sbarrier.arrive $0xFFFF  }
0x19c: {  	_ =	shalt  }

</sc_bundles>
